<compile_context>
chip_gen: v7x
topology: tpu7x:2x2x1
jax: 0.10.2.dev20260603
libtpu: 0.0.44.dev20260713+nightly
codegen_flags: <defaults>
</compile_context>

<pallas_src>
import functools

import numpy as np
import jax
import jax.numpy as jnp
from jax import lax
from jax.experimental import pallas as pl
from jax.experimental.pallas import tpu as pltpu
from jax.experimental.pallas import tpu_sc as plsc

_LENGTH = 8192
_PROBABILITY = 0.12
_LANES = 16

_ROWS = 4096
_NC, _NS = 2, 16
_NW = _NC * _NS
_ROWS_PER_W = _ROWS // _NW
_G = 8
_Q = 4
_QW = _LENGTH // _Q
_CHUNK_SHAPE = (_G, _QW)
_NCH = (_ROWS_PER_W // _G) * _Q
_NBUF = 4
_LEAD = 2
_GROUP = 4


def _threefry2x32_np(k0, k1, x0, x1):
    u32 = np.uint32
    rot_a, rot_b = (13, 15, 26, 6), (17, 29, 16, 24)
    ks = (u32(k0), u32(k1), u32(k0) ^ u32(k1) ^ u32(0x1BD11BDA))
    x0 = (x0 + ks[0]).astype(u32)
    x1 = (x1 + ks[1]).astype(u32)

    def rnd(x0, x1, r):
        x0 = (x0 + x1).astype(u32)
        x1 = ((x1 << u32(r)) | (x1 >> u32(32 - r))).astype(u32)
        return x0, x0 ^ x1

    schedule = ((rot_a, ks[1], ks[2], 1), (rot_b, ks[2], ks[0], 2),
                (rot_a, ks[0], ks[1], 3), (rot_b, ks[1], ks[2], 4),
                (rot_a, ks[2], ks[0], 5))
    for rots, a0, a1, i in schedule:
        for r in rots:
            x0, x1 = rnd(x0, x1, r)
        x0 = (x0 + a0).astype(u32)
        x1 = (x1 + a1 + u32(i)).astype(u32)
    return x0, x1


def _uniform_np(k0, k1, n):
    c1 = np.zeros(n, np.uint32)
    c2 = np.arange(n, dtype=np.uint32)
    o0, o1 = _threefry2x32_np(k0, k1, c1, c2)
    bits = o0 ^ o1
    fb = (bits >> np.uint32(9)) | np.uint32(0x3F800000)
    f = fb.view(np.float32) - np.float32(1.0)
    return np.maximum(np.float32(0.0), f)


def _jitter_pattern():
    s1, s2 = _threefry2x32_np(np.uint32(0), np.uint32(42),
                              np.zeros(2, np.uint32),
                              np.arange(2, dtype=np.uint32))
    k1 = (s1[0], s2[0])
    k2 = (s1[1], s2[1])
    replace = _uniform_np(k1[0], k1[1], _LENGTH) < np.float32(_PROBABILITY)
    direction = np.where(
        _uniform_np(k2[0], k2[1], _LENGTH) < np.float32(0.5), -1, 1)
    i = np.arange(_LENGTH)
    neighbor = np.where(
        i == 0, 1, np.where(i == _LENGTH - 1, _LENGTH - 2, i + direction))
    idx = np.where(replace, neighbor, i)
    return idx, replace


_IDX_H, _REPL_H = _jitter_pattern()
_DST0 = np.nonzero(_REPL_H)[0].astype(np.int32)
_SRC0 = _IDX_H[_DST0].astype(np.int32)


def _quarter_lists():
    rows, srcs, dsts, offs, nvs = [], [], [], [], []
    off = 0
    for q in range(_Q):
        m = (_DST0 >= q * _QW) & (_DST0 < (q + 1) * _QW)
        s1 = (_SRC0[m] - q * _QW).astype(np.int32)
        d1 = (_DST0[m] - q * _QW).astype(np.int32)
        assert s1.min() >= 0 and s1.max() < _QW
        untouched = np.setdiff1d(np.arange(_QW, dtype=np.int32), d1)[0]
        r = np.repeat(np.arange(_G, dtype=np.int32), len(d1))
        s = np.tile(s1, _G)
        d = np.tile(d1, _G)
        pad = (-len(d)) % _LANES
        if pad:
            r = np.concatenate([r, np.full(pad, _G - 1, np.int32)])
            s = np.concatenate([s, np.full(pad, untouched, np.int32)])
            d = np.concatenate([d, np.full(pad, untouched, np.int32)])
        rows.append(r)
        srcs.append(s)
        dsts.append(d)
        offs.append(off)
        nvs.append(len(d) // _LANES)
        off += len(d)
    return (np.concatenate(rows), np.concatenate(srcs),
            np.concatenate(dsts), tuple(offs), tuple(nvs))


_ROW_ALL, _SRC_ALL, _DST_ALL, _QOFF, _QNV = _quarter_lists()
_NIDX = len(_SRC_ALL)


def _jitter_sc_body(x_hbm, row_hbm, src_hbm, dst_hbm, out_hbm,
                    row_v, src_v, dst_v, *rest):
    bufs = rest[:_NBUF]
    in_sems = rest[_NBUF:2 * _NBUF]
    out_sems = rest[2 * _NBUF:3 * _NBUF]

    wid = lax.axis_index("s") * _NC + lax.axis_index("c")
    row0 = wid * _ROWS_PER_W

    def hbm_slice(ref, k):
        r = row0 + (k // _Q) * _G
        c = (k % _Q) * _QW
        return ref.at[pl.ds(r, _G), pl.ds(c, _QW)]

    def in_copy(k, b):
        return pltpu.make_async_copy(hbm_slice(x_hbm, k), bufs[b], in_sems[b])

    def out_copy(k, b):
        return pltpu.make_async_copy(bufs[b], hbm_slice(out_hbm, k),
                                     out_sems[b])

    def fix(b, q):
        buf = bufs[b]
        off = _QOFF[q]
        nv = _QNV[q]

        def ld(c):
            rv = row_v[pl.ds(off + c * _LANES, _LANES)]
            sv = src_v[pl.ds(off + c * _LANES, _LANES)]
            dv = dst_v[pl.ds(off + c * _LANES, _LANES)]
            return rv, dv, plsc.load_gather(buf, [rv, sv])

        r0, d0, v0 = ld(0)
        r1, d1, v1 = ld(1)

        def body(c, carry):
            ra, da, va, rb, db, vb = carry
            rv, dv, val = ld(c)
            plsc.store_scatter(buf, [ra, da], va)
            return rb, db, vb, rv, dv, val

        ra, da, va, rb, db, vb = lax.fori_loop(
            2, nv, body, (r0, d0, v0, r1, d1, v1), unroll=8)
        plsc.store_scatter(buf, [ra, da], va)
        plsc.store_scatter(buf, [rb, db], vb)

    def step(k, p, q, wait_prev_out, start_next_in):
        bn = (p + _LEAD) % _NBUF
        if wait_prev_out:
            out_copy(k + _LEAD - _NBUF, bn).wait()
        if start_next_in:
            in_copy(k + _LEAD, bn).start()
        in_copy(k, p).wait()
        fix(p, q)
        out_copy(k, p).start()

    for k in range(_LEAD):
        in_copy(k, k % _NBUF).start()
    pltpu.sync_copy(row_hbm, row_v)
    pltpu.sync_copy(src_hbm, src_v)
    pltpu.sync_copy(dst_hbm, dst_v)

    _H = _NBUF - _LEAD
    for k in range(_H):
        step(k, k % _NBUF, k % _Q, False, True)

    n_full = (_NCH - _LEAD) - _H
    n_mid = (n_full // _GROUP) * _GROUP

    def mid(g, carry):
        k0 = _H + g * _GROUP
        for r in range(_GROUP):
            step(k0 + r, (_H + r) % _NBUF, (_H + r) % _Q, True, True)
        return carry

    lax.fori_loop(0, n_mid // _GROUP, mid, 0)

    for k in range(_H + n_mid, _NCH - _LEAD):
        step(k, k % _NBUF, k % _Q, True, True)
    for k in range(_NCH - _LEAD, _NCH):
        step(k, k % _NBUF, k % _Q, False, False)
    for k in range(_NCH - _NBUF, _NCH):
        out_copy(k, k % _NBUF).wait()


_SC_CALL = None


def _sc_call():
    global _SC_CALL
    if _SC_CALL is None:
        _SC_CALL = functools.partial(
            pl.kernel,
            out_type=jax.ShapeDtypeStruct((_ROWS, _LENGTH), jnp.float32),
            mesh=plsc.VectorSubcoreMesh(
                core_axis_name="c", subcore_axis_name="s",
                num_cores=_NC, num_subcores=_NS),
            scratch_types=[
                pltpu.VMEM((_NIDX,), jnp.int32),
                pltpu.VMEM((_NIDX,), jnp.int32),
                pltpu.VMEM((_NIDX,), jnp.int32),
            ] + [pltpu.VMEM(_CHUNK_SHAPE, jnp.float32)] * _NBUF
              + [pltpu.SemaphoreType.DMA] * (2 * _NBUF),
            compiler_params=pltpu.CompilerParams(needs_layout_passes=False),
        )(_jitter_sc_body)
    return _SC_CALL


def kernel(x):
    shape = x.shape
    out = _sc_call()(
        x.reshape(_ROWS, _LENGTH), jnp.asarray(_ROW_ALL),
        jnp.asarray(_SRC_ALL), jnp.asarray(_DST_ALL))
    return out.reshape(shape)

# --- scband reference (transcript-rebuilt; emitter-appended) ---
"""Pipeline reference for scband-jitter-84765474553865 (READ-ONLY COPY).

The authoritative reference and input builder live on the scoring server;
editing this copy changes nothing except your own understanding.
"""

import jax, jax.numpy as jnp
import numpy as np

_PROBABILITY = 0.12

def _jitter_indices(length, probability, key):
    k1, k2 = jax.random.split(key)
    replace = jax.random.uniform(k1, (length,)) < probability
    direction = jnp.where(jax.random.uniform(k2, (length,)) < 0.5, -1, 1)
    i = jnp.arange(length)
    neighbor = jnp.where(i == 0, 1, jnp.where(i == length - 1, length - 2, i + direction))
    idx = jnp.where(replace, neighbor, i)
    return idx, replace

def setup_inputs(seed: int = 0) -> dict:
    key = jax.random.key(seed)
    x = jax.random.normal(key, (4, 1024, 8192), dtype=jnp.float32)
    return {"x": x}

def reference(x):
    # Faithful translation of Jitter.forward:
    # feature = x.detach().clone() is taken BEFORE any mutation, so every
    # replacement reads from the ORIGINAL tensor. The sequential in-place
    # loop is therefore equivalent to a single vectorized select/gather:
    #   out[:, :, i] = feature[:, :, neighbor(i)] if replace[i] else x[:, :, i]
    # Replaced columns come from a detached copy (no gradient).
    length = x.shape[2]
    key = jax.random.key(42)
    idx, replace = _jitter_indices(length, _PROBABILITY, key)
    feature = jax.lax.stop_gradient(x)
    gathered = jnp.take(feature, idx, axis=2)
    out = jnp.where(replace[None, None, :], gathered, x)
    return out

if __name__ == "__main__":
    import jax
    _d = setup_inputs()
    print(jax.jit(kernel)(*tuple(_d.values())))

</pallas_src>

<mosaic_0001>
#map = affine_map<(d0, d1) -> (0, 0)>
#map1 = affine_map<(d0, d1) -> (0)>
module attributes {stable_mosaic.version = 14 : i64} {
  func.func @_jitter_sc_body(%arg0: i32, %arg1: i32, %arg2: memref<4096x8192xf32, #tpu.memory_space<hbm>>, %arg3: memref<8144xi32, #tpu.memory_space<hbm>>, %arg4: memref<8144xi32, #tpu.memory_space<hbm>>, %arg5: memref<8144xi32, #tpu.memory_space<hbm>>, %arg6: memref<4096x8192xf32, #tpu.memory_space<hbm>>, %arg7: memref<8144xi32, #tpu.memory_space<vmem>>, %arg8: memref<8144xi32, #tpu.memory_space<vmem>>, %arg9: memref<8144xi32, #tpu.memory_space<vmem>>, %arg10: memref<8x2048xf32, #tpu.memory_space<vmem>>, %arg11: memref<8x2048xf32, #tpu.memory_space<vmem>>, %arg12: memref<8x2048xf32, #tpu.memory_space<vmem>>, %arg13: memref<8x2048xf32, #tpu.memory_space<vmem>>, %arg14: memref<!tpu.dma_semaphore, #tpu.memory_space<semaphore_mem>>, %arg15: memref<!tpu.dma_semaphore, #tpu.memory_space<semaphore_mem>>, %arg16: memref<!tpu.dma_semaphore, #tpu.memory_space<semaphore_mem>>, %arg17: memref<!tpu.dma_semaphore, #tpu.memory_space<semaphore_mem>>, %arg18: memref<!tpu.dma_semaphore, #tpu.memory_space<semaphore_mem>>, %arg19: memref<!tpu.dma_semaphore, #tpu.memory_space<semaphore_mem>>, %arg20: memref<!tpu.dma_semaphore, #tpu.memory_space<semaphore_mem>>, %arg21: memref<!tpu.dma_semaphore, #tpu.memory_space<semaphore_mem>>) attributes {dimension_semantics = [#tpu.dimension_semantics<core_parallel>, #tpu.dimension_semantics<subcore_parallel>], iteration_bounds = array<i64: 2, 16>, scalar_prefetch = 0 : i64, scratch_operands = 15 : i64, tpu.core_type = #tpu.core_type<sc_vector_subcore>, window_params = [{transform_indices = #map}, {transform_indices = #map1}, {transform_indices = #map1}, {transform_indices = #map1}, {transform_indices = #map}]} {
    %mul3A = arith.constant 2 : i32
    %mul3A_0 = arith.muli %arg1, %mul3A : i32
    %add3A = arith.addi %mul3A_0, %arg0 : i32
    %mul3A_1 = arith.constant 128 : i32
    %mul3A_2 = arith.muli %add3A, %mul3A_1 : i32
    %add3A_3 = arith.constant 0 : i32
    %add3A_4 = arith.addi %mul3A_2, %add3A_3 : i32
    %dma_start3A = arith.constant 0 : i32
    %dma_start3A_5 = tpu.memref_slice %arg2[%add3A_4, %dma_start3A] : memref<4096x8192xf32, #tpu.memory_space<hbm>> -> memref<8x2048xf32, #tpu.memory_space<hbm>>
    %dma_start3A_6 = arith.constant 0 : i32
    %dma_start3A_7 = tpu.memref_slice %arg2[%add3A_4, %dma_start3A_6] : memref<4096x8192xf32, #tpu.memory_space<hbm>> -> memref<8x2048xf32, #tpu.memory_space<hbm>>
    tpu.enqueue_dma source(%dma_start3A_7 : memref<8x2048xf32, #tpu.memory_space<hbm>>) target(%arg10 : memref<8x2048xf32, #tpu.memory_space<vmem>>) target_semaphore(%arg14 : memref<!tpu.dma_semaphore, #tpu.memory_space<semaphore_mem>>)
    %add3A_8 = arith.constant 0 : i32
    %add3A_9 = arith.addi %mul3A_2, %add3A_8 : i32
    %dma_start3A_10 = arith.constant 2048 : i32
    %dma_start3A_11 = tpu.memref_slice %arg2[%add3A_9, %dma_start3A_10] : memref<4096x8192xf32, #tpu.memory_space<hbm>> -> memref<8x2048xf32, #tpu.memory_space<hbm>>
    %dma_start3A_12 = arith.constant 2048 : i32
    %dma_start3A_13 = tpu.memref_slice %arg2[%add3A_9, %dma_start3A_12] : memref<4096x8192xf32, #tpu.memory_space<hbm>> -> memref<8x2048xf32, #tpu.memory_space<hbm>>
    tpu.enqueue_dma source(%dma_start3A_13 : memref<8x2048xf32, #tpu.memory_space<hbm>>) target(%arg11 : memref<8x2048xf32, #tpu.memory_space<vmem>>) target_semaphore(%arg15 : memref<!tpu.dma_semaphore, #tpu.memory_space<semaphore_mem>>)
    "tpu.region"() ({
      %run_scoped3A = tpu.sem_alloc : memref<!tpu.dma_semaphore, #tpu.memory_space<semaphore_mem>>
      tpu.enqueue_dma source(%arg3 : memref<8144xi32, #tpu.memory_space<hbm>>) target(%arg7 : memref<8144xi32, #tpu.memory_space<vmem>>) target_semaphore(%run_scoped3A : memref<!tpu.dma_semaphore, #tpu.memory_space<semaphore_mem>>)
      tpu.wait_dma2 semaphore(%run_scoped3A : memref<!tpu.dma_semaphore, #tpu.memory_space<semaphore_mem>>) src(%arg3 : memref<8144xi32, #tpu.memory_space<hbm>>) dst(%arg7 : memref<8144xi32, #tpu.memory_space<vmem>>)
      tpu.yield
    }) : () -> ()
    "tpu.region"() ({
      %run_scoped3A = tpu.sem_alloc : memref<!tpu.dma_semaphore, #tpu.memory_space<semaphore_mem>>
      tpu.enqueue_dma source(%arg4 : memref<8144xi32, #tpu.memory_space<hbm>>) target(%arg8 : memref<8144xi32, #tpu.memory_space<vmem>>) target_semaphore(%run_scoped3A : memref<!tpu.dma_semaphore, #tpu.memory_space<semaphore_mem>>)
      tpu.wait_dma2 semaphore(%run_scoped3A : memref<!tpu.dma_semaphore, #tpu.memory_space<semaphore_mem>>) src(%arg4 : memref<8144xi32, #tpu.memory_space<hbm>>) dst(%arg8 : memref<8144xi32, #tpu.memory_space<vmem>>)
      tpu.yield
    }) : () -> ()
    "tpu.region"() ({
      %run_scoped3A = tpu.sem_alloc : memref<!tpu.dma_semaphore, #tpu.memory_space<semaphore_mem>>
      tpu.enqueue_dma source(%arg5 : memref<8144xi32, #tpu.memory_space<hbm>>) target(%arg9 : memref<8144xi32, #tpu.memory_space<vmem>>) target_semaphore(%run_scoped3A : memref<!tpu.dma_semaphore, #tpu.memory_space<semaphore_mem>>)
      tpu.wait_dma2 semaphore(%run_scoped3A : memref<!tpu.dma_semaphore, #tpu.memory_space<semaphore_mem>>) src(%arg5 : memref<8144xi32, #tpu.memory_space<hbm>>) dst(%arg9 : memref<8144xi32, #tpu.memory_space<vmem>>)
      tpu.yield
    }) : () -> ()
    %add3A_14 = arith.constant 0 : i32
    %add3A_15 = arith.addi %mul3A_2, %add3A_14 : i32
    %dma_start3A_16 = arith.constant 4096 : i32
    %dma_start3A_17 = tpu.memref_slice %arg2[%add3A_15, %dma_start3A_16] : memref<4096x8192xf32, #tpu.memory_space<hbm>> -> memref<8x2048xf32, #tpu.memory_space<hbm>>
    %dma_start3A_18 = arith.constant 4096 : i32
    %dma_start3A_19 = tpu.memref_slice %arg2[%add3A_15, %dma_start3A_18] : memref<4096x8192xf32, #tpu.memory_space<hbm>> -> memref<8x2048xf32, #tpu.memory_space<hbm>>
    tpu.enqueue_dma source(%dma_start3A_19 : memref<8x2048xf32, #tpu.memory_space<hbm>>) target(%arg12 : memref<8x2048xf32, #tpu.memory_space<vmem>>) target_semaphore(%arg16 : memref<!tpu.dma_semaphore, #tpu.memory_space<semaphore_mem>>)
    %add3A_20 = arith.constant 0 : i32
    %add3A_21 = arith.addi %mul3A_2, %add3A_20 : i32
    %dma_wait3A = arith.constant 0 : i32
    %dma_wait3A_22 = tpu.memref_slice %arg2[%add3A_21, %dma_wait3A] : memref<4096x8192xf32, #tpu.memory_space<hbm>> -> memref<8x2048xf32, #tpu.memory_space<hbm>>
    %dma_wait3A_23 = arith.constant 0 : i32
    %dma_wait3A_24 = tpu.memref_slice %arg2[%add3A_21, %dma_wait3A_23] : memref<4096x8192xf32, #tpu.memory_space<hbm>> -> memref<8x2048xf32, #tpu.memory_space<hbm>>
    tpu.wait_dma2 semaphore(%arg14 : memref<!tpu.dma_semaphore, #tpu.memory_space<semaphore_mem>>) src(%dma_wait3A_24 : memref<8x2048xf32, #tpu.memory_space<hbm>>) dst(%arg10 : memref<8x2048xf32, #tpu.memory_space<vmem>>)
    %get3A = arith.constant 0 : index
    %get3A_25 = tpu.vector_load %arg7[%get3A] {strides = array<i32>} : memref<8144xi32, #tpu.memory_space<vmem>>, vector<16xi32>,
    %get3A_26 = arith.constant 0 : index
    %get3A_27 = tpu.vector_load %arg8[%get3A_26] {strides = array<i32>} : memref<8144xi32, #tpu.memory_space<vmem>>, vector<16xi32>,
    %get3A_28 = arith.constant 0 : index
    %get3A_29 = tpu.vector_load %arg9[%get3A_28] {strides = array<i32>} : memref<8144xi32, #tpu.memory_space<vmem>>, vector<16xi32>,
    %gather3A = tpu.vector_load_idx %arg10[%get3A_25, %get3A_27] : memref<8x2048xf32, #tpu.memory_space<vmem>>[vector<16xi32>, vector<16xi32>], vector<16xf32>,
    %get3A_30 = arith.constant 16 : index
    %get3A_31 = tpu.vector_load %arg7[%get3A_30] {strides = array<i32>} : memref<8144xi32, #tpu.memory_space<vmem>>, vector<16xi32>,
    %get3A_32 = arith.constant 16 : index
    %get3A_33 = tpu.vector_load %arg8[%get3A_32] {strides = array<i32>} : memref<8144xi32, #tpu.memory_space<vmem>>, vector<16xi32>,
    %get3A_34 = arith.constant 16 : index
    %get3A_35 = tpu.vector_load %arg9[%get3A_34] {strides = array<i32>} : memref<8144xi32, #tpu.memory_space<vmem>>, vector<16xi32>,
    %gather3A_36 = tpu.vector_load_idx %arg10[%get3A_31, %get3A_33] : memref<8x2048xf32, #tpu.memory_space<vmem>>[vector<16xi32>, vector<16xi32>], vector<16xf32>,
    %scan3A = arith.constant 2 : i32
    %scan3A_37 = arith.constant 120 : i32
    %scan3A_38 = arith.addi %scan3A, %scan3A_37 : i32
    %scan3A_39 = arith.constant 8 : i32
    %scan3A_40:6 = scf.for %scan3A_453 = %scan3A to %scan3A_38 step %scan3A_39 iter_args(%scan3A_454 = %get3A_25, %scan3A_455 = %get3A_29, %scan3A_456 = %gather3A, %scan3A_457 = %get3A_31, %scan3A_458 = %get3A_35, %scan3A_459 = %gather3A_36) -> (vector<16xi32>, vector<16xi32>, vector<16xf32>, vector<16xi32>, vector<16xi32>, vector<16xf32>)  : i32 {
      %mul3A_460 = arith.constant 16 : i32
      %mul3A_461 = arith.muli %scan3A_453, %mul3A_460 : i32
      %add3A_462 = arith.constant 0 : i32
      %add3A_463 = arith.addi %add3A_462, %mul3A_461 : i32
      %get3A_464 = arith.index_cast %add3A_463 : i32 to index
      %get3A_465 = tpu.vector_load %arg7[%get3A_464] {strides = array<i32>} : memref<8144xi32, #tpu.memory_space<vmem>>, vector<16xi32>,
      %mul3A_466 = arith.constant 16 : i32
      %mul3A_467 = arith.muli %scan3A_453, %mul3A_466 : i32
      %add3A_468 = arith.constant 0 : i32
      %add3A_469 = arith.addi %add3A_468, %mul3A_467 : i32
      %get3A_470 = arith.index_cast %add3A_469 : i32 to index
      %get3A_471 = tpu.vector_load %arg8[%get3A_470] {strides = array<i32>} : memref<8144xi32, #tpu.memory_space<vmem>>, vector<16xi32>,
      %mul3A_472 = arith.constant 16 : i32
      %mul3A_473 = arith.muli %scan3A_453, %mul3A_472 : i32
      %add3A_474 = arith.constant 0 : i32
      %add3A_475 = arith.addi %add3A_474, %mul3A_473 : i32
      %get3A_476 = arith.index_cast %add3A_475 : i32 to index
      %get3A_477 = tpu.vector_load %arg9[%get3A_476] {strides = array<i32>} : memref<8144xi32, #tpu.memory_space<vmem>>, vector<16xi32>,
      %gather3A_478 = tpu.vector_load_idx %arg10[%get3A_465, %get3A_471] : memref<8x2048xf32, #tpu.memory_space<vmem>>[vector<16xi32>, vector<16xi32>], vector<16xf32>,
      tpu.vector_store_idx %arg10[%scan3A_454, %scan3A_455], %scan3A_456 : memref<8x2048xf32, #tpu.memory_space<vmem>>[vector<16xi32>, vector<16xi32>], vector<16xf32>,
      %scan3A_479 = arith.constant 1 : i32
      %scan3A_480 = arith.addi %scan3A_453, %scan3A_479 : i32
      %mul3A_481 = arith.constant 16 : i32
      %mul3A_482 = arith.muli %scan3A_480, %mul3A_481 : i32
      %add3A_483 = arith.constant 0 : i32
      %add3A_484 = arith.addi %add3A_483, %mul3A_482 : i32
      %get3A_485 = arith.index_cast %add3A_484 : i32 to index
      %get3A_486 = tpu.vector_load %arg7[%get3A_485] {strides = array<i32>} : memref<8144xi32, #tpu.memory_space<vmem>>, vector<16xi32>,
      %mul3A_487 = arith.constant 16 : i32
      %mul3A_488 = arith.muli %scan3A_480, %mul3A_487 : i32
      %add3A_489 = arith.constant 0 : i32
      %add3A_490 = arith.addi %add3A_489, %mul3A_488 : i32
      %get3A_491 = arith.index_cast %add3A_490 : i32 to index
      %get3A_492 = tpu.vector_load %arg8[%get3A_491] {strides = array<i32>} : memref<8144xi32, #tpu.memory_space<vmem>>, vector<16xi32>,
      %mul3A_493 = arith.constant 16 : i32
      %mul3A_494 = arith.muli %scan3A_480, %mul3A_493 : i32
      %add3A_495 = arith.constant 0 : i32
      %add3A_496 = arith.addi %add3A_495, %mul3A_494 : i32
      %get3A_497 = arith.index_cast %add3A_496 : i32 to index
      %get3A_498 = tpu.vector_load %arg9[%get3A_497] {strides = array<i32>} : memref<8144xi32, #tpu.memory_space<vmem>>, vector<16xi32>,
      %gather3A_499 = tpu.vector_load_idx %arg10[%get3A_486, %get3A_492] : memref<8x2048xf32, #tpu.memory_space<vmem>>[vector<16xi32>, vector<16xi32>], vector<16xf32>,
      tpu.vector_store_idx %arg10[%scan3A_457, %scan3A_458], %scan3A_459 : memref<8x2048xf32, #tpu.memory_space<vmem>>[vector<16xi32>, vector<16xi32>], vector<16xf32>,
      %scan3A_500 = arith.constant 2 : i32
      %scan3A_501 = arith.addi %scan3A_453, %scan3A_500 : i32
      %mul3A_502 = arith.constant 16 : i32
      %mul3A_503 = arith.muli %scan3A_501, %mul3A_502 : i32
      %add3A_504 = arith.constant 0 : i32
      %add3A_505 = arith.addi %add3A_504, %mul3A_503 : i32
      %get3A_506 = arith.index_cast %add3A_505 : i32 to index
      %get3A_507 = tpu.vector_load %arg7[%get3A_506] {strides = array<i32>} : memref<8144xi32, #tpu.memory_space<vmem>>, vector<16xi32>,
      %mul3A_508 = arith.constant 16 : i32
      %mul3A_509 = arith.muli %scan3A_501, %mul3A_508 : i32
      %add3A_510 = arith.constant 0 : i32
      %add3A_511 = arith.addi %add3A_510, %mul3A_509 : i32
      %get3A_512 = arith.index_cast %add3A_511 : i32 to index
      %get3A_513 = tpu.vector_load %arg8[%get3A_512] {strides = array<i32>} : memref<8144xi32, #tpu.memory_space<vmem>>, vector<16xi32>,
      %mul3A_514 = arith.constant 16 : i32
      %mul3A_515 = arith.muli %scan3A_501, %mul3A_514 : i32
      %add3A_516 = arith.constant 0 : i32
      %add3A_517 = arith.addi %add3A_516, %mul3A_515 : i32
      %get3A_518 = arith.index_cast %add3A_517 : i32 to index
      %get3A_519 = tpu.vector_load %arg9[%get3A_518] {strides = array<i32>} : memref<8144xi32, #tpu.memory_space<vmem>>, vector<16xi32>,
      %gather3A_520 = tpu.vector_load_idx %arg10[%get3A_507, %get3A_513] : memref<8x2048xf32, #tpu.memory_space<vmem>>[vector<16xi32>, vector<16xi32>], vector<16xf32>,
      tpu.vector_store_idx %arg10[%get3A_465, %get3A_477], %gather3A_478 : memref<8x2048xf32, #tpu.memory_space<vmem>>[vector<16xi32>, vector<16xi32>], vector<16xf32>,
      %scan3A_521 = arith.constant 3 : i32
      %scan3A_522 = arith.addi %scan3A_453, %scan3A_521 : i32
      %mul3A_523 = arith.constant 16 : i32
      %mul3A_524 = arith.muli %scan3A_522, %mul3A_523 : i32
      %add3A_525 = arith.constant 0 : i32
      %add3A_526 = arith.addi %add3A_525, %mul3A_524 : i32
      %get3A_527 = arith.index_cast %add3A_526 : i32 to index
      %get3A_528 = tpu.vector_load %arg7[%get3A_527] {strides = array<i32>} : memref<8144xi32, #tpu.memory_space<vmem>>, vector<16xi32>,
      %mul3A_529 = arith.constant 16 : i32
      %mul3A_530 = arith.muli %scan3A_522, %mul3A_529 : i32
      %add3A_531 = arith.constant 0 : i32
      %add3A_532 = arith.addi %add3A_531, %mul3A_530 : i32
      %get3A_533 = arith.index_cast %add3A_532 : i32 to index
      %get3A_534 = tpu.vector_load %arg8[%get3A_533] {strides = array<i32>} : memref<8144xi32, #tpu.memory_space<vmem>>, vector<16xi32>,
      %mul3A_535 = arith.constant 16 : i32
      %mul3A_536 = arith.muli %scan3A_522, %mul3A_535 : i32
      %add3A_537 = arith.constant 0 : i32
      %add3A_538 = arith.addi %add3A_537, %mul3A_536 : i32
      %get3A_539 = arith.index_cast %add3A_538 : i32 to index
      %get3A_540 = tpu.vector_load %arg9[%get3A_539] {strides = array<i32>} : memref<8144xi32, #tpu.memory_space<vmem>>, vector<16xi32>,
      %gather3A_541 = tpu.vector_load_idx %arg10[%get3A_528, %get3A_534] : memref<8x2048xf32, #tpu.memory_space<vmem>>[vector<16xi32>, vector<16xi32>], vector<16xf32>,
      tpu.vector_store_idx %arg10[%get3A_486, %get3A_498], %gather3A_499 : memref<8x2048xf32, #tpu.memory_space<vmem>>[vector<16xi32>, vector<16xi32>], vector<16xf32>,
      %scan3A_542 = arith.constant 4 : i32
      %scan3A_543 = arith.addi %scan3A_453, %scan3A_542 : i32
      %mul3A_544 = arith.constant 16 : i32
      %mul3A_545 = arith.muli %scan3A_543, %mul3A_544 : i32
      %add3A_546 = arith.constant 0 : i32
      %add3A_547 = arith.addi %add3A_546, %mul3A_545 : i32
      %get3A_548 = arith.index_cast %add3A_547 : i32 to index
      %get3A_549 = tpu.vector_load %arg7[%get3A_548] {strides = array<i32>} : memref<8144xi32, #tpu.memory_space<vmem>>, vector<16xi32>,
      %mul3A_550 = arith.constant 16 : i32
      %mul3A_551 = arith.muli %scan3A_543, %mul3A_550 : i32
      %add3A_552 = arith.constant 0 : i32
      %add3A_553 = arith.addi %add3A_552, %mul3A_551 : i32
      %get3A_554 = arith.index_cast %add3A_553 : i32 to index
      %get3A_555 = tpu.vector_load %arg8[%get3A_554] {strides = array<i32>} : memref<8144xi32, #tpu.memory_space<vmem>>, vector<16xi32>,
      %mul3A_556 = arith.constant 16 : i32
      %mul3A_557 = arith.muli %scan3A_543, %mul3A_556 : i32
      %add3A_558 = arith.constant 0 : i32
      %add3A_559 = arith.addi %add3A_558, %mul3A_557 : i32
      %get3A_560 = arith.index_cast %add3A_559 : i32 to index
      %get3A_561 = tpu.vector_load %arg9[%get3A_560] {strides = array<i32>} : memref<8144xi32, #tpu.memory_space<vmem>>, vector<16xi32>,
      %gather3A_562 = tpu.vector_load_idx %arg10[%get3A_549, %get3A_555] : memref<8x2048xf32, #tpu.memory_space<vmem>>[vector<16xi32>, vector<16xi32>], vector<16xf32>,
      tpu.vector_store_idx %arg10[%get3A_507, %get3A_519], %gather3A_520 : memref<8x2048xf32, #tpu.memory_space<vmem>>[vector<16xi32>, vector<16xi32>], vector<16xf32>,
      %scan3A_563 = arith.constant 5 : i32
      %scan3A_564 = arith.addi %scan3A_453, %scan3A_563 : i32
      %mul3A_565 = arith.constant 16 : i32
      %mul3A_566 = arith.muli %scan3A_564, %mul3A_565 : i32
      %add3A_567 = arith.constant 0 : i32
      %add3A_568 = arith.addi %add3A_567, %mul3A_566 : i32
      %get3A_569 = arith.index_cast %add3A_568 : i32 to index
      %get3A_570 = tpu.vector_load %arg7[%get3A_569] {strides = array<i32>} : memref<8144xi32, #tpu.memory_space<vmem>>, vector<16xi32>,
      %mul3A_571 = arith.constant 16 : i32
      %mul3A_572 = arith.muli %scan3A_564, %mul3A_571 : i32
      %add3A_573 = arith.constant 0 : i32
      %add3A_574 = arith.addi %add3A_573, %mul3A_572 : i32
      %get3A_575 = arith.index_cast %add3A_574 : i32 to index
      %get3A_576 = tpu.vector_load %arg8[%get3A_575] {strides = array<i32>} : memref<8144xi32, #tpu.memory_space<vmem>>, vector<16xi32>,
      %mul3A_577 = arith.constant 16 : i32
      %mul3A_578 = arith.muli %scan3A_564, %mul3A_577 : i32
      %add3A_579 = arith.constant 0 : i32
      %add3A_580 = arith.addi %add3A_579, %mul3A_578 : i32
      %get3A_581 = arith.index_cast %add3A_580 : i32 to index
      %get3A_582 = tpu.vector_load %arg9[%get3A_581] {strides = array<i32>} : memref<8144xi32, #tpu.memory_space<vmem>>, vector<16xi32>,
      %gather3A_583 = tpu.vector_load_idx %arg10[%get3A_570, %get3A_576] : memref<8x2048xf32, #tpu.memory_space<vmem>>[vector<16xi32>, vector<16xi32>], vector<16xf32>,
      tpu.vector_store_idx %arg10[%get3A_528, %get3A_540], %gather3A_541 : memref<8x2048xf32, #tpu.memory_space<vmem>>[vector<16xi32>, vector<16xi32>], vector<16xf32>,
      %scan3A_584 = arith.constant 6 : i32
      %scan3A_585 = arith.addi %scan3A_453, %scan3A_584 : i32
      %mul3A_586 = arith.constant 16 : i32
      %mul3A_587 = arith.muli %scan3A_585, %mul3A_586 : i32
      %add3A_588 = arith.constant 0 : i32
      %add3A_589 = arith.addi %add3A_588, %mul3A_587 : i32
      %get3A_590 = arith.index_cast %add3A_589 : i32 to index
      %get3A_591 = tpu.vector_load %arg7[%get3A_590] {strides = array<i32>} : memref<8144xi32, #tpu.memory_space<vmem>>, vector<16xi32>,
      %mul3A_592 = arith.constant 16 : i32
      %mul3A_593 = arith.muli %scan3A_585, %mul3A_592 : i32
      %add3A_594 = arith.constant 0 : i32
      %add3A_595 = arith.addi %add3A_594, %mul3A_593 : i32
      %get3A_596 = arith.index_cast %add3A_595 : i32 to index
      %get3A_597 = tpu.vector_load %arg8[%get3A_596] {strides = array<i32>} : memref<8144xi32, #tpu.memory_space<vmem>>, vector<16xi32>,
      %mul3A_598 = arith.constant 16 : i32
      %mul3A_599 = arith.muli %scan3A_585, %mul3A_598 : i32
      %add3A_600 = arith.constant 0 : i32
      %add3A_601 = arith.addi %add3A_600, %mul3A_599 : i32
      %get3A_602 = arith.index_cast %add3A_601 : i32 to index
      %get3A_603 = tpu.vector_load %arg9[%get3A_602] {strides = array<i32>} : memref<8144xi32, #tpu.memory_space<vmem>>, vector<16xi32>,
      %gather3A_604 = tpu.vector_load_idx %arg10[%get3A_591, %get3A_597] : memref<8x2048xf32, #tpu.memory_space<vmem>>[vector<16xi32>, vector<16xi32>], vector<16xf32>,
      tpu.vector_store_idx %arg10[%get3A_549, %get3A_561], %gather3A_562 : memref<8x2048xf32, #tpu.memory_space<vmem>>[vector<16xi32>, vector<16xi32>], vector<16xf32>,
      %scan3A_605 = arith.constant 7 : i32
      %scan3A_606 = arith.addi %scan3A_453, %scan3A_605 : i32
      %mul3A_607 = arith.constant 16 : i32
      %mul3A_608 = arith.muli %scan3A_606, %mul3A_607 : i32
      %add3A_609 = arith.constant 0 : i32
      %add3A_610 = arith.addi %add3A_609, %mul3A_608 : i32
      %get3A_611 = arith.index_cast %add3A_610 : i32 to index
      %get3A_612 = tpu.vector_load %arg7[%get3A_611] {strides = array<i32>} : memref<8144xi32, #tpu.memory_space<vmem>>, vector<16xi32>,
      %mul3A_613 = arith.constant 16 : i32
      %mul3A_614 = arith.muli %scan3A_606, %mul3A_613 : i32
      %add3A_615 = arith.constant 0 : i32
      %add3A_616 = arith.addi %add3A_615, %mul3A_614 : i32
      %get3A_617 = arith.index_cast %add3A_616 : i32 to index
      %get3A_618 = tpu.vector_load %arg8[%get3A_617] {strides = array<i32>} : memref<8144xi32, #tpu.memory_space<vmem>>, vector<16xi32>,
      %mul3A_619 = arith.constant 16 : i32
      %mul3A_620 = arith.muli %scan3A_606, %mul3A_619 : i32
      %add3A_621 = arith.constant 0 : i32
      %add3A_622 = arith.addi %add3A_621, %mul3A_620 : i32
      %get3A_623 = arith.index_cast %add3A_622 : i32 to index
      %get3A_624 = tpu.vector_load %arg9[%get3A_623] {strides = array<i32>} : memref<8144xi32, #tpu.memory_space<vmem>>, vector<16xi32>,
      %gather3A_625 = tpu.vector_load_idx %arg10[%get3A_612, %get3A_618] : memref<8x2048xf32, #tpu.memory_space<vmem>>[vector<16xi32>, vector<16xi32>], vector<16xf32>,
      tpu.vector_store_idx %arg10[%get3A_570, %get3A_582], %gather3A_583 : memref<8x2048xf32, #tpu.memory_space<vmem>>[vector<16xi32>, vector<16xi32>], vector<16xf32>,
      scf.yield %get3A_591, %get3A_603, %gather3A_604, %get3A_612, %get3A_624, %gather3A_625 : vector<16xi32>, vector<16xi32>, vector<16xf32>, vector<16xi32>, vector<16xi32>, vector<16xf32>
    }
    %scan3A_41 = arith.constant 120 : i32
    %scan3A_42 = arith.addi %scan3A, %scan3A_41 : i32
    %mul3A_43 = arith.constant 16 : i32
    %mul3A_44 = arith.muli %scan3A_42, %mul3A_43 : i32
    %add3A_45 = arith.constant 0 : i32
    %add3A_46 = arith.addi %add3A_45, %mul3A_44 : i32
    %get3A_47 = arith.index_cast %add3A_46 : i32 to index
    %get3A_48 = tpu.vector_load %arg7[%get3A_47] {strides = array<i32>} : memref<8144xi32, #tpu.memory_space<vmem>>, vector<16xi32>,
    %mul3A_49 = arith.constant 16 : i32
    %mul3A_50 = arith.muli %scan3A_42, %mul3A_49 : i32
    %add3A_51 = arith.constant 0 : i32
    %add3A_52 = arith.addi %add3A_51, %mul3A_50 : i32
    %get3A_53 = arith.index_cast %add3A_52 : i32 to index
    %get3A_54 = tpu.vector_load %arg8[%get3A_53] {strides = array<i32>} : memref<8144xi32, #tpu.memory_space<vmem>>, vector<16xi32>,
    %mul3A_55 = arith.constant 16 : i32
    %mul3A_56 = arith.muli %scan3A_42, %mul3A_55 : i32
    %add3A_57 = arith.constant 0 : i32
    %add3A_58 = arith.addi %add3A_57, %mul3A_56 : i32
    %get3A_59 = arith.index_cast %add3A_58 : i32 to index
    %get3A_60 = tpu.vector_load %arg9[%get3A_59] {strides = array<i32>} : memref<8144xi32, #tpu.memory_space<vmem>>, vector<16xi32>,
    %gather3A_61 = tpu.vector_load_idx %arg10[%get3A_48, %get3A_54] : memref<8x2048xf32, #tpu.memory_space<vmem>>[vector<16xi32>, vector<16xi32>], vector<16xf32>,
    tpu.vector_store_idx %arg10[%scan3A_40#0, %scan3A_40#1], %scan3A_40#2 : memref<8x2048xf32, #tpu.memory_space<vmem>>[vector<16xi32>, vector<16xi32>], vector<16xf32>,
    %scan3A_62 = arith.constant 121 : i32
    %scan3A_63 = arith.addi %scan3A, %scan3A_62 : i32
    %mul3A_64 = arith.constant 16 : i32
    %mul3A_65 = arith.muli %scan3A_63, %mul3A_64 : i32
    %add3A_66 = arith.constant 0 : i32
    %add3A_67 = arith.addi %add3A_66, %mul3A_65 : i32
    %get3A_68 = arith.index_cast %add3A_67 : i32 to index
    %get3A_69 = tpu.vector_load %arg7[%get3A_68] {strides = array<i32>} : memref<8144xi32, #tpu.memory_space<vmem>>, vector<16xi32>,
    %mul3A_70 = arith.constant 16 : i32
    %mul3A_71 = arith.muli %scan3A_63, %mul3A_70 : i32
    %add3A_72 = arith.constant 0 : i32
    %add3A_73 = arith.addi %add3A_72, %mul3A_71 : i32
    %get3A_74 = arith.index_cast %add3A_73 : i32 to index
    %get3A_75 = tpu.vector_load %arg8[%get3A_74] {strides = array<i32>} : memref<8144xi32, #tpu.memory_space<vmem>>, vector<16xi32>,
    %mul3A_76 = arith.constant 16 : i32
    %mul3A_77 = arith.muli %scan3A_63, %mul3A_76 : i32
    %add3A_78 = arith.constant 0 : i32
    %add3A_79 = arith.addi %add3A_78, %mul3A_77 : i32
    %get3A_80 = arith.index_cast %add3A_79 : i32 to index
    %get3A_81 = tpu.vector_load %arg9[%get3A_80] {strides = array<i32>} : memref<8144xi32, #tpu.memory_space<vmem>>, vector<16xi32>,
    %gather3A_82 = tpu.vector_load_idx %arg10[%get3A_69, %get3A_75] : memref<8x2048xf32, #tpu.memory_space<vmem>>[vector<16xi32>, vector<16xi32>], vector<16xf32>,
    tpu.vector_store_idx %arg10[%scan3A_40#3, %scan3A_40#4], %scan3A_40#5 : memref<8x2048xf32, #tpu.memory_space<vmem>>[vector<16xi32>, vector<16xi32>], vector<16xf32>,
    %scan3A_83 = arith.constant 122 : i32
    tpu.vector_store_idx %arg10[%get3A_48, %get3A_60], %gather3A_61 : memref<8x2048xf32, #tpu.memory_space<vmem>>[vector<16xi32>, vector<16xi32>], vector<16xf32>,
    tpu.vector_store_idx %arg10[%get3A_69, %get3A_81], %gather3A_82 : memref<8x2048xf32, #tpu.memory_space<vmem>>[vector<16xi32>, vector<16xi32>], vector<16xf32>,
    %add3A_84 = arith.constant 0 : i32
    %add3A_85 = arith.addi %mul3A_2, %add3A_84 : i32
    %dma_start3A_86 = arith.constant 0 : i32
    %dma_start3A_87 = tpu.memref_slice %arg6[%add3A_85, %dma_start3A_86] : memref<4096x8192xf32, #tpu.memory_space<hbm>> -> memref<8x2048xf32, #tpu.memory_space<hbm>>
    %dma_start3A_88 = arith.constant 0 : i32
    %dma_start3A_89 = tpu.memref_slice %arg6[%add3A_85, %dma_start3A_88] : memref<4096x8192xf32, #tpu.memory_space<hbm>> -> memref<8x2048xf32, #tpu.memory_space<hbm>>
    tpu.enqueue_dma source(%arg10 : memref<8x2048xf32, #tpu.memory_space<vmem>>) target(%dma_start3A_89 : memref<8x2048xf32, #tpu.memory_space<hbm>>) target_semaphore(%arg18 : memref<!tpu.dma_semaphore, #tpu.memory_space<semaphore_mem>>)
    %add3A_90 = arith.constant 0 : i32
    %add3A_91 = arith.addi %mul3A_2, %add3A_90 : i32
    %dma_start3A_92 = arith.constant 6144 : i32
    %dma_start3A_93 = tpu.memref_slice %arg2[%add3A_91, %dma_start3A_92] : memref<4096x8192xf32, #tpu.memory_space<hbm>> -> memref<8x2048xf32, #tpu.memory_space<hbm>>
    %dma_start3A_94 = arith.constant 6144 : i32
    %dma_start3A_95 = tpu.memref_slice %arg2[%add3A_91, %dma_start3A_94] : memref<4096x8192xf32, #tpu.memory_space<hbm>> -> memref<8x2048xf32, #tpu.memory_space<hbm>>
    tpu.enqueue_dma source(%dma_start3A_95 : memref<8x2048xf32, #tpu.memory_space<hbm>>) target(%arg13 : memref<8x2048xf32, #tpu.memory_space<vmem>>) target_semaphore(%arg17 : memref<!tpu.dma_semaphore, #tpu.memory_space<semaphore_mem>>)
    %add3A_96 = arith.constant 0 : i32
    %add3A_97 = arith.addi %mul3A_2, %add3A_96 : i32
    %dma_wait3A_98 = arith.constant 2048 : i32
    %dma_wait3A_99 = tpu.memref_slice %arg2[%add3A_97, %dma_wait3A_98] : memref<4096x8192xf32, #tpu.memory_space<hbm>> -> memref<8x2048xf32, #tpu.memory_space<hbm>>
    %dma_wait3A_100 = arith.constant 2048 : i32
    %dma_wait3A_101 = tpu.memref_slice %arg2[%add3A_97, %dma_wait3A_100] : memref<4096x8192xf32, #tpu.memory_space<hbm>> -> memref<8x2048xf32, #tpu.memory_space<hbm>>
    tpu.wait_dma2 semaphore(%arg15 : memref<!tpu.dma_semaphore, #tpu.memory_space<semaphore_mem>>) src(%dma_wait3A_101 : memref<8x2048xf32, #tpu.memory_space<hbm>>) dst(%arg11 : memref<8x2048xf32, #tpu.memory_space<vmem>>)
    %get3A_102 = arith.constant 1984 : index
    %get3A_103 = tpu.vector_load %arg7[%get3A_102] {strides = array<i32>} : memref<8144xi32, #tpu.memory_space<vmem>>, vector<16xi32>,
    %get3A_104 = arith.constant 1984 : index
    %get3A_105 = tpu.vector_load %arg8[%get3A_104] {strides = array<i32>} : memref<8144xi32, #tpu.memory_space<vmem>>, vector<16xi32>,
    %get3A_106 = arith.constant 1984 : index
    %get3A_107 = tpu.vector_load %arg9[%get3A_106] {strides = array<i32>} : memref<8144xi32, #tpu.memory_space<vmem>>, vector<16xi32>,
    %gather3A_108 = tpu.vector_load_idx %arg11[%get3A_103, %get3A_105] : memref<8x2048xf32, #tpu.memory_space<vmem>>[vector<16xi32>, vector<16xi32>], vector<16xf32>,
    %get3A_109 = arith.constant 2000 : index
    %get3A_110 = tpu.vector_load %arg7[%get3A_109] {strides = array<i32>} : memref<8144xi32, #tpu.memory_space<vmem>>, vector<16xi32>,
    %get3A_111 = arith.constant 2000 : index
    %get3A_112 = tpu.vector_load %arg8[%get3A_111] {strides = array<i32>} : memref<8144xi32, #tpu.memory_space<vmem>>, vector<16xi32>,
    %get3A_113 = arith.constant 2000 : index
    %get3A_114 = tpu.vector_load %arg9[%get3A_113] {strides = array<i32>} : memref<8144xi32, #tpu.memory_space<vmem>>, vector<16xi32>,
    %gather3A_115 = tpu.vector_load_idx %arg11[%get3A_110, %get3A_112] : memref<8x2048xf32, #tpu.memory_space<vmem>>[vector<16xi32>, vector<16xi32>], vector<16xf32>,
    %scan3A_116 = arith.constant 2 : i32
    %scan3A_117 = arith.constant 120 : i32
    %scan3A_118 = arith.addi %scan3A_116, %scan3A_117 : i32
    %scan3A_119 = arith.constant 8 : i32
    %scan3A_120:6 = scf.for %scan3A_453 = %scan3A_116 to %scan3A_118 step %scan3A_119 iter_args(%scan3A_454 = %get3A_103, %scan3A_455 = %get3A_107, %scan3A_456 = %gather3A_108, %scan3A_457 = %get3A_110, %scan3A_458 = %get3A_114, %scan3A_459 = %gather3A_115) -> (vector<16xi32>, vector<16xi32>, vector<16xf32>, vector<16xi32>, vector<16xi32>, vector<16xf32>)  : i32 {
      %mul3A_460 = arith.constant 16 : i32
      %mul3A_461 = arith.muli %scan3A_453, %mul3A_460 : i32
      %add3A_462 = arith.constant 1984 : i32
      %add3A_463 = arith.addi %add3A_462, %mul3A_461 : i32
      %get3A_464 = arith.index_cast %add3A_463 : i32 to index
      %get3A_465 = tpu.vector_load %arg7[%get3A_464] {strides = array<i32>} : memref<8144xi32, #tpu.memory_space<vmem>>, vector<16xi32>,
      %mul3A_466 = arith.constant 16 : i32
      %mul3A_467 = arith.muli %scan3A_453, %mul3A_466 : i32
      %add3A_468 = arith.constant 1984 : i32
      %add3A_469 = arith.addi %add3A_468, %mul3A_467 : i32
      %get3A_470 = arith.index_cast %add3A_469 : i32 to index
      %get3A_471 = tpu.vector_load %arg8[%get3A_470] {strides = array<i32>} : memref<8144xi32, #tpu.memory_space<vmem>>, vector<16xi32>,
      %mul3A_472 = arith.constant 16 : i32
      %mul3A_473 = arith.muli %scan3A_453, %mul3A_472 : i32
      %add3A_474 = arith.constant 1984 : i32
      %add3A_475 = arith.addi %add3A_474, %mul3A_473 : i32
      %get3A_476 = arith.index_cast %add3A_475 : i32 to index
      %get3A_477 = tpu.vector_load %arg9[%get3A_476] {strides = array<i32>} : memref<8144xi32, #tpu.memory_space<vmem>>, vector<16xi32>,
      %gather3A_478 = tpu.vector_load_idx %arg11[%get3A_465, %get3A_471] : memref<8x2048xf32, #tpu.memory_space<vmem>>[vector<16xi32>, vector<16xi32>], vector<16xf32>,
      tpu.vector_store_idx %arg11[%scan3A_454, %scan3A_455], %scan3A_456 : memref<8x2048xf32, #tpu.memory_space<vmem>>[vector<16xi32>, vector<16xi32>], vector<16xf32>,
      %scan3A_479 = arith.constant 1 : i32
      %scan3A_480 = arith.addi %scan3A_453, %scan3A_479 : i32
      %mul3A_481 = arith.constant 16 : i32
      %mul3A_482 = arith.muli %scan3A_480, %mul3A_481 : i32
      %add3A_483 = arith.constant 1984 : i32
      %add3A_484 = arith.addi %add3A_483, %mul3A_482 : i32
      %get3A_485 = arith.index_cast %add3A_484 : i32 to index
      %get3A_486 = tpu.vector_load %arg7[%get3A_485] {strides = array<i32>} : memref<8144xi32, #tpu.memory_space<vmem>>, vector<16xi32>,
      %mul3A_487 = arith.constant 16 : i32
      %mul3A_488 = arith.muli %scan3A_480, %mul3A_487 : i32
      %add3A_489 = arith.constant 1984 : i32
      %add3A_490 = arith.addi %add3A_489, %mul3A_488 : i32
      %get3A_491 = arith.index_cast %add3A_490 : i32 to index
      %get3A_492 = tpu.vector_load %arg8[%get3A_491] {strides = array<i32>} : memref<8144xi32, #tpu.memory_space<vmem>>, vector<16xi32>,
      %mul3A_493 = arith.constant 16 : i32
      %mul3A_494 = arith.muli %scan3A_480, %mul3A_493 : i32
      %add3A_495 = arith.constant 1984 : i32
      %add3A_496 = arith.addi %add3A_495, %mul3A_494 : i32
      %get3A_497 = arith.index_cast %add3A_496 : i32 to index
      %get3A_498 = tpu.vector_load %arg9[%get3A_497] {strides = array<i32>} : memref<8144xi32, #tpu.memory_space<vmem>>, vector<16xi32>,
      %gather3A_499 = tpu.vector_load_idx %arg11[%get3A_486, %get3A_492] : memref<8x2048xf32, #tpu.memory_space<vmem>>[vector<16xi32>, vector<16xi32>], vector<16xf32>,
      tpu.vector_store_idx %arg11[%scan3A_457, %scan3A_458], %scan3A_459 : memref<8x2048xf32, #tpu.memory_space<vmem>>[vector<16xi32>, vector<16xi32>], vector<16xf32>,
      %scan3A_500 = arith.constant 2 : i32
      %scan3A_501 = arith.addi %scan3A_453, %scan3A_500 : i32
      %mul3A_502 = arith.constant 16 : i32
      %mul3A_503 = arith.muli %scan3A_501, %mul3A_502 : i32
      %add3A_504 = arith.constant 1984 : i32
      %add3A_505 = arith.addi %add3A_504, %mul3A_503 : i32
      %get3A_506 = arith.index_cast %add3A_505 : i32 to index
      %get3A_507 = tpu.vector_load %arg7[%get3A_506] {strides = array<i32>} : memref<8144xi32, #tpu.memory_space<vmem>>, vector<16xi32>,
      %mul3A_508 = arith.constant 16 : i32
      %mul3A_509 = arith.muli %scan3A_501, %mul3A_508 : i32
      %add3A_510 = arith.constant 1984 : i32
      %add3A_511 = arith.addi %add3A_510, %mul3A_509 : i32
      %get3A_512 = arith.index_cast %add3A_511 : i32 to index
      %get3A_513 = tpu.vector_load %arg8[%get3A_512] {strides = array<i32>} : memref<8144xi32, #tpu.memory_space<vmem>>, vector<16xi32>,
      %mul3A_514 = arith.constant 16 : i32
      %mul3A_515 = arith.muli %scan3A_501, %mul3A_514 : i32
      %add3A_516 = arith.constant 1984 : i32
      %add3A_517 = arith.addi %add3A_516, %mul3A_515 : i32
      %get3A_518 = arith.index_cast %add3A_517 : i32 to index
      %get3A_519 = tpu.vector_load %arg9[%get3A_518] {strides = array<i32>} : memref<8144xi32, #tpu.memory_space<vmem>>, vector<16xi32>,
      %gather3A_520 = tpu.vector_load_idx %arg11[%get3A_507, %get3A_513] : memref<8x2048xf32, #tpu.memory_space<vmem>>[vector<16xi32>, vector<16xi32>], vector<16xf32>,
      tpu.vector_store_idx %arg11[%get3A_465, %get3A_477], %gather3A_478 : memref<8x2048xf32, #tpu.memory_space<vmem>>[vector<16xi32>, vector<16xi32>], vector<16xf32>,
      %scan3A_521 = arith.constant 3 : i32
      %scan3A_522 = arith.addi %scan3A_453, %scan3A_521 : i32
      %mul3A_523 = arith.constant 16 : i32
      %mul3A_524 = arith.muli %scan3A_522, %mul3A_523 : i32
      %add3A_525 = arith.constant 1984 : i32
      %add3A_526 = arith.addi %add3A_525, %mul3A_524 : i32
      %get3A_527 = arith.index_cast %add3A_526 : i32 to index
      %get3A_528 = tpu.vector_load %arg7[%get3A_527] {strides = array<i32>} : memref<8144xi32, #tpu.memory_space<vmem>>, vector<16xi32>,
      %mul3A_529 = arith.constant 16 : i32
      %mul3A_530 = arith.muli %scan3A_522, %mul3A_529 : i32
      %add3A_531 = arith.constant 1984 : i32
      %add3A_532 = arith.addi %add3A_531, %mul3A_530 : i32
      %get3A_533 = arith.index_cast %add3A_532 : i32 to index
      %get3A_534 = tpu.vector_load %arg8[%get3A_533] {strides = array<i32>} : memref<8144xi32, #tpu.memory_space<vmem>>, vector<16xi32>,
      %mul3A_535 = arith.constant 16 : i32
      %mul3A_536 = arith.muli %scan3A_522, %mul3A_535 : i32
      %add3A_537 = arith.constant 1984 : i32
      %add3A_538 = arith.addi %add3A_537, %mul3A_536 : i32
      %get3A_539 = arith.index_cast %add3A_538 : i32 to index
      %get3A_540 = tpu.vector_load %arg9[%get3A_539] {strides = array<i32>} : memref<8144xi32, #tpu.memory_space<vmem>>, vector<16xi32>,
      %gather3A_541 = tpu.vector_load_idx %arg11[%get3A_528, %get3A_534] : memref<8x2048xf32, #tpu.memory_space<vmem>>[vector<16xi32>, vector<16xi32>], vector<16xf32>,
      tpu.vector_store_idx %arg11[%get3A_486, %get3A_498], %gather3A_499 : memref<8x2048xf32, #tpu.memory_space<vmem>>[vector<16xi32>, vector<16xi32>], vector<16xf32>,
      %scan3A_542 = arith.constant 4 : i32
      %scan3A_543 = arith.addi %scan3A_453, %scan3A_542 : i32
      %mul3A_544 = arith.constant 16 : i32
      %mul3A_545 = arith.muli %scan3A_543, %mul3A_544 : i32
      %add3A_546 = arith.constant 1984 : i32
      %add3A_547 = arith.addi %add3A_546, %mul3A_545 : i32
      %get3A_548 = arith.index_cast %add3A_547 : i32 to index
      %get3A_549 = tpu.vector_load %arg7[%get3A_548] {strides = array<i32>} : memref<8144xi32, #tpu.memory_space<vmem>>, vector<16xi32>,
      %mul3A_550 = arith.constant 16 : i32
      %mul3A_551 = arith.muli %scan3A_543, %mul3A_550 : i32
      %add3A_552 = arith.constant 1984 : i32
      %add3A_553 = arith.addi %add3A_552, %mul3A_551 : i32
      %get3A_554 = arith.index_cast %add3A_553 : i32 to index
      %get3A_555 = tpu.vector_load %arg8[%get3A_554] {strides = array<i32>} : memref<8144xi32, #tpu.memory_space<vmem>>, vector<16xi32>,
      %mul3A_556 = arith.constant 16 : i32
      %mul3A_557 = arith.muli %scan3A_543, %mul3A_556 : i32
      %add3A_558 = arith.constant 1984 : i32
      %add3A_559 = arith.addi %add3A_558, %mul3A_557 : i32
      %get3A_560 = arith.index_cast %add3A_559 : i32 to index
      %get3A_561 = tpu.vector_load %arg9[%get3A_560] {strides = array<i32>} : memref<8144xi32, #tpu.memory_space<vmem>>, vector<16xi32>,
      %gather3A_562 = tpu.vector_load_idx %arg11[%get3A_549, %get3A_555] : memref<8x2048xf32, #tpu.memory_space<vmem>>[vector<16xi32>, vector<16xi32>], vector<16xf32>,
      tpu.vector_store_idx %arg11[%get3A_507, %get3A_519], %gather3A_520 : memref<8x2048xf32, #tpu.memory_space<vmem>>[vector<16xi32>, vector<16xi32>], vector<16xf32>,
      %scan3A_563 = arith.constant 5 : i32
      %scan3A_564 = arith.addi %scan3A_453, %scan3A_563 : i32
      %mul3A_565 = arith.constant 16 : i32
      %mul3A_566 = arith.muli %scan3A_564, %mul3A_565 : i32
      %add3A_567 = arith.constant 1984 : i32
      %add3A_568 = arith.addi %add3A_567, %mul3A_566 : i32
      %get3A_569 = arith.index_cast %add3A_568 : i32 to index
      %get3A_570 = tpu.vector_load %arg7[%get3A_569] {strides = array<i32>} : memref<8144xi32, #tpu.memory_space<vmem>>, vector<16xi32>,
      %mul3A_571 = arith.constant 16 : i32
      %mul3A_572 = arith.muli %scan3A_564, %mul3A_571 : i32
      %add3A_573 = arith.constant 1984 : i32
      %add3A_574 = arith.addi %add3A_573, %mul3A_572 : i32
      %get3A_575 = arith.index_cast %add3A_574 : i32 to index
      %get3A_576 = tpu.vector_load %arg8[%get3A_575] {strides = array<i32>} : memref<8144xi32, #tpu.memory_space<vmem>>, vector<16xi32>,
      %mul3A_577 = arith.constant 16 : i32
      %mul3A_578 = arith.muli %scan3A_564, %mul3A_577 : i32
      %add3A_579 = arith.constant 1984 : i32
      %add3A_580 = arith.addi %add3A_579, %mul3A_578 : i32
      %get3A_581 = arith.index_cast %add3A_580 : i32 to index
      %get3A_582 = tpu.vector_load %arg9[%get3A_581] {strides = array<i32>} : memref<8144xi32, #tpu.memory_space<vmem>>, vector<16xi32>,
      %gather3A_583 = tpu.vector_load_idx %arg11[%get3A_570, %get3A_576] : memref<8x2048xf32, #tpu.memory_space<vmem>>[vector<16xi32>, vector<16xi32>], vector<16xf32>,
      tpu.vector_store_idx %arg11[%get3A_528, %get3A_540], %gather3A_541 : memref<8x2048xf32, #tpu.memory_space<vmem>>[vector<16xi32>, vector<16xi32>], vector<16xf32>,
      %scan3A_584 = arith.constant 6 : i32
      %scan3A_585 = arith.addi %scan3A_453, %scan3A_584 : i32
      %mul3A_586 = arith.constant 16 : i32
      %mul3A_587 = arith.muli %scan3A_585, %mul3A_586 : i32
      %add3A_588 = arith.constant 1984 : i32
      %add3A_589 = arith.addi %add3A_588, %mul3A_587 : i32
      %get3A_590 = arith.index_cast %add3A_589 : i32 to index
      %get3A_591 = tpu.vector_load %arg7[%get3A_590] {strides = array<i32>} : memref<8144xi32, #tpu.memory_space<vmem>>, vector<16xi32>,
      %mul3A_592 = arith.constant 16 : i32
      %mul3A_593 = arith.muli %scan3A_585, %mul3A_592 : i32
      %add3A_594 = arith.constant 1984 : i32
      %add3A_595 = arith.addi %add3A_594, %mul3A_593 : i32
      %get3A_596 = arith.index_cast %add3A_595 : i32 to index
      %get3A_597 = tpu.vector_load %arg8[%get3A_596] {strides = array<i32>} : memref<8144xi32, #tpu.memory_space<vmem>>, vector<16xi32>,
      %mul3A_598 = arith.constant 16 : i32
      %mul3A_599 = arith.muli %scan3A_585, %mul3A_598 : i32
      %add3A_600 = arith.constant 1984 : i32
      %add3A_601 = arith.addi %add3A_600, %mul3A_599 : i32
      %get3A_602 = arith.index_cast %add3A_601 : i32 to index
      %get3A_603 = tpu.vector_load %arg9[%get3A_602] {strides = array<i32>} : memref<8144xi32, #tpu.memory_space<vmem>>, vector<16xi32>,
      %gather3A_604 = tpu.vector_load_idx %arg11[%get3A_591, %get3A_597] : memref<8x2048xf32, #tpu.memory_space<vmem>>[vector<16xi32>, vector<16xi32>], vector<16xf32>,
      tpu.vector_store_idx %arg11[%get3A_549, %get3A_561], %gather3A_562 : memref<8x2048xf32, #tpu.memory_space<vmem>>[vector<16xi32>, vector<16xi32>], vector<16xf32>,
      %scan3A_605 = arith.constant 7 : i32
      %scan3A_606 = arith.addi %scan3A_453, %scan3A_605 : i32
      %mul3A_607 = arith.constant 16 : i32
      %mul3A_608 = arith.muli %scan3A_606, %mul3A_607 : i32
      %add3A_609 = arith.constant 1984 : i32
      %add3A_610 = arith.addi %add3A_609, %mul3A_608 : i32
      %get3A_611 = arith.index_cast %add3A_610 : i32 to index
      %get3A_612 = tpu.vector_load %arg7[%get3A_611] {strides = array<i32>} : memref<8144xi32, #tpu.memory_space<vmem>>, vector<16xi32>,
      %mul3A_613 = arith.constant 16 : i32
      %mul3A_614 = arith.muli %scan3A_606, %mul3A_613 : i32
      %add3A_615 = arith.constant 1984 : i32
      %add3A_616 = arith.addi %add3A_615, %mul3A_614 : i32
      %get3A_617 = arith.index_cast %add3A_616 : i32 to index
      %get3A_618 = tpu.vector_load %arg8[%get3A_617] {strides = array<i32>} : memref<8144xi32, #tpu.memory_space<vmem>>, vector<16xi32>,
      %mul3A_619 = arith.constant 16 : i32
      %mul3A_620 = arith.muli %scan3A_606, %mul3A_619 : i32
      %add3A_621 = arith.constant 1984 : i32
      %add3A_622 = arith.addi %add3A_621, %mul3A_620 : i32
      %get3A_623 = arith.index_cast %add3A_622 : i32 to index
      %get3A_624 = tpu.vector_load %arg9[%get3A_623] {strides = array<i32>} : memref<8144xi32, #tpu.memory_space<vmem>>, vector<16xi32>,
      %gather3A_625 = tpu.vector_load_idx %arg11[%get3A_612, %get3A_618] : memref<8x2048xf32, #tpu.memory_space<vmem>>[vector<16xi32>, vector<16xi32>], vector<16xf32>,
      tpu.vector_store_idx %arg11[%get3A_570, %get3A_582], %gather3A_583 : memref<8x2048xf32, #tpu.memory_space<vmem>>[vector<16xi32>, vector<16xi32>], vector<16xf32>,
      scf.yield %get3A_591, %get3A_603, %gather3A_604, %get3A_612, %get3A_624, %gather3A_625 : vector<16xi32>, vector<16xi32>, vector<16xf32>, vector<16xi32>, vector<16xi32>, vector<16xf32>
    }
    %scan3A_121 = arith.constant 120 : i32
    %scan3A_122 = arith.addi %scan3A_116, %scan3A_121 : i32
    %mul3A_123 = arith.constant 16 : i32
    %mul3A_124 = arith.muli %scan3A_122, %mul3A_123 : i32
    %add3A_125 = arith.constant 1984 : i32
    %add3A_126 = arith.addi %add3A_125, %mul3A_124 : i32
    %get3A_127 = arith.index_cast %add3A_126 : i32 to index
    %get3A_128 = tpu.vector_load %arg7[%get3A_127] {strides = array<i32>} : memref<8144xi32, #tpu.memory_space<vmem>>, vector<16xi32>,
    %mul3A_129 = arith.constant 16 : i32
    %mul3A_130 = arith.muli %scan3A_122, %mul3A_129 : i32
    %add3A_131 = arith.constant 1984 : i32
    %add3A_132 = arith.addi %add3A_131, %mul3A_130 : i32
    %get3A_133 = arith.index_cast %add3A_132 : i32 to index
    %get3A_134 = tpu.vector_load %arg8[%get3A_133] {strides = array<i32>} : memref<8144xi32, #tpu.memory_space<vmem>>, vector<16xi32>,
    %mul3A_135 = arith.constant 16 : i32
    %mul3A_136 = arith.muli %scan3A_122, %mul3A_135 : i32
    %add3A_137 = arith.constant 1984 : i32
    %add3A_138 = arith.addi %add3A_137, %mul3A_136 : i32
    %get3A_139 = arith.index_cast %add3A_138 : i32 to index
    %get3A_140 = tpu.vector_load %arg9[%get3A_139] {strides = array<i32>} : memref<8144xi32, #tpu.memory_space<vmem>>, vector<16xi32>,
    %gather3A_141 = tpu.vector_load_idx %arg11[%get3A_128, %get3A_134] : memref<8x2048xf32, #tpu.memory_space<vmem>>[vector<16xi32>, vector<16xi32>], vector<16xf32>,
    tpu.vector_store_idx %arg11[%scan3A_120#0, %scan3A_120#1], %scan3A_120#2 : memref<8x2048xf32, #tpu.memory_space<vmem>>[vector<16xi32>, vector<16xi32>], vector<16xf32>,
    %scan3A_142 = arith.constant 121 : i32
    %scan3A_143 = arith.addi %scan3A_116, %scan3A_142 : i32
    %mul3A_144 = arith.constant 16 : i32
    %mul3A_145 = arith.muli %scan3A_143, %mul3A_144 : i32
    %add3A_146 = arith.constant 1984 : i32
    %add3A_147 = arith.addi %add3A_146, %mul3A_145 : i32
    %get3A_148 = arith.index_cast %add3A_147 : i32 to index
    %get3A_149 = tpu.vector_load %arg7[%get3A_148] {strides = array<i32>} : memref<8144xi32, #tpu.memory_space<vmem>>, vector<16xi32>,
    %mul3A_150 = arith.constant 16 : i32
    %mul3A_151 = arith.muli %scan3A_143, %mul3A_150 : i32
    %add3A_152 = arith.constant 1984 : i32
    %add3A_153 = arith.addi %add3A_152, %mul3A_151 : i32
    %get3A_154 = arith.index_cast %add3A_153 : i32 to index
    %get3A_155 = tpu.vector_load %arg8[%get3A_154] {strides = array<i32>} : memref<8144xi32, #tpu.memory_space<vmem>>, vector<16xi32>,
    %mul3A_156 = arith.constant 16 : i32
    %mul3A_157 = arith.muli %scan3A_143, %mul3A_156 : i32
    %add3A_158 = arith.constant 1984 : i32
    %add3A_159 = arith.addi %add3A_158, %mul3A_157 : i32
    %get3A_160 = arith.index_cast %add3A_159 : i32 to index
    %get3A_161 = tpu.vector_load %arg9[%get3A_160] {strides = array<i32>} : memref<8144xi32, #tpu.memory_space<vmem>>, vector<16xi32>,
    %gather3A_162 = tpu.vector_load_idx %arg11[%get3A_149, %get3A_155] : memref<8x2048xf32, #tpu.memory_space<vmem>>[vector<16xi32>, vector<16xi32>], vector<16xf32>,
    tpu.vector_store_idx %arg11[%scan3A_120#3, %scan3A_120#4], %scan3A_120#5 : memref<8x2048xf32, #tpu.memory_space<vmem>>[vector<16xi32>, vector<16xi32>], vector<16xf32>,
    %scan3A_163 = arith.constant 122 : i32
    %scan3A_164 = arith.addi %scan3A_116, %scan3A_163 : i32
    %mul3A_165 = arith.constant 16 : i32
    %mul3A_166 = arith.muli %scan3A_164, %mul3A_165 : i32
    %add3A_167 = arith.constant 1984 : i32
    %add3A_168 = arith.addi %add3A_167, %mul3A_166 : i32
    %get3A_169 = arith.index_cast %add3A_168 : i32 to index
    %get3A_170 = tpu.vector_load %arg7[%get3A_169] {strides = array<i32>} : memref<8144xi32, #tpu.memory_space<vmem>>, vector<16xi32>,
    %mul3A_171 = arith.constant 16 : i32
    %mul3A_172 = arith.muli %scan3A_164, %mul3A_171 : i32
    %add3A_173 = arith.constant 1984 : i32
    %add3A_174 = arith.addi %add3A_173, %mul3A_172 : i32
    %get3A_175 = arith.index_cast %add3A_174 : i32 to index
    %get3A_176 = tpu.vector_load %arg8[%get3A_175] {strides = array<i32>} : memref<8144xi32, #tpu.memory_space<vmem>>, vector<16xi32>,
    %mul3A_177 = arith.constant 16 : i32
    %mul3A_178 = arith.muli %scan3A_164, %mul3A_177 : i32
    %add3A_179 = arith.constant 1984 : i32
    %add3A_180 = arith.addi %add3A_179, %mul3A_178 : i32
    %get3A_181 = arith.index_cast %add3A_180 : i32 to index
    %get3A_182 = tpu.vector_load %arg9[%get3A_181] {strides = array<i32>} : memref<8144xi32, #tpu.memory_space<vmem>>, vector<16xi32>,
    %gather3A_183 = tpu.vector_load_idx %arg11[%get3A_170, %get3A_176] : memref<8x2048xf32, #tpu.memory_space<vmem>>[vector<16xi32>, vector<16xi32>], vector<16xf32>,
    tpu.vector_store_idx %arg11[%get3A_128, %get3A_140], %gather3A_141 : memref<8x2048xf32, #tpu.memory_space<vmem>>[vector<16xi32>, vector<16xi32>], vector<16xf32>,
    %scan3A_184 = arith.constant 123 : i32
    %scan3A_185 = arith.addi %scan3A_116, %scan3A_184 : i32
    %mul3A_186 = arith.constant 16 : i32
    %mul3A_187 = arith.muli %scan3A_185, %mul3A_186 : i32
    %add3A_188 = arith.constant 1984 : i32
    %add3A_189 = arith.addi %add3A_188, %mul3A_187 : i32
    %get3A_190 = arith.index_cast %add3A_189 : i32 to index
    %get3A_191 = tpu.vector_load %arg7[%get3A_190] {strides = array<i32>} : memref<8144xi32, #tpu.memory_space<vmem>>, vector<16xi32>,
    %mul3A_192 = arith.constant 16 : i32
    %mul3A_193 = arith.muli %scan3A_185, %mul3A_192 : i32
    %add3A_194 = arith.constant 1984 : i32
    %add3A_195 = arith.addi %add3A_194, %mul3A_193 : i32
    %get3A_196 = arith.index_cast %add3A_195 : i32 to index
    %get3A_197 = tpu.vector_load %arg8[%get3A_196] {strides = array<i32>} : memref<8144xi32, #tpu.memory_space<vmem>>, vector<16xi32>,
    %mul3A_198 = arith.constant 16 : i32
    %mul3A_199 = arith.muli %scan3A_185, %mul3A_198 : i32
    %add3A_200 = arith.constant 1984 : i32
    %add3A_201 = arith.addi %add3A_200, %mul3A_199 : i32
    %get3A_202 = arith.index_cast %add3A_201 : i32 to index
    %get3A_203 = tpu.vector_load %arg9[%get3A_202] {strides = array<i32>} : memref<8144xi32, #tpu.memory_space<vmem>>, vector<16xi32>,
    %gather3A_204 = tpu.vector_load_idx %arg11[%get3A_191, %get3A_197] : memref<8x2048xf32, #tpu.memory_space<vmem>>[vector<16xi32>, vector<16xi32>], vector<16xf32>,
    tpu.vector_store_idx %arg11[%get3A_149, %get3A_161], %gather3A_162 : memref<8x2048xf32, #tpu.memory_space<vmem>>[vector<16xi32>, vector<16xi32>], vector<16xf32>,
    %scan3A_205 = arith.constant 124 : i32
    %scan3A_206 = arith.addi %scan3A_116, %scan3A_205 : i32
    %mul3A_207 = arith.constant 16 : i32
    %mul3A_208 = arith.muli %scan3A_206, %mul3A_207 : i32
    %add3A_209 = arith.constant 1984 : i32
    %add3A_210 = arith.addi %add3A_209, %mul3A_208 : i32
    %get3A_211 = arith.index_cast %add3A_210 : i32 to index
    %get3A_212 = tpu.vector_load %arg7[%get3A_211] {strides = array<i32>} : memref<8144xi32, #tpu.memory_space<vmem>>, vector<16xi32>,
    %mul3A_213 = arith.constant 16 : i32
    %mul3A_214 = arith.muli %scan3A_206, %mul3A_213 : i32
    %add3A_215 = arith.constant 1984 : i32
    %add3A_216 = arith.addi %add3A_215, %mul3A_214 : i32
    %get3A_217 = arith.index_cast %add3A_216 : i32 to index
    %get3A_218 = tpu.vector_load %arg8[%get3A_217] {strides = array<i32>} : memref<8144xi32, #tpu.memory_space<vmem>>, vector<16xi32>,
    %mul3A_219 = arith.constant 16 : i32
    %mul3A_220 = arith.muli %scan3A_206, %mul3A_219 : i32
    %add3A_221 = arith.constant 1984 : i32
    %add3A_222 = arith.addi %add3A_221, %mul3A_220 : i32
    %get3A_223 = arith.index_cast %add3A_222 : i32 to index
    %get3A_224 = tpu.vector_load %arg9[%get3A_223] {strides = array<i32>} : memref<8144xi32, #tpu.memory_space<vmem>>, vector<16xi32>,
    %gather3A_225 = tpu.vector_load_idx %arg11[%get3A_212, %get3A_218] : memref<8x2048xf32, #tpu.memory_space<vmem>>[vector<16xi32>, vector<16xi32>], vector<16xf32>,
    tpu.vector_store_idx %arg11[%get3A_170, %get3A_182], %gather3A_183 : memref<8x2048xf32, #tpu.memory_space<vmem>>[vector<16xi32>, vector<16xi32>], vector<16xf32>,
    %scan3A_226 = arith.constant 125 : i32
    tpu.vector_store_idx %arg11[%get3A_191, %get3A_203], %gather3A_204 : memref<8x2048xf32, #tpu.memory_space<vmem>>[vector<16xi32>, vector<16xi32>], vector<16xf32>,
    tpu.vector_store_idx %arg11[%get3A_212, %get3A_224], %gather3A_225 : memref<8x2048xf32, #tpu.memory_space<vmem>>[vector<16xi32>, vector<16xi32>], vector<16xf32>,
    %add3A_227 = arith.constant 0 : i32
    %add3A_228 = arith.addi %mul3A_2, %add3A_227 : i32
    %dma_start3A_229 = arith.constant 2048 : i32
    %dma_start3A_230 = tpu.memref_slice %arg6[%add3A_228, %dma_start3A_229] : memref<4096x8192xf32, #tpu.memory_space<hbm>> -> memref<8x2048xf32, #tpu.memory_space<hbm>>
    %dma_start3A_231 = arith.constant 2048 : i32
    %dma_start3A_232 = tpu.memref_slice %arg6[%add3A_228, %dma_start3A_231] : memref<4096x8192xf32, #tpu.memory_space<hbm>> -> memref<8x2048xf32, #tpu.memory_space<hbm>>
    tpu.enqueue_dma source(%arg11 : memref<8x2048xf32, #tpu.memory_space<vmem>>) target(%dma_start3A_232 : memref<8x2048xf32, #tpu.memory_space<hbm>>) target_semaphore(%arg19 : memref<!tpu.dma_semaphore, #tpu.memory_space<semaphore_mem>>)
    %scan3A_233 = arith.constant 0 : i32
    %scan3A_234 = arith.constant 0 : i32
    %scan3A_235 = arith.constant 15 : i32
    %scan3A_236 = arith.addi %scan3A_234, %scan3A_235 : i32
    %scan3A_237 = arith.constant 1 : i32
    scf.for %scan3A_453 = %scan3A_234 to %scan3A_236 step %scan3A_237  : i32 {
      %mul3A_454 = arith.constant 4 : i32
      %mul3A_455 = arith.muli %scan3A_453, %mul3A_454 : i32
      %add3A_456 = arith.constant 2 : i32
      %add3A_457 = arith.addi %add3A_456, %mul3A_455 : i32
      %add3A_458 = arith.constant 0 : i32
      %add3A_459 = arith.addi %add3A_457, %add3A_458 : i32
      %add3A_460 = arith.constant 2 : i32
      %add3A_461 = arith.addi %add3A_459, %add3A_460 : i32
      %sub3A = arith.constant 4 : i32
      %sub3A_462 = arith.subi %add3A_461, %sub3A : i32
      %jit3A = arith.constant 4 : i32
      %div3A = arith.divsi %sub3A_462, %jit3A : i32
      %sign3A = arith.constant 0 : i32
      %sign3A_463 = arith.cmpi sgt, %sub3A_462, %sign3A : i32
      %sign3A_464 = arith.extui %sign3A_463 : i1 to i32
      %sign3A_465 = arith.constant 0 : i32
      %sign3A_466 = arith.cmpi slt, %sub3A_462, %sign3A_465 : i32
      %sign3A_467 = arith.extui %sign3A_466 : i1 to i32
      %sign3A_468 = arith.subi %sign3A_464, %sign3A_467 : i32
      %sign3A_469 = arith.constant 0 : i32
      %sign3A_470 = arith.cmpi sgt, %jit3A, %sign3A_469 : i32
      %sign3A_471 = arith.extui %sign3A_470 : i1 to i32
      %sign3A_472 = arith.constant 0 : i32
      %sign3A_473 = arith.cmpi slt, %jit3A, %sign3A_472 : i32
      %sign3A_474 = arith.extui %sign3A_473 : i1 to i32
      %sign3A_475 = arith.subi %sign3A_471, %sign3A_474 : i32
      %ne3A = arith.cmpi ne, %sign3A_468, %sign3A_475 : i32
      %rem3A = arith.remsi %sub3A_462, %jit3A : i32
      %ne3A_476 = arith.constant 0 : i32
      %ne3A_477 = arith.cmpi ne, %rem3A, %ne3A_476 : i32
      %and3A = arith.andi %ne3A, %ne3A_477 : i1
      %sub3A_478 = arith.constant 1 : i32
      %sub3A_479 = arith.subi %div3A, %sub3A_478 : i32
      %select_n3A = arith.select %and3A, %sub3A_479, %div3A : i32
      %mul3A_480 = arith.constant 8 : i32
      %mul3A_481 = arith.muli %select_n3A, %mul3A_480 : i32
      %add3A_482 = arith.addi %mul3A_2, %mul3A_481 : i32
      %jit3A_483 = arith.constant 4 : i32
      %eq3A = arith.constant 0 : i32
      %eq3A_484 = arith.cmpi eq, %jit3A_483, %eq3A : i32
      %jit3A_485 = arith.constant 1 : i32
      %select_n3A_486 = arith.select %eq3A_484, %jit3A_485, %jit3A_483 : i32
      %rem3A_487 = arith.remsi %sub3A_462, %select_n3A_486 : i32
      %ne3A_488 = arith.constant 0 : i32
      %ne3A_489 = arith.cmpi ne, %rem3A_487, %ne3A_488 : i32
      %lt3A = arith.constant 0 : i32
      %lt3A_490 = arith.cmpi slt, %rem3A_487, %lt3A : i32
      %lt3A_491 = arith.constant 0 : i32
      %lt3A_492 = arith.cmpi slt, %select_n3A_486, %lt3A_491 : i32
      %ne3A_493 = arith.xori %lt3A_490, %lt3A_492 : i1
      %and3A_494 = arith.andi %ne3A_493, %ne3A_489 : i1
      %add3A_495 = arith.addi %rem3A_487, %select_n3A_486 : i32
      %select_n3A_496 = arith.select %and3A_494, %add3A_495, %rem3A_487 : i32
      %mul3A_497 = arith.constant 2048 : i32
      %mul3A_498 = arith.muli %select_n3A_496, %mul3A_497 : i32
      %dma_wait3A_499 = tpu.memref_slice %arg6[%add3A_482, %mul3A_498] : memref<4096x8192xf32, #tpu.memory_space<hbm>> -> memref<8x2048xf32, #tpu.memory_space<hbm>>
      %dma_wait3A_500 = tpu.memref_slice %arg6[%add3A_482, %mul3A_498] : memref<4096x8192xf32, #tpu.memory_space<hbm>> -> memref<8x2048xf32, #tpu.memory_space<hbm>>
      tpu.wait_dma2 semaphore(%arg18 : memref<!tpu.dma_semaphore, #tpu.memory_space<semaphore_mem>>) src(%arg10 : memref<8x2048xf32, #tpu.memory_space<vmem>>) dst(%dma_wait3A_500 : memref<8x2048xf32, #tpu.memory_space<hbm>>)
      %add3A_501 = arith.constant 2 : i32
      %add3A_502 = arith.addi %add3A_459, %add3A_501 : i32
      %jit3A_503 = arith.constant 4 : i32
      %div3A_504 = arith.divsi %add3A_502, %jit3A_503 : i32
      %sign3A_505 = arith.constant 0 : i32
      %sign3A_506 = arith.cmpi sgt, %add3A_502, %sign3A_505 : i32
      %sign3A_507 = arith.extui %sign3A_506 : i1 to i32
      %sign3A_508 = arith.constant 0 : i32
      %sign3A_509 = arith.cmpi slt, %add3A_502, %sign3A_508 : i32
      %sign3A_510 = arith.extui %sign3A_509 : i1 to i32
      %sign3A_511 = arith.subi %sign3A_507, %sign3A_510 : i32
      %sign3A_512 = arith.constant 0 : i32
      %sign3A_513 = arith.cmpi sgt, %jit3A_503, %sign3A_512 : i32
      %sign3A_514 = arith.extui %sign3A_513 : i1 to i32
      %sign3A_515 = arith.constant 0 : i32
      %sign3A_516 = arith.cmpi slt, %jit3A_503, %sign3A_515 : i32
      %sign3A_517 = arith.extui %sign3A_516 : i1 to i32
      %sign3A_518 = arith.subi %sign3A_514, %sign3A_517 : i32
      %ne3A_519 = arith.cmpi ne, %sign3A_511, %sign3A_518 : i32
      %rem3A_520 = arith.remsi %add3A_502, %jit3A_503 : i32
      %ne3A_521 = arith.constant 0 : i32
      %ne3A_522 = arith.cmpi ne, %rem3A_520, %ne3A_521 : i32
      %and3A_523 = arith.andi %ne3A_519, %ne3A_522 : i1
      %sub3A_524 = arith.constant 1 : i32
      %sub3A_525 = arith.subi %div3A_504, %sub3A_524 : i32
      %select_n3A_526 = arith.select %and3A_523, %sub3A_525, %div3A_504 : i32
      %mul3A_527 = arith.constant 8 : i32
      %mul3A_528 = arith.muli %select_n3A_526, %mul3A_527 : i32
      %add3A_529 = arith.addi %mul3A_2, %mul3A_528 : i32
      %jit3A_530 = arith.constant 4 : i32
      %eq3A_531 = arith.constant 0 : i32
      %eq3A_532 = arith.cmpi eq, %jit3A_530, %eq3A_531 : i32
      %jit3A_533 = arith.constant 1 : i32
      %select_n3A_534 = arith.select %eq3A_532, %jit3A_533, %jit3A_530 : i32
      %rem3A_535 = arith.remsi %add3A_502, %select_n3A_534 : i32
      %ne3A_536 = arith.constant 0 : i32
      %ne3A_537 = arith.cmpi ne, %rem3A_535, %ne3A_536 : i32
      %lt3A_538 = arith.constant 0 : i32
      %lt3A_539 = arith.cmpi slt, %rem3A_535, %lt3A_538 : i32
      %lt3A_540 = arith.constant 0 : i32
      %lt3A_541 = arith.cmpi slt, %select_n3A_534, %lt3A_540 : i32
      %ne3A_542 = arith.xori %lt3A_539, %lt3A_541 : i1
      %and3A_543 = arith.andi %ne3A_542, %ne3A_537 : i1
      %add3A_544 = arith.addi %rem3A_535, %select_n3A_534 : i32
      %select_n3A_545 = arith.select %and3A_543, %add3A_544, %rem3A_535 : i32
      %mul3A_546 = arith.constant 2048 : i32
      %mul3A_547 = arith.muli %select_n3A_545, %mul3A_546 : i32
      %dma_start3A_548 = tpu.memref_slice %arg2[%add3A_529, %mul3A_547] : memref<4096x8192xf32, #tpu.memory_space<hbm>> -> memref<8x2048xf32, #tpu.memory_space<hbm>>
      %dma_start3A_549 = tpu.memref_slice %arg2[%add3A_529, %mul3A_547] : memref<4096x8192xf32, #tpu.memory_space<hbm>> -> memref<8x2048xf32, #tpu.memory_space<hbm>>
      tpu.enqueue_dma source(%dma_start3A_549 : memref<8x2048xf32, #tpu.memory_space<hbm>>) target(%arg10 : memref<8x2048xf32, #tpu.memory_space<vmem>>) target_semaphore(%arg14 : memref<!tpu.dma_semaphore, #tpu.memory_space<semaphore_mem>>)
      %jit3A_550 = arith.constant 4 : i32
      %div3A_551 = arith.divsi %add3A_459, %jit3A_550 : i32
      %sign3A_552 = arith.constant 0 : i32
      %sign3A_553 = arith.cmpi sgt, %add3A_459, %sign3A_552 : i32
      %sign3A_554 = arith.extui %sign3A_553 : i1 to i32
      %sign3A_555 = arith.constant 0 : i32
      %sign3A_556 = arith.cmpi slt, %add3A_459, %sign3A_555 : i32
      %sign3A_557 = arith.extui %sign3A_556 : i1 to i32
      %sign3A_558 = arith.subi %sign3A_554, %sign3A_557 : i32
      %sign3A_559 = arith.constant 0 : i32
      %sign3A_560 = arith.cmpi sgt, %jit3A_550, %sign3A_559 : i32
      %sign3A_561 = arith.extui %sign3A_560 : i1 to i32
      %sign3A_562 = arith.constant 0 : i32
      %sign3A_563 = arith.cmpi slt, %jit3A_550, %sign3A_562 : i32
      %sign3A_564 = arith.extui %sign3A_563 : i1 to i32
      %sign3A_565 = arith.subi %sign3A_561, %sign3A_564 : i32
      %ne3A_566 = arith.cmpi ne, %sign3A_558, %sign3A_565 : i32
      %rem3A_567 = arith.remsi %add3A_459, %jit3A_550 : i32
      %ne3A_568 = arith.constant 0 : i32
      %ne3A_569 = arith.cmpi ne, %rem3A_567, %ne3A_568 : i32
      %and3A_570 = arith.andi %ne3A_566, %ne3A_569 : i1
      %sub3A_571 = arith.constant 1 : i32
      %sub3A_572 = arith.subi %div3A_551, %sub3A_571 : i32
      %select_n3A_573 = arith.select %and3A_570, %sub3A_572, %div3A_551 : i32
      %mul3A_574 = arith.constant 8 : i32
      %mul3A_575 = arith.muli %select_n3A_573, %mul3A_574 : i32
      %add3A_576 = arith.addi %mul3A_2, %mul3A_575 : i32
      %jit3A_577 = arith.constant 4 : i32
      %eq3A_578 = arith.constant 0 : i32
      %eq3A_579 = arith.cmpi eq, %jit3A_577, %eq3A_578 : i32
      %jit3A_580 = arith.constant 1 : i32
      %select_n3A_581 = arith.select %eq3A_579, %jit3A_580, %jit3A_577 : i32
      %rem3A_582 = arith.remsi %add3A_459, %select_n3A_581 : i32
      %ne3A_583 = arith.constant 0 : i32
      %ne3A_584 = arith.cmpi ne, %rem3A_582, %ne3A_583 : i32
      %lt3A_585 = arith.constant 0 : i32
      %lt3A_586 = arith.cmpi slt, %rem3A_582, %lt3A_585 : i32
      %lt3A_587 = arith.constant 0 : i32
      %lt3A_588 = arith.cmpi slt, %select_n3A_581, %lt3A_587 : i32
      %ne3A_589 = arith.xori %lt3A_586, %lt3A_588 : i1
      %and3A_590 = arith.andi %ne3A_589, %ne3A_584 : i1
      %add3A_591 = arith.addi %rem3A_582, %select_n3A_581 : i32
      %select_n3A_592 = arith.select %and3A_590, %add3A_591, %rem3A_582 : i32
      %mul3A_593 = arith.constant 2048 : i32
      %mul3A_594 = arith.muli %select_n3A_592, %mul3A_593 : i32
      %dma_wait3A_595 = tpu.memref_slice %arg2[%add3A_576, %mul3A_594] : memref<4096x8192xf32, #tpu.memory_space<hbm>> -> memref<8x2048xf32, #tpu.memory_space<hbm>>
      %dma_wait3A_596 = tpu.memref_slice %arg2[%add3A_576, %mul3A_594] : memref<4096x8192xf32, #tpu.memory_space<hbm>> -> memref<8x2048xf32, #tpu.memory_space<hbm>>
      tpu.wait_dma2 semaphore(%arg16 : memref<!tpu.dma_semaphore, #tpu.memory_space<semaphore_mem>>) src(%dma_wait3A_596 : memref<8x2048xf32, #tpu.memory_space<hbm>>) dst(%arg12 : memref<8x2048xf32, #tpu.memory_space<vmem>>)
      %get3A_597 = arith.constant 4016 : index
      %get3A_598 = tpu.vector_load %arg7[%get3A_597] {strides = array<i32>} : memref<8144xi32, #tpu.memory_space<vmem>>, vector<16xi32>,
      %get3A_599 = arith.constant 4016 : index
      %get3A_600 = tpu.vector_load %arg8[%get3A_599] {strides = array<i32>} : memref<8144xi32, #tpu.memory_space<vmem>>, vector<16xi32>,
      %get3A_601 = arith.constant 4016 : index
      %get3A_602 = tpu.vector_load %arg9[%get3A_601] {strides = array<i32>} : memref<8144xi32, #tpu.memory_space<vmem>>, vector<16xi32>,
      %gather3A_603 = tpu.vector_load_idx %arg12[%get3A_598, %get3A_600] : memref<8x2048xf32, #tpu.memory_space<vmem>>[vector<16xi32>, vector<16xi32>], vector<16xf32>,
      %get3A_604 = arith.constant 4032 : index
      %get3A_605 = tpu.vector_load %arg7[%get3A_604] {strides = array<i32>} : memref<8144xi32, #tpu.memory_space<vmem>>, vector<16xi32>,
      %get3A_606 = arith.constant 4032 : index
      %get3A_607 = tpu.vector_load %arg8[%get3A_606] {strides = array<i32>} : memref<8144xi32, #tpu.memory_space<vmem>>, vector<16xi32>,
      %get3A_608 = arith.constant 4032 : index
      %get3A_609 = tpu.vector_load %arg9[%get3A_608] {strides = array<i32>} : memref<8144xi32, #tpu.memory_space<vmem>>, vector<16xi32>,
      %gather3A_610 = tpu.vector_load_idx %arg12[%get3A_605, %get3A_607] : memref<8x2048xf32, #tpu.memory_space<vmem>>[vector<16xi32>, vector<16xi32>], vector<16xf32>,
      %scan3A_611 = arith.constant 2 : i32
      %scan3A_612 = arith.constant 128 : i32
      %scan3A_613 = arith.addi %scan3A_611, %scan3A_612 : i32
      %scan3A_614 = arith.constant 8 : i32
      %scan3A_615:6 = scf.for %scan3A_1585 = %scan3A_611 to %scan3A_613 step %scan3A_614 iter_args(%scan3A_1586 = %get3A_598, %scan3A_1587 = %get3A_602, %scan3A_1588 = %gather3A_603, %scan3A_1589 = %get3A_605, %scan3A_1590 = %get3A_609, %scan3A_1591 = %gather3A_610) -> (vector<16xi32>, vector<16xi32>, vector<16xf32>, vector<16xi32>, vector<16xi32>, vector<16xf32>)  : i32 {
        %mul3A_1592 = arith.constant 16 : i32
        %mul3A_1593 = arith.muli %scan3A_1585, %mul3A_1592 : i32
        %add3A_1594 = arith.constant 4016 : i32
        %add3A_1595 = arith.addi %add3A_1594, %mul3A_1593 : i32
        %get3A_1596 = arith.index_cast %add3A_1595 : i32 to index
        %get3A_1597 = tpu.vector_load %arg7[%get3A_1596] {strides = array<i32>} : memref<8144xi32, #tpu.memory_space<vmem>>, vector<16xi32>,
        %mul3A_1598 = arith.constant 16 : i32
        %mul3A_1599 = arith.muli %scan3A_1585, %mul3A_1598 : i32
        %add3A_1600 = arith.constant 4016 : i32
        %add3A_1601 = arith.addi %add3A_1600, %mul3A_1599 : i32
        %get3A_1602 = arith.index_cast %add3A_1601 : i32 to index
        %get3A_1603 = tpu.vector_load %arg8[%get3A_1602] {strides = array<i32>} : memref<8144xi32, #tpu.memory_space<vmem>>, vector<16xi32>,
        %mul3A_1604 = arith.constant 16 : i32
        %mul3A_1605 = arith.muli %scan3A_1585, %mul3A_1604 : i32
        %add3A_1606 = arith.constant 4016 : i32
        %add3A_1607 = arith.addi %add3A_1606, %mul3A_1605 : i32
        %get3A_1608 = arith.index_cast %add3A_1607 : i32 to index
        %get3A_1609 = tpu.vector_load %arg9[%get3A_1608] {strides = array<i32>} : memref<8144xi32, #tpu.memory_space<vmem>>, vector<16xi32>,
        %gather3A_1610 = tpu.vector_load_idx %arg12[%get3A_1597, %get3A_1603] : memref<8x2048xf32, #tpu.memory_space<vmem>>[vector<16xi32>, vector<16xi32>], vector<16xf32>,
        tpu.vector_store_idx %arg12[%scan3A_1586, %scan3A_1587], %scan3A_1588 : memref<8x2048xf32, #tpu.memory_space<vmem>>[vector<16xi32>, vector<16xi32>], vector<16xf32>,
        %scan3A_1611 = arith.constant 1 : i32
        %scan3A_1612 = arith.addi %scan3A_1585, %scan3A_1611 : i32
        %mul3A_1613 = arith.constant 16 : i32
        %mul3A_1614 = arith.muli %scan3A_1612, %mul3A_1613 : i32
        %add3A_1615 = arith.constant 4016 : i32
        %add3A_1616 = arith.addi %add3A_1615, %mul3A_1614 : i32
        %get3A_1617 = arith.index_cast %add3A_1616 : i32 to index
        %get3A_1618 = tpu.vector_load %arg7[%get3A_1617] {strides = array<i32>} : memref<8144xi32, #tpu.memory_space<vmem>>, vector<16xi32>,
        %mul3A_1619 = arith.constant 16 : i32
        %mul3A_1620 = arith.muli %scan3A_1612, %mul3A_1619 : i32
        %add3A_1621 = arith.constant 4016 : i32
        %add3A_1622 = arith.addi %add3A_1621, %mul3A_1620 : i32
        %get3A_1623 = arith.index_cast %add3A_1622 : i32 to index
        %get3A_1624 = tpu.vector_load %arg8[%get3A_1623] {strides = array<i32>} : memref<8144xi32, #tpu.memory_space<vmem>>, vector<16xi32>,
        %mul3A_1625 = arith.constant 16 : i32
        %mul3A_1626 = arith.muli %scan3A_1612, %mul3A_1625 : i32
        %add3A_1627 = arith.constant 4016 : i32
        %add3A_1628 = arith.addi %add3A_1627, %mul3A_1626 : i32
        %get3A_1629 = arith.index_cast %add3A_1628 : i32 to index
        %get3A_1630 = tpu.vector_load %arg9[%get3A_1629] {strides = array<i32>} : memref<8144xi32, #tpu.memory_space<vmem>>, vector<16xi32>,
        %gather3A_1631 = tpu.vector_load_idx %arg12[%get3A_1618, %get3A_1624] : memref<8x2048xf32, #tpu.memory_space<vmem>>[vector<16xi32>, vector<16xi32>], vector<16xf32>,
        tpu.vector_store_idx %arg12[%scan3A_1589, %scan3A_1590], %scan3A_1591 : memref<8x2048xf32, #tpu.memory_space<vmem>>[vector<16xi32>, vector<16xi32>], vector<16xf32>,
        %scan3A_1632 = arith.constant 2 : i32
        %scan3A_1633 = arith.addi %scan3A_1585, %scan3A_1632 : i32
        %mul3A_1634 = arith.constant 16 : i32
        %mul3A_1635 = arith.muli %scan3A_1633, %mul3A_1634 : i32
        %add3A_1636 = arith.constant 4016 : i32
        %add3A_1637 = arith.addi %add3A_1636, %mul3A_1635 : i32
        %get3A_1638 = arith.index_cast %add3A_1637 : i32 to index
        %get3A_1639 = tpu.vector_load %arg7[%get3A_1638] {strides = array<i32>} : memref<8144xi32, #tpu.memory_space<vmem>>, vector<16xi32>,
        %mul3A_1640 = arith.constant 16 : i32
        %mul3A_1641 = arith.muli %scan3A_1633, %mul3A_1640 : i32
        %add3A_1642 = arith.constant 4016 : i32
        %add3A_1643 = arith.addi %add3A_1642, %mul3A_1641 : i32
        %get3A_1644 = arith.index_cast %add3A_1643 : i32 to index
        %get3A_1645 = tpu.vector_load %arg8[%get3A_1644] {strides = array<i32>} : memref<8144xi32, #tpu.memory_space<vmem>>, vector<16xi32>,
        %mul3A_1646 = arith.constant 16 : i32
        %mul3A_1647 = arith.muli %scan3A_1633, %mul3A_1646 : i32
        %add3A_1648 = arith.constant 4016 : i32
        %add3A_1649 = arith.addi %add3A_1648, %mul3A_1647 : i32
        %get3A_1650 = arith.index_cast %add3A_1649 : i32 to index
        %get3A_1651 = tpu.vector_load %arg9[%get3A_1650] {strides = array<i32>} : memref<8144xi32, #tpu.memory_space<vmem>>, vector<16xi32>,
        %gather3A_1652 = tpu.vector_load_idx %arg12[%get3A_1639, %get3A_1645] : memref<8x2048xf32, #tpu.memory_space<vmem>>[vector<16xi32>, vector<16xi32>], vector<16xf32>,
        tpu.vector_store_idx %arg12[%get3A_1597, %get3A_1609], %gather3A_1610 : memref<8x2048xf32, #tpu.memory_space<vmem>>[vector<16xi32>, vector<16xi32>], vector<16xf32>,
        %scan3A_1653 = arith.constant 3 : i32
        %scan3A_1654 = arith.addi %scan3A_1585, %scan3A_1653 : i32
        %mul3A_1655 = arith.constant 16 : i32
        %mul3A_1656 = arith.muli %scan3A_1654, %mul3A_1655 : i32
        %add3A_1657 = arith.constant 4016 : i32
        %add3A_1658 = arith.addi %add3A_1657, %mul3A_1656 : i32
        %get3A_1659 = arith.index_cast %add3A_1658 : i32 to index
        %get3A_1660 = tpu.vector_load %arg7[%get3A_1659] {strides = array<i32>} : memref<8144xi32, #tpu.memory_space<vmem>>, vector<16xi32>,
        %mul3A_1661 = arith.constant 16 : i32
        %mul3A_1662 = arith.muli %scan3A_1654, %mul3A_1661 : i32
        %add3A_1663 = arith.constant 4016 : i32
        %add3A_1664 = arith.addi %add3A_1663, %mul3A_1662 : i32
        %get3A_1665 = arith.index_cast %add3A_1664 : i32 to index
        %get3A_1666 = tpu.vector_load %arg8[%get3A_1665] {strides = array<i32>} : memref<8144xi32, #tpu.memory_space<vmem>>, vector<16xi32>,
        %mul3A_1667 = arith.constant 16 : i32
        %mul3A_1668 = arith.muli %scan3A_1654, %mul3A_1667 : i32
        %add3A_1669 = arith.constant 4016 : i32
        %add3A_1670 = arith.addi %add3A_1669, %mul3A_1668 : i32
        %get3A_1671 = arith.index_cast %add3A_1670 : i32 to index
        %get3A_1672 = tpu.vector_load %arg9[%get3A_1671] {strides = array<i32>} : memref<8144xi32, #tpu.memory_space<vmem>>, vector<16xi32>,
        %gather3A_1673 = tpu.vector_load_idx %arg12[%get3A_1660, %get3A_1666] : memref<8x2048xf32, #tpu.memory_space<vmem>>[vector<16xi32>, vector<16xi32>], vector<16xf32>,
        tpu.vector_store_idx %arg12[%get3A_1618, %get3A_1630], %gather3A_1631 : memref<8x2048xf32, #tpu.memory_space<vmem>>[vector<16xi32>, vector<16xi32>], vector<16xf32>,
        %scan3A_1674 = arith.constant 4 : i32
        %scan3A_1675 = arith.addi %scan3A_1585, %scan3A_1674 : i32
        %mul3A_1676 = arith.constant 16 : i32
        %mul3A_1677 = arith.muli %scan3A_1675, %mul3A_1676 : i32
        %add3A_1678 = arith.constant 4016 : i32
        %add3A_1679 = arith.addi %add3A_1678, %mul3A_1677 : i32
        %get3A_1680 = arith.index_cast %add3A_1679 : i32 to index
        %get3A_1681 = tpu.vector_load %arg7[%get3A_1680] {strides = array<i32>} : memref<8144xi32, #tpu.memory_space<vmem>>, vector<16xi32>,
        %mul3A_1682 = arith.constant 16 : i32
        %mul3A_1683 = arith.muli %scan3A_1675, %mul3A_1682 : i32
        %add3A_1684 = arith.constant 4016 : i32
        %add3A_1685 = arith.addi %add3A_1684, %mul3A_1683 : i32
        %get3A_1686 = arith.index_cast %add3A_1685 : i32 to index
        %get3A_1687 = tpu.vector_load %arg8[%get3A_1686] {strides = array<i32>} : memref<8144xi32, #tpu.memory_space<vmem>>, vector<16xi32>,
        %mul3A_1688 = arith.constant 16 : i32
        %mul3A_1689 = arith.muli %scan3A_1675, %mul3A_1688 : i32
        %add3A_1690 = arith.constant 4016 : i32
        %add3A_1691 = arith.addi %add3A_1690, %mul3A_1689 : i32
        %get3A_1692 = arith.index_cast %add3A_1691 : i32 to index
        %get3A_1693 = tpu.vector_load %arg9[%get3A_1692] {strides = array<i32>} : memref<8144xi32, #tpu.memory_space<vmem>>, vector<16xi32>,
        %gather3A_1694 = tpu.vector_load_idx %arg12[%get3A_1681, %get3A_1687] : memref<8x2048xf32, #tpu.memory_space<vmem>>[vector<16xi32>, vector<16xi32>], vector<16xf32>,
        tpu.vector_store_idx %arg12[%get3A_1639, %get3A_1651], %gather3A_1652 : memref<8x2048xf32, #tpu.memory_space<vmem>>[vector<16xi32>, vector<16xi32>], vector<16xf32>,
        %scan3A_1695 = arith.constant 5 : i32
        %scan3A_1696 = arith.addi %scan3A_1585, %scan3A_1695 : i32
        %mul3A_1697 = arith.constant 16 : i32
        %mul3A_1698 = arith.muli %scan3A_1696, %mul3A_1697 : i32
        %add3A_1699 = arith.constant 4016 : i32
        %add3A_1700 = arith.addi %add3A_1699, %mul3A_1698 : i32
        %get3A_1701 = arith.index_cast %add3A_1700 : i32 to index
        %get3A_1702 = tpu.vector_load %arg7[%get3A_1701] {strides = array<i32>} : memref<8144xi32, #tpu.memory_space<vmem>>, vector<16xi32>,
        %mul3A_1703 = arith.constant 16 : i32
        %mul3A_1704 = arith.muli %scan3A_1696, %mul3A_1703 : i32
        %add3A_1705 = arith.constant 4016 : i32
        %add3A_1706 = arith.addi %add3A_1705, %mul3A_1704 : i32
        %get3A_1707 = arith.index_cast %add3A_1706 : i32 to index
        %get3A_1708 = tpu.vector_load %arg8[%get3A_1707] {strides = array<i32>} : memref<8144xi32, #tpu.memory_space<vmem>>, vector<16xi32>,
        %mul3A_1709 = arith.constant 16 : i32
        %mul3A_1710 = arith.muli %scan3A_1696, %mul3A_1709 : i32
        %add3A_1711 = arith.constant 4016 : i32
        %add3A_1712 = arith.addi %add3A_1711, %mul3A_1710 : i32
        %get3A_1713 = arith.index_cast %add3A_1712 : i32 to index
        %get3A_1714 = tpu.vector_load %arg9[%get3A_1713] {strides = array<i32>} : memref<8144xi32, #tpu.memory_space<vmem>>, vector<16xi32>,
        %gather3A_1715 = tpu.vector_load_idx %arg12[%get3A_1702, %get3A_1708] : memref<8x2048xf32, #tpu.memory_space<vmem>>[vector<16xi32>, vector<16xi32>], vector<16xf32>,
        tpu.vector_store_idx %arg12[%get3A_1660, %get3A_1672], %gather3A_1673 : memref<8x2048xf32, #tpu.memory_space<vmem>>[vector<16xi32>, vector<16xi32>], vector<16xf32>,
        %scan3A_1716 = arith.constant 6 : i32
        %scan3A_1717 = arith.addi %scan3A_1585, %scan3A_1716 : i32
        %mul3A_1718 = arith.constant 16 : i32
        %mul3A_1719 = arith.muli %scan3A_1717, %mul3A_1718 : i32
        %add3A_1720 = arith.constant 4016 : i32
        %add3A_1721 = arith.addi %add3A_1720, %mul3A_1719 : i32
        %get3A_1722 = arith.index_cast %add3A_1721 : i32 to index
        %get3A_1723 = tpu.vector_load %arg7[%get3A_1722] {strides = array<i32>} : memref<8144xi32, #tpu.memory_space<vmem>>, vector<16xi32>,
        %mul3A_1724 = arith.constant 16 : i32
        %mul3A_1725 = arith.muli %scan3A_1717, %mul3A_1724 : i32
        %add3A_1726 = arith.constant 4016 : i32
        %add3A_1727 = arith.addi %add3A_1726, %mul3A_1725 : i32
        %get3A_1728 = arith.index_cast %add3A_1727 : i32 to index
        %get3A_1729 = tpu.vector_load %arg8[%get3A_1728] {strides = array<i32>} : memref<8144xi32, #tpu.memory_space<vmem>>, vector<16xi32>,
        %mul3A_1730 = arith.constant 16 : i32
        %mul3A_1731 = arith.muli %scan3A_1717, %mul3A_1730 : i32
        %add3A_1732 = arith.constant 4016 : i32
        %add3A_1733 = arith.addi %add3A_1732, %mul3A_1731 : i32
        %get3A_1734 = arith.index_cast %add3A_1733 : i32 to index
        %get3A_1735 = tpu.vector_load %arg9[%get3A_1734] {strides = array<i32>} : memref<8144xi32, #tpu.memory_space<vmem>>, vector<16xi32>,
        %gather3A_1736 = tpu.vector_load_idx %arg12[%get3A_1723, %get3A_1729] : memref<8x2048xf32, #tpu.memory_space<vmem>>[vector<16xi32>, vector<16xi32>], vector<16xf32>,
        tpu.vector_store_idx %arg12[%get3A_1681, %get3A_1693], %gather3A_1694 : memref<8x2048xf32, #tpu.memory_space<vmem>>[vector<16xi32>, vector<16xi32>], vector<16xf32>,
        %scan3A_1737 = arith.constant 7 : i32
        %scan3A_1738 = arith.addi %scan3A_1585, %scan3A_1737 : i32
        %mul3A_1739 = arith.constant 16 : i32
        %mul3A_1740 = arith.muli %scan3A_1738, %mul3A_1739 : i32
        %add3A_1741 = arith.constant 4016 : i32
        %add3A_1742 = arith.addi %add3A_1741, %mul3A_1740 : i32
        %get3A_1743 = arith.index_cast %add3A_1742 : i32 to index
        %get3A_1744 = tpu.vector_load %arg7[%get3A_1743] {strides = array<i32>} : memref<8144xi32, #tpu.memory_space<vmem>>, vector<16xi32>,
        %mul3A_1745 = arith.constant 16 : i32
        %mul3A_1746 = arith.muli %scan3A_1738, %mul3A_1745 : i32
        %add3A_1747 = arith.constant 4016 : i32
        %add3A_1748 = arith.addi %add3A_1747, %mul3A_1746 : i32
        %get3A_1749 = arith.index_cast %add3A_1748 : i32 to index
        %get3A_1750 = tpu.vector_load %arg8[%get3A_1749] {strides = array<i32>} : memref<8144xi32, #tpu.memory_space<vmem>>, vector<16xi32>,
        %mul3A_1751 = arith.constant 16 : i32
        %mul3A_1752 = arith.muli %scan3A_1738, %mul3A_1751 : i32
        %add3A_1753 = arith.constant 4016 : i32
        %add3A_1754 = arith.addi %add3A_1753, %mul3A_1752 : i32
        %get3A_1755 = arith.index_cast %add3A_1754 : i32 to index
        %get3A_1756 = tpu.vector_load %arg9[%get3A_1755] {strides = array<i32>} : memref<8144xi32, #tpu.memory_space<vmem>>, vector<16xi32>,
        %gather3A_1757 = tpu.vector_load_idx %arg12[%get3A_1744, %get3A_1750] : memref<8x2048xf32, #tpu.memory_space<vmem>>[vector<16xi32>, vector<16xi32>], vector<16xf32>,
        tpu.vector_store_idx %arg12[%get3A_1702, %get3A_1714], %gather3A_1715 : memref<8x2048xf32, #tpu.memory_space<vmem>>[vector<16xi32>, vector<16xi32>], vector<16xf32>,
        scf.yield %get3A_1723, %get3A_1735, %gather3A_1736, %get3A_1744, %get3A_1756, %gather3A_1757 : vector<16xi32>, vector<16xi32>, vector<16xf32>, vector<16xi32>, vector<16xi32>, vector<16xf32>
      }
      %scan3A_616 = arith.constant 128 : i32
      tpu.vector_store_idx %arg12[%scan3A_615#0, %scan3A_615#1], %scan3A_615#2 : memref<8x2048xf32, #tpu.memory_space<vmem>>[vector<16xi32>, vector<16xi32>], vector<16xf32>,
      tpu.vector_store_idx %arg12[%scan3A_615#3, %scan3A_615#4], %scan3A_615#5 : memref<8x2048xf32, #tpu.memory_space<vmem>>[vector<16xi32>, vector<16xi32>], vector<16xf32>,
      %jit3A_617 = arith.constant 4 : i32
      %div3A_618 = arith.divsi %add3A_459, %jit3A_617 : i32
      %sign3A_619 = arith.constant 0 : i32
      %sign3A_620 = arith.cmpi sgt, %add3A_459, %sign3A_619 : i32
      %sign3A_621 = arith.extui %sign3A_620 : i1 to i32
      %sign3A_622 = arith.constant 0 : i32
      %sign3A_623 = arith.cmpi slt, %add3A_459, %sign3A_622 : i32
      %sign3A_624 = arith.extui %sign3A_623 : i1 to i32
      %sign3A_625 = arith.subi %sign3A_621, %sign3A_624 : i32
      %sign3A_626 = arith.constant 0 : i32
      %sign3A_627 = arith.cmpi sgt, %jit3A_617, %sign3A_626 : i32
      %sign3A_628 = arith.extui %sign3A_627 : i1 to i32
      %sign3A_629 = arith.constant 0 : i32
      %sign3A_630 = arith.cmpi slt, %jit3A_617, %sign3A_629 : i32
      %sign3A_631 = arith.extui %sign3A_630 : i1 to i32
      %sign3A_632 = arith.subi %sign3A_628, %sign3A_631 : i32
      %ne3A_633 = arith.cmpi ne, %sign3A_625, %sign3A_632 : i32
      %rem3A_634 = arith.remsi %add3A_459, %jit3A_617 : i32
      %ne3A_635 = arith.constant 0 : i32
      %ne3A_636 = arith.cmpi ne, %rem3A_634, %ne3A_635 : i32
      %and3A_637 = arith.andi %ne3A_633, %ne3A_636 : i1
      %sub3A_638 = arith.constant 1 : i32
      %sub3A_639 = arith.subi %div3A_618, %sub3A_638 : i32
      %select_n3A_640 = arith.select %and3A_637, %sub3A_639, %div3A_618 : i32
      %mul3A_641 = arith.constant 8 : i32
      %mul3A_642 = arith.muli %select_n3A_640, %mul3A_641 : i32
      %add3A_643 = arith.addi %mul3A_2, %mul3A_642 : i32
      %jit3A_644 = arith.constant 4 : i32
      %eq3A_645 = arith.constant 0 : i32
      %eq3A_646 = arith.cmpi eq, %jit3A_644, %eq3A_645 : i32
      %jit3A_647 = arith.constant 1 : i32
      %select_n3A_648 = arith.select %eq3A_646, %jit3A_647, %jit3A_644 : i32
      %rem3A_649 = arith.remsi %add3A_459, %select_n3A_648 : i32
      %ne3A_650 = arith.constant 0 : i32
      %ne3A_651 = arith.cmpi ne, %rem3A_649, %ne3A_650 : i32
      %lt3A_652 = arith.constant 0 : i32
      %lt3A_653 = arith.cmpi slt, %rem3A_649, %lt3A_652 : i32
      %lt3A_654 = arith.constant 0 : i32
      %lt3A_655 = arith.cmpi slt, %select_n3A_648, %lt3A_654 : i32
      %ne3A_656 = arith.xori %lt3A_653, %lt3A_655 : i1
      %and3A_657 = arith.andi %ne3A_656, %ne3A_651 : i1
      %add3A_658 = arith.addi %rem3A_649, %select_n3A_648 : i32
      %select_n3A_659 = arith.select %and3A_657, %add3A_658, %rem3A_649 : i32
      %mul3A_660 = arith.constant 2048 : i32
      %mul3A_661 = arith.muli %select_n3A_659, %mul3A_660 : i32
      %dma_start3A_662 = tpu.memref_slice %arg6[%add3A_643, %mul3A_661] : memref<4096x8192xf32, #tpu.memory_space<hbm>> -> memref<8x2048xf32, #tpu.memory_space<hbm>>
      %dma_start3A_663 = tpu.memref_slice %arg6[%add3A_643, %mul3A_661] : memref<4096x8192xf32, #tpu.memory_space<hbm>> -> memref<8x2048xf32, #tpu.memory_space<hbm>>
      tpu.enqueue_dma source(%arg12 : memref<8x2048xf32, #tpu.memory_space<vmem>>) target(%dma_start3A_663 : memref<8x2048xf32, #tpu.memory_space<hbm>>) target_semaphore(%arg20 : memref<!tpu.dma_semaphore, #tpu.memory_space<semaphore_mem>>)
      %add3A_664 = arith.constant 1 : i32
      %add3A_665 = arith.addi %add3A_457, %add3A_664 : i32
      %add3A_666 = arith.constant 2 : i32
      %add3A_667 = arith.addi %add3A_665, %add3A_666 : i32
      %sub3A_668 = arith.constant 4 : i32
      %sub3A_669 = arith.subi %add3A_667, %sub3A_668 : i32
      %jit3A_670 = arith.constant 4 : i32
      %div3A_671 = arith.divsi %sub3A_669, %jit3A_670 : i32
      %sign3A_672 = arith.constant 0 : i32
      %sign3A_673 = arith.cmpi sgt, %sub3A_669, %sign3A_672 : i32
      %sign3A_674 = arith.extui %sign3A_673 : i1 to i32
      %sign3A_675 = arith.constant 0 : i32
      %sign3A_676 = arith.cmpi slt, %sub3A_669, %sign3A_675 : i32
      %sign3A_677 = arith.extui %sign3A_676 : i1 to i32
      %sign3A_678 = arith.subi %sign3A_674, %sign3A_677 : i32
      %sign3A_679 = arith.constant 0 : i32
      %sign3A_680 = arith.cmpi sgt, %jit3A_670, %sign3A_679 : i32
      %sign3A_681 = arith.extui %sign3A_680 : i1 to i32
      %sign3A_682 = arith.constant 0 : i32
      %sign3A_683 = arith.cmpi slt, %jit3A_670, %sign3A_682 : i32
      %sign3A_684 = arith.extui %sign3A_683 : i1 to i32
      %sign3A_685 = arith.subi %sign3A_681, %sign3A_684 : i32
      %ne3A_686 = arith.cmpi ne, %sign3A_678, %sign3A_685 : i32
      %rem3A_687 = arith.remsi %sub3A_669, %jit3A_670 : i32
      %ne3A_688 = arith.constant 0 : i32
      %ne3A_689 = arith.cmpi ne, %rem3A_687, %ne3A_688 : i32
      %and3A_690 = arith.andi %ne3A_686, %ne3A_689 : i1
      %sub3A_691 = arith.constant 1 : i32
      %sub3A_692 = arith.subi %div3A_671, %sub3A_691 : i32
      %select_n3A_693 = arith.select %and3A_690, %sub3A_692, %div3A_671 : i32
      %mul3A_694 = arith.constant 8 : i32
      %mul3A_695 = arith.muli %select_n3A_693, %mul3A_694 : i32
      %add3A_696 = arith.addi %mul3A_2, %mul3A_695 : i32
      %jit3A_697 = arith.constant 4 : i32
      %eq3A_698 = arith.constant 0 : i32
      %eq3A_699 = arith.cmpi eq, %jit3A_697, %eq3A_698 : i32
      %jit3A_700 = arith.constant 1 : i32
      %select_n3A_701 = arith.select %eq3A_699, %jit3A_700, %jit3A_697 : i32
      %rem3A_702 = arith.remsi %sub3A_669, %select_n3A_701 : i32
      %ne3A_703 = arith.constant 0 : i32
      %ne3A_704 = arith.cmpi ne, %rem3A_702, %ne3A_703 : i32
      %lt3A_705 = arith.constant 0 : i32
      %lt3A_706 = arith.cmpi slt, %rem3A_702, %lt3A_705 : i32
      %lt3A_707 = arith.constant 0 : i32
      %lt3A_708 = arith.cmpi slt, %select_n3A_701, %lt3A_707 : i32
      %ne3A_709 = arith.xori %lt3A_706, %lt3A_708 : i1
      %and3A_710 = arith.andi %ne3A_709, %ne3A_704 : i1
      %add3A_711 = arith.addi %rem3A_702, %select_n3A_701 : i32
      %select_n3A_712 = arith.select %and3A_710, %add3A_711, %rem3A_702 : i32
      %mul3A_713 = arith.constant 2048 : i32
      %mul3A_714 = arith.muli %select_n3A_712, %mul3A_713 : i32
      %dma_wait3A_715 = tpu.memref_slice %arg6[%add3A_696, %mul3A_714] : memref<4096x8192xf32, #tpu.memory_space<hbm>> -> memref<8x2048xf32, #tpu.memory_space<hbm>>
      %dma_wait3A_716 = tpu.memref_slice %arg6[%add3A_696, %mul3A_714] : memref<4096x8192xf32, #tpu.memory_space<hbm>> -> memref<8x2048xf32, #tpu.memory_space<hbm>>
      tpu.wait_dma2 semaphore(%arg19 : memref<!tpu.dma_semaphore, #tpu.memory_space<semaphore_mem>>) src(%arg11 : memref<8x2048xf32, #tpu.memory_space<vmem>>) dst(%dma_wait3A_716 : memref<8x2048xf32, #tpu.memory_space<hbm>>)
      %add3A_717 = arith.constant 2 : i32
      %add3A_718 = arith.addi %add3A_665, %add3A_717 : i32
      %jit3A_719 = arith.constant 4 : i32
      %div3A_720 = arith.divsi %add3A_718, %jit3A_719 : i32
      %sign3A_721 = arith.constant 0 : i32
      %sign3A_722 = arith.cmpi sgt, %add3A_718, %sign3A_721 : i32
      %sign3A_723 = arith.extui %sign3A_722 : i1 to i32
      %sign3A_724 = arith.constant 0 : i32
      %sign3A_725 = arith.cmpi slt, %add3A_718, %sign3A_724 : i32
      %sign3A_726 = arith.extui %sign3A_725 : i1 to i32
      %sign3A_727 = arith.subi %sign3A_723, %sign3A_726 : i32
      %sign3A_728 = arith.constant 0 : i32
      %sign3A_729 = arith.cmpi sgt, %jit3A_719, %sign3A_728 : i32
      %sign3A_730 = arith.extui %sign3A_729 : i1 to i32
      %sign3A_731 = arith.constant 0 : i32
      %sign3A_732 = arith.cmpi slt, %jit3A_719, %sign3A_731 : i32
      %sign3A_733 = arith.extui %sign3A_732 : i1 to i32
      %sign3A_734 = arith.subi %sign3A_730, %sign3A_733 : i32
      %ne3A_735 = arith.cmpi ne, %sign3A_727, %sign3A_734 : i32
      %rem3A_736 = arith.remsi %add3A_718, %jit3A_719 : i32
      %ne3A_737 = arith.constant 0 : i32
      %ne3A_738 = arith.cmpi ne, %rem3A_736, %ne3A_737 : i32
      %and3A_739 = arith.andi %ne3A_735, %ne3A_738 : i1
      %sub3A_740 = arith.constant 1 : i32
      %sub3A_741 = arith.subi %div3A_720, %sub3A_740 : i32
      %select_n3A_742 = arith.select %and3A_739, %sub3A_741, %div3A_720 : i32
      %mul3A_743 = arith.constant 8 : i32
      %mul3A_744 = arith.muli %select_n3A_742, %mul3A_743 : i32
      %add3A_745 = arith.addi %mul3A_2, %mul3A_744 : i32
      %jit3A_746 = arith.constant 4 : i32
      %eq3A_747 = arith.constant 0 : i32
      %eq3A_748 = arith.cmpi eq, %jit3A_746, %eq3A_747 : i32
      %jit3A_749 = arith.constant 1 : i32
      %select_n3A_750 = arith.select %eq3A_748, %jit3A_749, %jit3A_746 : i32
      %rem3A_751 = arith.remsi %add3A_718, %select_n3A_750 : i32
      %ne3A_752 = arith.constant 0 : i32
      %ne3A_753 = arith.cmpi ne, %rem3A_751, %ne3A_752 : i32
      %lt3A_754 = arith.constant 0 : i32
      %lt3A_755 = arith.cmpi slt, %rem3A_751, %lt3A_754 : i32
      %lt3A_756 = arith.constant 0 : i32
      %lt3A_757 = arith.cmpi slt, %select_n3A_750, %lt3A_756 : i32
      %ne3A_758 = arith.xori %lt3A_755, %lt3A_757 : i1
      %and3A_759 = arith.andi %ne3A_758, %ne3A_753 : i1
      %add3A_760 = arith.addi %rem3A_751, %select_n3A_750 : i32
      %select_n3A_761 = arith.select %and3A_759, %add3A_760, %rem3A_751 : i32
      %mul3A_762 = arith.constant 2048 : i32
      %mul3A_763 = arith.muli %select_n3A_761, %mul3A_762 : i32
      %dma_start3A_764 = tpu.memref_slice %arg2[%add3A_745, %mul3A_763] : memref<4096x8192xf32, #tpu.memory_space<hbm>> -> memref<8x2048xf32, #tpu.memory_space<hbm>>
      %dma_start3A_765 = tpu.memref_slice %arg2[%add3A_745, %mul3A_763] : memref<4096x8192xf32, #tpu.memory_space<hbm>> -> memref<8x2048xf32, #tpu.memory_space<hbm>>
      tpu.enqueue_dma source(%dma_start3A_765 : memref<8x2048xf32, #tpu.memory_space<hbm>>) target(%arg11 : memref<8x2048xf32, #tpu.memory_space<vmem>>) target_semaphore(%arg15 : memref<!tpu.dma_semaphore, #tpu.memory_space<semaphore_mem>>)
      %jit3A_766 = arith.constant 4 : i32
      %div3A_767 = arith.divsi %add3A_665, %jit3A_766 : i32
      %sign3A_768 = arith.constant 0 : i32
      %sign3A_769 = arith.cmpi sgt, %add3A_665, %sign3A_768 : i32
      %sign3A_770 = arith.extui %sign3A_769 : i1 to i32
      %sign3A_771 = arith.constant 0 : i32
      %sign3A_772 = arith.cmpi slt, %add3A_665, %sign3A_771 : i32
      %sign3A_773 = arith.extui %sign3A_772 : i1 to i32
      %sign3A_774 = arith.subi %sign3A_770, %sign3A_773 : i32
      %sign3A_775 = arith.constant 0 : i32
      %sign3A_776 = arith.cmpi sgt, %jit3A_766, %sign3A_775 : i32
      %sign3A_777 = arith.extui %sign3A_776 : i1 to i32
      %sign3A_778 = arith.constant 0 : i32
      %sign3A_779 = arith.cmpi slt, %jit3A_766, %sign3A_778 : i32
      %sign3A_780 = arith.extui %sign3A_779 : i1 to i32
      %sign3A_781 = arith.subi %sign3A_777, %sign3A_780 : i32
      %ne3A_782 = arith.cmpi ne, %sign3A_774, %sign3A_781 : i32
      %rem3A_783 = arith.remsi %add3A_665, %jit3A_766 : i32
      %ne3A_784 = arith.constant 0 : i32
      %ne3A_785 = arith.cmpi ne, %rem3A_783, %ne3A_784 : i32
      %and3A_786 = arith.andi %ne3A_782, %ne3A_785 : i1
      %sub3A_787 = arith.constant 1 : i32
      %sub3A_788 = arith.subi %div3A_767, %sub3A_787 : i32
      %select_n3A_789 = arith.select %and3A_786, %sub3A_788, %div3A_767 : i32
      %mul3A_790 = arith.constant 8 : i32
      %mul3A_791 = arith.muli %select_n3A_789, %mul3A_790 : i32
      %add3A_792 = arith.addi %mul3A_2, %mul3A_791 : i32
      %jit3A_793 = arith.constant 4 : i32
      %eq3A_794 = arith.constant 0 : i32
      %eq3A_795 = arith.cmpi eq, %jit3A_793, %eq3A_794 : i32
      %jit3A_796 = arith.constant 1 : i32
      %select_n3A_797 = arith.select %eq3A_795, %jit3A_796, %jit3A_793 : i32
      %rem3A_798 = arith.remsi %add3A_665, %select_n3A_797 : i32
      %ne3A_799 = arith.constant 0 : i32
      %ne3A_800 = arith.cmpi ne, %rem3A_798, %ne3A_799 : i32
      %lt3A_801 = arith.constant 0 : i32
      %lt3A_802 = arith.cmpi slt, %rem3A_798, %lt3A_801 : i32
      %lt3A_803 = arith.constant 0 : i32
      %lt3A_804 = arith.cmpi slt, %select_n3A_797, %lt3A_803 : i32
      %ne3A_805 = arith.xori %lt3A_802, %lt3A_804 : i1
      %and3A_806 = arith.andi %ne3A_805, %ne3A_800 : i1
      %add3A_807 = arith.addi %rem3A_798, %select_n3A_797 : i32
      %select_n3A_808 = arith.select %and3A_806, %add3A_807, %rem3A_798 : i32
      %mul3A_809 = arith.constant 2048 : i32
      %mul3A_810 = arith.muli %select_n3A_808, %mul3A_809 : i32
      %dma_wait3A_811 = tpu.memref_slice %arg2[%add3A_792, %mul3A_810] : memref<4096x8192xf32, #tpu.memory_space<hbm>> -> memref<8x2048xf32, #tpu.memory_space<hbm>>
      %dma_wait3A_812 = tpu.memref_slice %arg2[%add3A_792, %mul3A_810] : memref<4096x8192xf32, #tpu.memory_space<hbm>> -> memref<8x2048xf32, #tpu.memory_space<hbm>>
      tpu.wait_dma2 semaphore(%arg17 : memref<!tpu.dma_semaphore, #tpu.memory_space<semaphore_mem>>) src(%dma_wait3A_812 : memref<8x2048xf32, #tpu.memory_space<hbm>>) dst(%arg13 : memref<8x2048xf32, #tpu.memory_space<vmem>>)
      %get3A_813 = arith.constant 6096 : index
      %get3A_814 = tpu.vector_load %arg7[%get3A_813] {strides = array<i32>} : memref<8144xi32, #tpu.memory_space<vmem>>, vector<16xi32>,
      %get3A_815 = arith.constant 6096 : index
      %get3A_816 = tpu.vector_load %arg8[%get3A_815] {strides = array<i32>} : memref<8144xi32, #tpu.memory_space<vmem>>, vector<16xi32>,
      %get3A_817 = arith.constant 6096 : index
      %get3A_818 = tpu.vector_load %arg9[%get3A_817] {strides = array<i32>} : memref<8144xi32, #tpu.memory_space<vmem>>, vector<16xi32>,
      %gather3A_819 = tpu.vector_load_idx %arg13[%get3A_814, %get3A_816] : memref<8x2048xf32, #tpu.memory_space<vmem>>[vector<16xi32>, vector<16xi32>], vector<16xf32>,
      %get3A_820 = arith.constant 6112 : index
      %get3A_821 = tpu.vector_load %arg7[%get3A_820] {strides = array<i32>} : memref<8144xi32, #tpu.memory_space<vmem>>, vector<16xi32>,
      %get3A_822 = arith.constant 6112 : index
      %get3A_823 = tpu.vector_load %arg8[%get3A_822] {strides = array<i32>} : memref<8144xi32, #tpu.memory_space<vmem>>, vector<16xi32>,
      %get3A_824 = arith.constant 6112 : index
      %get3A_825 = tpu.vector_load %arg9[%get3A_824] {strides = array<i32>} : memref<8144xi32, #tpu.memory_space<vmem>>, vector<16xi32>,
      %gather3A_826 = tpu.vector_load_idx %arg13[%get3A_821, %get3A_823] : memref<8x2048xf32, #tpu.memory_space<vmem>>[vector<16xi32>, vector<16xi32>], vector<16xf32>,
      %scan3A_827 = arith.constant 2 : i32
      %scan3A_828 = arith.constant 120 : i32
      %scan3A_829 = arith.addi %scan3A_827, %scan3A_828 : i32
      %scan3A_830 = arith.constant 8 : i32
      %scan3A_831:6 = scf.for %scan3A_1585 = %scan3A_827 to %scan3A_829 step %scan3A_830 iter_args(%scan3A_1586 = %get3A_814, %scan3A_1587 = %get3A_818, %scan3A_1588 = %gather3A_819, %scan3A_1589 = %get3A_821, %scan3A_1590 = %get3A_825, %scan3A_1591 = %gather3A_826) -> (vector<16xi32>, vector<16xi32>, vector<16xf32>, vector<16xi32>, vector<16xi32>, vector<16xf32>)  : i32 {
        %mul3A_1592 = arith.constant 16 : i32
        %mul3A_1593 = arith.muli %scan3A_1585, %mul3A_1592 : i32
        %add3A_1594 = arith.constant 6096 : i32
        %add3A_1595 = arith.addi %add3A_1594, %mul3A_1593 : i32
        %get3A_1596 = arith.index_cast %add3A_1595 : i32 to index
        %get3A_1597 = tpu.vector_load %arg7[%get3A_1596] {strides = array<i32>} : memref<8144xi32, #tpu.memory_space<vmem>>, vector<16xi32>,
        %mul3A_1598 = arith.constant 16 : i32
        %mul3A_1599 = arith.muli %scan3A_1585, %mul3A_1598 : i32
        %add3A_1600 = arith.constant 6096 : i32
        %add3A_1601 = arith.addi %add3A_1600, %mul3A_1599 : i32
        %get3A_1602 = arith.index_cast %add3A_1601 : i32 to index
        %get3A_1603 = tpu.vector_load %arg8[%get3A_1602] {strides = array<i32>} : memref<8144xi32, #tpu.memory_space<vmem>>, vector<16xi32>,
        %mul3A_1604 = arith.constant 16 : i32
        %mul3A_1605 = arith.muli %scan3A_1585, %mul3A_1604 : i32
        %add3A_1606 = arith.constant 6096 : i32
        %add3A_1607 = arith.addi %add3A_1606, %mul3A_1605 : i32
        %get3A_1608 = arith.index_cast %add3A_1607 : i32 to index
        %get3A_1609 = tpu.vector_load %arg9[%get3A_1608] {strides = array<i32>} : memref<8144xi32, #tpu.memory_space<vmem>>, vector<16xi32>,
        %gather3A_1610 = tpu.vector_load_idx %arg13[%get3A_1597, %get3A_1603] : memref<8x2048xf32, #tpu.memory_space<vmem>>[vector<16xi32>, vector<16xi32>], vector<16xf32>,
        tpu.vector_store_idx %arg13[%scan3A_1586, %scan3A_1587], %scan3A_1588 : memref<8x2048xf32, #tpu.memory_space<vmem>>[vector<16xi32>, vector<16xi32>], vector<16xf32>,
        %scan3A_1611 = arith.constant 1 : i32
        %scan3A_1612 = arith.addi %scan3A_1585, %scan3A_1611 : i32
        %mul3A_1613 = arith.constant 16 : i32
        %mul3A_1614 = arith.muli %scan3A_1612, %mul3A_1613 : i32
        %add3A_1615 = arith.constant 6096 : i32
        %add3A_1616 = arith.addi %add3A_1615, %mul3A_1614 : i32
        %get3A_1617 = arith.index_cast %add3A_1616 : i32 to index
        %get3A_1618 = tpu.vector_load %arg7[%get3A_1617] {strides = array<i32>} : memref<8144xi32, #tpu.memory_space<vmem>>, vector<16xi32>,
        %mul3A_1619 = arith.constant 16 : i32
        %mul3A_1620 = arith.muli %scan3A_1612, %mul3A_1619 : i32
        %add3A_1621 = arith.constant 6096 : i32
        %add3A_1622 = arith.addi %add3A_1621, %mul3A_1620 : i32
        %get3A_1623 = arith.index_cast %add3A_1622 : i32 to index
        %get3A_1624 = tpu.vector_load %arg8[%get3A_1623] {strides = array<i32>} : memref<8144xi32, #tpu.memory_space<vmem>>, vector<16xi32>,
        %mul3A_1625 = arith.constant 16 : i32
        %mul3A_1626 = arith.muli %scan3A_1612, %mul3A_1625 : i32
        %add3A_1627 = arith.constant 6096 : i32
        %add3A_1628 = arith.addi %add3A_1627, %mul3A_1626 : i32
        %get3A_1629 = arith.index_cast %add3A_1628 : i32 to index
        %get3A_1630 = tpu.vector_load %arg9[%get3A_1629] {strides = array<i32>} : memref<8144xi32, #tpu.memory_space<vmem>>, vector<16xi32>,
        %gather3A_1631 = tpu.vector_load_idx %arg13[%get3A_1618, %get3A_1624] : memref<8x2048xf32, #tpu.memory_space<vmem>>[vector<16xi32>, vector<16xi32>], vector<16xf32>,
        tpu.vector_store_idx %arg13[%scan3A_1589, %scan3A_1590], %scan3A_1591 : memref<8x2048xf32, #tpu.memory_space<vmem>>[vector<16xi32>, vector<16xi32>], vector<16xf32>,
        %scan3A_1632 = arith.constant 2 : i32
        %scan3A_1633 = arith.addi %scan3A_1585, %scan3A_1632 : i32
        %mul3A_1634 = arith.constant 16 : i32
        %mul3A_1635 = arith.muli %scan3A_1633, %mul3A_1634 : i32
        %add3A_1636 = arith.constant 6096 : i32
        %add3A_1637 = arith.addi %add3A_1636, %mul3A_1635 : i32
        %get3A_1638 = arith.index_cast %add3A_1637 : i32 to index
        %get3A_1639 = tpu.vector_load %arg7[%get3A_1638] {strides = array<i32>} : memref<8144xi32, #tpu.memory_space<vmem>>, vector<16xi32>,
        %mul3A_1640 = arith.constant 16 : i32
        %mul3A_1641 = arith.muli %scan3A_1633, %mul3A_1640 : i32
        %add3A_1642 = arith.constant 6096 : i32
        %add3A_1643 = arith.addi %add3A_1642, %mul3A_1641 : i32
        %get3A_1644 = arith.index_cast %add3A_1643 : i32 to index
        %get3A_1645 = tpu.vector_load %arg8[%get3A_1644] {strides = array<i32>} : memref<8144xi32, #tpu.memory_space<vmem>>, vector<16xi32>,
        %mul3A_1646 = arith.constant 16 : i32
        %mul3A_1647 = arith.muli %scan3A_1633, %mul3A_1646 : i32
        %add3A_1648 = arith.constant 6096 : i32
        %add3A_1649 = arith.addi %add3A_1648, %mul3A_1647 : i32
        %get3A_1650 = arith.index_cast %add3A_1649 : i32 to index
        %get3A_1651 = tpu.vector_load %arg9[%get3A_1650] {strides = array<i32>} : memref<8144xi32, #tpu.memory_space<vmem>>, vector<16xi32>,
        %gather3A_1652 = tpu.vector_load_idx %arg13[%get3A_1639, %get3A_1645] : memref<8x2048xf32, #tpu.memory_space<vmem>>[vector<16xi32>, vector<16xi32>], vector<16xf32>,
        tpu.vector_store_idx %arg13[%get3A_1597, %get3A_1609], %gather3A_1610 : memref<8x2048xf32, #tpu.memory_space<vmem>>[vector<16xi32>, vector<16xi32>], vector<16xf32>,
        %scan3A_1653 = arith.constant 3 : i32
        %scan3A_1654 = arith.addi %scan3A_1585, %scan3A_1653 : i32
        %mul3A_1655 = arith.constant 16 : i32
        %mul3A_1656 = arith.muli %scan3A_1654, %mul3A_1655 : i32
        %add3A_1657 = arith.constant 6096 : i32
        %add3A_1658 = arith.addi %add3A_1657, %mul3A_1656 : i32
        %get3A_1659 = arith.index_cast %add3A_1658 : i32 to index
        %get3A_1660 = tpu.vector_load %arg7[%get3A_1659] {strides = array<i32>} : memref<8144xi32, #tpu.memory_space<vmem>>, vector<16xi32>,
        %mul3A_1661 = arith.constant 16 : i32
        %mul3A_1662 = arith.muli %scan3A_1654, %mul3A_1661 : i32
        %add3A_1663 = arith.constant 6096 : i32
        %add3A_1664 = arith.addi %add3A_1663, %mul3A_1662 : i32
        %get3A_1665 = arith.index_cast %add3A_1664 : i32 to index
        %get3A_1666 = tpu.vector_load %arg8[%get3A_1665] {strides = array<i32>} : memref<8144xi32, #tpu.memory_space<vmem>>, vector<16xi32>,
        %mul3A_1667 = arith.constant 16 : i32
        %mul3A_1668 = arith.muli %scan3A_1654, %mul3A_1667 : i32
        %add3A_1669 = arith.constant 6096 : i32
        %add3A_1670 = arith.addi %add3A_1669, %mul3A_1668 : i32
        %get3A_1671 = arith.index_cast %add3A_1670 : i32 to index
        %get3A_1672 = tpu.vector_load %arg9[%get3A_1671] {strides = array<i32>} : memref<8144xi32, #tpu.memory_space<vmem>>, vector<16xi32>,
        %gather3A_1673 = tpu.vector_load_idx %arg13[%get3A_1660, %get3A_1666] : memref<8x2048xf32, #tpu.memory_space<vmem>>[vector<16xi32>, vector<16xi32>], vector<16xf32>,
        tpu.vector_store_idx %arg13[%get3A_1618, %get3A_1630], %gather3A_1631 : memref<8x2048xf32, #tpu.memory_space<vmem>>[vector<16xi32>, vector<16xi32>], vector<16xf32>,
        %scan3A_1674 = arith.constant 4 : i32
        %scan3A_1675 = arith.addi %scan3A_1585, %scan3A_1674 : i32
        %mul3A_1676 = arith.constant 16 : i32
        %mul3A_1677 = arith.muli %scan3A_1675, %mul3A_1676 : i32
        %add3A_1678 = arith.constant 6096 : i32
        %add3A_1679 = arith.addi %add3A_1678, %mul3A_1677 : i32
        %get3A_1680 = arith.index_cast %add3A_1679 : i32 to index
        %get3A_1681 = tpu.vector_load %arg7[%get3A_1680] {strides = array<i32>} : memref<8144xi32, #tpu.memory_space<vmem>>, vector<16xi32>,
        %mul3A_1682 = arith.constant 16 : i32
        %mul3A_1683 = arith.muli %scan3A_1675, %mul3A_1682 : i32
        %add3A_1684 = arith.constant 6096 : i32
        %add3A_1685 = arith.addi %add3A_1684, %mul3A_1683 : i32
        %get3A_1686 = arith.index_cast %add3A_1685 : i32 to index
        %get3A_1687 = tpu.vector_load %arg8[%get3A_1686] {strides = array<i32>} : memref<8144xi32, #tpu.memory_space<vmem>>, vector<16xi32>,
        %mul3A_1688 = arith.constant 16 : i32
        %mul3A_1689 = arith.muli %scan3A_1675, %mul3A_1688 : i32
        %add3A_1690 = arith.constant 6096 : i32
        %add3A_1691 = arith.addi %add3A_1690, %mul3A_1689 : i32
        %get3A_1692 = arith.index_cast %add3A_1691 : i32 to index
        %get3A_1693 = tpu.vector_load %arg9[%get3A_1692] {strides = array<i32>} : memref<8144xi32, #tpu.memory_space<vmem>>, vector<16xi32>,
        %gather3A_1694 = tpu.vector_load_idx %arg13[%get3A_1681, %get3A_1687] : memref<8x2048xf32, #tpu.memory_space<vmem>>[vector<16xi32>, vector<16xi32>], vector<16xf32>,
        tpu.vector_store_idx %arg13[%get3A_1639, %get3A_1651], %gather3A_1652 : memref<8x2048xf32, #tpu.memory_space<vmem>>[vector<16xi32>, vector<16xi32>], vector<16xf32>,
        %scan3A_1695 = arith.constant 5 : i32
        %scan3A_1696 = arith.addi %scan3A_1585, %scan3A_1695 : i32
        %mul3A_1697 = arith.constant 16 : i32
        %mul3A_1698 = arith.muli %scan3A_1696, %mul3A_1697 : i32
        %add3A_1699 = arith.constant 6096 : i32
        %add3A_1700 = arith.addi %add3A_1699, %mul3A_1698 : i32
        %get3A_1701 = arith.index_cast %add3A_1700 : i32 to index
        %get3A_1702 = tpu.vector_load %arg7[%get3A_1701] {strides = array<i32>} : memref<8144xi32, #tpu.memory_space<vmem>>, vector<16xi32>,
        %mul3A_1703 = arith.constant 16 : i32
        %mul3A_1704 = arith.muli %scan3A_1696, %mul3A_1703 : i32
        %add3A_1705 = arith.constant 6096 : i32
        %add3A_1706 = arith.addi %add3A_1705, %mul3A_1704 : i32
        %get3A_1707 = arith.index_cast %add3A_1706 : i32 to index
        %get3A_1708 = tpu.vector_load %arg8[%get3A_1707] {strides = array<i32>} : memref<8144xi32, #tpu.memory_space<vmem>>, vector<16xi32>,
        %mul3A_1709 = arith.constant 16 : i32
        %mul3A_1710 = arith.muli %scan3A_1696, %mul3A_1709 : i32
        %add3A_1711 = arith.constant 6096 : i32
        %add3A_1712 = arith.addi %add3A_1711, %mul3A_1710 : i32
        %get3A_1713 = arith.index_cast %add3A_1712 : i32 to index
        %get3A_1714 = tpu.vector_load %arg9[%get3A_1713] {strides = array<i32>} : memref<8144xi32, #tpu.memory_space<vmem>>, vector<16xi32>,
        %gather3A_1715 = tpu.vector_load_idx %arg13[%get3A_1702, %get3A_1708] : memref<8x2048xf32, #tpu.memory_space<vmem>>[vector<16xi32>, vector<16xi32>], vector<16xf32>,
        tpu.vector_store_idx %arg13[%get3A_1660, %get3A_1672], %gather3A_1673 : memref<8x2048xf32, #tpu.memory_space<vmem>>[vector<16xi32>, vector<16xi32>], vector<16xf32>,
        %scan3A_1716 = arith.constant 6 : i32
        %scan3A_1717 = arith.addi %scan3A_1585, %scan3A_1716 : i32
        %mul3A_1718 = arith.constant 16 : i32
        %mul3A_1719 = arith.muli %scan3A_1717, %mul3A_1718 : i32
        %add3A_1720 = arith.constant 6096 : i32
        %add3A_1721 = arith.addi %add3A_1720, %mul3A_1719 : i32
        %get3A_1722 = arith.index_cast %add3A_1721 : i32 to index
        %get3A_1723 = tpu.vector_load %arg7[%get3A_1722] {strides = array<i32>} : memref<8144xi32, #tpu.memory_space<vmem>>, vector<16xi32>,
        %mul3A_1724 = arith.constant 16 : i32
        %mul3A_1725 = arith.muli %scan3A_1717, %mul3A_1724 : i32
        %add3A_1726 = arith.constant 6096 : i32
        %add3A_1727 = arith.addi %add3A_1726, %mul3A_1725 : i32
        %get3A_1728 = arith.index_cast %add3A_1727 : i32 to index
        %get3A_1729 = tpu.vector_load %arg8[%get3A_1728] {strides = array<i32>} : memref<8144xi32, #tpu.memory_space<vmem>>, vector<16xi32>,
        %mul3A_1730 = arith.constant 16 : i32
        %mul3A_1731 = arith.muli %scan3A_1717, %mul3A_1730 : i32
        %add3A_1732 = arith.constant 6096 : i32
        %add3A_1733 = arith.addi %add3A_1732, %mul3A_1731 : i32
        %get3A_1734 = arith.index_cast %add3A_1733 : i32 to index
        %get3A_1735 = tpu.vector_load %arg9[%get3A_1734] {strides = array<i32>} : memref<8144xi32, #tpu.memory_space<vmem>>, vector<16xi32>,
        %gather3A_1736 = tpu.vector_load_idx %arg13[%get3A_1723, %get3A_1729] : memref<8x2048xf32, #tpu.memory_space<vmem>>[vector<16xi32>, vector<16xi32>], vector<16xf32>,
        tpu.vector_store_idx %arg13[%get3A_1681, %get3A_1693], %gather3A_1694 : memref<8x2048xf32, #tpu.memory_space<vmem>>[vector<16xi32>, vector<16xi32>], vector<16xf32>,
        %scan3A_1737 = arith.constant 7 : i32
        %scan3A_1738 = arith.addi %scan3A_1585, %scan3A_1737 : i32
        %mul3A_1739 = arith.constant 16 : i32
        %mul3A_1740 = arith.muli %scan3A_1738, %mul3A_1739 : i32
        %add3A_1741 = arith.constant 6096 : i32
        %add3A_1742 = arith.addi %add3A_1741, %mul3A_1740 : i32
        %get3A_1743 = arith.index_cast %add3A_1742 : i32 to index
        %get3A_1744 = tpu.vector_load %arg7[%get3A_1743] {strides = array<i32>} : memref<8144xi32, #tpu.memory_space<vmem>>, vector<16xi32>,
        %mul3A_1745 = arith.constant 16 : i32
        %mul3A_1746 = arith.muli %scan3A_1738, %mul3A_1745 : i32
        %add3A_1747 = arith.constant 6096 : i32
        %add3A_1748 = arith.addi %add3A_1747, %mul3A_1746 : i32
        %get3A_1749 = arith.index_cast %add3A_1748 : i32 to index
        %get3A_1750 = tpu.vector_load %arg8[%get3A_1749] {strides = array<i32>} : memref<8144xi32, #tpu.memory_space<vmem>>, vector<16xi32>,
        %mul3A_1751 = arith.constant 16 : i32
        %mul3A_1752 = arith.muli %scan3A_1738, %mul3A_1751 : i32
        %add3A_1753 = arith.constant 6096 : i32
        %add3A_1754 = arith.addi %add3A_1753, %mul3A_1752 : i32
        %get3A_1755 = arith.index_cast %add3A_1754 : i32 to index
        %get3A_1756 = tpu.vector_load %arg9[%get3A_1755] {strides = array<i32>} : memref<8144xi32, #tpu.memory_space<vmem>>, vector<16xi32>,
        %gather3A_1757 = tpu.vector_load_idx %arg13[%get3A_1744, %get3A_1750] : memref<8x2048xf32, #tpu.memory_space<vmem>>[vector<16xi32>, vector<16xi32>], vector<16xf32>,
        tpu.vector_store_idx %arg13[%get3A_1702, %get3A_1714], %gather3A_1715 : memref<8x2048xf32, #tpu.memory_space<vmem>>[vector<16xi32>, vector<16xi32>], vector<16xf32>,
        scf.yield %get3A_1723, %get3A_1735, %gather3A_1736, %get3A_1744, %get3A_1756, %gather3A_1757 : vector<16xi32>, vector<16xi32>, vector<16xf32>, vector<16xi32>, vector<16xi32>, vector<16xf32>
      }
      %scan3A_832 = arith.constant 120 : i32
      %scan3A_833 = arith.addi %scan3A_827, %scan3A_832 : i32
      %mul3A_834 = arith.constant 16 : i32
      %mul3A_835 = arith.muli %scan3A_833, %mul3A_834 : i32
      %add3A_836 = arith.constant 6096 : i32
      %add3A_837 = arith.addi %add3A_836, %mul3A_835 : i32
      %get3A_838 = arith.index_cast %add3A_837 : i32 to index
      %get3A_839 = tpu.vector_load %arg7[%get3A_838] {strides = array<i32>} : memref<8144xi32, #tpu.memory_space<vmem>>, vector<16xi32>,
      %mul3A_840 = arith.constant 16 : i32
      %mul3A_841 = arith.muli %scan3A_833, %mul3A_840 : i32
      %add3A_842 = arith.constant 6096 : i32
      %add3A_843 = arith.addi %add3A_842, %mul3A_841 : i32
      %get3A_844 = arith.index_cast %add3A_843 : i32 to index
      %get3A_845 = tpu.vector_load %arg8[%get3A_844] {strides = array<i32>} : memref<8144xi32, #tpu.memory_space<vmem>>, vector<16xi32>,
      %mul3A_846 = arith.constant 16 : i32
      %mul3A_847 = arith.muli %scan3A_833, %mul3A_846 : i32
      %add3A_848 = arith.constant 6096 : i32
      %add3A_849 = arith.addi %add3A_848, %mul3A_847 : i32
      %get3A_850 = arith.index_cast %add3A_849 : i32 to index
      %get3A_851 = tpu.vector_load %arg9[%get3A_850] {strides = array<i32>} : memref<8144xi32, #tpu.memory_space<vmem>>, vector<16xi32>,
      %gather3A_852 = tpu.vector_load_idx %arg13[%get3A_839, %get3A_845] : memref<8x2048xf32, #tpu.memory_space<vmem>>[vector<16xi32>, vector<16xi32>], vector<16xf32>,
      tpu.vector_store_idx %arg13[%scan3A_831#0, %scan3A_831#1], %scan3A_831#2 : memref<8x2048xf32, #tpu.memory_space<vmem>>[vector<16xi32>, vector<16xi32>], vector<16xf32>,
      %scan3A_853 = arith.constant 121 : i32
      %scan3A_854 = arith.addi %scan3A_827, %scan3A_853 : i32
      %mul3A_855 = arith.constant 16 : i32
      %mul3A_856 = arith.muli %scan3A_854, %mul3A_855 : i32
      %add3A_857 = arith.constant 6096 : i32
      %add3A_858 = arith.addi %add3A_857, %mul3A_856 : i32
      %get3A_859 = arith.index_cast %add3A_858 : i32 to index
      %get3A_860 = tpu.vector_load %arg7[%get3A_859] {strides = array<i32>} : memref<8144xi32, #tpu.memory_space<vmem>>, vector<16xi32>,
      %mul3A_861 = arith.constant 16 : i32
      %mul3A_862 = arith.muli %scan3A_854, %mul3A_861 : i32
      %add3A_863 = arith.constant 6096 : i32
      %add3A_864 = arith.addi %add3A_863, %mul3A_862 : i32
      %get3A_865 = arith.index_cast %add3A_864 : i32 to index
      %get3A_866 = tpu.vector_load %arg8[%get3A_865] {strides = array<i32>} : memref<8144xi32, #tpu.memory_space<vmem>>, vector<16xi32>,
      %mul3A_867 = arith.constant 16 : i32
      %mul3A_868 = arith.muli %scan3A_854, %mul3A_867 : i32
      %add3A_869 = arith.constant 6096 : i32
      %add3A_870 = arith.addi %add3A_869, %mul3A_868 : i32
      %get3A_871 = arith.index_cast %add3A_870 : i32 to index
      %get3A_872 = tpu.vector_load %arg9[%get3A_871] {strides = array<i32>} : memref<8144xi32, #tpu.memory_space<vmem>>, vector<16xi32>,
      %gather3A_873 = tpu.vector_load_idx %arg13[%get3A_860, %get3A_866] : memref<8x2048xf32, #tpu.memory_space<vmem>>[vector<16xi32>, vector<16xi32>], vector<16xf32>,
      tpu.vector_store_idx %arg13[%scan3A_831#3, %scan3A_831#4], %scan3A_831#5 : memref<8x2048xf32, #tpu.memory_space<vmem>>[vector<16xi32>, vector<16xi32>], vector<16xf32>,
      %scan3A_874 = arith.constant 122 : i32
      %scan3A_875 = arith.addi %scan3A_827, %scan3A_874 : i32
      %mul3A_876 = arith.constant 16 : i32
      %mul3A_877 = arith.muli %scan3A_875, %mul3A_876 : i32
      %add3A_878 = arith.constant 6096 : i32
      %add3A_879 = arith.addi %add3A_878, %mul3A_877 : i32
      %get3A_880 = arith.index_cast %add3A_879 : i32 to index
      %get3A_881 = tpu.vector_load %arg7[%get3A_880] {strides = array<i32>} : memref<8144xi32, #tpu.memory_space<vmem>>, vector<16xi32>,
      %mul3A_882 = arith.constant 16 : i32
      %mul3A_883 = arith.muli %scan3A_875, %mul3A_882 : i32
      %add3A_884 = arith.constant 6096 : i32
      %add3A_885 = arith.addi %add3A_884, %mul3A_883 : i32
      %get3A_886 = arith.index_cast %add3A_885 : i32 to index
      %get3A_887 = tpu.vector_load %arg8[%get3A_886] {strides = array<i32>} : memref<8144xi32, #tpu.memory_space<vmem>>, vector<16xi32>,
      %mul3A_888 = arith.constant 16 : i32
      %mul3A_889 = arith.muli %scan3A_875, %mul3A_888 : i32
      %add3A_890 = arith.constant 6096 : i32
      %add3A_891 = arith.addi %add3A_890, %mul3A_889 : i32
      %get3A_892 = arith.index_cast %add3A_891 : i32 to index
      %get3A_893 = tpu.vector_load %arg9[%get3A_892] {strides = array<i32>} : memref<8144xi32, #tpu.memory_space<vmem>>, vector<16xi32>,
      %gather3A_894 = tpu.vector_load_idx %arg13[%get3A_881, %get3A_887] : memref<8x2048xf32, #tpu.memory_space<vmem>>[vector<16xi32>, vector<16xi32>], vector<16xf32>,
      tpu.vector_store_idx %arg13[%get3A_839, %get3A_851], %gather3A_852 : memref<8x2048xf32, #tpu.memory_space<vmem>>[vector<16xi32>, vector<16xi32>], vector<16xf32>,
      %scan3A_895 = arith.constant 123 : i32
      %scan3A_896 = arith.addi %scan3A_827, %scan3A_895 : i32
      %mul3A_897 = arith.constant 16 : i32
      %mul3A_898 = arith.muli %scan3A_896, %mul3A_897 : i32
      %add3A_899 = arith.constant 6096 : i32
      %add3A_900 = arith.addi %add3A_899, %mul3A_898 : i32
      %get3A_901 = arith.index_cast %add3A_900 : i32 to index
      %get3A_902 = tpu.vector_load %arg7[%get3A_901] {strides = array<i32>} : memref<8144xi32, #tpu.memory_space<vmem>>, vector<16xi32>,
      %mul3A_903 = arith.constant 16 : i32
      %mul3A_904 = arith.muli %scan3A_896, %mul3A_903 : i32
      %add3A_905 = arith.constant 6096 : i32
      %add3A_906 = arith.addi %add3A_905, %mul3A_904 : i32
      %get3A_907 = arith.index_cast %add3A_906 : i32 to index
      %get3A_908 = tpu.vector_load %arg8[%get3A_907] {strides = array<i32>} : memref<8144xi32, #tpu.memory_space<vmem>>, vector<16xi32>,
      %mul3A_909 = arith.constant 16 : i32
      %mul3A_910 = arith.muli %scan3A_896, %mul3A_909 : i32
      %add3A_911 = arith.constant 6096 : i32
      %add3A_912 = arith.addi %add3A_911, %mul3A_910 : i32
      %get3A_913 = arith.index_cast %add3A_912 : i32 to index
      %get3A_914 = tpu.vector_load %arg9[%get3A_913] {strides = array<i32>} : memref<8144xi32, #tpu.memory_space<vmem>>, vector<16xi32>,
      %gather3A_915 = tpu.vector_load_idx %arg13[%get3A_902, %get3A_908] : memref<8x2048xf32, #tpu.memory_space<vmem>>[vector<16xi32>, vector<16xi32>], vector<16xf32>,
      tpu.vector_store_idx %arg13[%get3A_860, %get3A_872], %gather3A_873 : memref<8x2048xf32, #tpu.memory_space<vmem>>[vector<16xi32>, vector<16xi32>], vector<16xf32>,
      %scan3A_916 = arith.constant 124 : i32
      %scan3A_917 = arith.addi %scan3A_827, %scan3A_916 : i32
      %mul3A_918 = arith.constant 16 : i32
      %mul3A_919 = arith.muli %scan3A_917, %mul3A_918 : i32
      %add3A_920 = arith.constant 6096 : i32
      %add3A_921 = arith.addi %add3A_920, %mul3A_919 : i32
      %get3A_922 = arith.index_cast %add3A_921 : i32 to index
      %get3A_923 = tpu.vector_load %arg7[%get3A_922] {strides = array<i32>} : memref<8144xi32, #tpu.memory_space<vmem>>, vector<16xi32>,
      %mul3A_924 = arith.constant 16 : i32
      %mul3A_925 = arith.muli %scan3A_917, %mul3A_924 : i32
      %add3A_926 = arith.constant 6096 : i32
      %add3A_927 = arith.addi %add3A_926, %mul3A_925 : i32
      %get3A_928 = arith.index_cast %add3A_927 : i32 to index
      %get3A_929 = tpu.vector_load %arg8[%get3A_928] {strides = array<i32>} : memref<8144xi32, #tpu.memory_space<vmem>>, vector<16xi32>,
      %mul3A_930 = arith.constant 16 : i32
      %mul3A_931 = arith.muli %scan3A_917, %mul3A_930 : i32
      %add3A_932 = arith.constant 6096 : i32
      %add3A_933 = arith.addi %add3A_932, %mul3A_931 : i32
      %get3A_934 = arith.index_cast %add3A_933 : i32 to index
      %get3A_935 = tpu.vector_load %arg9[%get3A_934] {strides = array<i32>} : memref<8144xi32, #tpu.memory_space<vmem>>, vector<16xi32>,
      %gather3A_936 = tpu.vector_load_idx %arg13[%get3A_923, %get3A_929] : memref<8x2048xf32, #tpu.memory_space<vmem>>[vector<16xi32>, vector<16xi32>], vector<16xf32>,
      tpu.vector_store_idx %arg13[%get3A_881, %get3A_893], %gather3A_894 : memref<8x2048xf32, #tpu.memory_space<vmem>>[vector<16xi32>, vector<16xi32>], vector<16xf32>,
      %scan3A_937 = arith.constant 125 : i32
      %scan3A_938 = arith.addi %scan3A_827, %scan3A_937 : i32
      %mul3A_939 = arith.constant 16 : i32
      %mul3A_940 = arith.muli %scan3A_938, %mul3A_939 : i32
      %add3A_941 = arith.constant 6096 : i32
      %add3A_942 = arith.addi %add3A_941, %mul3A_940 : i32
      %get3A_943 = arith.index_cast %add3A_942 : i32 to index
      %get3A_944 = tpu.vector_load %arg7[%get3A_943] {strides = array<i32>} : memref<8144xi32, #tpu.memory_space<vmem>>, vector<16xi32>,
      %mul3A_945 = arith.constant 16 : i32
      %mul3A_946 = arith.muli %scan3A_938, %mul3A_945 : i32
      %add3A_947 = arith.constant 6096 : i32
      %add3A_948 = arith.addi %add3A_947, %mul3A_946 : i32
      %get3A_949 = arith.index_cast %add3A_948 : i32 to index
      %get3A_950 = tpu.vector_load %arg8[%get3A_949] {strides = array<i32>} : memref<8144xi32, #tpu.memory_space<vmem>>, vector<16xi32>,
      %mul3A_951 = arith.constant 16 : i32
      %mul3A_952 = arith.muli %scan3A_938, %mul3A_951 : i32
      %add3A_953 = arith.constant 6096 : i32
      %add3A_954 = arith.addi %add3A_953, %mul3A_952 : i32
      %get3A_955 = arith.index_cast %add3A_954 : i32 to index
      %get3A_956 = tpu.vector_load %arg9[%get3A_955] {strides = array<i32>} : memref<8144xi32, #tpu.memory_space<vmem>>, vector<16xi32>,
      %gather3A_957 = tpu.vector_load_idx %arg13[%get3A_944, %get3A_950] : memref<8x2048xf32, #tpu.memory_space<vmem>>[vector<16xi32>, vector<16xi32>], vector<16xf32>,
      tpu.vector_store_idx %arg13[%get3A_902, %get3A_914], %gather3A_915 : memref<8x2048xf32, #tpu.memory_space<vmem>>[vector<16xi32>, vector<16xi32>], vector<16xf32>,
      %scan3A_958 = arith.constant 126 : i32
      tpu.vector_store_idx %arg13[%get3A_923, %get3A_935], %gather3A_936 : memref<8x2048xf32, #tpu.memory_space<vmem>>[vector<16xi32>, vector<16xi32>], vector<16xf32>,
      tpu.vector_store_idx %arg13[%get3A_944, %get3A_956], %gather3A_957 : memref<8x2048xf32, #tpu.memory_space<vmem>>[vector<16xi32>, vector<16xi32>], vector<16xf32>,
      %jit3A_959 = arith.constant 4 : i32
      %div3A_960 = arith.divsi %add3A_665, %jit3A_959 : i32
      %sign3A_961 = arith.constant 0 : i32
      %sign3A_962 = arith.cmpi sgt, %add3A_665, %sign3A_961 : i32
      %sign3A_963 = arith.extui %sign3A_962 : i1 to i32
      %sign3A_964 = arith.constant 0 : i32
      %sign3A_965 = arith.cmpi slt, %add3A_665, %sign3A_964 : i32
      %sign3A_966 = arith.extui %sign3A_965 : i1 to i32
      %sign3A_967 = arith.subi %sign3A_963, %sign3A_966 : i32
      %sign3A_968 = arith.constant 0 : i32
      %sign3A_969 = arith.cmpi sgt, %jit3A_959, %sign3A_968 : i32
      %sign3A_970 = arith.extui %sign3A_969 : i1 to i32
      %sign3A_971 = arith.constant 0 : i32
      %sign3A_972 = arith.cmpi slt, %jit3A_959, %sign3A_971 : i32
      %sign3A_973 = arith.extui %sign3A_972 : i1 to i32
      %sign3A_974 = arith.subi %sign3A_970, %sign3A_973 : i32
      %ne3A_975 = arith.cmpi ne, %sign3A_967, %sign3A_974 : i32
      %rem3A_976 = arith.remsi %add3A_665, %jit3A_959 : i32
      %ne3A_977 = arith.constant 0 : i32
      %ne3A_978 = arith.cmpi ne, %rem3A_976, %ne3A_977 : i32
      %and3A_979 = arith.andi %ne3A_975, %ne3A_978 : i1
      %sub3A_980 = arith.constant 1 : i32
      %sub3A_981 = arith.subi %div3A_960, %sub3A_980 : i32
      %select_n3A_982 = arith.select %and3A_979, %sub3A_981, %div3A_960 : i32
      %mul3A_983 = arith.constant 8 : i32
      %mul3A_984 = arith.muli %select_n3A_982, %mul3A_983 : i32
      %add3A_985 = arith.addi %mul3A_2, %mul3A_984 : i32
      %jit3A_986 = arith.constant 4 : i32
      %eq3A_987 = arith.constant 0 : i32
      %eq3A_988 = arith.cmpi eq, %jit3A_986, %eq3A_987 : i32
      %jit3A_989 = arith.constant 1 : i32
      %select_n3A_990 = arith.select %eq3A_988, %jit3A_989, %jit3A_986 : i32
      %rem3A_991 = arith.remsi %add3A_665, %select_n3A_990 : i32
      %ne3A_992 = arith.constant 0 : i32
      %ne3A_993 = arith.cmpi ne, %rem3A_991, %ne3A_992 : i32
      %lt3A_994 = arith.constant 0 : i32
      %lt3A_995 = arith.cmpi slt, %rem3A_991, %lt3A_994 : i32
      %lt3A_996 = arith.constant 0 : i32
      %lt3A_997 = arith.cmpi slt, %select_n3A_990, %lt3A_996 : i32
      %ne3A_998 = arith.xori %lt3A_995, %lt3A_997 : i1
      %and3A_999 = arith.andi %ne3A_998, %ne3A_993 : i1
      %add3A_1000 = arith.addi %rem3A_991, %select_n3A_990 : i32
      %select_n3A_1001 = arith.select %and3A_999, %add3A_1000, %rem3A_991 : i32
      %mul3A_1002 = arith.constant 2048 : i32
      %mul3A_1003 = arith.muli %select_n3A_1001, %mul3A_1002 : i32
      %dma_start3A_1004 = tpu.memref_slice %arg6[%add3A_985, %mul3A_1003] : memref<4096x8192xf32, #tpu.memory_space<hbm>> -> memref<8x2048xf32, #tpu.memory_space<hbm>>
      %dma_start3A_1005 = tpu.memref_slice %arg6[%add3A_985, %mul3A_1003] : memref<4096x8192xf32, #tpu.memory_space<hbm>> -> memref<8x2048xf32, #tpu.memory_space<hbm>>
      tpu.enqueue_dma source(%arg13 : memref<8x2048xf32, #tpu.memory_space<vmem>>) target(%dma_start3A_1005 : memref<8x2048xf32, #tpu.memory_space<hbm>>) target_semaphore(%arg21 : memref<!tpu.dma_semaphore, #tpu.memory_space<semaphore_mem>>)
      %add3A_1006 = arith.constant 2 : i32
      %add3A_1007 = arith.addi %add3A_457, %add3A_1006 : i32
      %add3A_1008 = arith.constant 2 : i32
      %add3A_1009 = arith.addi %add3A_1007, %add3A_1008 : i32
      %sub3A_1010 = arith.constant 4 : i32
      %sub3A_1011 = arith.subi %add3A_1009, %sub3A_1010 : i32
      %jit3A_1012 = arith.constant 4 : i32
      %div3A_1013 = arith.divsi %sub3A_1011, %jit3A_1012 : i32
      %sign3A_1014 = arith.constant 0 : i32
      %sign3A_1015 = arith.cmpi sgt, %sub3A_1011, %sign3A_1014 : i32
      %sign3A_1016 = arith.extui %sign3A_1015 : i1 to i32
      %sign3A_1017 = arith.constant 0 : i32
      %sign3A_1018 = arith.cmpi slt, %sub3A_1011, %sign3A_1017 : i32
      %sign3A_1019 = arith.extui %sign3A_1018 : i1 to i32
      %sign3A_1020 = arith.subi %sign3A_1016, %sign3A_1019 : i32
      %sign3A_1021 = arith.constant 0 : i32
      %sign3A_1022 = arith.cmpi sgt, %jit3A_1012, %sign3A_1021 : i32
      %sign3A_1023 = arith.extui %sign3A_1022 : i1 to i32
      %sign3A_1024 = arith.constant 0 : i32
      %sign3A_1025 = arith.cmpi slt, %jit3A_1012, %sign3A_1024 : i32
      %sign3A_1026 = arith.extui %sign3A_1025 : i1 to i32
      %sign3A_1027 = arith.subi %sign3A_1023, %sign3A_1026 : i32
      %ne3A_1028 = arith.cmpi ne, %sign3A_1020, %sign3A_1027 : i32
      %rem3A_1029 = arith.remsi %sub3A_1011, %jit3A_1012 : i32
      %ne3A_1030 = arith.constant 0 : i32
      %ne3A_1031 = arith.cmpi ne, %rem3A_1029, %ne3A_1030 : i32
      %and3A_1032 = arith.andi %ne3A_1028, %ne3A_1031 : i1
      %sub3A_1033 = arith.constant 1 : i32
      %sub3A_1034 = arith.subi %div3A_1013, %sub3A_1033 : i32
      %select_n3A_1035 = arith.select %and3A_1032, %sub3A_1034, %div3A_1013 : i32
      %mul3A_1036 = arith.constant 8 : i32
      %mul3A_1037 = arith.muli %select_n3A_1035, %mul3A_1036 : i32
      %add3A_1038 = arith.addi %mul3A_2, %mul3A_1037 : i32
      %jit3A_1039 = arith.constant 4 : i32
      %eq3A_1040 = arith.constant 0 : i32
      %eq3A_1041 = arith.cmpi eq, %jit3A_1039, %eq3A_1040 : i32
      %jit3A_1042 = arith.constant 1 : i32
      %select_n3A_1043 = arith.select %eq3A_1041, %jit3A_1042, %jit3A_1039 : i32
      %rem3A_1044 = arith.remsi %sub3A_1011, %select_n3A_1043 : i32
      %ne3A_1045 = arith.constant 0 : i32
      %ne3A_1046 = arith.cmpi ne, %rem3A_1044, %ne3A_1045 : i32
      %lt3A_1047 = arith.constant 0 : i32
      %lt3A_1048 = arith.cmpi slt, %rem3A_1044, %lt3A_1047 : i32
      %lt3A_1049 = arith.constant 0 : i32
      %lt3A_1050 = arith.cmpi slt, %select_n3A_1043, %lt3A_1049 : i32
      %ne3A_1051 = arith.xori %lt3A_1048, %lt3A_1050 : i1
      %and3A_1052 = arith.andi %ne3A_1051, %ne3A_1046 : i1
      %add3A_1053 = arith.addi %rem3A_1044, %select_n3A_1043 : i32
      %select_n3A_1054 = arith.select %and3A_1052, %add3A_1053, %rem3A_1044 : i32
      %mul3A_1055 = arith.constant 2048 : i32
      %mul3A_1056 = arith.muli %select_n3A_1054, %mul3A_1055 : i32
      %dma_wait3A_1057 = tpu.memref_slice %arg6[%add3A_1038, %mul3A_1056] : memref<4096x8192xf32, #tpu.memory_space<hbm>> -> memref<8x2048xf32, #tpu.memory_space<hbm>>
      %dma_wait3A_1058 = tpu.memref_slice %arg6[%add3A_1038, %mul3A_1056] : memref<4096x8192xf32, #tpu.memory_space<hbm>> -> memref<8x2048xf32, #tpu.memory_space<hbm>>
      tpu.wait_dma2 semaphore(%arg20 : memref<!tpu.dma_semaphore, #tpu.memory_space<semaphore_mem>>) src(%arg12 : memref<8x2048xf32, #tpu.memory_space<vmem>>) dst(%dma_wait3A_1058 : memref<8x2048xf32, #tpu.memory_space<hbm>>)
      %add3A_1059 = arith.constant 2 : i32
      %add3A_1060 = arith.addi %add3A_1007, %add3A_1059 : i32
      %jit3A_1061 = arith.constant 4 : i32
      %div3A_1062 = arith.divsi %add3A_1060, %jit3A_1061 : i32
      %sign3A_1063 = arith.constant 0 : i32
      %sign3A_1064 = arith.cmpi sgt, %add3A_1060, %sign3A_1063 : i32
      %sign3A_1065 = arith.extui %sign3A_1064 : i1 to i32
      %sign3A_1066 = arith.constant 0 : i32
      %sign3A_1067 = arith.cmpi slt, %add3A_1060, %sign3A_1066 : i32
      %sign3A_1068 = arith.extui %sign3A_1067 : i1 to i32
      %sign3A_1069 = arith.subi %sign3A_1065, %sign3A_1068 : i32
      %sign3A_1070 = arith.constant 0 : i32
      %sign3A_1071 = arith.cmpi sgt, %jit3A_1061, %sign3A_1070 : i32
      %sign3A_1072 = arith.extui %sign3A_1071 : i1 to i32
      %sign3A_1073 = arith.constant 0 : i32
      %sign3A_1074 = arith.cmpi slt, %jit3A_1061, %sign3A_1073 : i32
      %sign3A_1075 = arith.extui %sign3A_1074 : i1 to i32
      %sign3A_1076 = arith.subi %sign3A_1072, %sign3A_1075 : i32
      %ne3A_1077 = arith.cmpi ne, %sign3A_1069, %sign3A_1076 : i32
      %rem3A_1078 = arith.remsi %add3A_1060, %jit3A_1061 : i32
      %ne3A_1079 = arith.constant 0 : i32
      %ne3A_1080 = arith.cmpi ne, %rem3A_1078, %ne3A_1079 : i32
      %and3A_1081 = arith.andi %ne3A_1077, %ne3A_1080 : i1
      %sub3A_1082 = arith.constant 1 : i32
      %sub3A_1083 = arith.subi %div3A_1062, %sub3A_1082 : i32
      %select_n3A_1084 = arith.select %and3A_1081, %sub3A_1083, %div3A_1062 : i32
      %mul3A_1085 = arith.constant 8 : i32
      %mul3A_1086 = arith.muli %select_n3A_1084, %mul3A_1085 : i32
      %add3A_1087 = arith.addi %mul3A_2, %mul3A_1086 : i32
      %jit3A_1088 = arith.constant 4 : i32
      %eq3A_1089 = arith.constant 0 : i32
      %eq3A_1090 = arith.cmpi eq, %jit3A_1088, %eq3A_1089 : i32
      %jit3A_1091 = arith.constant 1 : i32
      %select_n3A_1092 = arith.select %eq3A_1090, %jit3A_1091, %jit3A_1088 : i32
      %rem3A_1093 = arith.remsi %add3A_1060, %select_n3A_1092 : i32
      %ne3A_1094 = arith.constant 0 : i32
      %ne3A_1095 = arith.cmpi ne, %rem3A_1093, %ne3A_1094 : i32
      %lt3A_1096 = arith.constant 0 : i32
      %lt3A_1097 = arith.cmpi slt, %rem3A_1093, %lt3A_1096 : i32
      %lt3A_1098 = arith.constant 0 : i32
      %lt3A_1099 = arith.cmpi slt, %select_n3A_1092, %lt3A_1098 : i32
      %ne3A_1100 = arith.xori %lt3A_1097, %lt3A_1099 : i1
      %and3A_1101 = arith.andi %ne3A_1100, %ne3A_1095 : i1
      %add3A_1102 = arith.addi %rem3A_1093, %select_n3A_1092 : i32
      %select_n3A_1103 = arith.select %and3A_1101, %add3A_1102, %rem3A_1093 : i32
      %mul3A_1104 = arith.constant 2048 : i32
      %mul3A_1105 = arith.muli %select_n3A_1103, %mul3A_1104 : i32
      %dma_start3A_1106 = tpu.memref_slice %arg2[%add3A_1087, %mul3A_1105] : memref<4096x8192xf32, #tpu.memory_space<hbm>> -> memref<8x2048xf32, #tpu.memory_space<hbm>>
      %dma_start3A_1107 = tpu.memref_slice %arg2[%add3A_1087, %mul3A_1105] : memref<4096x8192xf32, #tpu.memory_space<hbm>> -> memref<8x2048xf32, #tpu.memory_space<hbm>>
      tpu.enqueue_dma source(%dma_start3A_1107 : memref<8x2048xf32, #tpu.memory_space<hbm>>) target(%arg12 : memref<8x2048xf32, #tpu.memory_space<vmem>>) target_semaphore(%arg16 : memref<!tpu.dma_semaphore, #tpu.memory_space<semaphore_mem>>)
      %jit3A_1108 = arith.constant 4 : i32
      %div3A_1109 = arith.divsi %add3A_1007, %jit3A_1108 : i32
      %sign3A_1110 = arith.constant 0 : i32
      %sign3A_1111 = arith.cmpi sgt, %add3A_1007, %sign3A_1110 : i32
      %sign3A_1112 = arith.extui %sign3A_1111 : i1 to i32
      %sign3A_1113 = arith.constant 0 : i32
      %sign3A_1114 = arith.cmpi slt, %add3A_1007, %sign3A_1113 : i32
      %sign3A_1115 = arith.extui %sign3A_1114 : i1 to i32
      %sign3A_1116 = arith.subi %sign3A_1112, %sign3A_1115 : i32
      %sign3A_1117 = arith.constant 0 : i32
      %sign3A_1118 = arith.cmpi sgt, %jit3A_1108, %sign3A_1117 : i32
      %sign3A_1119 = arith.extui %sign3A_1118 : i1 to i32
      %sign3A_1120 = arith.constant 0 : i32
      %sign3A_1121 = arith.cmpi slt, %jit3A_1108, %sign3A_1120 : i32
      %sign3A_1122 = arith.extui %sign3A_1121 : i1 to i32
      %sign3A_1123 = arith.subi %sign3A_1119, %sign3A_1122 : i32
      %ne3A_1124 = arith.cmpi ne, %sign3A_1116, %sign3A_1123 : i32
      %rem3A_1125 = arith.remsi %add3A_1007, %jit3A_1108 : i32
      %ne3A_1126 = arith.constant 0 : i32
      %ne3A_1127 = arith.cmpi ne, %rem3A_1125, %ne3A_1126 : i32
      %and3A_1128 = arith.andi %ne3A_1124, %ne3A_1127 : i1
      %sub3A_1129 = arith.constant 1 : i32
      %sub3A_1130 = arith.subi %div3A_1109, %sub3A_1129 : i32
      %select_n3A_1131 = arith.select %and3A_1128, %sub3A_1130, %div3A_1109 : i32
      %mul3A_1132 = arith.constant 8 : i32
      %mul3A_1133 = arith.muli %select_n3A_1131, %mul3A_1132 : i32
      %add3A_1134 = arith.addi %mul3A_2, %mul3A_1133 : i32
      %jit3A_1135 = arith.constant 4 : i32
      %eq3A_1136 = arith.constant 0 : i32
      %eq3A_1137 = arith.cmpi eq, %jit3A_1135, %eq3A_1136 : i32
      %jit3A_1138 = arith.constant 1 : i32
      %select_n3A_1139 = arith.select %eq3A_1137, %jit3A_1138, %jit3A_1135 : i32
      %rem3A_1140 = arith.remsi %add3A_1007, %select_n3A_1139 : i32
      %ne3A_1141 = arith.constant 0 : i32
      %ne3A_1142 = arith.cmpi ne, %rem3A_1140, %ne3A_1141 : i32
      %lt3A_1143 = arith.constant 0 : i32
      %lt3A_1144 = arith.cmpi slt, %rem3A_1140, %lt3A_1143 : i32
      %lt3A_1145 = arith.constant 0 : i32
      %lt3A_1146 = arith.cmpi slt, %select_n3A_1139, %lt3A_1145 : i32
      %ne3A_1147 = arith.xori %lt3A_1144, %lt3A_1146 : i1
      %and3A_1148 = arith.andi %ne3A_1147, %ne3A_1142 : i1
      %add3A_1149 = arith.addi %rem3A_1140, %select_n3A_1139 : i32
      %select_n3A_1150 = arith.select %and3A_1148, %add3A_1149, %rem3A_1140 : i32
      %mul3A_1151 = arith.constant 2048 : i32
      %mul3A_1152 = arith.muli %select_n3A_1150, %mul3A_1151 : i32
      %dma_wait3A_1153 = tpu.memref_slice %arg2[%add3A_1134, %mul3A_1152] : memref<4096x8192xf32, #tpu.memory_space<hbm>> -> memref<8x2048xf32, #tpu.memory_space<hbm>>
      %dma_wait3A_1154 = tpu.memref_slice %arg2[%add3A_1134, %mul3A_1152] : memref<4096x8192xf32, #tpu.memory_space<hbm>> -> memref<8x2048xf32, #tpu.memory_space<hbm>>
      tpu.wait_dma2 semaphore(%arg14 : memref<!tpu.dma_semaphore, #tpu.memory_space<semaphore_mem>>) src(%dma_wait3A_1154 : memref<8x2048xf32, #tpu.memory_space<hbm>>) dst(%arg10 : memref<8x2048xf32, #tpu.memory_space<vmem>>)
      %get3A_1155 = arith.constant 0 : index
      %get3A_1156 = tpu.vector_load %arg7[%get3A_1155] {strides = array<i32>} : memref<8144xi32, #tpu.memory_space<vmem>>, vector<16xi32>,
      %get3A_1157 = arith.constant 0 : index
      %get3A_1158 = tpu.vector_load %arg8[%get3A_1157] {strides = array<i32>} : memref<8144xi32, #tpu.memory_space<vmem>>, vector<16xi32>,
      %get3A_1159 = arith.constant 0 : index
      %get3A_1160 = tpu.vector_load %arg9[%get3A_1159] {strides = array<i32>} : memref<8144xi32, #tpu.memory_space<vmem>>, vector<16xi32>,
      %gather3A_1161 = tpu.vector_load_idx %arg10[%get3A_1156, %get3A_1158] : memref<8x2048xf32, #tpu.memory_space<vmem>>[vector<16xi32>, vector<16xi32>], vector<16xf32>,
      %get3A_1162 = arith.constant 16 : index
      %get3A_1163 = tpu.vector_load %arg7[%get3A_1162] {strides = array<i32>} : memref<8144xi32, #tpu.memory_space<vmem>>, vector<16xi32>,
      %get3A_1164 = arith.constant 16 : index
      %get3A_1165 = tpu.vector_load %arg8[%get3A_1164] {strides = array<i32>} : memref<8144xi32, #tpu.memory_space<vmem>>, vector<16xi32>,
      %get3A_1166 = arith.constant 16 : index
      %get3A_1167 = tpu.vector_load %arg9[%get3A_1166] {strides = array<i32>} : memref<8144xi32, #tpu.memory_space<vmem>>, vector<16xi32>,
      %gather3A_1168 = tpu.vector_load_idx %arg10[%get3A_1163, %get3A_1165] : memref<8x2048xf32, #tpu.memory_space<vmem>>[vector<16xi32>, vector<16xi32>], vector<16xf32>,
      %scan3A_1169 = arith.constant 2 : i32
      %scan3A_1170 = arith.constant 120 : i32
      %scan3A_1171 = arith.addi %scan3A_1169, %scan3A_1170 : i32
      %scan3A_1172 = arith.constant 8 : i32
      %scan3A_1173:6 = scf.for %scan3A_1585 = %scan3A_1169 to %scan3A_1171 step %scan3A_1172 iter_args(%scan3A_1586 = %get3A_1156, %scan3A_1587 = %get3A_1160, %scan3A_1588 = %gather3A_1161, %scan3A_1589 = %get3A_1163, %scan3A_1590 = %get3A_1167, %scan3A_1591 = %gather3A_1168) -> (vector<16xi32>, vector<16xi32>, vector<16xf32>, vector<16xi32>, vector<16xi32>, vector<16xf32>)  : i32 {
        %mul3A_1592 = arith.constant 16 : i32
        %mul3A_1593 = arith.muli %scan3A_1585, %mul3A_1592 : i32
        %add3A_1594 = arith.constant 0 : i32
        %add3A_1595 = arith.addi %add3A_1594, %mul3A_1593 : i32
        %get3A_1596 = arith.index_cast %add3A_1595 : i32 to index
        %get3A_1597 = tpu.vector_load %arg7[%get3A_1596] {strides = array<i32>} : memref<8144xi32, #tpu.memory_space<vmem>>, vector<16xi32>,
        %mul3A_1598 = arith.constant 16 : i32
        %mul3A_1599 = arith.muli %scan3A_1585, %mul3A_1598 : i32
        %add3A_1600 = arith.constant 0 : i32
        %add3A_1601 = arith.addi %add3A_1600, %mul3A_1599 : i32
        %get3A_1602 = arith.index_cast %add3A_1601 : i32 to index
        %get3A_1603 = tpu.vector_load %arg8[%get3A_1602] {strides = array<i32>} : memref<8144xi32, #tpu.memory_space<vmem>>, vector<16xi32>,
        %mul3A_1604 = arith.constant 16 : i32
        %mul3A_1605 = arith.muli %scan3A_1585, %mul3A_1604 : i32
        %add3A_1606 = arith.constant 0 : i32
        %add3A_1607 = arith.addi %add3A_1606, %mul3A_1605 : i32
        %get3A_1608 = arith.index_cast %add3A_1607 : i32 to index
        %get3A_1609 = tpu.vector_load %arg9[%get3A_1608] {strides = array<i32>} : memref<8144xi32, #tpu.memory_space<vmem>>, vector<16xi32>,
        %gather3A_1610 = tpu.vector_load_idx %arg10[%get3A_1597, %get3A_1603] : memref<8x2048xf32, #tpu.memory_space<vmem>>[vector<16xi32>, vector<16xi32>], vector<16xf32>,
        tpu.vector_store_idx %arg10[%scan3A_1586, %scan3A_1587], %scan3A_1588 : memref<8x2048xf32, #tpu.memory_space<vmem>>[vector<16xi32>, vector<16xi32>], vector<16xf32>,
        %scan3A_1611 = arith.constant 1 : i32
        %scan3A_1612 = arith.addi %scan3A_1585, %scan3A_1611 : i32
        %mul3A_1613 = arith.constant 16 : i32
        %mul3A_1614 = arith.muli %scan3A_1612, %mul3A_1613 : i32
        %add3A_1615 = arith.constant 0 : i32
        %add3A_1616 = arith.addi %add3A_1615, %mul3A_1614 : i32
        %get3A_1617 = arith.index_cast %add3A_1616 : i32 to index
        %get3A_1618 = tpu.vector_load %arg7[%get3A_1617] {strides = array<i32>} : memref<8144xi32, #tpu.memory_space<vmem>>, vector<16xi32>,
        %mul3A_1619 = arith.constant 16 : i32
        %mul3A_1620 = arith.muli %scan3A_1612, %mul3A_1619 : i32
        %add3A_1621 = arith.constant 0 : i32
        %add3A_1622 = arith.addi %add3A_1621, %mul3A_1620 : i32
        %get3A_1623 = arith.index_cast %add3A_1622 : i32 to index
        %get3A_1624 = tpu.vector_load %arg8[%get3A_1623] {strides = array<i32>} : memref<8144xi32, #tpu.memory_space<vmem>>, vector<16xi32>,
        %mul3A_1625 = arith.constant 16 : i32
        %mul3A_1626 = arith.muli %scan3A_1612, %mul3A_1625 : i32
        %add3A_1627 = arith.constant 0 : i32
        %add3A_1628 = arith.addi %add3A_1627, %mul3A_1626 : i32
        %get3A_1629 = arith.index_cast %add3A_1628 : i32 to index
        %get3A_1630 = tpu.vector_load %arg9[%get3A_1629] {strides = array<i32>} : memref<8144xi32, #tpu.memory_space<vmem>>, vector<16xi32>,
        %gather3A_1631 = tpu.vector_load_idx %arg10[%get3A_1618, %get3A_1624] : memref<8x2048xf32, #tpu.memory_space<vmem>>[vector<16xi32>, vector<16xi32>], vector<16xf32>,
        tpu.vector_store_idx %arg10[%scan3A_1589, %scan3A_1590], %scan3A_1591 : memref<8x2048xf32, #tpu.memory_space<vmem>>[vector<16xi32>, vector<16xi32>], vector<16xf32>,
        %scan3A_1632 = arith.constant 2 : i32
        %scan3A_1633 = arith.addi %scan3A_1585, %scan3A_1632 : i32
        %mul3A_1634 = arith.constant 16 : i32
        %mul3A_1635 = arith.muli %scan3A_1633, %mul3A_1634 : i32
        %add3A_1636 = arith.constant 0 : i32
        %add3A_1637 = arith.addi %add3A_1636, %mul3A_1635 : i32
        %get3A_1638 = arith.index_cast %add3A_1637 : i32 to index
        %get3A_1639 = tpu.vector_load %arg7[%get3A_1638] {strides = array<i32>} : memref<8144xi32, #tpu.memory_space<vmem>>, vector<16xi32>,
        %mul3A_1640 = arith.constant 16 : i32
        %mul3A_1641 = arith.muli %scan3A_1633, %mul3A_1640 : i32
        %add3A_1642 = arith.constant 0 : i32
        %add3A_1643 = arith.addi %add3A_1642, %mul3A_1641 : i32
        %get3A_1644 = arith.index_cast %add3A_1643 : i32 to index
        %get3A_1645 = tpu.vector_load %arg8[%get3A_1644] {strides = array<i32>} : memref<8144xi32, #tpu.memory_space<vmem>>, vector<16xi32>,
        %mul3A_1646 = arith.constant 16 : i32
        %mul3A_1647 = arith.muli %scan3A_1633, %mul3A_1646 : i32
        %add3A_1648 = arith.constant 0 : i32
        %add3A_1649 = arith.addi %add3A_1648, %mul3A_1647 : i32
        %get3A_1650 = arith.index_cast %add3A_1649 : i32 to index
        %get3A_1651 = tpu.vector_load %arg9[%get3A_1650] {strides = array<i32>} : memref<8144xi32, #tpu.memory_space<vmem>>, vector<16xi32>,
        %gather3A_1652 = tpu.vector_load_idx %arg10[%get3A_1639, %get3A_1645] : memref<8x2048xf32, #tpu.memory_space<vmem>>[vector<16xi32>, vector<16xi32>], vector<16xf32>,
        tpu.vector_store_idx %arg10[%get3A_1597, %get3A_1609], %gather3A_1610 : memref<8x2048xf32, #tpu.memory_space<vmem>>[vector<16xi32>, vector<16xi32>], vector<16xf32>,
        %scan3A_1653 = arith.constant 3 : i32
        %scan3A_1654 = arith.addi %scan3A_1585, %scan3A_1653 : i32
        %mul3A_1655 = arith.constant 16 : i32
        %mul3A_1656 = arith.muli %scan3A_1654, %mul3A_1655 : i32
        %add3A_1657 = arith.constant 0 : i32
        %add3A_1658 = arith.addi %add3A_1657, %mul3A_1656 : i32
        %get3A_1659 = arith.index_cast %add3A_1658 : i32 to index
        %get3A_1660 = tpu.vector_load %arg7[%get3A_1659] {strides = array<i32>} : memref<8144xi32, #tpu.memory_space<vmem>>, vector<16xi32>,
        %mul3A_1661 = arith.constant 16 : i32
        %mul3A_1662 = arith.muli %scan3A_1654, %mul3A_1661 : i32
        %add3A_1663 = arith.constant 0 : i32
        %add3A_1664 = arith.addi %add3A_1663, %mul3A_1662 : i32
        %get3A_1665 = arith.index_cast %add3A_1664 : i32 to index
        %get3A_1666 = tpu.vector_load %arg8[%get3A_1665] {strides = array<i32>} : memref<8144xi32, #tpu.memory_space<vmem>>, vector<16xi32>,
        %mul3A_1667 = arith.constant 16 : i32
        %mul3A_1668 = arith.muli %scan3A_1654, %mul3A_1667 : i32
        %add3A_1669 = arith.constant 0 : i32
        %add3A_1670 = arith.addi %add3A_1669, %mul3A_1668 : i32
        %get3A_1671 = arith.index_cast %add3A_1670 : i32 to index
        %get3A_1672 = tpu.vector_load %arg9[%get3A_1671] {strides = array<i32>} : memref<8144xi32, #tpu.memory_space<vmem>>, vector<16xi32>,
        %gather3A_1673 = tpu.vector_load_idx %arg10[%get3A_1660, %get3A_1666] : memref<8x2048xf32, #tpu.memory_space<vmem>>[vector<16xi32>, vector<16xi32>], vector<16xf32>,
        tpu.vector_store_idx %arg10[%get3A_1618, %get3A_1630], %gather3A_1631 : memref<8x2048xf32, #tpu.memory_space<vmem>>[vector<16xi32>, vector<16xi32>], vector<16xf32>,
        %scan3A_1674 = arith.constant 4 : i32
        %scan3A_1675 = arith.addi %scan3A_1585, %scan3A_1674 : i32
        %mul3A_1676 = arith.constant 16 : i32
        %mul3A_1677 = arith.muli %scan3A_1675, %mul3A_1676 : i32
        %add3A_1678 = arith.constant 0 : i32
        %add3A_1679 = arith.addi %add3A_1678, %mul3A_1677 : i32
        %get3A_1680 = arith.index_cast %add3A_1679 : i32 to index
        %get3A_1681 = tpu.vector_load %arg7[%get3A_1680] {strides = array<i32>} : memref<8144xi32, #tpu.memory_space<vmem>>, vector<16xi32>,
        %mul3A_1682 = arith.constant 16 : i32
        %mul3A_1683 = arith.muli %scan3A_1675, %mul3A_1682 : i32
        %add3A_1684 = arith.constant 0 : i32
        %add3A_1685 = arith.addi %add3A_1684, %mul3A_1683 : i32
        %get3A_1686 = arith.index_cast %add3A_1685 : i32 to index
        %get3A_1687 = tpu.vector_load %arg8[%get3A_1686] {strides = array<i32>} : memref<8144xi32, #tpu.memory_space<vmem>>, vector<16xi32>,
        %mul3A_1688 = arith.constant 16 : i32
        %mul3A_1689 = arith.muli %scan3A_1675, %mul3A_1688 : i32
        %add3A_1690 = arith.constant 0 : i32
        %add3A_1691 = arith.addi %add3A_1690, %mul3A_1689 : i32
        %get3A_1692 = arith.index_cast %add3A_1691 : i32 to index
        %get3A_1693 = tpu.vector_load %arg9[%get3A_1692] {strides = array<i32>} : memref<8144xi32, #tpu.memory_space<vmem>>, vector<16xi32>,
        %gather3A_1694 = tpu.vector_load_idx %arg10[%get3A_1681, %get3A_1687] : memref<8x2048xf32, #tpu.memory_space<vmem>>[vector<16xi32>, vector<16xi32>], vector<16xf32>,
        tpu.vector_store_idx %arg10[%get3A_1639, %get3A_1651], %gather3A_1652 : memref<8x2048xf32, #tpu.memory_space<vmem>>[vector<16xi32>, vector<16xi32>], vector<16xf32>,
        %scan3A_1695 = arith.constant 5 : i32
        %scan3A_1696 = arith.addi %scan3A_1585, %scan3A_1695 : i32
        %mul3A_1697 = arith.constant 16 : i32
        %mul3A_1698 = arith.muli %scan3A_1696, %mul3A_1697 : i32
        %add3A_1699 = arith.constant 0 : i32
        %add3A_1700 = arith.addi %add3A_1699, %mul3A_1698 : i32
        %get3A_1701 = arith.index_cast %add3A_1700 : i32 to index
        %get3A_1702 = tpu.vector_load %arg7[%get3A_1701] {strides = array<i32>} : memref<8144xi32, #tpu.memory_space<vmem>>, vector<16xi32>,
        %mul3A_1703 = arith.constant 16 : i32
        %mul3A_1704 = arith.muli %scan3A_1696, %mul3A_1703 : i32
        %add3A_1705 = arith.constant 0 : i32
        %add3A_1706 = arith.addi %add3A_1705, %mul3A_1704 : i32
        %get3A_1707 = arith.index_cast %add3A_1706 : i32 to index
        %get3A_1708 = tpu.vector_load %arg8[%get3A_1707] {strides = array<i32>} : memref<8144xi32, #tpu.memory_space<vmem>>, vector<16xi32>,
        %mul3A_1709 = arith.constant 16 : i32
        %mul3A_1710 = arith.muli %scan3A_1696, %mul3A_1709 : i32
        %add3A_1711 = arith.constant 0 : i32
        %add3A_1712 = arith.addi %add3A_1711, %mul3A_1710 : i32
        %get3A_1713 = arith.index_cast %add3A_1712 : i32 to index
        %get3A_1714 = tpu.vector_load %arg9[%get3A_1713] {strides = array<i32>} : memref<8144xi32, #tpu.memory_space<vmem>>, vector<16xi32>,
        %gather3A_1715 = tpu.vector_load_idx %arg10[%get3A_1702, %get3A_1708] : memref<8x2048xf32, #tpu.memory_space<vmem>>[vector<16xi32>, vector<16xi32>], vector<16xf32>,
        tpu.vector_store_idx %arg10[%get3A_1660, %get3A_1672], %gather3A_1673 : memref<8x2048xf32, #tpu.memory_space<vmem>>[vector<16xi32>, vector<16xi32>], vector<16xf32>,
        %scan3A_1716 = arith.constant 6 : i32
        %scan3A_1717 = arith.addi %scan3A_1585, %scan3A_1716 : i32
        %mul3A_1718 = arith.constant 16 : i32
        %mul3A_1719 = arith.muli %scan3A_1717, %mul3A_1718 : i32
        %add3A_1720 = arith.constant 0 : i32
        %add3A_1721 = arith.addi %add3A_1720, %mul3A_1719 : i32
        %get3A_1722 = arith.index_cast %add3A_1721 : i32 to index
        %get3A_1723 = tpu.vector_load %arg7[%get3A_1722] {strides = array<i32>} : memref<8144xi32, #tpu.memory_space<vmem>>, vector<16xi32>,
        %mul3A_1724 = arith.constant 16 : i32
        %mul3A_1725 = arith.muli %scan3A_1717, %mul3A_1724 : i32
        %add3A_1726 = arith.constant 0 : i32
        %add3A_1727 = arith.addi %add3A_1726, %mul3A_1725 : i32
        %get3A_1728 = arith.index_cast %add3A_1727 : i32 to index
        %get3A_1729 = tpu.vector_load %arg8[%get3A_1728] {strides = array<i32>} : memref<8144xi32, #tpu.memory_space<vmem>>, vector<16xi32>,
        %mul3A_1730 = arith.constant 16 : i32
        %mul3A_1731 = arith.muli %scan3A_1717, %mul3A_1730 : i32
        %add3A_1732 = arith.constant 0 : i32
        %add3A_1733 = arith.addi %add3A_1732, %mul3A_1731 : i32
        %get3A_1734 = arith.index_cast %add3A_1733 : i32 to index
        %get3A_1735 = tpu.vector_load %arg9[%get3A_1734] {strides = array<i32>} : memref<8144xi32, #tpu.memory_space<vmem>>, vector<16xi32>,
        %gather3A_1736 = tpu.vector_load_idx %arg10[%get3A_1723, %get3A_1729] : memref<8x2048xf32, #tpu.memory_space<vmem>>[vector<16xi32>, vector<16xi32>], vector<16xf32>,
        tpu.vector_store_idx %arg10[%get3A_1681, %get3A_1693], %gather3A_1694 : memref<8x2048xf32, #tpu.memory_space<vmem>>[vector<16xi32>, vector<16xi32>], vector<16xf32>,
        %scan3A_1737 = arith.constant 7 : i32
        %scan3A_1738 = arith.addi %scan3A_1585, %scan3A_1737 : i32
        %mul3A_1739 = arith.constant 16 : i32
        %mul3A_1740 = arith.muli %scan3A_1738, %mul3A_1739 : i32
        %add3A_1741 = arith.constant 0 : i32
        %add3A_1742 = arith.addi %add3A_1741, %mul3A_1740 : i32
        %get3A_1743 = arith.index_cast %add3A_1742 : i32 to index
        %get3A_1744 = tpu.vector_load %arg7[%get3A_1743] {strides = array<i32>} : memref<8144xi32, #tpu.memory_space<vmem>>, vector<16xi32>,
        %mul3A_1745 = arith.constant 16 : i32
        %mul3A_1746 = arith.muli %scan3A_1738, %mul3A_1745 : i32
        %add3A_1747 = arith.constant 0 : i32
        %add3A_1748 = arith.addi %add3A_1747, %mul3A_1746 : i32
        %get3A_1749 = arith.index_cast %add3A_1748 : i32 to index
        %get3A_1750 = tpu.vector_load %arg8[%get3A_1749] {strides = array<i32>} : memref<8144xi32, #tpu.memory_space<vmem>>, vector<16xi32>,
        %mul3A_1751 = arith.constant 16 : i32
        %mul3A_1752 = arith.muli %scan3A_1738, %mul3A_1751 : i32
        %add3A_1753 = arith.constant 0 : i32
        %add3A_1754 = arith.addi %add3A_1753, %mul3A_1752 : i32
        %get3A_1755 = arith.index_cast %add3A_1754 : i32 to index
        %get3A_1756 = tpu.vector_load %arg9[%get3A_1755] {strides = array<i32>} : memref<8144xi32, #tpu.memory_space<vmem>>, vector<16xi32>,
        %gather3A_1757 = tpu.vector_load_idx %arg10[%get3A_1744, %get3A_1750] : memref<8x2048xf32, #tpu.memory_space<vmem>>[vector<16xi32>, vector<16xi32>], vector<16xf32>,
        tpu.vector_store_idx %arg10[%get3A_1702, %get3A_1714], %gather3A_1715 : memref<8x2048xf32, #tpu.memory_space<vmem>>[vector<16xi32>, vector<16xi32>], vector<16xf32>,
        scf.yield %get3A_1723, %get3A_1735, %gather3A_1736, %get3A_1744, %get3A_1756, %gather3A_1757 : vector<16xi32>, vector<16xi32>, vector<16xf32>, vector<16xi32>, vector<16xi32>, vector<16xf32>
      }
      %scan3A_1174 = arith.constant 120 : i32
      %scan3A_1175 = arith.addi %scan3A_1169, %scan3A_1174 : i32
      %mul3A_1176 = arith.constant 16 : i32
      %mul3A_1177 = arith.muli %scan3A_1175, %mul3A_1176 : i32
      %add3A_1178 = arith.constant 0 : i32
      %add3A_1179 = arith.addi %add3A_1178, %mul3A_1177 : i32
      %get3A_1180 = arith.index_cast %add3A_1179 : i32 to index
      %get3A_1181 = tpu.vector_load %arg7[%get3A_1180] {strides = array<i32>} : memref<8144xi32, #tpu.memory_space<vmem>>, vector<16xi32>,
      %mul3A_1182 = arith.constant 16 : i32
      %mul3A_1183 = arith.muli %scan3A_1175, %mul3A_1182 : i32
      %add3A_1184 = arith.constant 0 : i32
      %add3A_1185 = arith.addi %add3A_1184, %mul3A_1183 : i32
      %get3A_1186 = arith.index_cast %add3A_1185 : i32 to index
      %get3A_1187 = tpu.vector_load %arg8[%get3A_1186] {strides = array<i32>} : memref<8144xi32, #tpu.memory_space<vmem>>, vector<16xi32>,
      %mul3A_1188 = arith.constant 16 : i32
      %mul3A_1189 = arith.muli %scan3A_1175, %mul3A_1188 : i32
      %add3A_1190 = arith.constant 0 : i32
      %add3A_1191 = arith.addi %add3A_1190, %mul3A_1189 : i32
      %get3A_1192 = arith.index_cast %add3A_1191 : i32 to index
      %get3A_1193 = tpu.vector_load %arg9[%get3A_1192] {strides = array<i32>} : memref<8144xi32, #tpu.memory_space<vmem>>, vector<16xi32>,
      %gather3A_1194 = tpu.vector_load_idx %arg10[%get3A_1181, %get3A_1187] : memref<8x2048xf32, #tpu.memory_space<vmem>>[vector<16xi32>, vector<16xi32>], vector<16xf32>,
      tpu.vector_store_idx %arg10[%scan3A_1173#0, %scan3A_1173#1], %scan3A_1173#2 : memref<8x2048xf32, #tpu.memory_space<vmem>>[vector<16xi32>, vector<16xi32>], vector<16xf32>,
      %scan3A_1195 = arith.constant 121 : i32
      %scan3A_1196 = arith.addi %scan3A_1169, %scan3A_1195 : i32
      %mul3A_1197 = arith.constant 16 : i32
      %mul3A_1198 = arith.muli %scan3A_1196, %mul3A_1197 : i32
      %add3A_1199 = arith.constant 0 : i32
      %add3A_1200 = arith.addi %add3A_1199, %mul3A_1198 : i32
      %get3A_1201 = arith.index_cast %add3A_1200 : i32 to index
      %get3A_1202 = tpu.vector_load %arg7[%get3A_1201] {strides = array<i32>} : memref<8144xi32, #tpu.memory_space<vmem>>, vector<16xi32>,
      %mul3A_1203 = arith.constant 16 : i32
      %mul3A_1204 = arith.muli %scan3A_1196, %mul3A_1203 : i32
      %add3A_1205 = arith.constant 0 : i32
      %add3A_1206 = arith.addi %add3A_1205, %mul3A_1204 : i32
      %get3A_1207 = arith.index_cast %add3A_1206 : i32 to index
      %get3A_1208 = tpu.vector_load %arg8[%get3A_1207] {strides = array<i32>} : memref<8144xi32, #tpu.memory_space<vmem>>, vector<16xi32>,
      %mul3A_1209 = arith.constant 16 : i32
      %mul3A_1210 = arith.muli %scan3A_1196, %mul3A_1209 : i32
      %add3A_1211 = arith.constant 0 : i32
      %add3A_1212 = arith.addi %add3A_1211, %mul3A_1210 : i32
      %get3A_1213 = arith.index_cast %add3A_1212 : i32 to index
      %get3A_1214 = tpu.vector_load %arg9[%get3A_1213] {strides = array<i32>} : memref<8144xi32, #tpu.memory_space<vmem>>, vector<16xi32>,
      %gather3A_1215 = tpu.vector_load_idx %arg10[%get3A_1202, %get3A_1208] : memref<8x2048xf32, #tpu.memory_space<vmem>>[vector<16xi32>, vector<16xi32>], vector<16xf32>,
      tpu.vector_store_idx %arg10[%scan3A_1173#3, %scan3A_1173#4], %scan3A_1173#5 : memref<8x2048xf32, #tpu.memory_space<vmem>>[vector<16xi32>, vector<16xi32>], vector<16xf32>,
      %scan3A_1216 = arith.constant 122 : i32
      tpu.vector_store_idx %arg10[%get3A_1181, %get3A_1193], %gather3A_1194 : memref<8x2048xf32, #tpu.memory_space<vmem>>[vector<16xi32>, vector<16xi32>], vector<16xf32>,
      tpu.vector_store_idx %arg10[%get3A_1202, %get3A_1214], %gather3A_1215 : memref<8x2048xf32, #tpu.memory_space<vmem>>[vector<16xi32>, vector<16xi32>], vector<16xf32>,
      %jit3A_1217 = arith.constant 4 : i32
      %div3A_1218 = arith.divsi %add3A_1007, %jit3A_1217 : i32
      %sign3A_1219 = arith.constant 0 : i32
      %sign3A_1220 = arith.cmpi sgt, %add3A_1007, %sign3A_1219 : i32
      %sign3A_1221 = arith.extui %sign3A_1220 : i1 to i32
      %sign3A_1222 = arith.constant 0 : i32
      %sign3A_1223 = arith.cmpi slt, %add3A_1007, %sign3A_1222 : i32
      %sign3A_1224 = arith.extui %sign3A_1223 : i1 to i32
      %sign3A_1225 = arith.subi %sign3A_1221, %sign3A_1224 : i32
      %sign3A_1226 = arith.constant 0 : i32
      %sign3A_1227 = arith.cmpi sgt, %jit3A_1217, %sign3A_1226 : i32
      %sign3A_1228 = arith.extui %sign3A_1227 : i1 to i32
      %sign3A_1229 = arith.constant 0 : i32
      %sign3A_1230 = arith.cmpi slt, %jit3A_1217, %sign3A_1229 : i32
      %sign3A_1231 = arith.extui %sign3A_1230 : i1 to i32
      %sign3A_1232 = arith.subi %sign3A_1228, %sign3A_1231 : i32
      %ne3A_1233 = arith.cmpi ne, %sign3A_1225, %sign3A_1232 : i32
      %rem3A_1234 = arith.remsi %add3A_1007, %jit3A_1217 : i32
      %ne3A_1235 = arith.constant 0 : i32
      %ne3A_1236 = arith.cmpi ne, %rem3A_1234, %ne3A_1235 : i32
      %and3A_1237 = arith.andi %ne3A_1233, %ne3A_1236 : i1
      %sub3A_1238 = arith.constant 1 : i32
      %sub3A_1239 = arith.subi %div3A_1218, %sub3A_1238 : i32
      %select_n3A_1240 = arith.select %and3A_1237, %sub3A_1239, %div3A_1218 : i32
      %mul3A_1241 = arith.constant 8 : i32
      %mul3A_1242 = arith.muli %select_n3A_1240, %mul3A_1241 : i32
      %add3A_1243 = arith.addi %mul3A_2, %mul3A_1242 : i32
      %jit3A_1244 = arith.constant 4 : i32
      %eq3A_1245 = arith.constant 0 : i32
      %eq3A_1246 = arith.cmpi eq, %jit3A_1244, %eq3A_1245 : i32
      %jit3A_1247 = arith.constant 1 : i32
      %select_n3A_1248 = arith.select %eq3A_1246, %jit3A_1247, %jit3A_1244 : i32
      %rem3A_1249 = arith.remsi %add3A_1007, %select_n3A_1248 : i32
      %ne3A_1250 = arith.constant 0 : i32
      %ne3A_1251 = arith.cmpi ne, %rem3A_1249, %ne3A_1250 : i32
      %lt3A_1252 = arith.constant 0 : i32
      %lt3A_1253 = arith.cmpi slt, %rem3A_1249, %lt3A_1252 : i32
      %lt3A_1254 = arith.constant 0 : i32
      %lt3A_1255 = arith.cmpi slt, %select_n3A_1248, %lt3A_1254 : i32
      %ne3A_1256 = arith.xori %lt3A_1253, %lt3A_1255 : i1
      %and3A_1257 = arith.andi %ne3A_1256, %ne3A_1251 : i1
      %add3A_1258 = arith.addi %rem3A_1249, %select_n3A_1248 : i32
      %select_n3A_1259 = arith.select %and3A_1257, %add3A_1258, %rem3A_1249 : i32
      %mul3A_1260 = arith.constant 2048 : i32
      %mul3A_1261 = arith.muli %select_n3A_1259, %mul3A_1260 : i32
      %dma_start3A_1262 = tpu.memref_slice %arg6[%add3A_1243, %mul3A_1261] : memref<4096x8192xf32, #tpu.memory_space<hbm>> -> memref<8x2048xf32, #tpu.memory_space<hbm>>
      %dma_start3A_1263 = tpu.memref_slice %arg6[%add3A_1243, %mul3A_1261] : memref<4096x8192xf32, #tpu.memory_space<hbm>> -> memref<8x2048xf32, #tpu.memory_space<hbm>>
      tpu.enqueue_dma source(%arg10 : memref<8x2048xf32, #tpu.memory_space<vmem>>) target(%dma_start3A_1263 : memref<8x2048xf32, #tpu.memory_space<hbm>>) target_semaphore(%arg18 : memref<!tpu.dma_semaphore, #tpu.memory_space<semaphore_mem>>)
      %add3A_1264 = arith.constant 3 : i32
      %add3A_1265 = arith.addi %add3A_457, %add3A_1264 : i32
      %add3A_1266 = arith.constant 2 : i32
      %add3A_1267 = arith.addi %add3A_1265, %add3A_1266 : i32
      %sub3A_1268 = arith.constant 4 : i32
      %sub3A_1269 = arith.subi %add3A_1267, %sub3A_1268 : i32
      %jit3A_1270 = arith.constant 4 : i32
      %div3A_1271 = arith.divsi %sub3A_1269, %jit3A_1270 : i32
      %sign3A_1272 = arith.constant 0 : i32
      %sign3A_1273 = arith.cmpi sgt, %sub3A_1269, %sign3A_1272 : i32
      %sign3A_1274 = arith.extui %sign3A_1273 : i1 to i32
      %sign3A_1275 = arith.constant 0 : i32
      %sign3A_1276 = arith.cmpi slt, %sub3A_1269, %sign3A_1275 : i32
      %sign3A_1277 = arith.extui %sign3A_1276 : i1 to i32
      %sign3A_1278 = arith.subi %sign3A_1274, %sign3A_1277 : i32
      %sign3A_1279 = arith.constant 0 : i32
      %sign3A_1280 = arith.cmpi sgt, %jit3A_1270, %sign3A_1279 : i32
      %sign3A_1281 = arith.extui %sign3A_1280 : i1 to i32
      %sign3A_1282 = arith.constant 0 : i32
      %sign3A_1283 = arith.cmpi slt, %jit3A_1270, %sign3A_1282 : i32
      %sign3A_1284 = arith.extui %sign3A_1283 : i1 to i32
      %sign3A_1285 = arith.subi %sign3A_1281, %sign3A_1284 : i32
      %ne3A_1286 = arith.cmpi ne, %sign3A_1278, %sign3A_1285 : i32
      %rem3A_1287 = arith.remsi %sub3A_1269, %jit3A_1270 : i32
      %ne3A_1288 = arith.constant 0 : i32
      %ne3A_1289 = arith.cmpi ne, %rem3A_1287, %ne3A_1288 : i32
      %and3A_1290 = arith.andi %ne3A_1286, %ne3A_1289 : i1
      %sub3A_1291 = arith.constant 1 : i32
      %sub3A_1292 = arith.subi %div3A_1271, %sub3A_1291 : i32
      %select_n3A_1293 = arith.select %and3A_1290, %sub3A_1292, %div3A_1271 : i32
      %mul3A_1294 = arith.constant 8 : i32
      %mul3A_1295 = arith.muli %select_n3A_1293, %mul3A_1294 : i32
      %add3A_1296 = arith.addi %mul3A_2, %mul3A_1295 : i32
      %jit3A_1297 = arith.constant 4 : i32
      %eq3A_1298 = arith.constant 0 : i32
      %eq3A_1299 = arith.cmpi eq, %jit3A_1297, %eq3A_1298 : i32
      %jit3A_1300 = arith.constant 1 : i32
      %select_n3A_1301 = arith.select %eq3A_1299, %jit3A_1300, %jit3A_1297 : i32
      %rem3A_1302 = arith.remsi %sub3A_1269, %select_n3A_1301 : i32
      %ne3A_1303 = arith.constant 0 : i32
      %ne3A_1304 = arith.cmpi ne, %rem3A_1302, %ne3A_1303 : i32
      %lt3A_1305 = arith.constant 0 : i32
      %lt3A_1306 = arith.cmpi slt, %rem3A_1302, %lt3A_1305 : i32
      %lt3A_1307 = arith.constant 0 : i32
      %lt3A_1308 = arith.cmpi slt, %select_n3A_1301, %lt3A_1307 : i32
      %ne3A_1309 = arith.xori %lt3A_1306, %lt3A_1308 : i1
      %and3A_1310 = arith.andi %ne3A_1309, %ne3A_1304 : i1
      %add3A_1311 = arith.addi %rem3A_1302, %select_n3A_1301 : i32
      %select_n3A_1312 = arith.select %and3A_1310, %add3A_1311, %rem3A_1302 : i32
      %mul3A_1313 = arith.constant 2048 : i32
      %mul3A_1314 = arith.muli %select_n3A_1312, %mul3A_1313 : i32
      %dma_wait3A_1315 = tpu.memref_slice %arg6[%add3A_1296, %mul3A_1314] : memref<4096x8192xf32, #tpu.memory_space<hbm>> -> memref<8x2048xf32, #tpu.memory_space<hbm>>
      %dma_wait3A_1316 = tpu.memref_slice %arg6[%add3A_1296, %mul3A_1314] : memref<4096x8192xf32, #tpu.memory_space<hbm>> -> memref<8x2048xf32, #tpu.memory_space<hbm>>
      tpu.wait_dma2 semaphore(%arg21 : memref<!tpu.dma_semaphore, #tpu.memory_space<semaphore_mem>>) src(%arg13 : memref<8x2048xf32, #tpu.memory_space<vmem>>) dst(%dma_wait3A_1316 : memref<8x2048xf32, #tpu.memory_space<hbm>>)
      %add3A_1317 = arith.constant 2 : i32
      %add3A_1318 = arith.addi %add3A_1265, %add3A_1317 : i32
      %jit3A_1319 = arith.constant 4 : i32
      %div3A_1320 = arith.divsi %add3A_1318, %jit3A_1319 : i32
      %sign3A_1321 = arith.constant 0 : i32
      %sign3A_1322 = arith.cmpi sgt, %add3A_1318, %sign3A_1321 : i32
      %sign3A_1323 = arith.extui %sign3A_1322 : i1 to i32
      %sign3A_1324 = arith.constant 0 : i32
      %sign3A_1325 = arith.cmpi slt, %add3A_1318, %sign3A_1324 : i32
      %sign3A_1326 = arith.extui %sign3A_1325 : i1 to i32
      %sign3A_1327 = arith.subi %sign3A_1323, %sign3A_1326 : i32
      %sign3A_1328 = arith.constant 0 : i32
      %sign3A_1329 = arith.cmpi sgt, %jit3A_1319, %sign3A_1328 : i32
      %sign3A_1330 = arith.extui %sign3A_1329 : i1 to i32
      %sign3A_1331 = arith.constant 0 : i32
      %sign3A_1332 = arith.cmpi slt, %jit3A_1319, %sign3A_1331 : i32
      %sign3A_1333 = arith.extui %sign3A_1332 : i1 to i32
      %sign3A_1334 = arith.subi %sign3A_1330, %sign3A_1333 : i32
      %ne3A_1335 = arith.cmpi ne, %sign3A_1327, %sign3A_1334 : i32
      %rem3A_1336 = arith.remsi %add3A_1318, %jit3A_1319 : i32
      %ne3A_1337 = arith.constant 0 : i32
      %ne3A_1338 = arith.cmpi ne, %rem3A_1336, %ne3A_1337 : i32
      %and3A_1339 = arith.andi %ne3A_1335, %ne3A_1338 : i1
      %sub3A_1340 = arith.constant 1 : i32
      %sub3A_1341 = arith.subi %div3A_1320, %sub3A_1340 : i32
      %select_n3A_1342 = arith.select %and3A_1339, %sub3A_1341, %div3A_1320 : i32
      %mul3A_1343 = arith.constant 8 : i32
      %mul3A_1344 = arith.muli %select_n3A_1342, %mul3A_1343 : i32
      %add3A_1345 = arith.addi %mul3A_2, %mul3A_1344 : i32
      %jit3A_1346 = arith.constant 4 : i32
      %eq3A_1347 = arith.constant 0 : i32
      %eq3A_1348 = arith.cmpi eq, %jit3A_1346, %eq3A_1347 : i32
      %jit3A_1349 = arith.constant 1 : i32
      %select_n3A_1350 = arith.select %eq3A_1348, %jit3A_1349, %jit3A_1346 : i32
      %rem3A_1351 = arith.remsi %add3A_1318, %select_n3A_1350 : i32
      %ne3A_1352 = arith.constant 0 : i32
      %ne3A_1353 = arith.cmpi ne, %rem3A_1351, %ne3A_1352 : i32
      %lt3A_1354 = arith.constant 0 : i32
      %lt3A_1355 = arith.cmpi slt, %rem3A_1351, %lt3A_1354 : i32
      %lt3A_1356 = arith.constant 0 : i32
      %lt3A_1357 = arith.cmpi slt, %select_n3A_1350, %lt3A_1356 : i32
      %ne3A_1358 = arith.xori %lt3A_1355, %lt3A_1357 : i1
      %and3A_1359 = arith.andi %ne3A_1358, %ne3A_1353 : i1
      %add3A_1360 = arith.addi %rem3A_1351, %select_n3A_1350 : i32
      %select_n3A_1361 = arith.select %and3A_1359, %add3A_1360, %rem3A_1351 : i32
      %mul3A_1362 = arith.constant 2048 : i32
      %mul3A_1363 = arith.muli %select_n3A_1361, %mul3A_1362 : i32
      %dma_start3A_1364 = tpu.memref_slice %arg2[%add3A_1345, %mul3A_1363] : memref<4096x8192xf32, #tpu.memory_space<hbm>> -> memref<8x2048xf32, #tpu.memory_space<hbm>>
      %dma_start3A_1365 = tpu.memref_slice %arg2[%add3A_1345, %mul3A_1363] : memref<4096x8192xf32, #tpu.memory_space<hbm>> -> memref<8x2048xf32, #tpu.memory_space<hbm>>
      tpu.enqueue_dma source(%dma_start3A_1365 : memref<8x2048xf32, #tpu.memory_space<hbm>>) target(%arg13 : memref<8x2048xf32, #tpu.memory_space<vmem>>) target_semaphore(%arg17 : memref<!tpu.dma_semaphore, #tpu.memory_space<semaphore_mem>>)
      %jit3A_1366 = arith.constant 4 : i32
      %div3A_1367 = arith.divsi %add3A_1265, %jit3A_1366 : i32
      %sign3A_1368 = arith.constant 0 : i32
      %sign3A_1369 = arith.cmpi sgt, %add3A_1265, %sign3A_1368 : i32
      %sign3A_1370 = arith.extui %sign3A_1369 : i1 to i32
      %sign3A_1371 = arith.constant 0 : i32
      %sign3A_1372 = arith.cmpi slt, %add3A_1265, %sign3A_1371 : i32
      %sign3A_1373 = arith.extui %sign3A_1372 : i1 to i32
      %sign3A_1374 = arith.subi %sign3A_1370, %sign3A_1373 : i32
      %sign3A_1375 = arith.constant 0 : i32
      %sign3A_1376 = arith.cmpi sgt, %jit3A_1366, %sign3A_1375 : i32
      %sign3A_1377 = arith.extui %sign3A_1376 : i1 to i32
      %sign3A_1378 = arith.constant 0 : i32
      %sign3A_1379 = arith.cmpi slt, %jit3A_1366, %sign3A_1378 : i32
      %sign3A_1380 = arith.extui %sign3A_1379 : i1 to i32
      %sign3A_1381 = arith.subi %sign3A_1377, %sign3A_1380 : i32
      %ne3A_1382 = arith.cmpi ne, %sign3A_1374, %sign3A_1381 : i32
      %rem3A_1383 = arith.remsi %add3A_1265, %jit3A_1366 : i32
      %ne3A_1384 = arith.constant 0 : i32
      %ne3A_1385 = arith.cmpi ne, %rem3A_1383, %ne3A_1384 : i32
      %and3A_1386 = arith.andi %ne3A_1382, %ne3A_1385 : i1
      %sub3A_1387 = arith.constant 1 : i32
      %sub3A_1388 = arith.subi %div3A_1367, %sub3A_1387 : i32
      %select_n3A_1389 = arith.select %and3A_1386, %sub3A_1388, %div3A_1367 : i32
      %mul3A_1390 = arith.constant 8 : i32
      %mul3A_1391 = arith.muli %select_n3A_1389, %mul3A_1390 : i32
      %add3A_1392 = arith.addi %mul3A_2, %mul3A_1391 : i32
      %jit3A_1393 = arith.constant 4 : i32
      %eq3A_1394 = arith.constant 0 : i32
      %eq3A_1395 = arith.cmpi eq, %jit3A_1393, %eq3A_1394 : i32
      %jit3A_1396 = arith.constant 1 : i32
      %select_n3A_1397 = arith.select %eq3A_1395, %jit3A_1396, %jit3A_1393 : i32
      %rem3A_1398 = arith.remsi %add3A_1265, %select_n3A_1397 : i32
      %ne3A_1399 = arith.constant 0 : i32
      %ne3A_1400 = arith.cmpi ne, %rem3A_1398, %ne3A_1399 : i32
      %lt3A_1401 = arith.constant 0 : i32
      %lt3A_1402 = arith.cmpi slt, %rem3A_1398, %lt3A_1401 : i32
      %lt3A_1403 = arith.constant 0 : i32
      %lt3A_1404 = arith.cmpi slt, %select_n3A_1397, %lt3A_1403 : i32
      %ne3A_1405 = arith.xori %lt3A_1402, %lt3A_1404 : i1
      %and3A_1406 = arith.andi %ne3A_1405, %ne3A_1400 : i1
      %add3A_1407 = arith.addi %rem3A_1398, %select_n3A_1397 : i32
      %select_n3A_1408 = arith.select %and3A_1406, %add3A_1407, %rem3A_1398 : i32
      %mul3A_1409 = arith.constant 2048 : i32
      %mul3A_1410 = arith.muli %select_n3A_1408, %mul3A_1409 : i32
      %dma_wait3A_1411 = tpu.memref_slice %arg2[%add3A_1392, %mul3A_1410] : memref<4096x8192xf32, #tpu.memory_space<hbm>> -> memref<8x2048xf32, #tpu.memory_space<hbm>>
      %dma_wait3A_1412 = tpu.memref_slice %arg2[%add3A_1392, %mul3A_1410] : memref<4096x8192xf32, #tpu.memory_space<hbm>> -> memref<8x2048xf32, #tpu.memory_space<hbm>>
      tpu.wait_dma2 semaphore(%arg15 : memref<!tpu.dma_semaphore, #tpu.memory_space<semaphore_mem>>) src(%dma_wait3A_1412 : memref<8x2048xf32, #tpu.memory_space<hbm>>) dst(%arg11 : memref<8x2048xf32, #tpu.memory_space<vmem>>)
      %get3A_1413 = arith.constant 1984 : index
      %get3A_1414 = tpu.vector_load %arg7[%get3A_1413] {strides = array<i32>} : memref<8144xi32, #tpu.memory_space<vmem>>, vector<16xi32>,
      %get3A_1415 = arith.constant 1984 : index
      %get3A_1416 = tpu.vector_load %arg8[%get3A_1415] {strides = array<i32>} : memref<8144xi32, #tpu.memory_space<vmem>>, vector<16xi32>,
      %get3A_1417 = arith.constant 1984 : index
      %get3A_1418 = tpu.vector_load %arg9[%get3A_1417] {strides = array<i32>} : memref<8144xi32, #tpu.memory_space<vmem>>, vector<16xi32>,
      %gather3A_1419 = tpu.vector_load_idx %arg11[%get3A_1414, %get3A_1416] : memref<8x2048xf32, #tpu.memory_space<vmem>>[vector<16xi32>, vector<16xi32>], vector<16xf32>,
      %get3A_1420 = arith.constant 2000 : index
      %get3A_1421 = tpu.vector_load %arg7[%get3A_1420] {strides = array<i32>} : memref<8144xi32, #tpu.memory_space<vmem>>, vector<16xi32>,
      %get3A_1422 = arith.constant 2000 : index
      %get3A_1423 = tpu.vector_load %arg8[%get3A_1422] {strides = array<i32>} : memref<8144xi32, #tpu.memory_space<vmem>>, vector<16xi32>,
      %get3A_1424 = arith.constant 2000 : index
      %get3A_1425 = tpu.vector_load %arg9[%get3A_1424] {strides = array<i32>} : memref<8144xi32, #tpu.memory_space<vmem>>, vector<16xi32>,
      %gather3A_1426 = tpu.vector_load_idx %arg11[%get3A_1421, %get3A_1423] : memref<8x2048xf32, #tpu.memory_space<vmem>>[vector<16xi32>, vector<16xi32>], vector<16xf32>,
      %scan3A_1427 = arith.constant 2 : i32
      %scan3A_1428 = arith.constant 120 : i32
      %scan3A_1429 = arith.addi %scan3A_1427, %scan3A_1428 : i32
      %scan3A_1430 = arith.constant 8 : i32
      %scan3A_1431:6 = scf.for %scan3A_1585 = %scan3A_1427 to %scan3A_1429 step %scan3A_1430 iter_args(%scan3A_1586 = %get3A_1414, %scan3A_1587 = %get3A_1418, %scan3A_1588 = %gather3A_1419, %scan3A_1589 = %get3A_1421, %scan3A_1590 = %get3A_1425, %scan3A_1591 = %gather3A_1426) -> (vector<16xi32>, vector<16xi32>, vector<16xf32>, vector<16xi32>, vector<16xi32>, vector<16xf32>)  : i32 {
        %mul3A_1592 = arith.constant 16 : i32
        %mul3A_1593 = arith.muli %scan3A_1585, %mul3A_1592 : i32
        %add3A_1594 = arith.constant 1984 : i32
        %add3A_1595 = arith.addi %add3A_1594, %mul3A_1593 : i32
        %get3A_1596 = arith.index_cast %add3A_1595 : i32 to index
        %get3A_1597 = tpu.vector_load %arg7[%get3A_1596] {strides = array<i32>} : memref<8144xi32, #tpu.memory_space<vmem>>, vector<16xi32>,
        %mul3A_1598 = arith.constant 16 : i32
        %mul3A_1599 = arith.muli %scan3A_1585, %mul3A_1598 : i32
        %add3A_1600 = arith.constant 1984 : i32
        %add3A_1601 = arith.addi %add3A_1600, %mul3A_1599 : i32
        %get3A_1602 = arith.index_cast %add3A_1601 : i32 to index
        %get3A_1603 = tpu.vector_load %arg8[%get3A_1602] {strides = array<i32>} : memref<8144xi32, #tpu.memory_space<vmem>>, vector<16xi32>,
        %mul3A_1604 = arith.constant 16 : i32
        %mul3A_1605 = arith.muli %scan3A_1585, %mul3A_1604 : i32
        %add3A_1606 = arith.constant 1984 : i32
        %add3A_1607 = arith.addi %add3A_1606, %mul3A_1605 : i32
        %get3A_1608 = arith.index_cast %add3A_1607 : i32 to index
        %get3A_1609 = tpu.vector_load %arg9[%get3A_1608] {strides = array<i32>} : memref<8144xi32, #tpu.memory_space<vmem>>, vector<16xi32>,
        %gather3A_1610 = tpu.vector_load_idx %arg11[%get3A_1597, %get3A_1603] : memref<8x2048xf32, #tpu.memory_space<vmem>>[vector<16xi32>, vector<16xi32>], vector<16xf32>,
        tpu.vector_store_idx %arg11[%scan3A_1586, %scan3A_1587], %scan3A_1588 : memref<8x2048xf32, #tpu.memory_space<vmem>>[vector<16xi32>, vector<16xi32>], vector<16xf32>,
        %scan3A_1611 = arith.constant 1 : i32
        %scan3A_1612 = arith.addi %scan3A_1585, %scan3A_1611 : i32
        %mul3A_1613 = arith.constant 16 : i32
        %mul3A_1614 = arith.muli %scan3A_1612, %mul3A_1613 : i32
        %add3A_1615 = arith.constant 1984 : i32
        %add3A_1616 = arith.addi %add3A_1615, %mul3A_1614 : i32
        %get3A_1617 = arith.index_cast %add3A_1616 : i32 to index
        %get3A_1618 = tpu.vector_load %arg7[%get3A_1617] {strides = array<i32>} : memref<8144xi32, #tpu.memory_space<vmem>>, vector<16xi32>,
        %mul3A_1619 = arith.constant 16 : i32
        %mul3A_1620 = arith.muli %scan3A_1612, %mul3A_1619 : i32
        %add3A_1621 = arith.constant 1984 : i32
        %add3A_1622 = arith.addi %add3A_1621, %mul3A_1620 : i32
        %get3A_1623 = arith.index_cast %add3A_1622 : i32 to index
        %get3A_1624 = tpu.vector_load %arg8[%get3A_1623] {strides = array<i32>} : memref<8144xi32, #tpu.memory_space<vmem>>, vector<16xi32>,
        %mul3A_1625 = arith.constant 16 : i32
        %mul3A_1626 = arith.muli %scan3A_1612, %mul3A_1625 : i32
        %add3A_1627 = arith.constant 1984 : i32
        %add3A_1628 = arith.addi %add3A_1627, %mul3A_1626 : i32
        %get3A_1629 = arith.index_cast %add3A_1628 : i32 to index
        %get3A_1630 = tpu.vector_load %arg9[%get3A_1629] {strides = array<i32>} : memref<8144xi32, #tpu.memory_space<vmem>>, vector<16xi32>,
        %gather3A_1631 = tpu.vector_load_idx %arg11[%get3A_1618, %get3A_1624] : memref<8x2048xf32, #tpu.memory_space<vmem>>[vector<16xi32>, vector<16xi32>], vector<16xf32>,
        tpu.vector_store_idx %arg11[%scan3A_1589, %scan3A_1590], %scan3A_1591 : memref<8x2048xf32, #tpu.memory_space<vmem>>[vector<16xi32>, vector<16xi32>], vector<16xf32>,
        %scan3A_1632 = arith.constant 2 : i32
        %scan3A_1633 = arith.addi %scan3A_1585, %scan3A_1632 : i32
        %mul3A_1634 = arith.constant 16 : i32
        %mul3A_1635 = arith.muli %scan3A_1633, %mul3A_1634 : i32
        %add3A_1636 = arith.constant 1984 : i32
        %add3A_1637 = arith.addi %add3A_1636, %mul3A_1635 : i32
        %get3A_1638 = arith.index_cast %add3A_1637 : i32 to index
        %get3A_1639 = tpu.vector_load %arg7[%get3A_1638] {strides = array<i32>} : memref<8144xi32, #tpu.memory_space<vmem>>, vector<16xi32>,
        %mul3A_1640 = arith.constant 16 : i32
        %mul3A_1641 = arith.muli %scan3A_1633, %mul3A_1640 : i32
        %add3A_1642 = arith.constant 1984 : i32
        %add3A_1643 = arith.addi %add3A_1642, %mul3A_1641 : i32
        %get3A_1644 = arith.index_cast %add3A_1643 : i32 to index
        %get3A_1645 = tpu.vector_load %arg8[%get3A_1644] {strides = array<i32>} : memref<8144xi32, #tpu.memory_space<vmem>>, vector<16xi32>,
        %mul3A_1646 = arith.constant 16 : i32
        %mul3A_1647 = arith.muli %scan3A_1633, %mul3A_1646 : i32
        %add3A_1648 = arith.constant 1984 : i32
        %add3A_1649 = arith.addi %add3A_1648, %mul3A_1647 : i32
        %get3A_1650 = arith.index_cast %add3A_1649 : i32 to index
        %get3A_1651 = tpu.vector_load %arg9[%get3A_1650] {strides = array<i32>} : memref<8144xi32, #tpu.memory_space<vmem>>, vector<16xi32>,
        %gather3A_1652 = tpu.vector_load_idx %arg11[%get3A_1639, %get3A_1645] : memref<8x2048xf32, #tpu.memory_space<vmem>>[vector<16xi32>, vector<16xi32>], vector<16xf32>,
        tpu.vector_store_idx %arg11[%get3A_1597, %get3A_1609], %gather3A_1610 : memref<8x2048xf32, #tpu.memory_space<vmem>>[vector<16xi32>, vector<16xi32>], vector<16xf32>,
        %scan3A_1653 = arith.constant 3 : i32
        %scan3A_1654 = arith.addi %scan3A_1585, %scan3A_1653 : i32
        %mul3A_1655 = arith.constant 16 : i32
        %mul3A_1656 = arith.muli %scan3A_1654, %mul3A_1655 : i32
        %add3A_1657 = arith.constant 1984 : i32
        %add3A_1658 = arith.addi %add3A_1657, %mul3A_1656 : i32
        %get3A_1659 = arith.index_cast %add3A_1658 : i32 to index
        %get3A_1660 = tpu.vector_load %arg7[%get3A_1659] {strides = array<i32>} : memref<8144xi32, #tpu.memory_space<vmem>>, vector<16xi32>,
        %mul3A_1661 = arith.constant 16 : i32
        %mul3A_1662 = arith.muli %scan3A_1654, %mul3A_1661 : i32
        %add3A_1663 = arith.constant 1984 : i32
        %add3A_1664 = arith.addi %add3A_1663, %mul3A_1662 : i32
        %get3A_1665 = arith.index_cast %add3A_1664 : i32 to index
        %get3A_1666 = tpu.vector_load %arg8[%get3A_1665] {strides = array<i32>} : memref<8144xi32, #tpu.memory_space<vmem>>, vector<16xi32>,
        %mul3A_1667 = arith.constant 16 : i32
        %mul3A_1668 = arith.muli %scan3A_1654, %mul3A_1667 : i32
        %add3A_1669 = arith.constant 1984 : i32
        %add3A_1670 = arith.addi %add3A_1669, %mul3A_1668 : i32
        %get3A_1671 = arith.index_cast %add3A_1670 : i32 to index
        %get3A_1672 = tpu.vector_load %arg9[%get3A_1671] {strides = array<i32>} : memref<8144xi32, #tpu.memory_space<vmem>>, vector<16xi32>,
        %gather3A_1673 = tpu.vector_load_idx %arg11[%get3A_1660, %get3A_1666] : memref<8x2048xf32, #tpu.memory_space<vmem>>[vector<16xi32>, vector<16xi32>], vector<16xf32>,
        tpu.vector_store_idx %arg11[%get3A_1618, %get3A_1630], %gather3A_1631 : memref<8x2048xf32, #tpu.memory_space<vmem>>[vector<16xi32>, vector<16xi32>], vector<16xf32>,
        %scan3A_1674 = arith.constant 4 : i32
        %scan3A_1675 = arith.addi %scan3A_1585, %scan3A_1674 : i32
        %mul3A_1676 = arith.constant 16 : i32
        %mul3A_1677 = arith.muli %scan3A_1675, %mul3A_1676 : i32
        %add3A_1678 = arith.constant 1984 : i32
        %add3A_1679 = arith.addi %add3A_1678, %mul3A_1677 : i32
        %get3A_1680 = arith.index_cast %add3A_1679 : i32 to index
        %get3A_1681 = tpu.vector_load %arg7[%get3A_1680] {strides = array<i32>} : memref<8144xi32, #tpu.memory_space<vmem>>, vector<16xi32>,
        %mul3A_1682 = arith.constant 16 : i32
        %mul3A_1683 = arith.muli %scan3A_1675, %mul3A_1682 : i32
        %add3A_1684 = arith.constant 1984 : i32
        %add3A_1685 = arith.addi %add3A_1684, %mul3A_1683 : i32
        %get3A_1686 = arith.index_cast %add3A_1685 : i32 to index
        %get3A_1687 = tpu.vector_load %arg8[%get3A_1686] {strides = array<i32>} : memref<8144xi32, #tpu.memory_space<vmem>>, vector<16xi32>,
        %mul3A_1688 = arith.constant 16 : i32
        %mul3A_1689 = arith.muli %scan3A_1675, %mul3A_1688 : i32
        %add3A_1690 = arith.constant 1984 : i32
        %add3A_1691 = arith.addi %add3A_1690, %mul3A_1689 : i32
        %get3A_1692 = arith.index_cast %add3A_1691 : i32 to index
        %get3A_1693 = tpu.vector_load %arg9[%get3A_1692] {strides = array<i32>} : memref<8144xi32, #tpu.memory_space<vmem>>, vector<16xi32>,
        %gather3A_1694 = tpu.vector_load_idx %arg11[%get3A_1681, %get3A_1687] : memref<8x2048xf32, #tpu.memory_space<vmem>>[vector<16xi32>, vector<16xi32>], vector<16xf32>,
        tpu.vector_store_idx %arg11[%get3A_1639, %get3A_1651], %gather3A_1652 : memref<8x2048xf32, #tpu.memory_space<vmem>>[vector<16xi32>, vector<16xi32>], vector<16xf32>,
        %scan3A_1695 = arith.constant 5 : i32
        %scan3A_1696 = arith.addi %scan3A_1585, %scan3A_1695 : i32
        %mul3A_1697 = arith.constant 16 : i32
        %mul3A_1698 = arith.muli %scan3A_1696, %mul3A_1697 : i32
        %add3A_1699 = arith.constant 1984 : i32
        %add3A_1700 = arith.addi %add3A_1699, %mul3A_1698 : i32
        %get3A_1701 = arith.index_cast %add3A_1700 : i32 to index
        %get3A_1702 = tpu.vector_load %arg7[%get3A_1701] {strides = array<i32>} : memref<8144xi32, #tpu.memory_space<vmem>>, vector<16xi32>,
        %mul3A_1703 = arith.constant 16 : i32
        %mul3A_1704 = arith.muli %scan3A_1696, %mul3A_1703 : i32
        %add3A_1705 = arith.constant 1984 : i32
        %add3A_1706 = arith.addi %add3A_1705, %mul3A_1704 : i32
        %get3A_1707 = arith.index_cast %add3A_1706 : i32 to index
        %get3A_1708 = tpu.vector_load %arg8[%get3A_1707] {strides = array<i32>} : memref<8144xi32, #tpu.memory_space<vmem>>, vector<16xi32>,
        %mul3A_1709 = arith.constant 16 : i32
        %mul3A_1710 = arith.muli %scan3A_1696, %mul3A_1709 : i32
        %add3A_1711 = arith.constant 1984 : i32
        %add3A_1712 = arith.addi %add3A_1711, %mul3A_1710 : i32
        %get3A_1713 = arith.index_cast %add3A_1712 : i32 to index
        %get3A_1714 = tpu.vector_load %arg9[%get3A_1713] {strides = array<i32>} : memref<8144xi32, #tpu.memory_space<vmem>>, vector<16xi32>,
        %gather3A_1715 = tpu.vector_load_idx %arg11[%get3A_1702, %get3A_1708] : memref<8x2048xf32, #tpu.memory_space<vmem>>[vector<16xi32>, vector<16xi32>], vector<16xf32>,
        tpu.vector_store_idx %arg11[%get3A_1660, %get3A_1672], %gather3A_1673 : memref<8x2048xf32, #tpu.memory_space<vmem>>[vector<16xi32>, vector<16xi32>], vector<16xf32>,
        %scan3A_1716 = arith.constant 6 : i32
        %scan3A_1717 = arith.addi %scan3A_1585, %scan3A_1716 : i32
        %mul3A_1718 = arith.constant 16 : i32
        %mul3A_1719 = arith.muli %scan3A_1717, %mul3A_1718 : i32
        %add3A_1720 = arith.constant 1984 : i32
        %add3A_1721 = arith.addi %add3A_1720, %mul3A_1719 : i32
        %get3A_1722 = arith.index_cast %add3A_1721 : i32 to index
        %get3A_1723 = tpu.vector_load %arg7[%get3A_1722] {strides = array<i32>} : memref<8144xi32, #tpu.memory_space<vmem>>, vector<16xi32>,
        %mul3A_1724 = arith.constant 16 : i32
        %mul3A_1725 = arith.muli %scan3A_1717, %mul3A_1724 : i32
        %add3A_1726 = arith.constant 1984 : i32
        %add3A_1727 = arith.addi %add3A_1726, %mul3A_1725 : i32
        %get3A_1728 = arith.index_cast %add3A_1727 : i32 to index
        %get3A_1729 = tpu.vector_load %arg8[%get3A_1728] {strides = array<i32>} : memref<8144xi32, #tpu.memory_space<vmem>>, vector<16xi32>,
        %mul3A_1730 = arith.constant 16 : i32
        %mul3A_1731 = arith.muli %scan3A_1717, %mul3A_1730 : i32
        %add3A_1732 = arith.constant 1984 : i32
        %add3A_1733 = arith.addi %add3A_1732, %mul3A_1731 : i32
        %get3A_1734 = arith.index_cast %add3A_1733 : i32 to index
        %get3A_1735 = tpu.vector_load %arg9[%get3A_1734] {strides = array<i32>} : memref<8144xi32, #tpu.memory_space<vmem>>, vector<16xi32>,
        %gather3A_1736 = tpu.vector_load_idx %arg11[%get3A_1723, %get3A_1729] : memref<8x2048xf32, #tpu.memory_space<vmem>>[vector<16xi32>, vector<16xi32>], vector<16xf32>,
        tpu.vector_store_idx %arg11[%get3A_1681, %get3A_1693], %gather3A_1694 : memref<8x2048xf32, #tpu.memory_space<vmem>>[vector<16xi32>, vector<16xi32>], vector<16xf32>,
        %scan3A_1737 = arith.constant 7 : i32
        %scan3A_1738 = arith.addi %scan3A_1585, %scan3A_1737 : i32
        %mul3A_1739 = arith.constant 16 : i32
        %mul3A_1740 = arith.muli %scan3A_1738, %mul3A_1739 : i32
        %add3A_1741 = arith.constant 1984 : i32
        %add3A_1742 = arith.addi %add3A_1741, %mul3A_1740 : i32
        %get3A_1743 = arith.index_cast %add3A_1742 : i32 to index
        %get3A_1744 = tpu.vector_load %arg7[%get3A_1743] {strides = array<i32>} : memref<8144xi32, #tpu.memory_space<vmem>>, vector<16xi32>,
        %mul3A_1745 = arith.constant 16 : i32
        %mul3A_1746 = arith.muli %scan3A_1738, %mul3A_1745 : i32
        %add3A_1747 = arith.constant 1984 : i32
        %add3A_1748 = arith.addi %add3A_1747, %mul3A_1746 : i32
        %get3A_1749 = arith.index_cast %add3A_1748 : i32 to index
        %get3A_1750 = tpu.vector_load %arg8[%get3A_1749] {strides = array<i32>} : memref<8144xi32, #tpu.memory_space<vmem>>, vector<16xi32>,
        %mul3A_1751 = arith.constant 16 : i32
        %mul3A_1752 = arith.muli %scan3A_1738, %mul3A_1751 : i32
        %add3A_1753 = arith.constant 1984 : i32
        %add3A_1754 = arith.addi %add3A_1753, %mul3A_1752 : i32
        %get3A_1755 = arith.index_cast %add3A_1754 : i32 to index
        %get3A_1756 = tpu.vector_load %arg9[%get3A_1755] {strides = array<i32>} : memref<8144xi32, #tpu.memory_space<vmem>>, vector<16xi32>,
        %gather3A_1757 = tpu.vector_load_idx %arg11[%get3A_1744, %get3A_1750] : memref<8x2048xf32, #tpu.memory_space<vmem>>[vector<16xi32>, vector<16xi32>], vector<16xf32>,
        tpu.vector_store_idx %arg11[%get3A_1702, %get3A_1714], %gather3A_1715 : memref<8x2048xf32, #tpu.memory_space<vmem>>[vector<16xi32>, vector<16xi32>], vector<16xf32>,
        scf.yield %get3A_1723, %get3A_1735, %gather3A_1736, %get3A_1744, %get3A_1756, %gather3A_1757 : vector<16xi32>, vector<16xi32>, vector<16xf32>, vector<16xi32>, vector<16xi32>, vector<16xf32>
      }
      %scan3A_1432 = arith.constant 120 : i32
      %scan3A_1433 = arith.addi %scan3A_1427, %scan3A_1432 : i32
      %mul3A_1434 = arith.constant 16 : i32
      %mul3A_1435 = arith.muli %scan3A_1433, %mul3A_1434 : i32
      %add3A_1436 = arith.constant 1984 : i32
      %add3A_1437 = arith.addi %add3A_1436, %mul3A_1435 : i32
      %get3A_1438 = arith.index_cast %add3A_1437 : i32 to index
      %get3A_1439 = tpu.vector_load %arg7[%get3A_1438] {strides = array<i32>} : memref<8144xi32, #tpu.memory_space<vmem>>, vector<16xi32>,
      %mul3A_1440 = arith.constant 16 : i32
      %mul3A_1441 = arith.muli %scan3A_1433, %mul3A_1440 : i32
      %add3A_1442 = arith.constant 1984 : i32
      %add3A_1443 = arith.addi %add3A_1442, %mul3A_1441 : i32
      %get3A_1444 = arith.index_cast %add3A_1443 : i32 to index
      %get3A_1445 = tpu.vector_load %arg8[%get3A_1444] {strides = array<i32>} : memref<8144xi32, #tpu.memory_space<vmem>>, vector<16xi32>,
      %mul3A_1446 = arith.constant 16 : i32
      %mul3A_1447 = arith.muli %scan3A_1433, %mul3A_1446 : i32
      %add3A_1448 = arith.constant 1984 : i32
      %add3A_1449 = arith.addi %add3A_1448, %mul3A_1447 : i32
      %get3A_1450 = arith.index_cast %add3A_1449 : i32 to index
      %get3A_1451 = tpu.vector_load %arg9[%get3A_1450] {strides = array<i32>} : memref<8144xi32, #tpu.memory_space<vmem>>, vector<16xi32>,
      %gather3A_1452 = tpu.vector_load_idx %arg11[%get3A_1439, %get3A_1445] : memref<8x2048xf32, #tpu.memory_space<vmem>>[vector<16xi32>, vector<16xi32>], vector<16xf32>,
      tpu.vector_store_idx %arg11[%scan3A_1431#0, %scan3A_1431#1], %scan3A_1431#2 : memref<8x2048xf32, #tpu.memory_space<vmem>>[vector<16xi32>, vector<16xi32>], vector<16xf32>,
      %scan3A_1453 = arith.constant 121 : i32
      %scan3A_1454 = arith.addi %scan3A_1427, %scan3A_1453 : i32
      %mul3A_1455 = arith.constant 16 : i32
      %mul3A_1456 = arith.muli %scan3A_1454, %mul3A_1455 : i32
      %add3A_1457 = arith.constant 1984 : i32
      %add3A_1458 = arith.addi %add3A_1457, %mul3A_1456 : i32
      %get3A_1459 = arith.index_cast %add3A_1458 : i32 to index
      %get3A_1460 = tpu.vector_load %arg7[%get3A_1459] {strides = array<i32>} : memref<8144xi32, #tpu.memory_space<vmem>>, vector<16xi32>,
      %mul3A_1461 = arith.constant 16 : i32
      %mul3A_1462 = arith.muli %scan3A_1454, %mul3A_1461 : i32
      %add3A_1463 = arith.constant 1984 : i32
      %add3A_1464 = arith.addi %add3A_1463, %mul3A_1462 : i32
      %get3A_1465 = arith.index_cast %add3A_1464 : i32 to index
      %get3A_1466 = tpu.vector_load %arg8[%get3A_1465] {strides = array<i32>} : memref<8144xi32, #tpu.memory_space<vmem>>, vector<16xi32>,
      %mul3A_1467 = arith.constant 16 : i32
      %mul3A_1468 = arith.muli %scan3A_1454, %mul3A_1467 : i32
      %add3A_1469 = arith.constant 1984 : i32
      %add3A_1470 = arith.addi %add3A_1469, %mul3A_1468 : i32
      %get3A_1471 = arith.index_cast %add3A_1470 : i32 to index
      %get3A_1472 = tpu.vector_load %arg9[%get3A_1471] {strides = array<i32>} : memref<8144xi32, #tpu.memory_space<vmem>>, vector<16xi32>,
      %gather3A_1473 = tpu.vector_load_idx %arg11[%get3A_1460, %get3A_1466] : memref<8x2048xf32, #tpu.memory_space<vmem>>[vector<16xi32>, vector<16xi32>], vector<16xf32>,
      tpu.vector_store_idx %arg11[%scan3A_1431#3, %scan3A_1431#4], %scan3A_1431#5 : memref<8x2048xf32, #tpu.memory_space<vmem>>[vector<16xi32>, vector<16xi32>], vector<16xf32>,
      %scan3A_1474 = arith.constant 122 : i32
      %scan3A_1475 = arith.addi %scan3A_1427, %scan3A_1474 : i32
      %mul3A_1476 = arith.constant 16 : i32
      %mul3A_1477 = arith.muli %scan3A_1475, %mul3A_1476 : i32
      %add3A_1478 = arith.constant 1984 : i32
      %add3A_1479 = arith.addi %add3A_1478, %mul3A_1477 : i32
      %get3A_1480 = arith.index_cast %add3A_1479 : i32 to index
      %get3A_1481 = tpu.vector_load %arg7[%get3A_1480] {strides = array<i32>} : memref<8144xi32, #tpu.memory_space<vmem>>, vector<16xi32>,
      %mul3A_1482 = arith.constant 16 : i32
      %mul3A_1483 = arith.muli %scan3A_1475, %mul3A_1482 : i32
      %add3A_1484 = arith.constant 1984 : i32
      %add3A_1485 = arith.addi %add3A_1484, %mul3A_1483 : i32
      %get3A_1486 = arith.index_cast %add3A_1485 : i32 to index
      %get3A_1487 = tpu.vector_load %arg8[%get3A_1486] {strides = array<i32>} : memref<8144xi32, #tpu.memory_space<vmem>>, vector<16xi32>,
      %mul3A_1488 = arith.constant 16 : i32
      %mul3A_1489 = arith.muli %scan3A_1475, %mul3A_1488 : i32
      %add3A_1490 = arith.constant 1984 : i32
      %add3A_1491 = arith.addi %add3A_1490, %mul3A_1489 : i32
      %get3A_1492 = arith.index_cast %add3A_1491 : i32 to index
      %get3A_1493 = tpu.vector_load %arg9[%get3A_1492] {strides = array<i32>} : memref<8144xi32, #tpu.memory_space<vmem>>, vector<16xi32>,
      %gather3A_1494 = tpu.vector_load_idx %arg11[%get3A_1481, %get3A_1487] : memref<8x2048xf32, #tpu.memory_space<vmem>>[vector<16xi32>, vector<16xi32>], vector<16xf32>,
      tpu.vector_store_idx %arg11[%get3A_1439, %get3A_1451], %gather3A_1452 : memref<8x2048xf32, #tpu.memory_space<vmem>>[vector<16xi32>, vector<16xi32>], vector<16xf32>,
      %scan3A_1495 = arith.constant 123 : i32
      %scan3A_1496 = arith.addi %scan3A_1427, %scan3A_1495 : i32
      %mul3A_1497 = arith.constant 16 : i32
      %mul3A_1498 = arith.muli %scan3A_1496, %mul3A_1497 : i32
      %add3A_1499 = arith.constant 1984 : i32
      %add3A_1500 = arith.addi %add3A_1499, %mul3A_1498 : i32
      %get3A_1501 = arith.index_cast %add3A_1500 : i32 to index
      %get3A_1502 = tpu.vector_load %arg7[%get3A_1501] {strides = array<i32>} : memref<8144xi32, #tpu.memory_space<vmem>>, vector<16xi32>,
      %mul3A_1503 = arith.constant 16 : i32
      %mul3A_1504 = arith.muli %scan3A_1496, %mul3A_1503 : i32
      %add3A_1505 = arith.constant 1984 : i32
      %add3A_1506 = arith.addi %add3A_1505, %mul3A_1504 : i32
      %get3A_1507 = arith.index_cast %add3A_1506 : i32 to index
      %get3A_1508 = tpu.vector_load %arg8[%get3A_1507] {strides = array<i32>} : memref<8144xi32, #tpu.memory_space<vmem>>, vector<16xi32>,
      %mul3A_1509 = arith.constant 16 : i32
      %mul3A_1510 = arith.muli %scan3A_1496, %mul3A_1509 : i32
      %add3A_1511 = arith.constant 1984 : i32
      %add3A_1512 = arith.addi %add3A_1511, %mul3A_1510 : i32
      %get3A_1513 = arith.index_cast %add3A_1512 : i32 to index
      %get3A_1514 = tpu.vector_load %arg9[%get3A_1513] {strides = array<i32>} : memref<8144xi32, #tpu.memory_space<vmem>>, vector<16xi32>,
      %gather3A_1515 = tpu.vector_load_idx %arg11[%get3A_1502, %get3A_1508] : memref<8x2048xf32, #tpu.memory_space<vmem>>[vector<16xi32>, vector<16xi32>], vector<16xf32>,
      tpu.vector_store_idx %arg11[%get3A_1460, %get3A_1472], %gather3A_1473 : memref<8x2048xf32, #tpu.memory_space<vmem>>[vector<16xi32>, vector<16xi32>], vector<16xf32>,
      %scan3A_1516 = arith.constant 124 : i32
      %scan3A_1517 = arith.addi %scan3A_1427, %scan3A_1516 : i32
      %mul3A_1518 = arith.constant 16 : i32
      %mul3A_1519 = arith.muli %scan3A_1517, %mul3A_1518 : i32
      %add3A_1520 = arith.constant 1984 : i32
      %add3A_1521 = arith.addi %add3A_1520, %mul3A_1519 : i32
      %get3A_1522 = arith.index_cast %add3A_1521 : i32 to index
      %get3A_1523 = tpu.vector_load %arg7[%get3A_1522] {strides = array<i32>} : memref<8144xi32, #tpu.memory_space<vmem>>, vector<16xi32>,
      %mul3A_1524 = arith.constant 16 : i32
      %mul3A_1525 = arith.muli %scan3A_1517, %mul3A_1524 : i32
      %add3A_1526 = arith.constant 1984 : i32
      %add3A_1527 = arith.addi %add3A_1526, %mul3A_1525 : i32
      %get3A_1528 = arith.index_cast %add3A_1527 : i32 to index
      %get3A_1529 = tpu.vector_load %arg8[%get3A_1528] {strides = array<i32>} : memref<8144xi32, #tpu.memory_space<vmem>>, vector<16xi32>,
      %mul3A_1530 = arith.constant 16 : i32
      %mul3A_1531 = arith.muli %scan3A_1517, %mul3A_1530 : i32
      %add3A_1532 = arith.constant 1984 : i32
      %add3A_1533 = arith.addi %add3A_1532, %mul3A_1531 : i32
      %get3A_1534 = arith.index_cast %add3A_1533 : i32 to index
      %get3A_1535 = tpu.vector_load %arg9[%get3A_1534] {strides = array<i32>} : memref<8144xi32, #tpu.memory_space<vmem>>, vector<16xi32>,
      %gather3A_1536 = tpu.vector_load_idx %arg11[%get3A_1523, %get3A_1529] : memref<8x2048xf32, #tpu.memory_space<vmem>>[vector<16xi32>, vector<16xi32>], vector<16xf32>,
      tpu.vector_store_idx %arg11[%get3A_1481, %get3A_1493], %gather3A_1494 : memref<8x2048xf32, #tpu.memory_space<vmem>>[vector<16xi32>, vector<16xi32>], vector<16xf32>,
      %scan3A_1537 = arith.constant 125 : i32
      tpu.vector_store_idx %arg11[%get3A_1502, %get3A_1514], %gather3A_1515 : memref<8x2048xf32, #tpu.memory_space<vmem>>[vector<16xi32>, vector<16xi32>], vector<16xf32>,
      tpu.vector_store_idx %arg11[%get3A_1523, %get3A_1535], %gather3A_1536 : memref<8x2048xf32, #tpu.memory_space<vmem>>[vector<16xi32>, vector<16xi32>], vector<16xf32>,
      %jit3A_1538 = arith.constant 4 : i32
      %div3A_1539 = arith.divsi %add3A_1265, %jit3A_1538 : i32
      %sign3A_1540 = arith.constant 0 : i32
      %sign3A_1541 = arith.cmpi sgt, %add3A_1265, %sign3A_1540 : i32
      %sign3A_1542 = arith.extui %sign3A_1541 : i1 to i32
      %sign3A_1543 = arith.constant 0 : i32
      %sign3A_1544 = arith.cmpi slt, %add3A_1265, %sign3A_1543 : i32
      %sign3A_1545 = arith.extui %sign3A_1544 : i1 to i32
      %sign3A_1546 = arith.subi %sign3A_1542, %sign3A_1545 : i32
      %sign3A_1547 = arith.constant 0 : i32
      %sign3A_1548 = arith.cmpi sgt, %jit3A_1538, %sign3A_1547 : i32
      %sign3A_1549 = arith.extui %sign3A_1548 : i1 to i32
      %sign3A_1550 = arith.constant 0 : i32
      %sign3A_1551 = arith.cmpi slt, %jit3A_1538, %sign3A_1550 : i32
      %sign3A_1552 = arith.extui %sign3A_1551 : i1 to i32
      %sign3A_1553 = arith.subi %sign3A_1549, %sign3A_1552 : i32
      %ne3A_1554 = arith.cmpi ne, %sign3A_1546, %sign3A_1553 : i32
      %rem3A_1555 = arith.remsi %add3A_1265, %jit3A_1538 : i32
      %ne3A_1556 = arith.constant 0 : i32
      %ne3A_1557 = arith.cmpi ne, %rem3A_1555, %ne3A_1556 : i32
      %and3A_1558 = arith.andi %ne3A_1554, %ne3A_1557 : i1
      %sub3A_1559 = arith.constant 1 : i32
      %sub3A_1560 = arith.subi %div3A_1539, %sub3A_1559 : i32
      %select_n3A_1561 = arith.select %and3A_1558, %sub3A_1560, %div3A_1539 : i32
      %mul3A_1562 = arith.constant 8 : i32
      %mul3A_1563 = arith.muli %select_n3A_1561, %mul3A_1562 : i32
      %add3A_1564 = arith.addi %mul3A_2, %mul3A_1563 : i32
      %jit3A_1565 = arith.constant 4 : i32
      %eq3A_1566 = arith.constant 0 : i32
      %eq3A_1567 = arith.cmpi eq, %jit3A_1565, %eq3A_1566 : i32
      %jit3A_1568 = arith.constant 1 : i32
      %select_n3A_1569 = arith.select %eq3A_1567, %jit3A_1568, %jit3A_1565 : i32
      %rem3A_1570 = arith.remsi %add3A_1265, %select_n3A_1569 : i32
      %ne3A_1571 = arith.constant 0 : i32
      %ne3A_1572 = arith.cmpi ne, %rem3A_1570, %ne3A_1571 : i32
      %lt3A_1573 = arith.constant 0 : i32
      %lt3A_1574 = arith.cmpi slt, %rem3A_1570, %lt3A_1573 : i32
      %lt3A_1575 = arith.constant 0 : i32
      %lt3A_1576 = arith.cmpi slt, %select_n3A_1569, %lt3A_1575 : i32
      %ne3A_1577 = arith.xori %lt3A_1574, %lt3A_1576 : i1
      %and3A_1578 = arith.andi %ne3A_1577, %ne3A_1572 : i1
      %add3A_1579 = arith.addi %rem3A_1570, %select_n3A_1569 : i32
      %select_n3A_1580 = arith.select %and3A_1578, %add3A_1579, %rem3A_1570 : i32
      %mul3A_1581 = arith.constant 2048 : i32
      %mul3A_1582 = arith.muli %select_n3A_1580, %mul3A_1581 : i32
      %dma_start3A_1583 = tpu.memref_slice %arg6[%add3A_1564, %mul3A_1582] : memref<4096x8192xf32, #tpu.memory_space<hbm>> -> memref<8x2048xf32, #tpu.memory_space<hbm>>
      %dma_start3A_1584 = tpu.memref_slice %arg6[%add3A_1564, %mul3A_1582] : memref<4096x8192xf32, #tpu.memory_space<hbm>> -> memref<8x2048xf32, #tpu.memory_space<hbm>>
      tpu.enqueue_dma source(%arg11 : memref<8x2048xf32, #tpu.memory_space<vmem>>) target(%dma_start3A_1584 : memref<8x2048xf32, #tpu.memory_space<hbm>>) target_semaphore(%arg19 : memref<!tpu.dma_semaphore, #tpu.memory_space<semaphore_mem>>)
    }
    %scan3A_238 = arith.constant 15 : i32
    %add3A_239 = arith.constant 120 : i32
    %add3A_240 = arith.addi %mul3A_2, %add3A_239 : i32
    %dma_wait3A_241 = arith.constant 4096 : i32
    %dma_wait3A_242 = tpu.memref_slice %arg2[%add3A_240, %dma_wait3A_241] : memref<4096x8192xf32, #tpu.memory_space<hbm>> -> memref<8x2048xf32, #tpu.memory_space<hbm>>
    %dma_wait3A_243 = arith.constant 4096 : i32
    %dma_wait3A_244 = tpu.memref_slice %arg2[%add3A_240, %dma_wait3A_243] : memref<4096x8192xf32, #tpu.memory_space<hbm>> -> memref<8x2048xf32, #tpu.memory_space<hbm>>
    tpu.wait_dma2 semaphore(%arg16 : memref<!tpu.dma_semaphore, #tpu.memory_space<semaphore_mem>>) src(%dma_wait3A_244 : memref<8x2048xf32, #tpu.memory_space<hbm>>) dst(%arg12 : memref<8x2048xf32, #tpu.memory_space<vmem>>)
    %get3A_245 = arith.constant 4016 : index
    %get3A_246 = tpu.vector_load %arg7[%get3A_245] {strides = array<i32>} : memref<8144xi32, #tpu.memory_space<vmem>>, vector<16xi32>,
    %get3A_247 = arith.constant 4016 : index
    %get3A_248 = tpu.vector_load %arg8[%get3A_247] {strides = array<i32>} : memref<8144xi32, #tpu.memory_space<vmem>>, vector<16xi32>,
    %get3A_249 = arith.constant 4016 : index
    %get3A_250 = tpu.vector_load %arg9[%get3A_249] {strides = array<i32>} : memref<8144xi32, #tpu.memory_space<vmem>>, vector<16xi32>,
    %gather3A_251 = tpu.vector_load_idx %arg12[%get3A_246, %get3A_248] : memref<8x2048xf32, #tpu.memory_space<vmem>>[vector<16xi32>, vector<16xi32>], vector<16xf32>,
    %get3A_252 = arith.constant 4032 : index
    %get3A_253 = tpu.vector_load %arg7[%get3A_252] {strides = array<i32>} : memref<8144xi32, #tpu.memory_space<vmem>>, vector<16xi32>,
    %get3A_254 = arith.constant 4032 : index
    %get3A_255 = tpu.vector_load %arg8[%get3A_254] {strides = array<i32>} : memref<8144xi32, #tpu.memory_space<vmem>>, vector<16xi32>,
    %get3A_256 = arith.constant 4032 : index
    %get3A_257 = tpu.vector_load %arg9[%get3A_256] {strides = array<i32>} : memref<8144xi32, #tpu.memory_space<vmem>>, vector<16xi32>,
    %gather3A_258 = tpu.vector_load_idx %arg12[%get3A_253, %get3A_255] : memref<8x2048xf32, #tpu.memory_space<vmem>>[vector<16xi32>, vector<16xi32>], vector<16xf32>,
    %scan3A_259 = arith.constant 2 : i32
    %scan3A_260 = arith.constant 128 : i32
    %scan3A_261 = arith.addi %scan3A_259, %scan3A_260 : i32
    %scan3A_262 = arith.constant 8 : i32
    %scan3A_263:6 = scf.for %scan3A_453 = %scan3A_259 to %scan3A_261 step %scan3A_262 iter_args(%scan3A_454 = %get3A_246, %scan3A_455 = %get3A_250, %scan3A_456 = %gather3A_251, %scan3A_457 = %get3A_253, %scan3A_458 = %get3A_257, %scan3A_459 = %gather3A_258) -> (vector<16xi32>, vector<16xi32>, vector<16xf32>, vector<16xi32>, vector<16xi32>, vector<16xf32>)  : i32 {
      %mul3A_460 = arith.constant 16 : i32
      %mul3A_461 = arith.muli %scan3A_453, %mul3A_460 : i32
      %add3A_462 = arith.constant 4016 : i32
      %add3A_463 = arith.addi %add3A_462, %mul3A_461 : i32
      %get3A_464 = arith.index_cast %add3A_463 : i32 to index
      %get3A_465 = tpu.vector_load %arg7[%get3A_464] {strides = array<i32>} : memref<8144xi32, #tpu.memory_space<vmem>>, vector<16xi32>,
      %mul3A_466 = arith.constant 16 : i32
      %mul3A_467 = arith.muli %scan3A_453, %mul3A_466 : i32
      %add3A_468 = arith.constant 4016 : i32
      %add3A_469 = arith.addi %add3A_468, %mul3A_467 : i32
      %get3A_470 = arith.index_cast %add3A_469 : i32 to index
      %get3A_471 = tpu.vector_load %arg8[%get3A_470] {strides = array<i32>} : memref<8144xi32, #tpu.memory_space<vmem>>, vector<16xi32>,
      %mul3A_472 = arith.constant 16 : i32
      %mul3A_473 = arith.muli %scan3A_453, %mul3A_472 : i32
      %add3A_474 = arith.constant 4016 : i32
      %add3A_475 = arith.addi %add3A_474, %mul3A_473 : i32
      %get3A_476 = arith.index_cast %add3A_475 : i32 to index
      %get3A_477 = tpu.vector_load %arg9[%get3A_476] {strides = array<i32>} : memref<8144xi32, #tpu.memory_space<vmem>>, vector<16xi32>,
      %gather3A_478 = tpu.vector_load_idx %arg12[%get3A_465, %get3A_471] : memref<8x2048xf32, #tpu.memory_space<vmem>>[vector<16xi32>, vector<16xi32>], vector<16xf32>,
      tpu.vector_store_idx %arg12[%scan3A_454, %scan3A_455], %scan3A_456 : memref<8x2048xf32, #tpu.memory_space<vmem>>[vector<16xi32>, vector<16xi32>], vector<16xf32>,
      %scan3A_479 = arith.constant 1 : i32
      %scan3A_480 = arith.addi %scan3A_453, %scan3A_479 : i32
      %mul3A_481 = arith.constant 16 : i32
      %mul3A_482 = arith.muli %scan3A_480, %mul3A_481 : i32
      %add3A_483 = arith.constant 4016 : i32
      %add3A_484 = arith.addi %add3A_483, %mul3A_482 : i32
      %get3A_485 = arith.index_cast %add3A_484 : i32 to index
      %get3A_486 = tpu.vector_load %arg7[%get3A_485] {strides = array<i32>} : memref<8144xi32, #tpu.memory_space<vmem>>, vector<16xi32>,
      %mul3A_487 = arith.constant 16 : i32
      %mul3A_488 = arith.muli %scan3A_480, %mul3A_487 : i32
      %add3A_489 = arith.constant 4016 : i32
      %add3A_490 = arith.addi %add3A_489, %mul3A_488 : i32
      %get3A_491 = arith.index_cast %add3A_490 : i32 to index
      %get3A_492 = tpu.vector_load %arg8[%get3A_491] {strides = array<i32>} : memref<8144xi32, #tpu.memory_space<vmem>>, vector<16xi32>,
      %mul3A_493 = arith.constant 16 : i32
      %mul3A_494 = arith.muli %scan3A_480, %mul3A_493 : i32
      %add3A_495 = arith.constant 4016 : i32
      %add3A_496 = arith.addi %add3A_495, %mul3A_494 : i32
      %get3A_497 = arith.index_cast %add3A_496 : i32 to index
      %get3A_498 = tpu.vector_load %arg9[%get3A_497] {strides = array<i32>} : memref<8144xi32, #tpu.memory_space<vmem>>, vector<16xi32>,
      %gather3A_499 = tpu.vector_load_idx %arg12[%get3A_486, %get3A_492] : memref<8x2048xf32, #tpu.memory_space<vmem>>[vector<16xi32>, vector<16xi32>], vector<16xf32>,
      tpu.vector_store_idx %arg12[%scan3A_457, %scan3A_458], %scan3A_459 : memref<8x2048xf32, #tpu.memory_space<vmem>>[vector<16xi32>, vector<16xi32>], vector<16xf32>,
      %scan3A_500 = arith.constant 2 : i32
      %scan3A_501 = arith.addi %scan3A_453, %scan3A_500 : i32
      %mul3A_502 = arith.constant 16 : i32
      %mul3A_503 = arith.muli %scan3A_501, %mul3A_502 : i32
      %add3A_504 = arith.constant 4016 : i32
      %add3A_505 = arith.addi %add3A_504, %mul3A_503 : i32
      %get3A_506 = arith.index_cast %add3A_505 : i32 to index
      %get3A_507 = tpu.vector_load %arg7[%get3A_506] {strides = array<i32>} : memref<8144xi32, #tpu.memory_space<vmem>>, vector<16xi32>,
      %mul3A_508 = arith.constant 16 : i32
      %mul3A_509 = arith.muli %scan3A_501, %mul3A_508 : i32
      %add3A_510 = arith.constant 4016 : i32
      %add3A_511 = arith.addi %add3A_510, %mul3A_509 : i32
      %get3A_512 = arith.index_cast %add3A_511 : i32 to index
      %get3A_513 = tpu.vector_load %arg8[%get3A_512] {strides = array<i32>} : memref<8144xi32, #tpu.memory_space<vmem>>, vector<16xi32>,
      %mul3A_514 = arith.constant 16 : i32
      %mul3A_515 = arith.muli %scan3A_501, %mul3A_514 : i32
      %add3A_516 = arith.constant 4016 : i32
      %add3A_517 = arith.addi %add3A_516, %mul3A_515 : i32
      %get3A_518 = arith.index_cast %add3A_517 : i32 to index
      %get3A_519 = tpu.vector_load %arg9[%get3A_518] {strides = array<i32>} : memref<8144xi32, #tpu.memory_space<vmem>>, vector<16xi32>,
      %gather3A_520 = tpu.vector_load_idx %arg12[%get3A_507, %get3A_513] : memref<8x2048xf32, #tpu.memory_space<vmem>>[vector<16xi32>, vector<16xi32>], vector<16xf32>,
      tpu.vector_store_idx %arg12[%get3A_465, %get3A_477], %gather3A_478 : memref<8x2048xf32, #tpu.memory_space<vmem>>[vector<16xi32>, vector<16xi32>], vector<16xf32>,
      %scan3A_521 = arith.constant 3 : i32
      %scan3A_522 = arith.addi %scan3A_453, %scan3A_521 : i32
      %mul3A_523 = arith.constant 16 : i32
      %mul3A_524 = arith.muli %scan3A_522, %mul3A_523 : i32
      %add3A_525 = arith.constant 4016 : i32
      %add3A_526 = arith.addi %add3A_525, %mul3A_524 : i32
      %get3A_527 = arith.index_cast %add3A_526 : i32 to index
      %get3A_528 = tpu.vector_load %arg7[%get3A_527] {strides = array<i32>} : memref<8144xi32, #tpu.memory_space<vmem>>, vector<16xi32>,
      %mul3A_529 = arith.constant 16 : i32
      %mul3A_530 = arith.muli %scan3A_522, %mul3A_529 : i32
      %add3A_531 = arith.constant 4016 : i32
      %add3A_532 = arith.addi %add3A_531, %mul3A_530 : i32
      %get3A_533 = arith.index_cast %add3A_532 : i32 to index
      %get3A_534 = tpu.vector_load %arg8[%get3A_533] {strides = array<i32>} : memref<8144xi32, #tpu.memory_space<vmem>>, vector<16xi32>,
      %mul3A_535 = arith.constant 16 : i32
      %mul3A_536 = arith.muli %scan3A_522, %mul3A_535 : i32
      %add3A_537 = arith.constant 4016 : i32
      %add3A_538 = arith.addi %add3A_537, %mul3A_536 : i32
      %get3A_539 = arith.index_cast %add3A_538 : i32 to index
      %get3A_540 = tpu.vector_load %arg9[%get3A_539] {strides = array<i32>} : memref<8144xi32, #tpu.memory_space<vmem>>, vector<16xi32>,
      %gather3A_541 = tpu.vector_load_idx %arg12[%get3A_528, %get3A_534] : memref<8x2048xf32, #tpu.memory_space<vmem>>[vector<16xi32>, vector<16xi32>], vector<16xf32>,
      tpu.vector_store_idx %arg12[%get3A_486, %get3A_498], %gather3A_499 : memref<8x2048xf32, #tpu.memory_space<vmem>>[vector<16xi32>, vector<16xi32>], vector<16xf32>,
      %scan3A_542 = arith.constant 4 : i32
      %scan3A_543 = arith.addi %scan3A_453, %scan3A_542 : i32
      %mul3A_544 = arith.constant 16 : i32
      %mul3A_545 = arith.muli %scan3A_543, %mul3A_544 : i32
      %add3A_546 = arith.constant 4016 : i32
      %add3A_547 = arith.addi %add3A_546, %mul3A_545 : i32
      %get3A_548 = arith.index_cast %add3A_547 : i32 to index
      %get3A_549 = tpu.vector_load %arg7[%get3A_548] {strides = array<i32>} : memref<8144xi32, #tpu.memory_space<vmem>>, vector<16xi32>,
      %mul3A_550 = arith.constant 16 : i32
      %mul3A_551 = arith.muli %scan3A_543, %mul3A_550 : i32
      %add3A_552 = arith.constant 4016 : i32
      %add3A_553 = arith.addi %add3A_552, %mul3A_551 : i32
      %get3A_554 = arith.index_cast %add3A_553 : i32 to index
      %get3A_555 = tpu.vector_load %arg8[%get3A_554] {strides = array<i32>} : memref<8144xi32, #tpu.memory_space<vmem>>, vector<16xi32>,
      %mul3A_556 = arith.constant 16 : i32
      %mul3A_557 = arith.muli %scan3A_543, %mul3A_556 : i32
      %add3A_558 = arith.constant 4016 : i32
      %add3A_559 = arith.addi %add3A_558, %mul3A_557 : i32
      %get3A_560 = arith.index_cast %add3A_559 : i32 to index
      %get3A_561 = tpu.vector_load %arg9[%get3A_560] {strides = array<i32>} : memref<8144xi32, #tpu.memory_space<vmem>>, vector<16xi32>,
      %gather3A_562 = tpu.vector_load_idx %arg12[%get3A_549, %get3A_555] : memref<8x2048xf32, #tpu.memory_space<vmem>>[vector<16xi32>, vector<16xi32>], vector<16xf32>,
      tpu.vector_store_idx %arg12[%get3A_507, %get3A_519], %gather3A_520 : memref<8x2048xf32, #tpu.memory_space<vmem>>[vector<16xi32>, vector<16xi32>], vector<16xf32>,
      %scan3A_563 = arith.constant 5 : i32
      %scan3A_564 = arith.addi %scan3A_453, %scan3A_563 : i32
      %mul3A_565 = arith.constant 16 : i32
      %mul3A_566 = arith.muli %scan3A_564, %mul3A_565 : i32
      %add3A_567 = arith.constant 4016 : i32
      %add3A_568 = arith.addi %add3A_567, %mul3A_566 : i32
      %get3A_569 = arith.index_cast %add3A_568 : i32 to index
      %get3A_570 = tpu.vector_load %arg7[%get3A_569] {strides = array<i32>} : memref<8144xi32, #tpu.memory_space<vmem>>, vector<16xi32>,
      %mul3A_571 = arith.constant 16 : i32
      %mul3A_572 = arith.muli %scan3A_564, %mul3A_571 : i32
      %add3A_573 = arith.constant 4016 : i32
      %add3A_574 = arith.addi %add3A_573, %mul3A_572 : i32
      %get3A_575 = arith.index_cast %add3A_574 : i32 to index
      %get3A_576 = tpu.vector_load %arg8[%get3A_575] {strides = array<i32>} : memref<8144xi32, #tpu.memory_space<vmem>>, vector<16xi32>,
      %mul3A_577 = arith.constant 16 : i32
      %mul3A_578 = arith.muli %scan3A_564, %mul3A_577 : i32
      %add3A_579 = arith.constant 4016 : i32
      %add3A_580 = arith.addi %add3A_579, %mul3A_578 : i32
      %get3A_581 = arith.index_cast %add3A_580 : i32 to index
      %get3A_582 = tpu.vector_load %arg9[%get3A_581] {strides = array<i32>} : memref<8144xi32, #tpu.memory_space<vmem>>, vector<16xi32>,
      %gather3A_583 = tpu.vector_load_idx %arg12[%get3A_570, %get3A_576] : memref<8x2048xf32, #tpu.memory_space<vmem>>[vector<16xi32>, vector<16xi32>], vector<16xf32>,
      tpu.vector_store_idx %arg12[%get3A_528, %get3A_540], %gather3A_541 : memref<8x2048xf32, #tpu.memory_space<vmem>>[vector<16xi32>, vector<16xi32>], vector<16xf32>,
      %scan3A_584 = arith.constant 6 : i32
      %scan3A_585 = arith.addi %scan3A_453, %scan3A_584 : i32
      %mul3A_586 = arith.constant 16 : i32
      %mul3A_587 = arith.muli %scan3A_585, %mul3A_586 : i32
      %add3A_588 = arith.constant 4016 : i32
      %add3A_589 = arith.addi %add3A_588, %mul3A_587 : i32
      %get3A_590 = arith.index_cast %add3A_589 : i32 to index
      %get3A_591 = tpu.vector_load %arg7[%get3A_590] {strides = array<i32>} : memref<8144xi32, #tpu.memory_space<vmem>>, vector<16xi32>,
      %mul3A_592 = arith.constant 16 : i32
      %mul3A_593 = arith.muli %scan3A_585, %mul3A_592 : i32
      %add3A_594 = arith.constant 4016 : i32
      %add3A_595 = arith.addi %add3A_594, %mul3A_593 : i32
      %get3A_596 = arith.index_cast %add3A_595 : i32 to index
      %get3A_597 = tpu.vector_load %arg8[%get3A_596] {strides = array<i32>} : memref<8144xi32, #tpu.memory_space<vmem>>, vector<16xi32>,
      %mul3A_598 = arith.constant 16 : i32
      %mul3A_599 = arith.muli %scan3A_585, %mul3A_598 : i32
      %add3A_600 = arith.constant 4016 : i32
      %add3A_601 = arith.addi %add3A_600, %mul3A_599 : i32
      %get3A_602 = arith.index_cast %add3A_601 : i32 to index
      %get3A_603 = tpu.vector_load %arg9[%get3A_602] {strides = array<i32>} : memref<8144xi32, #tpu.memory_space<vmem>>, vector<16xi32>,
      %gather3A_604 = tpu.vector_load_idx %arg12[%get3A_591, %get3A_597] : memref<8x2048xf32, #tpu.memory_space<vmem>>[vector<16xi32>, vector<16xi32>], vector<16xf32>,
      tpu.vector_store_idx %arg12[%get3A_549, %get3A_561], %gather3A_562 : memref<8x2048xf32, #tpu.memory_space<vmem>>[vector<16xi32>, vector<16xi32>], vector<16xf32>,
      %scan3A_605 = arith.constant 7 : i32
      %scan3A_606 = arith.addi %scan3A_453, %scan3A_605 : i32
      %mul3A_607 = arith.constant 16 : i32
      %mul3A_608 = arith.muli %scan3A_606, %mul3A_607 : i32
      %add3A_609 = arith.constant 4016 : i32
      %add3A_610 = arith.addi %add3A_609, %mul3A_608 : i32
      %get3A_611 = arith.index_cast %add3A_610 : i32 to index
      %get3A_612 = tpu.vector_load %arg7[%get3A_611] {strides = array<i32>} : memref<8144xi32, #tpu.memory_space<vmem>>, vector<16xi32>,
      %mul3A_613 = arith.constant 16 : i32
      %mul3A_614 = arith.muli %scan3A_606, %mul3A_613 : i32
      %add3A_615 = arith.constant 4016 : i32
      %add3A_616 = arith.addi %add3A_615, %mul3A_614 : i32
      %get3A_617 = arith.index_cast %add3A_616 : i32 to index
      %get3A_618 = tpu.vector_load %arg8[%get3A_617] {strides = array<i32>} : memref<8144xi32, #tpu.memory_space<vmem>>, vector<16xi32>,
      %mul3A_619 = arith.constant 16 : i32
      %mul3A_620 = arith.muli %scan3A_606, %mul3A_619 : i32
      %add3A_621 = arith.constant 4016 : i32
      %add3A_622 = arith.addi %add3A_621, %mul3A_620 : i32
      %get3A_623 = arith.index_cast %add3A_622 : i32 to index
      %get3A_624 = tpu.vector_load %arg9[%get3A_623] {strides = array<i32>} : memref<8144xi32, #tpu.memory_space<vmem>>, vector<16xi32>,
      %gather3A_625 = tpu.vector_load_idx %arg12[%get3A_612, %get3A_618] : memref<8x2048xf32, #tpu.memory_space<vmem>>[vector<16xi32>, vector<16xi32>], vector<16xf32>,
      tpu.vector_store_idx %arg12[%get3A_570, %get3A_582], %gather3A_583 : memref<8x2048xf32, #tpu.memory_space<vmem>>[vector<16xi32>, vector<16xi32>], vector<16xf32>,
      scf.yield %get3A_591, %get3A_603, %gather3A_604, %get3A_612, %get3A_624, %gather3A_625 : vector<16xi32>, vector<16xi32>, vector<16xf32>, vector<16xi32>, vector<16xi32>, vector<16xf32>
    }
    %scan3A_264 = arith.constant 128 : i32
    tpu.vector_store_idx %arg12[%scan3A_263#0, %scan3A_263#1], %scan3A_263#2 : memref<8x2048xf32, #tpu.memory_space<vmem>>[vector<16xi32>, vector<16xi32>], vector<16xf32>,
    tpu.vector_store_idx %arg12[%scan3A_263#3, %scan3A_263#4], %scan3A_263#5 : memref<8x2048xf32, #tpu.memory_space<vmem>>[vector<16xi32>, vector<16xi32>], vector<16xf32>,
    %add3A_265 = arith.constant 120 : i32
    %add3A_266 = arith.addi %mul3A_2, %add3A_265 : i32
    %dma_start3A_267 = arith.constant 4096 : i32
    %dma_start3A_268 = tpu.memref_slice %arg6[%add3A_266, %dma_start3A_267] : memref<4096x8192xf32, #tpu.memory_space<hbm>> -> memref<8x2048xf32, #tpu.memory_space<hbm>>
    %dma_start3A_269 = arith.constant 4096 : i32
    %dma_start3A_270 = tpu.memref_slice %arg6[%add3A_266, %dma_start3A_269] : memref<4096x8192xf32, #tpu.memory_space<hbm>> -> memref<8x2048xf32, #tpu.memory_space<hbm>>
    tpu.enqueue_dma source(%arg12 : memref<8x2048xf32, #tpu.memory_space<vmem>>) target(%dma_start3A_270 : memref<8x2048xf32, #tpu.memory_space<hbm>>) target_semaphore(%arg20 : memref<!tpu.dma_semaphore, #tpu.memory_space<semaphore_mem>>)
    %add3A_271 = arith.constant 120 : i32
    %add3A_272 = arith.addi %mul3A_2, %add3A_271 : i32
    %dma_wait3A_273 = arith.constant 6144 : i32
    %dma_wait3A_274 = tpu.memref_slice %arg2[%add3A_272, %dma_wait3A_273] : memref<4096x8192xf32, #tpu.memory_space<hbm>> -> memref<8x2048xf32, #tpu.memory_space<hbm>>
    %dma_wait3A_275 = arith.constant 6144 : i32
    %dma_wait3A_276 = tpu.memref_slice %arg2[%add3A_272, %dma_wait3A_275] : memref<4096x8192xf32, #tpu.memory_space<hbm>> -> memref<8x2048xf32, #tpu.memory_space<hbm>>
    tpu.wait_dma2 semaphore(%arg17 : memref<!tpu.dma_semaphore, #tpu.memory_space<semaphore_mem>>) src(%dma_wait3A_276 : memref<8x2048xf32, #tpu.memory_space<hbm>>) dst(%arg13 : memref<8x2048xf32, #tpu.memory_space<vmem>>)
    %get3A_277 = arith.constant 6096 : index
    %get3A_278 = tpu.vector_load %arg7[%get3A_277] {strides = array<i32>} : memref<8144xi32, #tpu.memory_space<vmem>>, vector<16xi32>,
    %get3A_279 = arith.constant 6096 : index
    %get3A_280 = tpu.vector_load %arg8[%get3A_279] {strides = array<i32>} : memref<8144xi32, #tpu.memory_space<vmem>>, vector<16xi32>,
    %get3A_281 = arith.constant 6096 : index
    %get3A_282 = tpu.vector_load %arg9[%get3A_281] {strides = array<i32>} : memref<8144xi32, #tpu.memory_space<vmem>>, vector<16xi32>,
    %gather3A_283 = tpu.vector_load_idx %arg13[%get3A_278, %get3A_280] : memref<8x2048xf32, #tpu.memory_space<vmem>>[vector<16xi32>, vector<16xi32>], vector<16xf32>,
    %get3A_284 = arith.constant 6112 : index
    %get3A_285 = tpu.vector_load %arg7[%get3A_284] {strides = array<i32>} : memref<8144xi32, #tpu.memory_space<vmem>>, vector<16xi32>,
    %get3A_286 = arith.constant 6112 : index
    %get3A_287 = tpu.vector_load %arg8[%get3A_286] {strides = array<i32>} : memref<8144xi32, #tpu.memory_space<vmem>>, vector<16xi32>,
    %get3A_288 = arith.constant 6112 : index
    %get3A_289 = tpu.vector_load %arg9[%get3A_288] {strides = array<i32>} : memref<8144xi32, #tpu.memory_space<vmem>>, vector<16xi32>,
    %gather3A_290 = tpu.vector_load_idx %arg13[%get3A_285, %get3A_287] : memref<8x2048xf32, #tpu.memory_space<vmem>>[vector<16xi32>, vector<16xi32>], vector<16xf32>,
    %scan3A_291 = arith.constant 2 : i32
    %scan3A_292 = arith.constant 120 : i32
    %scan3A_293 = arith.addi %scan3A_291, %scan3A_292 : i32
    %scan3A_294 = arith.constant 8 : i32
    %scan3A_295:6 = scf.for %scan3A_453 = %scan3A_291 to %scan3A_293 step %scan3A_294 iter_args(%scan3A_454 = %get3A_278, %scan3A_455 = %get3A_282, %scan3A_456 = %gather3A_283, %scan3A_457 = %get3A_285, %scan3A_458 = %get3A_289, %scan3A_459 = %gather3A_290) -> (vector<16xi32>, vector<16xi32>, vector<16xf32>, vector<16xi32>, vector<16xi32>, vector<16xf32>)  : i32 {
      %mul3A_460 = arith.constant 16 : i32
      %mul3A_461 = arith.muli %scan3A_453, %mul3A_460 : i32
      %add3A_462 = arith.constant 6096 : i32
      %add3A_463 = arith.addi %add3A_462, %mul3A_461 : i32
      %get3A_464 = arith.index_cast %add3A_463 : i32 to index
      %get3A_465 = tpu.vector_load %arg7[%get3A_464] {strides = array<i32>} : memref<8144xi32, #tpu.memory_space<vmem>>, vector<16xi32>,
      %mul3A_466 = arith.constant 16 : i32
      %mul3A_467 = arith.muli %scan3A_453, %mul3A_466 : i32
      %add3A_468 = arith.constant 6096 : i32
      %add3A_469 = arith.addi %add3A_468, %mul3A_467 : i32
      %get3A_470 = arith.index_cast %add3A_469 : i32 to index
      %get3A_471 = tpu.vector_load %arg8[%get3A_470] {strides = array<i32>} : memref<8144xi32, #tpu.memory_space<vmem>>, vector<16xi32>,
      %mul3A_472 = arith.constant 16 : i32
      %mul3A_473 = arith.muli %scan3A_453, %mul3A_472 : i32
      %add3A_474 = arith.constant 6096 : i32
      %add3A_475 = arith.addi %add3A_474, %mul3A_473 : i32
      %get3A_476 = arith.index_cast %add3A_475 : i32 to index
      %get3A_477 = tpu.vector_load %arg9[%get3A_476] {strides = array<i32>} : memref<8144xi32, #tpu.memory_space<vmem>>, vector<16xi32>,
      %gather3A_478 = tpu.vector_load_idx %arg13[%get3A_465, %get3A_471] : memref<8x2048xf32, #tpu.memory_space<vmem>>[vector<16xi32>, vector<16xi32>], vector<16xf32>,
      tpu.vector_store_idx %arg13[%scan3A_454, %scan3A_455], %scan3A_456 : memref<8x2048xf32, #tpu.memory_space<vmem>>[vector<16xi32>, vector<16xi32>], vector<16xf32>,
      %scan3A_479 = arith.constant 1 : i32
      %scan3A_480 = arith.addi %scan3A_453, %scan3A_479 : i32
      %mul3A_481 = arith.constant 16 : i32
      %mul3A_482 = arith.muli %scan3A_480, %mul3A_481 : i32
      %add3A_483 = arith.constant 6096 : i32
      %add3A_484 = arith.addi %add3A_483, %mul3A_482 : i32
      %get3A_485 = arith.index_cast %add3A_484 : i32 to index
      %get3A_486 = tpu.vector_load %arg7[%get3A_485] {strides = array<i32>} : memref<8144xi32, #tpu.memory_space<vmem>>, vector<16xi32>,
      %mul3A_487 = arith.constant 16 : i32
      %mul3A_488 = arith.muli %scan3A_480, %mul3A_487 : i32
      %add3A_489 = arith.constant 6096 : i32
      %add3A_490 = arith.addi %add3A_489, %mul3A_488 : i32
      %get3A_491 = arith.index_cast %add3A_490 : i32 to index
      %get3A_492 = tpu.vector_load %arg8[%get3A_491] {strides = array<i32>} : memref<8144xi32, #tpu.memory_space<vmem>>, vector<16xi32>,
      %mul3A_493 = arith.constant 16 : i32
      %mul3A_494 = arith.muli %scan3A_480, %mul3A_493 : i32
      %add3A_495 = arith.constant 6096 : i32
      %add3A_496 = arith.addi %add3A_495, %mul3A_494 : i32
      %get3A_497 = arith.index_cast %add3A_496 : i32 to index
      %get3A_498 = tpu.vector_load %arg9[%get3A_497] {strides = array<i32>} : memref<8144xi32, #tpu.memory_space<vmem>>, vector<16xi32>,
      %gather3A_499 = tpu.vector_load_idx %arg13[%get3A_486, %get3A_492] : memref<8x2048xf32, #tpu.memory_space<vmem>>[vector<16xi32>, vector<16xi32>], vector<16xf32>,
      tpu.vector_store_idx %arg13[%scan3A_457, %scan3A_458], %scan3A_459 : memref<8x2048xf32, #tpu.memory_space<vmem>>[vector<16xi32>, vector<16xi32>], vector<16xf32>,
      %scan3A_500 = arith.constant 2 : i32
      %scan3A_501 = arith.addi %scan3A_453, %scan3A_500 : i32
      %mul3A_502 = arith.constant 16 : i32
      %mul3A_503 = arith.muli %scan3A_501, %mul3A_502 : i32
      %add3A_504 = arith.constant 6096 : i32
      %add3A_505 = arith.addi %add3A_504, %mul3A_503 : i32
      %get3A_506 = arith.index_cast %add3A_505 : i32 to index
      %get3A_507 = tpu.vector_load %arg7[%get3A_506] {strides = array<i32>} : memref<8144xi32, #tpu.memory_space<vmem>>, vector<16xi32>,
      %mul3A_508 = arith.constant 16 : i32
      %mul3A_509 = arith.muli %scan3A_501, %mul3A_508 : i32
      %add3A_510 = arith.constant 6096 : i32
      %add3A_511 = arith.addi %add3A_510, %mul3A_509 : i32
      %get3A_512 = arith.index_cast %add3A_511 : i32 to index
      %get3A_513 = tpu.vector_load %arg8[%get3A_512] {strides = array<i32>} : memref<8144xi32, #tpu.memory_space<vmem>>, vector<16xi32>,
      %mul3A_514 = arith.constant 16 : i32
      %mul3A_515 = arith.muli %scan3A_501, %mul3A_514 : i32
      %add3A_516 = arith.constant 6096 : i32
      %add3A_517 = arith.addi %add3A_516, %mul3A_515 : i32
      %get3A_518 = arith.index_cast %add3A_517 : i32 to index
      %get3A_519 = tpu.vector_load %arg9[%get3A_518] {strides = array<i32>} : memref<8144xi32, #tpu.memory_space<vmem>>, vector<16xi32>,
      %gather3A_520 = tpu.vector_load_idx %arg13[%get3A_507, %get3A_513] : memref<8x2048xf32, #tpu.memory_space<vmem>>[vector<16xi32>, vector<16xi32>], vector<16xf32>,
      tpu.vector_store_idx %arg13[%get3A_465, %get3A_477], %gather3A_478 : memref<8x2048xf32, #tpu.memory_space<vmem>>[vector<16xi32>, vector<16xi32>], vector<16xf32>,
      %scan3A_521 = arith.constant 3 : i32
      %scan3A_522 = arith.addi %scan3A_453, %scan3A_521 : i32
      %mul3A_523 = arith.constant 16 : i32
      %mul3A_524 = arith.muli %scan3A_522, %mul3A_523 : i32
      %add3A_525 = arith.constant 6096 : i32
      %add3A_526 = arith.addi %add3A_525, %mul3A_524 : i32
      %get3A_527 = arith.index_cast %add3A_526 : i32 to index
      %get3A_528 = tpu.vector_load %arg7[%get3A_527] {strides = array<i32>} : memref<8144xi32, #tpu.memory_space<vmem>>, vector<16xi32>,
      %mul3A_529 = arith.constant 16 : i32
      %mul3A_530 = arith.muli %scan3A_522, %mul3A_529 : i32
      %add3A_531 = arith.constant 6096 : i32
      %add3A_532 = arith.addi %add3A_531, %mul3A_530 : i32
      %get3A_533 = arith.index_cast %add3A_532 : i32 to index
      %get3A_534 = tpu.vector_load %arg8[%get3A_533] {strides = array<i32>} : memref<8144xi32, #tpu.memory_space<vmem>>, vector<16xi32>,
      %mul3A_535 = arith.constant 16 : i32
      %mul3A_536 = arith.muli %scan3A_522, %mul3A_535 : i32
      %add3A_537 = arith.constant 6096 : i32
      %add3A_538 = arith.addi %add3A_537, %mul3A_536 : i32
      %get3A_539 = arith.index_cast %add3A_538 : i32 to index
      %get3A_540 = tpu.vector_load %arg9[%get3A_539] {strides = array<i32>} : memref<8144xi32, #tpu.memory_space<vmem>>, vector<16xi32>,
      %gather3A_541 = tpu.vector_load_idx %arg13[%get3A_528, %get3A_534] : memref<8x2048xf32, #tpu.memory_space<vmem>>[vector<16xi32>, vector<16xi32>], vector<16xf32>,
      tpu.vector_store_idx %arg13[%get3A_486, %get3A_498], %gather3A_499 : memref<8x2048xf32, #tpu.memory_space<vmem>>[vector<16xi32>, vector<16xi32>], vector<16xf32>,
      %scan3A_542 = arith.constant 4 : i32
      %scan3A_543 = arith.addi %scan3A_453, %scan3A_542 : i32
      %mul3A_544 = arith.constant 16 : i32
      %mul3A_545 = arith.muli %scan3A_543, %mul3A_544 : i32
      %add3A_546 = arith.constant 6096 : i32
      %add3A_547 = arith.addi %add3A_546, %mul3A_545 : i32
      %get3A_548 = arith.index_cast %add3A_547 : i32 to index
      %get3A_549 = tpu.vector_load %arg7[%get3A_548] {strides = array<i32>} : memref<8144xi32, #tpu.memory_space<vmem>>, vector<16xi32>,
      %mul3A_550 = arith.constant 16 : i32
      %mul3A_551 = arith.muli %scan3A_543, %mul3A_550 : i32
      %add3A_552 = arith.constant 6096 : i32
      %add3A_553 = arith.addi %add3A_552, %mul3A_551 : i32
      %get3A_554 = arith.index_cast %add3A_553 : i32 to index
      %get3A_555 = tpu.vector_load %arg8[%get3A_554] {strides = array<i32>} : memref<8144xi32, #tpu.memory_space<vmem>>, vector<16xi32>,
      %mul3A_556 = arith.constant 16 : i32
      %mul3A_557 = arith.muli %scan3A_543, %mul3A_556 : i32
      %add3A_558 = arith.constant 6096 : i32
      %add3A_559 = arith.addi %add3A_558, %mul3A_557 : i32
      %get3A_560 = arith.index_cast %add3A_559 : i32 to index
      %get3A_561 = tpu.vector_load %arg9[%get3A_560] {strides = array<i32>} : memref<8144xi32, #tpu.memory_space<vmem>>, vector<16xi32>,
      %gather3A_562 = tpu.vector_load_idx %arg13[%get3A_549, %get3A_555] : memref<8x2048xf32, #tpu.memory_space<vmem>>[vector<16xi32>, vector<16xi32>], vector<16xf32>,
      tpu.vector_store_idx %arg13[%get3A_507, %get3A_519], %gather3A_520 : memref<8x2048xf32, #tpu.memory_space<vmem>>[vector<16xi32>, vector<16xi32>], vector<16xf32>,
      %scan3A_563 = arith.constant 5 : i32
      %scan3A_564 = arith.addi %scan3A_453, %scan3A_563 : i32
      %mul3A_565 = arith.constant 16 : i32
      %mul3A_566 = arith.muli %scan3A_564, %mul3A_565 : i32
      %add3A_567 = arith.constant 6096 : i32
      %add3A_568 = arith.addi %add3A_567, %mul3A_566 : i32
      %get3A_569 = arith.index_cast %add3A_568 : i32 to index
      %get3A_570 = tpu.vector_load %arg7[%get3A_569] {strides = array<i32>} : memref<8144xi32, #tpu.memory_space<vmem>>, vector<16xi32>,
      %mul3A_571 = arith.constant 16 : i32
      %mul3A_572 = arith.muli %scan3A_564, %mul3A_571 : i32
      %add3A_573 = arith.constant 6096 : i32
      %add3A_574 = arith.addi %add3A_573, %mul3A_572 : i32
      %get3A_575 = arith.index_cast %add3A_574 : i32 to index
      %get3A_576 = tpu.vector_load %arg8[%get3A_575] {strides = array<i32>} : memref<8144xi32, #tpu.memory_space<vmem>>, vector<16xi32>,
      %mul3A_577 = arith.constant 16 : i32
      %mul3A_578 = arith.muli %scan3A_564, %mul3A_577 : i32
      %add3A_579 = arith.constant 6096 : i32
      %add3A_580 = arith.addi %add3A_579, %mul3A_578 : i32
      %get3A_581 = arith.index_cast %add3A_580 : i32 to index
      %get3A_582 = tpu.vector_load %arg9[%get3A_581] {strides = array<i32>} : memref<8144xi32, #tpu.memory_space<vmem>>, vector<16xi32>,
      %gather3A_583 = tpu.vector_load_idx %arg13[%get3A_570, %get3A_576] : memref<8x2048xf32, #tpu.memory_space<vmem>>[vector<16xi32>, vector<16xi32>], vector<16xf32>,
      tpu.vector_store_idx %arg13[%get3A_528, %get3A_540], %gather3A_541 : memref<8x2048xf32, #tpu.memory_space<vmem>>[vector<16xi32>, vector<16xi32>], vector<16xf32>,
      %scan3A_584 = arith.constant 6 : i32
      %scan3A_585 = arith.addi %scan3A_453, %scan3A_584 : i32
      %mul3A_586 = arith.constant 16 : i32
      %mul3A_587 = arith.muli %scan3A_585, %mul3A_586 : i32
      %add3A_588 = arith.constant 6096 : i32
      %add3A_589 = arith.addi %add3A_588, %mul3A_587 : i32
      %get3A_590 = arith.index_cast %add3A_589 : i32 to index
      %get3A_591 = tpu.vector_load %arg7[%get3A_590] {strides = array<i32>} : memref<8144xi32, #tpu.memory_space<vmem>>, vector<16xi32>,
      %mul3A_592 = arith.constant 16 : i32
      %mul3A_593 = arith.muli %scan3A_585, %mul3A_592 : i32
      %add3A_594 = arith.constant 6096 : i32
      %add3A_595 = arith.addi %add3A_594, %mul3A_593 : i32
      %get3A_596 = arith.index_cast %add3A_595 : i32 to index
      %get3A_597 = tpu.vector_load %arg8[%get3A_596] {strides = array<i32>} : memref<8144xi32, #tpu.memory_space<vmem>>, vector<16xi32>,
      %mul3A_598 = arith.constant 16 : i32
      %mul3A_599 = arith.muli %scan3A_585, %mul3A_598 : i32
      %add3A_600 = arith.constant 6096 : i32
      %add3A_601 = arith.addi %add3A_600, %mul3A_599 : i32
      %get3A_602 = arith.index_cast %add3A_601 : i32 to index
      %get3A_603 = tpu.vector_load %arg9[%get3A_602] {strides = array<i32>} : memref<8144xi32, #tpu.memory_space<vmem>>, vector<16xi32>,
      %gather3A_604 = tpu.vector_load_idx %arg13[%get3A_591, %get3A_597] : memref<8x2048xf32, #tpu.memory_space<vmem>>[vector<16xi32>, vector<16xi32>], vector<16xf32>,
      tpu.vector_store_idx %arg13[%get3A_549, %get3A_561], %gather3A_562 : memref<8x2048xf32, #tpu.memory_space<vmem>>[vector<16xi32>, vector<16xi32>], vector<16xf32>,
      %scan3A_605 = arith.constant 7 : i32
      %scan3A_606 = arith.addi %scan3A_453, %scan3A_605 : i32
      %mul3A_607 = arith.constant 16 : i32
      %mul3A_608 = arith.muli %scan3A_606, %mul3A_607 : i32
      %add3A_609 = arith.constant 6096 : i32
      %add3A_610 = arith.addi %add3A_609, %mul3A_608 : i32
      %get3A_611 = arith.index_cast %add3A_610 : i32 to index
      %get3A_612 = tpu.vector_load %arg7[%get3A_611] {strides = array<i32>} : memref<8144xi32, #tpu.memory_space<vmem>>, vector<16xi32>,
      %mul3A_613 = arith.constant 16 : i32
      %mul3A_614 = arith.muli %scan3A_606, %mul3A_613 : i32
      %add3A_615 = arith.constant 6096 : i32
      %add3A_616 = arith.addi %add3A_615, %mul3A_614 : i32
      %get3A_617 = arith.index_cast %add3A_616 : i32 to index
      %get3A_618 = tpu.vector_load %arg8[%get3A_617] {strides = array<i32>} : memref<8144xi32, #tpu.memory_space<vmem>>, vector<16xi32>,
      %mul3A_619 = arith.constant 16 : i32
      %mul3A_620 = arith.muli %scan3A_606, %mul3A_619 : i32
      %add3A_621 = arith.constant 6096 : i32
      %add3A_622 = arith.addi %add3A_621, %mul3A_620 : i32
      %get3A_623 = arith.index_cast %add3A_622 : i32 to index
      %get3A_624 = tpu.vector_load %arg9[%get3A_623] {strides = array<i32>} : memref<8144xi32, #tpu.memory_space<vmem>>, vector<16xi32>,
      %gather3A_625 = tpu.vector_load_idx %arg13[%get3A_612, %get3A_618] : memref<8x2048xf32, #tpu.memory_space<vmem>>[vector<16xi32>, vector<16xi32>], vector<16xf32>,
      tpu.vector_store_idx %arg13[%get3A_570, %get3A_582], %gather3A_583 : memref<8x2048xf32, #tpu.memory_space<vmem>>[vector<16xi32>, vector<16xi32>], vector<16xf32>,
      scf.yield %get3A_591, %get3A_603, %gather3A_604, %get3A_612, %get3A_624, %gather3A_625 : vector<16xi32>, vector<16xi32>, vector<16xf32>, vector<16xi32>, vector<16xi32>, vector<16xf32>
    }
    %scan3A_296 = arith.constant 120 : i32
    %scan3A_297 = arith.addi %scan3A_291, %scan3A_296 : i32
    %mul3A_298 = arith.constant 16 : i32
    %mul3A_299 = arith.muli %scan3A_297, %mul3A_298 : i32
    %add3A_300 = arith.constant 6096 : i32
    %add3A_301 = arith.addi %add3A_300, %mul3A_299 : i32
    %get3A_302 = arith.index_cast %add3A_301 : i32 to index
    %get3A_303 = tpu.vector_load %arg7[%get3A_302] {strides = array<i32>} : memref<8144xi32, #tpu.memory_space<vmem>>, vector<16xi32>,
    %mul3A_304 = arith.constant 16 : i32
    %mul3A_305 = arith.muli %scan3A_297, %mul3A_304 : i32
    %add3A_306 = arith.constant 6096 : i32
    %add3A_307 = arith.addi %add3A_306, %mul3A_305 : i32
    %get3A_308 = arith.index_cast %add3A_307 : i32 to index
    %get3A_309 = tpu.vector_load %arg8[%get3A_308] {strides = array<i32>} : memref<8144xi32, #tpu.memory_space<vmem>>, vector<16xi32>,
    %mul3A_310 = arith.constant 16 : i32
    %mul3A_311 = arith.muli %scan3A_297, %mul3A_310 : i32
    %add3A_312 = arith.constant 6096 : i32
    %add3A_313 = arith.addi %add3A_312, %mul3A_311 : i32
    %get3A_314 = arith.index_cast %add3A_313 : i32 to index
    %get3A_315 = tpu.vector_load %arg9[%get3A_314] {strides = array<i32>} : memref<8144xi32, #tpu.memory_space<vmem>>, vector<16xi32>,
    %gather3A_316 = tpu.vector_load_idx %arg13[%get3A_303, %get3A_309] : memref<8x2048xf32, #tpu.memory_space<vmem>>[vector<16xi32>, vector<16xi32>], vector<16xf32>,
    tpu.vector_store_idx %arg13[%scan3A_295#0, %scan3A_295#1], %scan3A_295#2 : memref<8x2048xf32, #tpu.memory_space<vmem>>[vector<16xi32>, vector<16xi32>], vector<16xf32>,
    %scan3A_317 = arith.constant 121 : i32
    %scan3A_318 = arith.addi %scan3A_291, %scan3A_317 : i32
    %mul3A_319 = arith.constant 16 : i32
    %mul3A_320 = arith.muli %scan3A_318, %mul3A_319 : i32
    %add3A_321 = arith.constant 6096 : i32
    %add3A_322 = arith.addi %add3A_321, %mul3A_320 : i32
    %get3A_323 = arith.index_cast %add3A_322 : i32 to index
    %get3A_324 = tpu.vector_load %arg7[%get3A_323] {strides = array<i32>} : memref<8144xi32, #tpu.memory_space<vmem>>, vector<16xi32>,
    %mul3A_325 = arith.constant 16 : i32
    %mul3A_326 = arith.muli %scan3A_318, %mul3A_325 : i32
    %add3A_327 = arith.constant 6096 : i32
    %add3A_328 = arith.addi %add3A_327, %mul3A_326 : i32
    %get3A_329 = arith.index_cast %add3A_328 : i32 to index
    %get3A_330 = tpu.vector_load %arg8[%get3A_329] {strides = array<i32>} : memref<8144xi32, #tpu.memory_space<vmem>>, vector<16xi32>,
    %mul3A_331 = arith.constant 16 : i32
    %mul3A_332 = arith.muli %scan3A_318, %mul3A_331 : i32
    %add3A_333 = arith.constant 6096 : i32
    %add3A_334 = arith.addi %add3A_333, %mul3A_332 : i32
    %get3A_335 = arith.index_cast %add3A_334 : i32 to index
    %get3A_336 = tpu.vector_load %arg9[%get3A_335] {strides = array<i32>} : memref<8144xi32, #tpu.memory_space<vmem>>, vector<16xi32>,
    %gather3A_337 = tpu.vector_load_idx %arg13[%get3A_324, %get3A_330] : memref<8x2048xf32, #tpu.memory_space<vmem>>[vector<16xi32>, vector<16xi32>], vector<16xf32>,
    tpu.vector_store_idx %arg13[%scan3A_295#3, %scan3A_295#4], %scan3A_295#5 : memref<8x2048xf32, #tpu.memory_space<vmem>>[vector<16xi32>, vector<16xi32>], vector<16xf32>,
    %scan3A_338 = arith.constant 122 : i32
    %scan3A_339 = arith.addi %scan3A_291, %scan3A_338 : i32
    %mul3A_340 = arith.constant 16 : i32
    %mul3A_341 = arith.muli %scan3A_339, %mul3A_340 : i32
    %add3A_342 = arith.constant 6096 : i32
    %add3A_343 = arith.addi %add3A_342, %mul3A_341 : i32
    %get3A_344 = arith.index_cast %add3A_343 : i32 to index
    %get3A_345 = tpu.vector_load %arg7[%get3A_344] {strides = array<i32>} : memref<8144xi32, #tpu.memory_space<vmem>>, vector<16xi32>,
    %mul3A_346 = arith.constant 16 : i32
    %mul3A_347 = arith.muli %scan3A_339, %mul3A_346 : i32
    %add3A_348 = arith.constant 6096 : i32
    %add3A_349 = arith.addi %add3A_348, %mul3A_347 : i32
    %get3A_350 = arith.index_cast %add3A_349 : i32 to index
    %get3A_351 = tpu.vector_load %arg8[%get3A_350] {strides = array<i32>} : memref<8144xi32, #tpu.memory_space<vmem>>, vector<16xi32>,
    %mul3A_352 = arith.constant 16 : i32
    %mul3A_353 = arith.muli %scan3A_339, %mul3A_352 : i32
    %add3A_354 = arith.constant 6096 : i32
    %add3A_355 = arith.addi %add3A_354, %mul3A_353 : i32
    %get3A_356 = arith.index_cast %add3A_355 : i32 to index
    %get3A_357 = tpu.vector_load %arg9[%get3A_356] {strides = array<i32>} : memref<8144xi32, #tpu.memory_space<vmem>>, vector<16xi32>,
    %gather3A_358 = tpu.vector_load_idx %arg13[%get3A_345, %get3A_351] : memref<8x2048xf32, #tpu.memory_space<vmem>>[vector<16xi32>, vector<16xi32>], vector<16xf32>,
    tpu.vector_store_idx %arg13[%get3A_303, %get3A_315], %gather3A_316 : memref<8x2048xf32, #tpu.memory_space<vmem>>[vector<16xi32>, vector<16xi32>], vector<16xf32>,
    %scan3A_359 = arith.constant 123 : i32
    %scan3A_360 = arith.addi %scan3A_291, %scan3A_359 : i32
    %mul3A_361 = arith.constant 16 : i32
    %mul3A_362 = arith.muli %scan3A_360, %mul3A_361 : i32
    %add3A_363 = arith.constant 6096 : i32
    %add3A_364 = arith.addi %add3A_363, %mul3A_362 : i32
    %get3A_365 = arith.index_cast %add3A_364 : i32 to index
    %get3A_366 = tpu.vector_load %arg7[%get3A_365] {strides = array<i32>} : memref<8144xi32, #tpu.memory_space<vmem>>, vector<16xi32>,
    %mul3A_367 = arith.constant 16 : i32
    %mul3A_368 = arith.muli %scan3A_360, %mul3A_367 : i32
    %add3A_369 = arith.constant 6096 : i32
    %add3A_370 = arith.addi %add3A_369, %mul3A_368 : i32
    %get3A_371 = arith.index_cast %add3A_370 : i32 to index
    %get3A_372 = tpu.vector_load %arg8[%get3A_371] {strides = array<i32>} : memref<8144xi32, #tpu.memory_space<vmem>>, vector<16xi32>,
    %mul3A_373 = arith.constant 16 : i32
    %mul3A_374 = arith.muli %scan3A_360, %mul3A_373 : i32
    %add3A_375 = arith.constant 6096 : i32
    %add3A_376 = arith.addi %add3A_375, %mul3A_374 : i32
    %get3A_377 = arith.index_cast %add3A_376 : i32 to index
    %get3A_378 = tpu.vector_load %arg9[%get3A_377] {strides = array<i32>} : memref<8144xi32, #tpu.memory_space<vmem>>, vector<16xi32>,
    %gather3A_379 = tpu.vector_load_idx %arg13[%get3A_366, %get3A_372] : memref<8x2048xf32, #tpu.memory_space<vmem>>[vector<16xi32>, vector<16xi32>], vector<16xf32>,
    tpu.vector_store_idx %arg13[%get3A_324, %get3A_336], %gather3A_337 : memref<8x2048xf32, #tpu.memory_space<vmem>>[vector<16xi32>, vector<16xi32>], vector<16xf32>,
    %scan3A_380 = arith.constant 124 : i32
    %scan3A_381 = arith.addi %scan3A_291, %scan3A_380 : i32
    %mul3A_382 = arith.constant 16 : i32
    %mul3A_383 = arith.muli %scan3A_381, %mul3A_382 : i32
    %add3A_384 = arith.constant 6096 : i32
    %add3A_385 = arith.addi %add3A_384, %mul3A_383 : i32
    %get3A_386 = arith.index_cast %add3A_385 : i32 to index
    %get3A_387 = tpu.vector_load %arg7[%get3A_386] {strides = array<i32>} : memref<8144xi32, #tpu.memory_space<vmem>>, vector<16xi32>,
    %mul3A_388 = arith.constant 16 : i32
    %mul3A_389 = arith.muli %scan3A_381, %mul3A_388 : i32
    %add3A_390 = arith.constant 6096 : i32
    %add3A_391 = arith.addi %add3A_390, %mul3A_389 : i32
    %get3A_392 = arith.index_cast %add3A_391 : i32 to index
    %get3A_393 = tpu.vector_load %arg8[%get3A_392] {strides = array<i32>} : memref<8144xi32, #tpu.memory_space<vmem>>, vector<16xi32>,
    %mul3A_394 = arith.constant 16 : i32
    %mul3A_395 = arith.muli %scan3A_381, %mul3A_394 : i32
    %add3A_396 = arith.constant 6096 : i32
    %add3A_397 = arith.addi %add3A_396, %mul3A_395 : i32
    %get3A_398 = arith.index_cast %add3A_397 : i32 to index
    %get3A_399 = tpu.vector_load %arg9[%get3A_398] {strides = array<i32>} : memref<8144xi32, #tpu.memory_space<vmem>>, vector<16xi32>,
    %gather3A_400 = tpu.vector_load_idx %arg13[%get3A_387, %get3A_393] : memref<8x2048xf32, #tpu.memory_space<vmem>>[vector<16xi32>, vector<16xi32>], vector<16xf32>,
    tpu.vector_store_idx %arg13[%get3A_345, %get3A_357], %gather3A_358 : memref<8x2048xf32, #tpu.memory_space<vmem>>[vector<16xi32>, vector<16xi32>], vector<16xf32>,
    %scan3A_401 = arith.constant 125 : i32
    %scan3A_402 = arith.addi %scan3A_291, %scan3A_401 : i32
    %mul3A_403 = arith.constant 16 : i32
    %mul3A_404 = arith.muli %scan3A_402, %mul3A_403 : i32
    %add3A_405 = arith.constant 6096 : i32
    %add3A_406 = arith.addi %add3A_405, %mul3A_404 : i32
    %get3A_407 = arith.index_cast %add3A_406 : i32 to index
    %get3A_408 = tpu.vector_load %arg7[%get3A_407] {strides = array<i32>} : memref<8144xi32, #tpu.memory_space<vmem>>, vector<16xi32>,
    %mul3A_409 = arith.constant 16 : i32
    %mul3A_410 = arith.muli %scan3A_402, %mul3A_409 : i32
    %add3A_411 = arith.constant 6096 : i32
    %add3A_412 = arith.addi %add3A_411, %mul3A_410 : i32
    %get3A_413 = arith.index_cast %add3A_412 : i32 to index
    %get3A_414 = tpu.vector_load %arg8[%get3A_413] {strides = array<i32>} : memref<8144xi32, #tpu.memory_space<vmem>>, vector<16xi32>,
    %mul3A_415 = arith.constant 16 : i32
    %mul3A_416 = arith.muli %scan3A_402, %mul3A_415 : i32
    %add3A_417 = arith.constant 6096 : i32
    %add3A_418 = arith.addi %add3A_417, %mul3A_416 : i32
    %get3A_419 = arith.index_cast %add3A_418 : i32 to index
    %get3A_420 = tpu.vector_load %arg9[%get3A_419] {strides = array<i32>} : memref<8144xi32, #tpu.memory_space<vmem>>, vector<16xi32>,
    %gather3A_421 = tpu.vector_load_idx %arg13[%get3A_408, %get3A_414] : memref<8x2048xf32, #tpu.memory_space<vmem>>[vector<16xi32>, vector<16xi32>], vector<16xf32>,
    tpu.vector_store_idx %arg13[%get3A_366, %get3A_378], %gather3A_379 : memref<8x2048xf32, #tpu.memory_space<vmem>>[vector<16xi32>, vector<16xi32>], vector<16xf32>,
    %scan3A_422 = arith.constant 126 : i32
    tpu.vector_store_idx %arg13[%get3A_387, %get3A_399], %gather3A_400 : memref<8x2048xf32, #tpu.memory_space<vmem>>[vector<16xi32>, vector<16xi32>], vector<16xf32>,
    tpu.vector_store_idx %arg13[%get3A_408, %get3A_420], %gather3A_421 : memref<8x2048xf32, #tpu.memory_space<vmem>>[vector<16xi32>, vector<16xi32>], vector<16xf32>,
    %add3A_423 = arith.constant 120 : i32
    %add3A_424 = arith.addi %mul3A_2, %add3A_423 : i32
    %dma_start3A_425 = arith.constant 6144 : i32
    %dma_start3A_426 = tpu.memref_slice %arg6[%add3A_424, %dma_start3A_425] : memref<4096x8192xf32, #tpu.memory_space<hbm>> -> memref<8x2048xf32, #tpu.memory_space<hbm>>
    %dma_start3A_427 = arith.constant 6144 : i32
    %dma_start3A_428 = tpu.memref_slice %arg6[%add3A_424, %dma_start3A_427] : memref<4096x8192xf32, #tpu.memory_space<hbm>> -> memref<8x2048xf32, #tpu.memory_space<hbm>>
    tpu.enqueue_dma source(%arg13 : memref<8x2048xf32, #tpu.memory_space<vmem>>) target(%dma_start3A_428 : memref<8x2048xf32, #tpu.memory_space<hbm>>) target_semaphore(%arg21 : memref<!tpu.dma_semaphore, #tpu.memory_space<semaphore_mem>>)
    %add3A_429 = arith.constant 120 : i32
    %add3A_430 = arith.addi %mul3A_2, %add3A_429 : i32
    %dma_wait3A_431 = arith.constant 0 : i32
    %dma_wait3A_432 = tpu.memref_slice %arg6[%add3A_430, %dma_wait3A_431] : memref<4096x8192xf32, #tpu.memory_space<hbm>> -> memref<8x2048xf32, #tpu.memory_space<hbm>>
    %dma_wait3A_433 = arith.constant 0 : i32
    %dma_wait3A_434 = tpu.memref_slice %arg6[%add3A_430, %dma_wait3A_433] : memref<4096x8192xf32, #tpu.memory_space<hbm>> -> memref<8x2048xf32, #tpu.memory_space<hbm>>
    tpu.wait_dma2 semaphore(%arg18 : memref<!tpu.dma_semaphore, #tpu.memory_space<semaphore_mem>>) src(%arg10 : memref<8x2048xf32, #tpu.memory_space<vmem>>) dst(%dma_wait3A_434 : memref<8x2048xf32, #tpu.memory_space<hbm>>)
    %add3A_435 = arith.constant 120 : i32
    %add3A_436 = arith.addi %mul3A_2, %add3A_435 : i32
    %dma_wait3A_437 = arith.constant 2048 : i32
    %dma_wait3A_438 = tpu.memref_slice %arg6[%add3A_436, %dma_wait3A_437] : memref<4096x8192xf32, #tpu.memory_space<hbm>> -> memref<8x2048xf32, #tpu.memory_space<hbm>>
    %dma_wait3A_439 = arith.constant 2048 : i32
    %dma_wait3A_440 = tpu.memref_slice %arg6[%add3A_436, %dma_wait3A_439] : memref<4096x8192xf32, #tpu.memory_space<hbm>> -> memref<8x2048xf32, #tpu.memory_space<hbm>>
    tpu.wait_dma2 semaphore(%arg19 : memref<!tpu.dma_semaphore, #tpu.memory_space<semaphore_mem>>) src(%arg11 : memref<8x2048xf32, #tpu.memory_space<vmem>>) dst(%dma_wait3A_440 : memref<8x2048xf32, #tpu.memory_space<hbm>>)
    %add3A_441 = arith.constant 120 : i32
    %add3A_442 = arith.addi %mul3A_2, %add3A_441 : i32
    %dma_wait3A_443 = arith.constant 4096 : i32
    %dma_wait3A_444 = tpu.memref_slice %arg6[%add3A_442, %dma_wait3A_443] : memref<4096x8192xf32, #tpu.memory_space<hbm>> -> memref<8x2048xf32, #tpu.memory_space<hbm>>
    %dma_wait3A_445 = arith.constant 4096 : i32
    %dma_wait3A_446 = tpu.memref_slice %arg6[%add3A_442, %dma_wait3A_445] : memref<4096x8192xf32, #tpu.memory_space<hbm>> -> memref<8x2048xf32, #tpu.memory_space<hbm>>
    tpu.wait_dma2 semaphore(%arg20 : memref<!tpu.dma_semaphore, #tpu.memory_space<semaphore_mem>>) src(%arg12 : memref<8x2048xf32, #tpu.memory_space<vmem>>) dst(%dma_wait3A_446 : memref<8x2048xf32, #tpu.memory_space<hbm>>)
    %add3A_447 = arith.constant 120 : i32
    %add3A_448 = arith.addi %mul3A_2, %add3A_447 : i32
    %dma_wait3A_449 = arith.constant 6144 : i32
    %dma_wait3A_450 = tpu.memref_slice %arg6[%add3A_448, %dma_wait3A_449] : memref<4096x8192xf32, #tpu.memory_space<hbm>> -> memref<8x2048xf32, #tpu.memory_space<hbm>>
    %dma_wait3A_451 = arith.constant 6144 : i32
    %dma_wait3A_452 = tpu.memref_slice %arg6[%add3A_448, %dma_wait3A_451] : memref<4096x8192xf32, #tpu.memory_space<hbm>> -> memref<8x2048xf32, #tpu.memory_space<hbm>>
    tpu.wait_dma2 semaphore(%arg21 : memref<!tpu.dma_semaphore, #tpu.memory_space<semaphore_mem>>) src(%arg13 : memref<8x2048xf32, #tpu.memory_space<vmem>>) dst(%dma_wait3A_452 : memref<8x2048xf32, #tpu.memory_space<hbm>>)
    return
  }
}

</mosaic_0001>

<sc_bundles>
// kernel: kernel.3.cloned.1.call-start
scs
__scs_entry_jumppad:
0x0: {  	(pc) =	sbr.rel $0x88, $3  }
0x1: {  	(tag) =	ssettag $0x0;
	lr =	simm.s32 $0x1  }
0x2: {  	[smem:$0x3FA0] =	sst lr;
	_ =	strace $0xD0000000  }
0x3: {  	_ = 	snop  }
0x4: {  	_ = 	snop  }
0x5: {  	_ = 	snop  }
0x6: {  	_ = 	snop  }
0x7: {  	_ = 	snop  }
__scs_overlays_trampoline_lowered:
0x8: {  	[smem:$0x3FAF] =	sst s0  }
0x9: {  	[smem:$0x3FB0] =	sst s1  }
0xa: {  	[smem:$0x3FB1] =	sst s2  }
0xb: {  	[smem:$0x3FB2] =	sst s3  }
0xc: {  	[smem:$0x3FB3] =	sst s4  }
0xd: {  	[smem:$0x3FB4] =	sst s5  }
0xe: {  	[smem:$0x3FB5] =	sst s6  }
0xf: {  	[smem:$0x3FB6] =	sst s7  }
0x10: {  	[smem:$0x3FB7] =	sst s8  }
0x11: {  	[smem:$0x3FB8] =	sst s9;
	s0 =	simm.s32 @!p0 $0x0  }
0x12: {  	s1 =	sld [smem:$0x3F9E];
	s0 =	simm.s32 @p0 $0x1  }
0x13: {  	[smem:$0x3FB9] =	sst s0;
	s0 =	simm.s32 @!p1 $0x0  }
0x14: {  	s2 =	sld [smem:$0x3F9D];
	s0 =	simm.s32 @p1 $0x1  }
0x15: {  	[smem:$0x3FBA] =	sst s0;
	s0 =	simm.s32 @!p2 $0x0  }
0x16: {  	s3 =	sld [smem:$0x3FDB];
	s0 =	simm.s32 @p2 $0x1  }
0x17: {  	s4 =	simm.s32 $0x1BF5;
	[smem:$0x3FBC] =	sst s0  }
0x18: {  	s0 =	sld [smem:$0x3F9F];
	_ =	swait.ge [sflag:s4], $0x0  }
0x19: {  	s7 =	sld [smem:$0x3FA0]  }
0x1a: {  	s8 =	sadd.s32 $0xFFFFE003, lr  }
0x1b: {  	s9 =	sadd.s32 $0xFFFFFEF7, lr;
	s5 =	simm.s32 $0xFFFFFFFF;
	p2 =	slt.u32 s8, $0xFFFFF086  }
0x1c: {  	p1 =	slt.u32 s9, $0xF7A;
	s5 =	simm.s32 @!p2 $0x0  }
0x1d: {  	s5 =	simm.s32 @p1 $0x1;
	p0 =	seq.s32 s7, s2  }
0x1e: {  	s7 =	smul.u32 @!p0 $0xF7A, s2;
	p2 =	seq.s32 @!p0 s5, $0x0  }
0x1f: {  	s9 =	smul.u32 $0xF7A, s1;
	s8 =	simm.s32 @!p0 $0x1BF5;
	p2 =	por !p2, p0  }
0x20: {  	[sflag:s8] =	ssyncset.s32 @!p0 $0xFFFFF086;
	s6 =	sadd.s32 @!p0 s3, s7;
	s7 =	simm.s32 @!p0 $0x108  }
0x21: {  	s3 =	sadd.s32 s3, s9;
	s6 =	sadd.s32 @!p0 $0x88, s6;
	s7 =	simm.s32 @p2 $0x1082  }
0x22: {  	[simem:s7], [sflag:s8] =	dma.local @!p0 [hbm:s6], $0xF7A  }
0x23: {  	s9 =	sor.u32 $0xD0000000, s2;
	s6 =	simm.s32 $0x108;
	_ =	swait.ge @!p0 [sflag:s8], $0x0  }
0x24: {  	s3 =	sadd.s32 $0x88, s3;
	s6 =	simm.s32 @!p1 $0x1082;
	[sflag:s4] =	ssyncset.s32 $0xFFFFF086  }
0x25: {  	[simem:s6], [sflag:s4] =	dma.local [hbm:s3], $0xF7A  }
0x26: {  	[smem:$0x3FA0] =	sst s1;
	(tag) =	ssettag s2;
	_ =	strace s9  }
0x27: {  	s1 =	sld [smem:$0x3FB0]  }
0x28: {  	s2 =	sld [smem:$0x3FB1]  }
0x29: {  	s4 =	sld [smem:$0x3FB3]  }
0x2a: {  	p0 =	seq.s32 s5, $0x0;
	s5 =	sld [smem:$0x3FB4]  }
0x2b: {  	s6 =	sld [smem:$0x3FB5]  }
0x2c: {  	s7 =	sld [smem:$0x3FB6]  }
0x2d: {  	s3 =	simm.s32 $0x108;
	s8 =	sld [smem:$0x3FB7]  }
0x2e: {  	s3 =	simm.s32 @!p0 $0x1082;
	s9 =	sld [smem:$0x3FB8]  }
0x2f: {  	lr =	sadd.s32 s0, s3;
	s0 =	sld [smem:$0x3FAF]  }
0x30: {  	s3 =	sld [smem:$0x3FB2]  }
0x31: {  	[smem:$0x3FBB] =	sst s10  }
0x32: {  	s10 =	sld [smem:$0x3FB9];
	_ =	sdelay $0x3  }
0x33: {  	p0 =	seq.s32 s10, $0x1;
	s10 =	sld [smem:$0x3FBB];
	_ =	sdelay $0x3  }
0x34: {  	[smem:$0x3FBB] =	sst s10  }
0x35: {  	s10 =	sld [smem:$0x3FBA];
	_ =	sdelay $0x3  }
0x36: {  	p1 =	seq.s32 s10, $0x1;
	s10 =	sld [smem:$0x3FBB];
	_ =	sdelay $0x3  }
0x37: {  	[smem:$0x3FBB] =	sst s10  }
0x38: {  	s10 =	sld [smem:$0x3FBC]  }
0x39: {  	_ = 	snop;
	(pc) =	sbr.ind lr, $3  }
0x3a: {  	_ = 	snop  }
0x3b: {  	_ = 	snop  }
0x3c: {  	p2 =	seq.s32 s10, $0x1;
	s10 =	sld [smem:$0x3FBB]  }
0x3d: {  	_ =	shalt  }
0x3e: {  	_ =	shalt  }
0x3f: {  	_ =	shalt  }
0x40: {  	_ =	shalt  }
0x41: {  	_ =	shalt  }
0x42: {  	_ =	shalt  }
0x43: {  	_ =	shalt  }
0x44: {  	_ =	shalt  }
0x45: {  	_ =	shalt  }
0x46: {  	_ =	shalt  }
0x47: {  	_ =	shalt  }
0x48: {  	_ =	shalt  }
0x49: {  	_ =	shalt  }
0x4a: {  	_ =	shalt  }
0x4b: {  	_ =	shalt  }
0x4c: {  	_ =	shalt  }
0x4d: {  	_ =	shalt  }
0x4e: {  	_ =	shalt  }
0x4f: {  	_ =	shalt  }
0x50: {  	_ =	shalt  }
0x51: {  	_ =	shalt  }
0x52: {  	_ =	shalt  }
0x53: {  	_ =	shalt  }
0x54: {  	_ =	shalt  }
0x55: {  	_ =	shalt  }
0x56: {  	_ =	shalt  }
0x57: {  	_ =	shalt  }
0x58: {  	_ =	shalt  }
0x59: {  	_ =	shalt  }
0x5a: {  	_ =	shalt  }
0x5b: {  	_ =	shalt  }
0x5c: {  	_ =	shalt  }
0x5d: {  	_ =	shalt  }
0x5e: {  	_ =	shalt  }
0x5f: {  	_ =	shalt  }
0x60: {  	_ =	shalt  }
0x61: {  	_ =	shalt  }
0x62: {  	_ =	shalt  }
0x63: {  	_ =	shalt  }
0x64: {  	_ =	shalt  }
0x65: {  	_ =	shalt  }
0x66: {  	_ =	shalt  }
0x67: {  	_ =	shalt  }
0x68: {  	_ =	shalt  }
0x69: {  	_ =	shalt  }
0x6a: {  	_ =	shalt  }
0x6b: {  	_ =	shalt  }
0x6c: {  	_ =	shalt  }
0x6d: {  	_ =	shalt  }
0x6e: {  	_ =	shalt  }
0x6f: {  	_ =	shalt  }
0x70: {  	_ =	shalt  }
0x71: {  	_ =	shalt  }
0x72: {  	_ =	shalt  }
0x73: {  	_ =	shalt  }
0x74: {  	_ =	shalt  }
0x75: {  	_ =	shalt  }
0x76: {  	_ =	shalt  }
0x77: {  	_ =	shalt  }
0x78: {  	_ =	shalt  }
0x79: {  	_ =	shalt  }
0x7a: {  	_ =	shalt  }
0x7b: {  	_ =	shalt  }
0x7c: {  	_ =	shalt  }
0x7d: {  	_ =	shalt  }
0x7e: {  	_ =	shalt  }
0x7f: {  	_ =	shalt  }
0x80: {  	_ =	shalt  }
0x81: {  	_ =	shalt  }
0x82: {  	_ =	shalt  }
0x83: {  	_ =	shalt  }
0x84: {  	_ =	shalt  }
0x85: {  	_ =	shalt  }
0x86: {  	_ =	shalt  }
0x87: {  	_ =	shalt  }
.Lfunc_end0:
.L_simem_size_0:
called_computation_lowered:
.L_overlay_start_0:
0x88: {  	s2 =	sld [smem:$0x3FD9]  }
0x89: {  	s3 =	sld [smem:$0x3FFE];
	_ =	sdelay $0x1  }
0x8a: {  	s1 =	srdreg.scid  }
0x8b: {  	s0 =	sand.u32 $0x1, s1  }
0x8c: {  	s17 =	sshll.u32 s0, $0xA;
	s2 =	sadd.s32 s3, s2  }
0x8d: {  	s2 =	sadd.s32 s2, s17  }
0x8e: {  	[smem:$0x3FC7] =	sst s2  }
0x8f: {  	_ = 	snop  }
0x90: {  	s2 =	sld [smem:$0x3FC9]  }
0x91: {  	s18 =	sld [smem:$0x3FD0];
	(tm) =	ssettm $0x1  }
0x92: {  	s4 =	sld [smem:$0x3FFB];
	_ =	sdelay $0x3  }
0x93: {  	_ =	strace s4  }
0x94: {  	s4 =	sld [smem:$0x3FFC];
	_ =	sdelay $0x3  }
0x95: {  	_ =	strace s4  }
0x96: {  	s4 =	sld [smem:$0x3FFD];
	_ =	sdelay $0x3  }
0x97: {  	_ =	strace s4  }
0x98: {  	_ =	strace $0x8FFFFFFF  }
0x99: {  	s19 =	sld [smem:$0x3FDB];
	_ =	sdelay $0x1  }
0x9a: {  	s5 =	simm.s32 $_scs_section_size  }
0x9b: {  	s6 =	simm.s32 $_size__tile_overlayer_lowered;
	s7 =	simm.s32 $_tile_overlayer_lowered  }
0x9c: {  	s22 =	simm.s32 $0x1BFF;
	s21 =	sshll.u32 s7, $0x1;
	s4 =	sadd.s32 s5, s19  }
0x9d: {  	s8 =	simm.s32 $0x0;
	s20 =	sshll.u32 s6, $0x1;
	s6 =	sadd.s32 s21, s4  }
0x9e: {  	[timem:s8], [sflag:s22] =	dma.local [hbm:s6], s20  }
0x9f: {  	_ =	swait.ge [sflag:s22], s20  }
0xa0: {  	s5 =	ssub.s32 $0x0, s20;
	[sflag:s22] =	ssyncset.done $0x0  }
0xa1: {  	[sflag:s22] =	ssyncadd.s32 s5;
	_ =	sdelay $0x1  }
0xa2: {  	s23 =	simm.s32 $0x1B8B  }
0xa3: {  	_ =	swait.ge [sflag:s23], $0x1  }
0xa4: {  	[sflag:s23] =	ssyncset.done $0x0  }
0xa5: {  	s25 =	simm.s32 $0x1B8E;
	s24 =	sld [smem:$0x3FFE];
	[sflag:s23] =	ssyncadd.s32 $0xFFFFFFFF  }
0xa6: {  	s26 =	simm.s32 $execute0_lowered;
	[smem:$0x3FD2] =	sst s25  }
0xa7: {  	s6 =	sshll.u32 s26, $0x1;
	_ =	strace $0x80000046;
	[dreg:$0x1] =	wrdreg $0xFFFFFFFF  }
0xa8: {  	s28 =	simm.s32 $_size_execute0_lowered;
	s4 =	sadd.s32 s4, s6;
	[dreg:$0x0] =	wrdreg $0x0  }
0xa9: {  	s6 =	sshll.u32 s28, $0x1;
	[dreg:$0x2] =	wrdreg s4  }
0xaa: {  	[dreg:$0x3] =	wrdreg s6  }
0xab: {  	[dreg:$0x4] =	wrdreg $0xC0  }
0xac: {  	_ =	task [dreg:s8], $0x5FFFF  }
0xad: {  	[dreg:$0x1] =	wrdreg $0xFFFFFFFF  }
0xae: {  	[dreg:$0x0] =	wrdreg $0x60  }
0xaf: {  	[dreg:$0x2] =	wrdreg s2  }
0xb0: {  	[dreg:$0x3] =	wrdreg s24  }
0xb1: {  	[dreg:$0x4] =	wrdreg s18  }
0xb2: {  	[dreg:$0x5] =	wrdreg $0x9  }
0xb3: {  	_ =	task.clear_ibuf [dreg:s8], $0x6FFFF;
	_ =	strace $0x90000046  }
0xb4: {  	s29 =	simm.s32 $0x9;
	_ =	strace $0x80000048  }
0xb5: {  	_ =	swait.ge [sflag:s29], $0x1  }
0xb6: {  	[sflag:s29] =	ssyncadd.s32 $0xFFFFFFFF  }
0xb7: {  	_ =	strace $0x90000048  }
0xb8: {  	_ =	sfence  }
0xb9: {  	s30 =	sld [smem:$0x0];
	_ =	sdelay $0x2  }
0xba: {  	s31 =	sshll.u32 s1, $0xD;
	s1 =	sshrl.u32 s1, $0x2  }
0xbb: {  	s3 =	sand.u32 $0x4000, s31;
	s1 =	sadd.s32 s1, s30  }
0xbc: {  	s0 =	sor.u32 s3, s0;
	s1 =	sshll.u32 s1, $0x11  }
0xbd: {  	s0 =	sor.u32 s1, s0  }
0xbe: {  	s0 =	sadd.s32 $0x8F2B, s0  }
0xbf: {  	[sflag:s0] =	ssyncadd.remote.s32 $0x1  }
0xc0: {  	_ =	sfence.sel $0xFFFF  }
0xc1: {  	[dreg:$0x0] =	wrdreg $0xFFFFFFFF;
	(pc) =	sbr.abs _section_cstart, $3  }
0xc2: {  	[dreg:$0x1] =	wrdreg $0xFFFFFFFF  }
0xc3: {  	_ =	task.clear_ibuf [dreg:s8], $0x2FFFF;
	_ =	strace $0x9FFFFFFF  }
0xc4: {  	(tm) =	ssettm $0x7FFFFFFF  }
0xc5: {  	_ =	shalt  }
tec
execute0_lowered:
.L_overlay_start_1:
0x0: {  	(tag) =	ssettag $0x1  }
0x1: {  	s1 =	rddreg [dreg:$0x0]  }
0x2: {  	s0 =	rddreg [dreg:$0x1]  }
0x3: {  	s2 =	rddreg [dreg:$0x2]  }
0x4: {  	s4 =	simm.s32 $0x0;
	s3 =	srdreg.scid;
	s5 =	stileid.u32  }
0x5: {  	s29 =	simm.s32 $0xE000;
	s30 =	simm.s32 $0x1;
	s31 =	simm.s32 $0x12000  }
0x6: {  	s28 =	simm.s32 $0x6;
	[smem:$0x7FF] =	sst s4;
	s3 =	sand.u32 $0x1, s3  }
0x7: {  	s6 =	sadd.s32 $0xC00, s0;
	s5 =	sshll.u32 s5, $0x8;
	s7 =	sadd.s32 $0x800, s0  }
0x8: {  	s0 =	sadd.s32 $0x400, s0;
	s10 =	sadd.s32 $0x1000, s1;
	s11 =	sadd.s32 $0x1800, s1  }
0x9: {  	_ =	strace $0x80000047;
	[dreg:$0x4] =	wrdreg s6;
	s18 =	sshll.u32 s3, $0x7  }
0xa: {  	s17 =	sadd.s32 $0x1000, s2;
	[dreg:$0x5] =	wrdreg s7;
	s5 =	sor.u32 s18, s5  }
0xb: {  	s3 =	ssub.s32 $0x2, s3;
	[dreg:$0x6] =	wrdreg s0;
	s6 =	sshll.u32 s5, $0xA  }
0xc: {  	s7 =	simm.s32 $0x8;
	s19 =	sshrl.u32 s3, $0x1;
	s20 =	sadd.s32 s1, s6  }
0xd: {  	s18 =	sadd.s32 $0x1800, s2;
	s23 =	sadd.s32 s6, s10;
	[dreg:$0x7] =	wrdreg s20  }
0xe: {  	s0 =	ssub.s32 s3, s19;
	s8 =	sadd.s32 s6, s11;
	[dreg:$0x9] =	wrdreg s23  }
0xf: {  	s16 =	sshrl.u32 s5, $0x3;
	s24 =	sadd.s32 s2, s6;
	[dreg:$0xb] =	wrdreg s8  }
0x10: {  	s21 =	sor.u32 $0x800, s6;
	s0 =	smax.u32 s0, $0x1;
	[dreg:$0xa] =	wrdreg s24  }
0x11: {  	s5 =	simm.s32 $0x4;
	s22 =	sadd.s32 s1, s21;
	[dreg:$0xf] =	wrdreg s0  }
0x12: {  	s3 =	sadd.s32 s2, s21;
	s25 =	sadd.s32 $0x1F000, s24;
	[dreg:$0x8] =	wrdreg s22  }
0x13: {  	s26 =	sadd.s32 $0x1F800, s24;
	s23 =	simm.s32 $0x6000;
	[dreg:$0xc] =	wrdreg s3  }
0x14: {  	s24 =	simm.s32 $0xA000;
	s0 =	simm.s32 $0x2;
	[dreg:$0xd] =	wrdreg s25  }
0x15: {  	s8 =	simm.s32 $0x0;
	[dreg:$0xe] =	wrdreg s26;
	s22 =	sor.u32 $0x2000, s6  }
0x16: {  	s3 =	simm.s32 $0x5;
	s26 =	simm.s32 $0x3;
	s6 =	simm.s32 $0x7  }
.LBB2_1:
0x17: {  	s9 =	rddreg [dreg:$0x7]  }
0x18: {  	[tilespmem:s23], [sflag:$0x1] =	stream.linear.gather [hbm4b:s9+s4], $0x4000, $0x38;
	[tilespmem:$0x16000] =	vst v63  }
0x19: {  	s14 =	rddreg [dreg:$0x8]  }
0x1a: {  	[tilespmem:s24], [sflag:$0x2] =	stream.linear.gather [hbm4b:s14+s4], $0x4000, $0x38;
	[tilespmem:$0x16000] =	vst v63  }
0x1b: {  	s15 =	rddreg [dreg:$0x4];
	s12 =	simm.s32 $0x9  }
0x1c: {  	[tilespmem:s4], [sflag:$0x9] =	stream.linear.gather [hbm4b:s15+s4], $0x2000, $0x38;
	[tilespmem:$0x16000] =	vst v63  }
0x1d: {  	_ =	swait.ge [sflag:s12], $0x2000  }
0x1e: {  	[sflag:s12] =	ssyncset.done $0x0  }
0x1f: {  	s13 =	simm.s32 $0x2000;
	s19 =	rddreg [dreg:$0x5];
	[sflag:s12] =	ssyncadd.s32 $0xFFFFE000  }
0x20: {  	[tilespmem:s13], [sflag:$0x9] =	stream.linear.gather [hbm4b:s19+s4], $0x2000, $0x38;
	[tilespmem:$0x16000] =	vst v63  }
0x21: {  	_ =	swait.ge [sflag:s12], $0x2000  }
0x22: {  	[sflag:s12] =	ssyncset.done $0x0  }
0x23: {  	s21 =	simm.s32 $0x4000;
	s20 =	rddreg [dreg:$0x6];
	[sflag:s12] =	ssyncadd.s32 $0xFFFFE000  }
0x24: {  	[tilespmem:s21], [sflag:$0x9] =	stream.linear.gather [hbm4b:s20+s4], $0x2000, $0x38;
	[tilespmem:$0x16000] =	vst v63  }
0x25: {  	_ =	swait.ge [sflag:s12], $0x2000  }
0x26: {  	[sflag:s12] =	ssyncset.done $0x0  }
0x27: {  	s25 =	rddreg [dreg:$0x9];
	[sflag:s12] =	ssyncadd.s32 $0xFFFFE000  }
0x28: {  	[tilespmem:s29], [sflag:$0x3] =	stream.linear.gather [hbm4b:s25+s4], $0x4000, $0x38;
	[tilespmem:$0x16000] =	vst v63  }
0x29: {  	_ =	swait.ge [sflag:s30], $0x4000  }
0x2a: {  	[sflag:s30] =	ssyncset.done $0x0  }
0x2b: {  	[sflag:s30] =	ssyncadd.s32 $0xFFFFC000  }
0x2c: {  	v3 =	vld [tilespmem:$0x0]  }
0x2d: {  	v0 =	vld [tilespmem:$0x2000];
	_ =	sdelay $0x1  }
0x2e: {  	v1 =	vld [tilespmem:$0x10]  }
0x2f: {  	v2 =	vld [tilespmem:$0x2010];
	_ =	sdelay $0x1  }
0x30: {  	v4 =	vshll.u32 v3, $0xB;
	v5 =	vshll.u32 v0, $0x3  }
0x31: {  	v6 =	vshll.u32 v3, $0x7;
	v4 =	vand.u32 $0xFFFFC000, v4;
	v5 =	vand.u32 $0xFFFFFC00, v5  }
0x32: {  	v0 =	vand.u32 $0x7F, v0;
	v4 =	vadd.s32 v4, v5;
	v5 =	vand.u32 $0x380, v6  }
0x33: {  	v6 =	vshll.u32 v2, $0x3;
	v4 =	vor.u32 v5, v4;
	v5 =	vshll.u32 v1, $0xB  }
0x34: {  	v7 =	vshll.u32 v1, $0x7;
	v6 =	vand.u32 $0xFFFFFC00, v6;
	v5 =	vand.u32 $0xFFFFC000, v5  }
0x35: {  	v0 =	vor.u32 v0, v4;
	v4 =	vadd.s32 v5, v6;
	v5 =	vand.u32 $0x380, v7  }
0x36: {  	v2 =	vand.u32 $0x7F, v2;
	v4 =	vor.u32 v5, v4  }
0x37: {  	v6 =	vor.u32 v2, v4;
	_ =	sdelay $0x1  }
0x38: {  	v5 =	vld [tilespmem:$0x4000]  }
0x39: {  	v2 =	vld [tilespmem:$0x4010]  }
0x3a: {  	s9 =	simm.s32 $0xFFFFFFFA;
	v4 =	vld.idx.msk [tilespmem:v0+s23+$0x0], $0xffff  }
0x3b: {  	s14 =	simm.s32 $0x2050;
	s13 =	simm.s32 $0x4050;
	s12 =	simm.s32 $0x50;
	v0 =	vld.idx.msk [tilespmem:v6+s23+$0x0], $0xffff  }
.LBB2_2:
0x3c: {  	v6 =	vld [tilespmem:s12+$0xFFFFFFD0]  }
0x3d: {  	v7 =	vld [tilespmem:s14+$0xFFFFFFD0];
	_ =	sdelay $0x3  }
0x3e: {  	v10 =	vshll.u32 v3, $0xB;
	v11 =	vshll.u32 v5, $0x3;
	v3 =	vshll.u32 v3, $0x7  }
0x3f: {  	v10 =	vand.u32 $0xFFFFC000, v10;
	v8 =	vshll.u32 v6, $0xB;
	v9 =	vshll.u32 v7, $0x3  }
0x40: {  	v11 =	vand.u32 $0xFFFFFC00, v11;
	v8 =	vand.u32 $0xFFFFC000, v8;
	v9 =	vand.u32 $0xFFFFFC00, v9  }
0x41: {  	v3 =	vand.u32 $0x380, v3;
	v7 =	vand.u32 $0x7F, v7;
	v9 =	vadd.s32 v8, v9  }
0x42: {  	v6 =	vshll.u32 v6, $0x7;
	v7 =	vor.u32 v7, v9;
	v9 =	vadd.s32 v10, v11  }
0x43: {  	v5 =	vand.u32 $0x7F, v5;
	v6 =	vand.u32 $0x380, v6;
	v3 =	vor.u32 v3, v9  }
0x44: {  	v7 =	vor.u32 v6, v7;
	v3 =	vor.u32 v5, v3;
	_ =	sdelay $0x3  }
0x45: {  	v5 =	vld [tilespmem:s13+$0xFFFFFFD0]  }
0x46: {  	v7 =	vld.idx.msk [tilespmem:v7+s23+$0x0], $0xffff;
	[tilespmem:v3+s23+$0x0] =	vst.idx.msk $0xffff, v4  }
0x47: {  	v3 =	vld [tilespmem:s12+$0xFFFFFFE0]  }
0x48: {  	v4 =	vld [tilespmem:s14+$0xFFFFFFE0];
	_ =	sdelay $0x2  }
0x49: {  	v12 =	vshll.u32 v2, $0x3  }
0x4a: {  	v12 =	vand.u32 $0xFFFFFC00, v12;
	v11 =	vshll.u32 v1, $0xB  }
0x4b: {  	v1 =	vshll.u32 v1, $0x7;
	v9 =	vshll.u32 v3, $0xB;
	v10 =	vshll.u32 v4, $0x3  }
0x4c: {  	v11 =	vand.u32 $0xFFFFC000, v11;
	v9 =	vand.u32 $0xFFFFC000, v9;
	v10 =	vand.u32 $0xFFFFFC00, v10  }
0x4d: {  	v1 =	vand.u32 $0x380, v1;
	v4 =	vand.u32 $0x7F, v4;
	v10 =	vadd.s32 v9, v10  }
0x4e: {  	v3 =	vshll.u32 v3, $0x7;
	v4 =	vor.u32 v4, v10;
	v10 =	vadd.s32 v11, v12  }
0x4f: {  	v2 =	vand.u32 $0x7F, v2;
	v3 =	vand.u32 $0x380, v3;
	v1 =	vor.u32 v1, v10  }
0x50: {  	v4 =	vor.u32 v3, v4;
	v1 =	vor.u32 v2, v1;
	_ =	sdelay $0x3  }
0x51: {  	v2 =	vld [tilespmem:s13+$0xFFFFFFE0]  }
0x52: {  	v4 =	vld.idx.msk [tilespmem:v4+s23+$0x0], $0xffff;
	[tilespmem:v1+s23+$0x0] =	vst.idx.msk $0xffff, v0  }
0x53: {  	v0 =	vld [tilespmem:s12+$0xFFFFFFF0]  }
0x54: {  	v1 =	vld [tilespmem:s14+$0xFFFFFFF0];
	_ =	sdelay $0x3  }
0x55: {  	v59 =	vshll.u32 v5, $0x3;
	v5 =	vand.u32 $0x7F, v5  }
0x56: {  	v10 =	vshll.u32 v0, $0xB;
	v11 =	vand.u32 $0x7F, v1;
	v1 =	vshll.u32 v1, $0x3  }
0x57: {  	v12 =	vand.u32 $0xFFFFFC00, v59;
	v10 =	vand.u32 $0xFFFFC000, v10;
	v1 =	vand.u32 $0xFFFFFC00, v1  }
0x58: {  	v8 =	vadd.s32 v8, v12;
	v0 =	vshll.u32 v0, $0x7;
	v1 =	vadd.s32 v10, v1  }
0x59: {  	v5 =	vor.u32 v5, v8;
	v0 =	vand.u32 $0x380, v0;
	v1 =	vor.u32 v11, v1  }
0x5a: {  	v5 =	vor.u32 v6, v5;
	v1 =	vor.u32 v0, v1;
	_ =	sdelay $0x3  }
0x5b: {  	v6 =	vld [tilespmem:s13+$0xFFFFFFF0]  }
0x5c: {  	v1 =	vld.idx.msk [tilespmem:v1+s23+$0x0], $0xffff;
	[tilespmem:v5+s23+$0x0] =	vst.idx.msk $0xffff, v7  }
0x5d: {  	v5 =	vld [tilespmem:s12+$0x0]  }
0x5e: {  	v7 =	vld [tilespmem:s14+$0x0];
	_ =	sdelay $0x3  }
0x5f: {  	v60 =	vshll.u32 v2, $0x3;
	v2 =	vand.u32 $0x7F, v2  }
0x60: {  	v8 =	vshll.u32 v5, $0xB;
	v11 =	vand.u32 $0x7F, v7;
	v7 =	vshll.u32 v7, $0x3  }
0x61: {  	v12 =	vand.u32 $0xFFFFFC00, v60;
	v8 =	vand.u32 $0xFFFFC000, v8;
	v7 =	vand.u32 $0xFFFFFC00, v7  }
0x62: {  	v9 =	vadd.s32 v9, v12;
	v5 =	vshll.u32 v5, $0x7;
	v7 =	vadd.s32 v8, v7  }
0x63: {  	v2 =	vor.u32 v2, v9;
	v5 =	vand.u32 $0x380, v5;
	v7 =	vor.u32 v11, v7  }
0x64: {  	v2 =	vor.u32 v3, v2;
	v7 =	vor.u32 v5, v7;
	_ =	sdelay $0x3  }
0x65: {  	v3 =	vld [tilespmem:s13+$0x0]  }
0x66: {  	v7 =	vld.idx.msk [tilespmem:v7+s23+$0x0], $0xffff;
	[tilespmem:v2+s23+$0x0] =	vst.idx.msk $0xffff, v4  }
0x67: {  	v2 =	vld [tilespmem:s12+$0x10]  }
0x68: {  	v4 =	vld [tilespmem:s14+$0x10];
	_ =	sdelay $0x4  }
0x69: {  	v9 =	vshll.u32 v2, $0xB;
	v11 =	vand.u32 $0x7F, v4  }
0x6a: {  	v4 =	vshll.u32 v4, $0x3;
	v61 =	vand.u32 $0xFFFFC000, v9;
	v9 =	vshll.u32 v6, $0x3  }
0x6b: {  	v2 =	vshll.u32 v2, $0x7;
	v4 =	vand.u32 $0xFFFFFC00, v4;
	v9 =	vand.u32 $0xFFFFFC00, v9  }
0x6c: {  	v6 =	vand.u32 $0x7F, v6;
	v4 =	vadd.s32 v61, v4;
	v9 =	vadd.s32 v10, v9  }
0x6d: {  	v2 =	vand.u32 $0x380, v2;
	v4 =	vor.u32 v11, v4;
	v6 =	vor.u32 v6, v9  }
0x6e: {  	v4 =	vor.u32 v2, v4;
	v0 =	vor.u32 v0, v6;
	_ =	sdelay $0x3  }
0x6f: {  	v6 =	vld [tilespmem:s13+$0x10]  }
0x70: {  	v10 =	vld.idx.msk [tilespmem:v4+s23+$0x0], $0xffff;
	[tilespmem:v0+s23+$0x0] =	vst.idx.msk $0xffff, v1  }
0x71: {  	v0 =	vld [tilespmem:s12+$0x20]  }
0x72: {  	v1 =	vld [tilespmem:s14+$0x20];
	_ =	sdelay $0x4  }
0x73: {  	v4 =	vshll.u32 v0, $0xB;
	v9 =	vand.u32 $0x7F, v1  }
0x74: {  	v1 =	vshll.u32 v1, $0x3;
	v11 =	vand.u32 $0xFFFFC000, v4;
	v4 =	vshll.u32 v3, $0x3  }
0x75: {  	v0 =	vshll.u32 v0, $0x7;
	v1 =	vand.u32 $0xFFFFFC00, v1;
	v4 =	vand.u32 $0xFFFFFC00, v4  }
0x76: {  	v3 =	vand.u32 $0x7F, v3;
	v1 =	vadd.s32 v11, v1;
	v4 =	vadd.s32 v8, v4  }
0x77: {  	v0 =	vand.u32 $0x380, v0;
	v1 =	vor.u32 v9, v1;
	v3 =	vor.u32 v3, v4  }
0x78: {  	v1 =	vor.u32 v0, v1;
	v3 =	vor.u32 v5, v3;
	_ =	sdelay $0x3  }
0x79: {  	v13 =	vld [tilespmem:s13+$0x20]  }
0x7a: {  	v14 =	vld.idx.msk [tilespmem:v1+s23+$0x0], $0xffff;
	[tilespmem:v3+s23+$0x0] =	vst.idx.msk $0xffff, v7  }
0x7b: {  	v3 =	vld [tilespmem:s12+$0x30]  }
0x7c: {  	v1 =	vld [tilespmem:s14+$0x30];
	_ =	sdelay $0x3  }
0x7d: {  	v8 =	vshll.u32 v6, $0x3  }
0x7e: {  	v4 =	vshll.u32 v3, $0xB;
	v5 =	vand.u32 $0x7F, v1;
	v1 =	vshll.u32 v1, $0x3  }
0x7f: {  	v7 =	vand.u32 $0xFFFFC000, v4;
	v1 =	vand.u32 $0xFFFFFC00, v1;
	v4 =	vshll.u32 v3, $0x7  }
0x80: {  	v1 =	vadd.s32 v7, v1;
	v9 =	vand.u32 $0x380, v4;
	v4 =	vand.u32 $0xFFFFFC00, v8  }
0x81: {  	v1 =	vor.u32 v5, v1;
	v5 =	vand.u32 $0x7F, v6;
	v4 =	vadd.s32 v61, v4  }
0x82: {  	v4 =	vor.u32 v5, v4  }
0x83: {  	v1 =	vor.u32 v9, v1;
	v2 =	vor.u32 v2, v4;
	_ =	sdelay $0x3  }
0x84: {  	v5 =	vld [tilespmem:s13+$0x30]  }
0x85: {  	v4 =	vld.idx.msk [tilespmem:v1+s23+$0x0], $0xffff;
	[tilespmem:v2+s23+$0x0] =	vst.idx.msk $0xffff, v10  }
0x86: {  	v1 =	vld [tilespmem:s12+$0x40]  }
0x87: {  	v2 =	vld [tilespmem:s14+$0x40];
	_ =	sdelay $0x3  }
0x88: {  	v62 =	vshll.u32 v13, $0x3  }
0x89: {  	v6 =	vshll.u32 v1, $0xB;
	v10 =	vand.u32 $0x7F, v2;
	v2 =	vshll.u32 v2, $0x3  }
0x8a: {  	v12 =	vand.u32 $0xFFFFFC00, v62;
	v6 =	vand.u32 $0xFFFFC000, v6;
	v2 =	vand.u32 $0xFFFFFC00, v2  }
0x8b: {  	v11 =	vadd.s32 v11, v12;
	v8 =	vshll.u32 v1, $0x7;
	v2 =	vadd.s32 v6, v2  }
0x8c: {  	v8 =	vand.u32 $0x380, v8;
	v2 =	vor.u32 v10, v2;
	v10 =	vand.u32 $0x7F, v13  }
0x8d: {  	s9 =	sadd.s32 $0x8, s9;
	v63 =	vor.u32 v8, v2;
	v2 =	vor.u32 v10, v11  }
0x8e: {  	p0 =	slt.u32 s9, $0x72;
	v10 =	vor.u32 v0, v2  }
.Ltmp0:
0x8f: {  	_ = 	snop;
	(pc) =	sbr.rel @p0 .LBB2_2-.Ltmp0, $3  }
0x90: {  	_ =	sdelay $0x1  }
0x91: {  	v2 =	vld [tilespmem:s13+$0x40]  }
0x92: {  	s12 =	sadd.s32 $0x80, s12;
	s14 =	sadd.s32 $0x80, s14;
	s13 =	sadd.s32 $0x80, s13;
	v0 =	vld.idx.msk [tilespmem:v63+s23+$0x0], $0xffff;
	[tilespmem:v10+s23+$0x0] =	vst.idx.msk $0xffff, v14  }
0x93: {  	v1 =	vld [tilespmem:$0x7A0]  }
0x94: {  	v3 =	vld [tilespmem:$0x27A0];
	_ =	sdelay $0x3  }
0x95: {  	v12 =	vshll.u32 v5, $0x3;
	v5 =	vand.u32 $0x7F, v5  }
0x96: {  	v10 =	vshll.u32 v1, $0xB;
	v11 =	vand.u32 $0x7F, v3;
	v3 =	vshll.u32 v3, $0x3  }
0x97: {  	v12 =	vand.u32 $0xFFFFFC00, v12;
	v10 =	vand.u32 $0xFFFFC000, v10;
	v3 =	vand.u32 $0xFFFFFC00, v3  }
0x98: {  	v7 =	vadd.s32 v7, v12;
	v1 =	vshll.u32 v1, $0x7;
	v3 =	vadd.s32 v10, v3  }
0x99: {  	v5 =	vor.u32 v5, v7;
	v1 =	vand.u32 $0x380, v1;
	v3 =	vor.u32 v11, v3  }
0x9a: {  	v5 =	vor.u32 v9, v5;
	v3 =	vor.u32 v1, v3;
	_ =	sdelay $0x3  }
0x9b: {  	v7 =	vld [tilespmem:$0x47A0]  }
0x9c: {  	v3 =	vld.idx.msk [tilespmem:v3+s23+$0x0], $0xffff;
	[tilespmem:v5+s23+$0x0] =	vst.idx.msk $0xffff, v4  }
0x9d: {  	v4 =	vld [tilespmem:$0x7B0]  }
0x9e: {  	v5 =	vld [tilespmem:$0x27B0];
	_ =	sdelay $0x3  }
0x9f: {  	v13 =	vshll.u32 v2, $0x3  }
0xa0: {  	v2 =	vand.u32 $0x7F, v2;
	v61 =	vld [tilespmem:$0x47B0];
	v59 =	vshll.u32 v4, $0xB;
	v60 =	vshll.u32 v5, $0x3  }
0xa1: {  	v62 =	vand.u32 $0xFFFFFC00, v13;
	v9 =	vand.u32 $0xFFFFC000, v59;
	v11 =	vand.u32 $0xFFFFFC00, v60  }
0xa2: {  	v5 =	vand.u32 $0x7F, v5;
	v4 =	vshll.u32 v4, $0x7;
	v11 =	vadd.s32 v9, v11  }
0xa3: {  	v6 =	vadd.s32 v6, v62;
	v4 =	vand.u32 $0x380, v4;
	v5 =	vor.u32 v5, v11  }
0xa4: {  	v2 =	vor.u32 v2, v6;
	v6 =	vshll.u32 v7, $0x3;
	v5 =	vor.u32 v4, v5  }
0xa5: {  	v2 =	vor.u32 v8, v2;
	v6 =	vand.u32 $0xFFFFFC00, v6;
	v63 =	vshll.u32 v61, $0x3  }
0xa6: {  	v7 =	vand.u32 $0x7F, v7;
	v6 =	vadd.s32 v10, v6;
	v8 =	vand.u32 $0xFFFFFC00, v63  }
0xa7: {  	v6 =	vor.u32 v7, v6;
	v7 =	vand.u32 $0x7F, v61;
	v8 =	vadd.s32 v9, v8  }
0xa8: {  	v1 =	vor.u32 v1, v6;
	v6 =	vor.u32 v7, v8  }
0xa9: {  	v4 =	vor.u32 v4, v6;
	v5 =	vld.idx.msk [tilespmem:v5+s23+$0x0], $0xffff;
	_ =	sdelay $0x2  }
0xaa: {  	[tilespmem:v2+s23+$0x0] =	vst.idx.msk $0xffff, v0  }
0xab: {  	[tilespmem:v1+s23+$0x0] =	vst.idx.msk $0xffff, v3  }
0xac: {  	s9 =	rddreg [dreg:$0xa];
	[tilespmem:v4+s23+$0x0] =	vst.idx.msk $0xffff, v5  }
0xad: {  	[hbm4b:s9+s4] =	stream.linear.scatter [tilespmem:s23], [sflag:$0x5], $0x4000, $0x38;
	[tilespmem:$0x16000] =	vst v63  }
0xae: {  	s25 =	rddreg [dreg:$0xb]  }
0xaf: {  	[tilespmem:s31], [sflag:$0x4] =	stream.linear.gather [hbm4b:s25+s4], $0x4000, $0x38;
	[tilespmem:$0x16000] =	vst v63  }
0xb0: {  	_ =	swait.ge [sflag:s0], $0x4000  }
0xb1: {  	[sflag:s0] =	ssyncset.done $0x0  }
0xb2: {  	[sflag:s0] =	ssyncadd.s32 $0xFFFFC000  }
0xb3: {  	v3 =	vld [tilespmem:$0x7C0]  }
0xb4: {  	v0 =	vld [tilespmem:$0x27C0];
	_ =	sdelay $0x1  }
0xb5: {  	v1 =	vld [tilespmem:$0x7D0]  }
0xb6: {  	v2 =	vld [tilespmem:$0x27D0];
	_ =	sdelay $0x1  }
0xb7: {  	v4 =	vshll.u32 v3, $0xB;
	v5 =	vshll.u32 v0, $0x3  }
0xb8: {  	v6 =	vshll.u32 v3, $0x7;
	v4 =	vand.u32 $0xFFFFC000, v4;
	v5 =	vand.u32 $0xFFFFFC00, v5  }
0xb9: {  	v0 =	vand.u32 $0x7F, v0;
	v4 =	vadd.s32 v4, v5;
	v5 =	vand.u32 $0x380, v6  }
0xba: {  	v6 =	vshll.u32 v2, $0x3;
	v4 =	vor.u32 v5, v4;
	v5 =	vshll.u32 v1, $0xB  }
0xbb: {  	v7 =	vshll.u32 v1, $0x7;
	v6 =	vand.u32 $0xFFFFFC00, v6;
	v5 =	vand.u32 $0xFFFFC000, v5  }
0xbc: {  	v0 =	vor.u32 v0, v4;
	v4 =	vadd.s32 v5, v6;
	v5 =	vand.u32 $0x380, v7  }
0xbd: {  	v2 =	vand.u32 $0x7F, v2;
	v4 =	vor.u32 v5, v4  }
0xbe: {  	v6 =	vor.u32 v2, v4;
	_ =	sdelay $0x1  }
0xbf: {  	v5 =	vld [tilespmem:$0x47C0]  }
0xc0: {  	v2 =	vld [tilespmem:$0x47D0]  }
0xc1: {  	s12 =	simm.s32 $0x850;
	v4 =	vld.idx.msk [tilespmem:v0+s24+$0x0], $0xffff  }
0xc2: {  	s14 =	simm.s32 $0x2850;
	s13 =	simm.s32 $0x4850;
	s9 =	simm.s32 $0xFFFFFFFA;
	v0 =	vld.idx.msk [tilespmem:v6+s24+$0x0], $0xffff  }
.LBB2_4:
0xc3: {  	v6 =	vld [tilespmem:s12+$0xFFFFFF90]  }
0xc4: {  	v7 =	vld [tilespmem:s14+$0xFFFFFF90];
	_ =	sdelay $0x3  }
0xc5: {  	v10 =	vshll.u32 v3, $0xB;
	v11 =	vshll.u32 v5, $0x3;
	v3 =	vshll.u32 v3, $0x7  }
0xc6: {  	v10 =	vand.u32 $0xFFFFC000, v10;
	v8 =	vshll.u32 v6, $0xB;
	v9 =	vshll.u32 v7, $0x3  }
0xc7: {  	v11 =	vand.u32 $0xFFFFFC00, v11;
	v8 =	vand.u32 $0xFFFFC000, v8;
	v9 =	vand.u32 $0xFFFFFC00, v9  }
0xc8: {  	v3 =	vand.u32 $0x380, v3;
	v7 =	vand.u32 $0x7F, v7;
	v9 =	vadd.s32 v8, v9  }
0xc9: {  	v6 =	vshll.u32 v6, $0x7;
	v7 =	vor.u32 v7, v9;
	v9 =	vadd.s32 v10, v11  }
0xca: {  	v5 =	vand.u32 $0x7F, v5;
	v6 =	vand.u32 $0x380, v6;
	v3 =	vor.u32 v3, v9  }
0xcb: {  	v7 =	vor.u32 v6, v7;
	v3 =	vor.u32 v5, v3;
	_ =	sdelay $0x3  }
0xcc: {  	v5 =	vld [tilespmem:s13+$0xFFFFFF90]  }
0xcd: {  	v7 =	vld.idx.msk [tilespmem:v7+s24+$0x0], $0xffff;
	[tilespmem:v3+s24+$0x0] =	vst.idx.msk $0xffff, v4  }
0xce: {  	v3 =	vld [tilespmem:s12+$0xFFFFFFA0]  }
0xcf: {  	v4 =	vld [tilespmem:s14+$0xFFFFFFA0];
	_ =	sdelay $0x2  }
0xd0: {  	v12 =	vshll.u32 v2, $0x3  }
0xd1: {  	v12 =	vand.u32 $0xFFFFFC00, v12;
	v11 =	vshll.u32 v1, $0xB  }
0xd2: {  	v1 =	vshll.u32 v1, $0x7;
	v9 =	vshll.u32 v3, $0xB;
	v10 =	vshll.u32 v4, $0x3  }
0xd3: {  	v11 =	vand.u32 $0xFFFFC000, v11;
	v9 =	vand.u32 $0xFFFFC000, v9;
	v10 =	vand.u32 $0xFFFFFC00, v10  }
0xd4: {  	v1 =	vand.u32 $0x380, v1;
	v4 =	vand.u32 $0x7F, v4;
	v10 =	vadd.s32 v9, v10  }
0xd5: {  	v3 =	vshll.u32 v3, $0x7;
	v4 =	vor.u32 v4, v10;
	v10 =	vadd.s32 v11, v12  }
0xd6: {  	v2 =	vand.u32 $0x7F, v2;
	v3 =	vand.u32 $0x380, v3;
	v1 =	vor.u32 v1, v10  }
0xd7: {  	v4 =	vor.u32 v3, v4;
	v1 =	vor.u32 v2, v1;
	_ =	sdelay $0x3  }
0xd8: {  	v2 =	vld [tilespmem:s13+$0xFFFFFFA0]  }
0xd9: {  	v4 =	vld.idx.msk [tilespmem:v4+s24+$0x0], $0xffff;
	[tilespmem:v1+s24+$0x0] =	vst.idx.msk $0xffff, v0  }
0xda: {  	v0 =	vld [tilespmem:s12+$0xFFFFFFB0]  }
0xdb: {  	v1 =	vld [tilespmem:s14+$0xFFFFFFB0];
	_ =	sdelay $0x3  }
0xdc: {  	v59 =	vshll.u32 v5, $0x3;
	v5 =	vand.u32 $0x7F, v5  }
0xdd: {  	v10 =	vshll.u32 v0, $0xB;
	v11 =	vand.u32 $0x7F, v1;
	v1 =	vshll.u32 v1, $0x3  }
0xde: {  	v12 =	vand.u32 $0xFFFFFC00, v59;
	v10 =	vand.u32 $0xFFFFC000, v10;
	v1 =	vand.u32 $0xFFFFFC00, v1  }
0xdf: {  	v8 =	vadd.s32 v8, v12;
	v0 =	vshll.u32 v0, $0x7;
	v1 =	vadd.s32 v10, v1  }
0xe0: {  	v5 =	vor.u32 v5, v8;
	v0 =	vand.u32 $0x380, v0;
	v1 =	vor.u32 v11, v1  }
0xe1: {  	v5 =	vor.u32 v6, v5;
	v1 =	vor.u32 v0, v1;
	_ =	sdelay $0x3  }
0xe2: {  	v6 =	vld [tilespmem:s13+$0xFFFFFFB0]  }
0xe3: {  	v1 =	vld.idx.msk [tilespmem:v1+s24+$0x0], $0xffff;
	[tilespmem:v5+s24+$0x0] =	vst.idx.msk $0xffff, v7  }
0xe4: {  	v5 =	vld [tilespmem:s12+$0xFFFFFFC0]  }
0xe5: {  	v7 =	vld [tilespmem:s14+$0xFFFFFFC0];
	_ =	sdelay $0x3  }
0xe6: {  	v60 =	vshll.u32 v2, $0x3;
	v2 =	vand.u32 $0x7F, v2  }
0xe7: {  	v8 =	vshll.u32 v5, $0xB;
	v11 =	vand.u32 $0x7F, v7;
	v7 =	vshll.u32 v7, $0x3  }
0xe8: {  	v12 =	vand.u32 $0xFFFFFC00, v60;
	v8 =	vand.u32 $0xFFFFC000, v8;
	v7 =	vand.u32 $0xFFFFFC00, v7  }
0xe9: {  	v9 =	vadd.s32 v9, v12;
	v5 =	vshll.u32 v5, $0x7;
	v7 =	vadd.s32 v8, v7  }
0xea: {  	v2 =	vor.u32 v2, v9;
	v5 =	vand.u32 $0x380, v5;
	v7 =	vor.u32 v11, v7  }
0xeb: {  	v2 =	vor.u32 v3, v2;
	v7 =	vor.u32 v5, v7;
	_ =	sdelay $0x3  }
0xec: {  	v3 =	vld [tilespmem:s13+$0xFFFFFFC0]  }
0xed: {  	v7 =	vld.idx.msk [tilespmem:v7+s24+$0x0], $0xffff;
	[tilespmem:v2+s24+$0x0] =	vst.idx.msk $0xffff, v4  }
0xee: {  	v2 =	vld [tilespmem:s12+$0xFFFFFFD0]  }
0xef: {  	v4 =	vld [tilespmem:s14+$0xFFFFFFD0];
	_ =	sdelay $0x3  }
0xf0: {  	v61 =	vshll.u32 v6, $0x3;
	v6 =	vand.u32 $0x7F, v6  }
0xf1: {  	v9 =	vshll.u32 v2, $0xB;
	v11 =	vand.u32 $0x7F, v4;
	v4 =	vshll.u32 v4, $0x3  }
0xf2: {  	v12 =	vand.u32 $0xFFFFFC00, v61;
	v9 =	vand.u32 $0xFFFFC000, v9;
	v4 =	vand.u32 $0xFFFFFC00, v4  }
0xf3: {  	v10 =	vadd.s32 v10, v12;
	v2 =	vshll.u32 v2, $0x7;
	v4 =	vadd.s32 v9, v4  }
0xf4: {  	v6 =	vor.u32 v6, v10;
	v2 =	vand.u32 $0x380, v2;
	v4 =	vor.u32 v11, v4  }
0xf5: {  	v0 =	vor.u32 v0, v6;
	v4 =	vor.u32 v2, v4;
	_ =	sdelay $0x3  }
0xf6: {  	v10 =	vld [tilespmem:s13+$0xFFFFFFD0]  }
0xf7: {  	v11 =	vld.idx.msk [tilespmem:v4+s24+$0x0], $0xffff;
	[tilespmem:v0+s24+$0x0] =	vst.idx.msk $0xffff, v1  }
0xf8: {  	v0 =	vld [tilespmem:s12+$0xFFFFFFE0]  }
0xf9: {  	v1 =	vld [tilespmem:s14+$0xFFFFFFE0];
	_ =	sdelay $0x4  }
0xfa: {  	v4 =	vshll.u32 v0, $0xB;
	v6 =	vand.u32 $0x7F, v1  }
0xfb: {  	v1 =	vshll.u32 v1, $0x3;
	v62 =	vand.u32 $0xFFFFC000, v4;
	v4 =	vshll.u32 v3, $0x3  }
0xfc: {  	v0 =	vshll.u32 v0, $0x7;
	v1 =	vand.u32 $0xFFFFFC00, v1;
	v4 =	vand.u32 $0xFFFFFC00, v4  }
0xfd: {  	v3 =	vand.u32 $0x7F, v3;
	v1 =	vadd.s32 v62, v1;
	v4 =	vadd.s32 v8, v4  }
0xfe: {  	v0 =	vand.u32 $0x380, v0;
	v1 =	vor.u32 v6, v1;
	v3 =	vor.u32 v3, v4  }
0xff: {  	v1 =	vor.u32 v0, v1;
	v3 =	vor.u32 v5, v3;
	_ =	sdelay $0x3  }
0x100: {  	v13 =	vld [tilespmem:s13+$0xFFFFFFE0]  }
0x101: {  	v14 =	vld.idx.msk [tilespmem:v1+s24+$0x0], $0xffff;
	[tilespmem:v3+s24+$0x0] =	vst.idx.msk $0xffff, v7  }
0x102: {  	v3 =	vld [tilespmem:s12+$0xFFFFFFF0]  }
0x103: {  	v1 =	vld [tilespmem:s14+$0xFFFFFFF0];
	_ =	sdelay $0x3  }
0x104: {  	v7 =	vshll.u32 v10, $0x3  }
0x105: {  	v4 =	vshll.u32 v3, $0xB;
	v5 =	vand.u32 $0x7F, v1;
	v1 =	vshll.u32 v1, $0x3  }
0x106: {  	v6 =	vand.u32 $0xFFFFC000, v4;
	v1 =	vand.u32 $0xFFFFFC00, v1;
	v4 =	vshll.u32 v3, $0x7  }
0x107: {  	v1 =	vadd.s32 v6, v1;
	v8 =	vand.u32 $0x380, v4;
	v4 =	vand.u32 $0xFFFFFC00, v7  }
0x108: {  	v1 =	vor.u32 v5, v1;
	v5 =	vand.u32 $0x7F, v10;
	v4 =	vadd.s32 v9, v4  }
0x109: {  	v4 =	vor.u32 v5, v4  }
0x10a: {  	v1 =	vor.u32 v8, v1;
	v2 =	vor.u32 v2, v4;
	_ =	sdelay $0x3  }
0x10b: {  	v5 =	vld [tilespmem:s13+$0xFFFFFFF0]  }
0x10c: {  	v4 =	vld.idx.msk [tilespmem:v1+s24+$0x0], $0xffff;
	[tilespmem:v2+s24+$0x0] =	vst.idx.msk $0xffff, v11  }
0x10d: {  	v1 =	vld [tilespmem:s12+$0x0]  }
0x10e: {  	v2 =	vld [tilespmem:s14+$0x0];
	_ =	sdelay $0x3  }
0x10f: {  	v11 =	vshll.u32 v13, $0x3  }
0x110: {  	v7 =	vshll.u32 v1, $0xB;
	v10 =	vand.u32 $0x7F, v2;
	v2 =	vshll.u32 v2, $0x3  }
0x111: {  	v11 =	vand.u32 $0xFFFFFC00, v11;
	v7 =	vand.u32 $0xFFFFC000, v7;
	v2 =	vand.u32 $0xFFFFFC00, v2  }
0x112: {  	v11 =	vadd.s32 v62, v11;
	v9 =	vshll.u32 v1, $0x7;
	v2 =	vadd.s32 v7, v2  }
0x113: {  	v9 =	vand.u32 $0x380, v9;
	v2 =	vor.u32 v10, v2;
	v10 =	vand.u32 $0x7F, v13  }
0x114: {  	s9 =	sadd.s32 $0x8, s9;
	v63 =	vor.u32 v9, v2;
	v2 =	vor.u32 v10, v11  }
0x115: {  	p0 =	slt.u32 s9, $0x72;
	v10 =	vor.u32 v0, v2  }
.Ltmp1:
0x116: {  	_ = 	snop;
	(pc) =	sbr.rel @p0 .LBB2_4-.Ltmp1, $3  }
0x117: {  	_ =	sdelay $0x1  }
0x118: {  	v2 =	vld [tilespmem:s13+$0x0]  }
0x119: {  	s12 =	sadd.s32 $0x80, s12;
	s14 =	sadd.s32 $0x80, s14;
	s13 =	sadd.s32 $0x80, s13;
	v0 =	vld.idx.msk [tilespmem:v63+s24+$0x0], $0xffff;
	[tilespmem:v10+s24+$0x0] =	vst.idx.msk $0xffff, v14  }
0x11a: {  	v1 =	vld [tilespmem:$0xF60]  }
0x11b: {  	v3 =	vld [tilespmem:$0x2F60];
	_ =	sdelay $0x3  }
0x11c: {  	v12 =	vshll.u32 v5, $0x3;
	v40 =	vand.u32 $0x7F, v5  }
0x11d: {  	v10 =	vshll.u32 v1, $0xB;
	v11 =	vand.u32 $0x7F, v3;
	v3 =	vshll.u32 v3, $0x3  }
0x11e: {  	v12 =	vand.u32 $0xFFFFFC00, v12;
	v10 =	vand.u32 $0xFFFFC000, v10;
	v3 =	vand.u32 $0xFFFFFC00, v3  }
0x11f: {  	v6 =	vadd.s32 v6, v12;
	v1 =	vshll.u32 v1, $0x7;
	v3 =	vadd.s32 v10, v3  }
0x120: {  	v5 =	vor.u32 v40, v6;
	v1 =	vand.u32 $0x380, v1;
	v3 =	vor.u32 v11, v3  }
0x121: {  	v5 =	vor.u32 v8, v5;
	v3 =	vor.u32 v1, v3;
	_ =	sdelay $0x3  }
0x122: {  	v41 =	vld [tilespmem:$0x4F60]  }
0x123: {  	v3 =	vld.idx.msk [tilespmem:v3+s24+$0x0], $0xffff;
	[tilespmem:v5+s24+$0x0] =	vst.idx.msk $0xffff, v4  }
0x124: {  	v4 =	vld [tilespmem:$0xF70]  }
0x125: {  	v5 =	vld [tilespmem:$0x2F70];
	_ =	sdelay $0x3  }
0x126: {  	v44 =	vshll.u32 v2, $0x3;
	v45 =	vand.u32 $0x7F, v2  }
0x127: {  	v42 =	vshll.u32 v4, $0xB;
	v43 =	vand.u32 $0x7F, v5;
	v5 =	vshll.u32 v5, $0x3  }
0x128: {  	v12 =	vand.u32 $0xFFFFFC00, v44;
	v8 =	vand.u32 $0xFFFFC000, v42;
	v5 =	vand.u32 $0xFFFFFC00, v5  }
0x129: {  	v7 =	vadd.s32 v7, v12;
	v4 =	vshll.u32 v4, $0x7;
	v5 =	vadd.s32 v8, v5  }
0x12a: {  	v2 =	vor.u32 v45, v7;
	v4 =	vand.u32 $0x380, v4;
	v5 =	vor.u32 v43, v5  }
0x12b: {  	v2 =	vor.u32 v9, v2;
	v5 =	vor.u32 v4, v5;
	_ =	sdelay $0x3  }
0x12c: {  	v46 =	vld [tilespmem:$0x4F70]  }
0x12d: {  	v5 =	vld.idx.msk [tilespmem:v5+s24+$0x0], $0xffff;
	[tilespmem:v2+s24+$0x0] =	vst.idx.msk $0xffff, v0  }
0x12e: {  	v0 =	vld [tilespmem:$0xF80]  }
0x12f: {  	v2 =	vld [tilespmem:$0x2F80];
	_ =	sdelay $0x3  }
0x130: {  	v49 =	vshll.u32 v41, $0x3;
	v6 =	vand.u32 $0x7F, v41  }
0x131: {  	v47 =	vshll.u32 v0, $0xB;
	v48 =	vand.u32 $0x7F, v2;
	v2 =	vshll.u32 v2, $0x3  }
0x132: {  	v12 =	vand.u32 $0xFFFFFC00, v49;
	v9 =	vand.u32 $0xFFFFC000, v47;
	v2 =	vand.u32 $0xFFFFFC00, v2  }
0x133: {  	v10 =	vadd.s32 v10, v12;
	v0 =	vshll.u32 v0, $0x7;
	v2 =	vadd.s32 v9, v2  }
0x134: {  	v6 =	vor.u32 v6, v10;
	v0 =	vand.u32 $0x380, v0;
	v2 =	vor.u32 v48, v2  }
0x135: {  	v1 =	vor.u32 v1, v6;
	v2 =	vor.u32 v0, v2;
	_ =	sdelay $0x3  }
0x136: {  	v50 =	vld [tilespmem:$0x4F80]  }
0x137: {  	v2 =	vld.idx.msk [tilespmem:v2+s24+$0x0], $0xffff;
	[tilespmem:v1+s24+$0x0] =	vst.idx.msk $0xffff, v3  }
0x138: {  	v1 =	vld [tilespmem:$0xF90]  }
0x139: {  	v3 =	vld [tilespmem:$0x2F90];
	_ =	sdelay $0x3  }
0x13a: {  	v53 =	vshll.u32 v46, $0x3;
	v7 =	vand.u32 $0x7F, v46  }
0x13b: {  	v51 =	vshll.u32 v1, $0xB;
	v52 =	vand.u32 $0x7F, v3;
	v3 =	vshll.u32 v3, $0x3  }
0x13c: {  	v12 =	vand.u32 $0xFFFFFC00, v53;
	v10 =	vand.u32 $0xFFFFC000, v51;
	v3 =	vand.u32 $0xFFFFFC00, v3  }
0x13d: {  	v8 =	vadd.s32 v8, v12;
	v1 =	vshll.u32 v1, $0x7;
	v3 =	vadd.s32 v10, v3  }
0x13e: {  	v7 =	vor.u32 v7, v8;
	v1 =	vand.u32 $0x380, v1;
	v3 =	vor.u32 v52, v3  }
0x13f: {  	v4 =	vor.u32 v4, v7;
	v3 =	vor.u32 v1, v3;
	_ =	sdelay $0x3  }
0x140: {  	v54 =	vld [tilespmem:$0x4F90]  }
0x141: {  	v3 =	vld.idx.msk [tilespmem:v3+s24+$0x0], $0xffff;
	[tilespmem:v4+s24+$0x0] =	vst.idx.msk $0xffff, v5  }
0x142: {  	v4 =	vld [tilespmem:$0xFA0]  }
0x143: {  	v5 =	vld [tilespmem:$0x2FA0];
	_ =	sdelay $0x3  }
0x144: {  	v13 =	vshll.u32 v50, $0x3  }
0x145: {  	v6 =	vand.u32 $0x7F, v50;
	v57 =	vld [tilespmem:$0x4FA0];
	v55 =	vshll.u32 v4, $0xB;
	v56 =	vshll.u32 v5, $0x3  }
0x146: {  	v58 =	vand.u32 $0xFFFFFC00, v13;
	v8 =	vand.u32 $0xFFFFC000, v55;
	v11 =	vand.u32 $0xFFFFFC00, v56  }
0x147: {  	v5 =	vand.u32 $0x7F, v5;
	v4 =	vshll.u32 v4, $0x7;
	v11 =	vadd.s32 v8, v11  }
0x148: {  	v9 =	vadd.s32 v9, v58;
	v4 =	vand.u32 $0x380, v4;
	v5 =	vor.u32 v5, v11  }
0x149: {  	v6 =	vor.u32 v6, v9;
	v59 =	vshll.u32 v54, $0x3;
	v5 =	vor.u32 v4, v5  }
0x14a: {  	v0 =	vor.u32 v0, v6;
	v60 =	vand.u32 $0xFFFFFC00, v59;
	v61 =	vshll.u32 v57, $0x3  }
0x14b: {  	v7 =	vand.u32 $0x7F, v54;
	v6 =	vadd.s32 v10, v60;
	v9 =	vand.u32 $0xFFFFFC00, v61  }
0x14c: {  	v6 =	vor.u32 v7, v6;
	v62 =	vand.u32 $0x7F, v57;
	v8 =	vadd.s32 v8, v9  }
0x14d: {  	v1 =	vor.u32 v1, v6;
	v63 =	vor.u32 v62, v8  }
0x14e: {  	v4 =	vor.u32 v4, v63;
	v5 =	vld.idx.msk [tilespmem:v5+s24+$0x0], $0xffff;
	_ =	sdelay $0x2  }
0x14f: {  	[tilespmem:v0+s24+$0x0] =	vst.idx.msk $0xffff, v2  }
0x150: {  	[tilespmem:v1+s24+$0x0] =	vst.idx.msk $0xffff, v3  }
0x151: {  	s9 =	simm.s32 $0x0;
	s12 =	rddreg [dreg:$0xc];
	[tilespmem:v4+s24+$0x0] =	vst.idx.msk $0xffff, v5  }
0x152: {  	[hbm4b:s12+s9] =	stream.linear.scatter [tilespmem:s24], [sflag:$0x6], $0x4000, $0x38;
	[tilespmem:$0x16000] =	vst v63  }
.LBB2_6:
0x153: {  	_ =	swait.ge [sflag:s3], $0x4000;
	s12 =	sshll.u32 s9, $0xD  }
0x154: {  	[sflag:s3] =	ssyncset.done $0x0;
	s14 =	sadd.s32 s22, s12  }
0x155: {  	[sflag:s3] =	ssyncadd.s32 $0xFFFFC000;
	s12 =	sadd.s32 s1, s14  }
0x156: {  	[tilespmem:s23], [sflag:$0x1] =	stream.linear.gather [hbm4b:s12+s4], $0x4000, $0x38;
	[tilespmem:$0x16000] =	vst v63  }
0x157: {  	_ =	swait.ge [sflag:s26], $0x4000  }
0x158: {  	[sflag:s26] =	ssyncset.done $0x0  }
0x159: {  	[sflag:s26] =	ssyncadd.s32 $0xFFFFC000  }
0x15a: {  	v1 =	vld [tilespmem:$0xFB0]  }
0x15b: {  	v2 =	vld [tilespmem:$0x2FB0];
	_ =	sdelay $0x1  }
0x15c: {  	v0 =	vld [tilespmem:$0xFC0]  }
0x15d: {  	v3 =	vld [tilespmem:$0x2FC0];
	_ =	sdelay $0x1  }
0x15e: {  	v4 =	vshll.u32 v1, $0xB;
	v5 =	vshll.u32 v2, $0x3  }
0x15f: {  	v6 =	vshll.u32 v1, $0x7;
	v4 =	vand.u32 $0xFFFFC000, v4;
	v5 =	vand.u32 $0xFFFFFC00, v5  }
0x160: {  	v2 =	vand.u32 $0x7F, v2;
	v4 =	vadd.s32 v4, v5;
	v5 =	vand.u32 $0x380, v6  }
0x161: {  	v6 =	vshll.u32 v3, $0x3;
	v4 =	vor.u32 v5, v4;
	v5 =	vshll.u32 v0, $0xB  }
0x162: {  	v7 =	vshll.u32 v0, $0x7;
	v6 =	vand.u32 $0xFFFFFC00, v6;
	v5 =	vand.u32 $0xFFFFC000, v5  }
0x163: {  	v2 =	vor.u32 v2, v4;
	v4 =	vadd.s32 v5, v6;
	v5 =	vand.u32 $0x380, v7  }
0x164: {  	v3 =	vand.u32 $0x7F, v3;
	v4 =	vor.u32 v5, v4  }
0x165: {  	v6 =	vor.u32 v3, v4;
	_ =	sdelay $0x1  }
0x166: {  	v5 =	vld [tilespmem:$0x4FB0]  }
0x167: {  	v4 =	vld [tilespmem:$0x4FC0]  }
0x168: {  	s15 =	simm.s32 $0x1040;
	v3 =	vld.idx.msk [tilespmem:v2+s29+$0x0], $0xffff  }
0x169: {  	s19 =	simm.s32 $0x3040;
	s13 =	simm.s32 $0x5040;
	s12 =	simm.s32 $0xFFFFFFFA;
	v2 =	vld.idx.msk [tilespmem:v6+s29+$0x0], $0xffff  }
.LBB2_7:
0x16a: {  	v6 =	vld [tilespmem:s15+$0xFFFFFF90]  }
0x16b: {  	v7 =	vld [tilespmem:s19+$0xFFFFFF90];
	_ =	sdelay $0x3  }
0x16c: {  	v10 =	vshll.u32 v1, $0xB;
	v11 =	vshll.u32 v5, $0x3;
	v1 =	vshll.u32 v1, $0x7  }
0x16d: {  	v10 =	vand.u32 $0xFFFFC000, v10;
	v8 =	vshll.u32 v6, $0xB;
	v9 =	vshll.u32 v7, $0x3  }
0x16e: {  	v11 =	vand.u32 $0xFFFFFC00, v11;
	v8 =	vand.u32 $0xFFFFC000, v8;
	v9 =	vand.u32 $0xFFFFFC00, v9  }
0x16f: {  	v1 =	vand.u32 $0x380, v1;
	v7 =	vand.u32 $0x7F, v7;
	v9 =	vadd.s32 v8, v9  }
0x170: {  	v6 =	vshll.u32 v6, $0x7;
	v7 =	vor.u32 v7, v9;
	v9 =	vadd.s32 v10, v11  }
0x171: {  	v5 =	vand.u32 $0x7F, v5;
	v6 =	vand.u32 $0x380, v6;
	v1 =	vor.u32 v1, v9  }
0x172: {  	v7 =	vor.u32 v6, v7;
	v1 =	vor.u32 v5, v1;
	_ =	sdelay $0x3  }
0x173: {  	v5 =	vld [tilespmem:s13+$0xFFFFFF90]  }
0x174: {  	v7 =	vld.idx.msk [tilespmem:v7+s29+$0x0], $0xffff;
	[tilespmem:v1+s29+$0x0] =	vst.idx.msk $0xffff, v3  }
0x175: {  	v1 =	vld [tilespmem:s15+$0xFFFFFFA0]  }
0x176: {  	v3 =	vld [tilespmem:s19+$0xFFFFFFA0];
	_ =	sdelay $0x2  }
0x177: {  	v12 =	vshll.u32 v4, $0x3  }
0x178: {  	v12 =	vand.u32 $0xFFFFFC00, v12;
	v11 =	vshll.u32 v0, $0xB  }
0x179: {  	v0 =	vshll.u32 v0, $0x7;
	v9 =	vshll.u32 v1, $0xB;
	v10 =	vshll.u32 v3, $0x3  }
0x17a: {  	v11 =	vand.u32 $0xFFFFC000, v11;
	v9 =	vand.u32 $0xFFFFC000, v9;
	v10 =	vand.u32 $0xFFFFFC00, v10  }
0x17b: {  	v0 =	vand.u32 $0x380, v0;
	v3 =	vand.u32 $0x7F, v3;
	v10 =	vadd.s32 v9, v10  }
0x17c: {  	v1 =	vshll.u32 v1, $0x7;
	v3 =	vor.u32 v3, v10;
	v10 =	vadd.s32 v11, v12  }
0x17d: {  	v4 =	vand.u32 $0x7F, v4;
	v1 =	vand.u32 $0x380, v1;
	v0 =	vor.u32 v0, v10  }
0x17e: {  	v3 =	vor.u32 v1, v3;
	v0 =	vor.u32 v4, v0;
	_ =	sdelay $0x3  }
0x17f: {  	v4 =	vld [tilespmem:s13+$0xFFFFFFA0]  }
0x180: {  	v3 =	vld.idx.msk [tilespmem:v3+s29+$0x0], $0xffff;
	[tilespmem:v0+s29+$0x0] =	vst.idx.msk $0xffff, v2  }
0x181: {  	v0 =	vld [tilespmem:s15+$0xFFFFFFB0]  }
0x182: {  	v2 =	vld [tilespmem:s19+$0xFFFFFFB0];
	_ =	sdelay $0x3  }
0x183: {  	v59 =	vshll.u32 v5, $0x3;
	v5 =	vand.u32 $0x7F, v5  }
0x184: {  	v10 =	vshll.u32 v0, $0xB;
	v11 =	vand.u32 $0x7F, v2;
	v2 =	vshll.u32 v2, $0x3  }
0x185: {  	v12 =	vand.u32 $0xFFFFFC00, v59;
	v10 =	vand.u32 $0xFFFFC000, v10;
	v2 =	vand.u32 $0xFFFFFC00, v2  }
0x186: {  	v8 =	vadd.s32 v8, v12;
	v0 =	vshll.u32 v0, $0x7;
	v2 =	vadd.s32 v10, v2  }
0x187: {  	v5 =	vor.u32 v5, v8;
	v0 =	vand.u32 $0x380, v0;
	v2 =	vor.u32 v11, v2  }
0x188: {  	v5 =	vor.u32 v6, v5;
	v2 =	vor.u32 v0, v2;
	_ =	sdelay $0x3  }
0x189: {  	v6 =	vld [tilespmem:s13+$0xFFFFFFB0]  }
0x18a: {  	v2 =	vld.idx.msk [tilespmem:v2+s29+$0x0], $0xffff;
	[tilespmem:v5+s29+$0x0] =	vst.idx.msk $0xffff, v7  }
0x18b: {  	v5 =	vld [tilespmem:s15+$0xFFFFFFC0]  }
0x18c: {  	v7 =	vld [tilespmem:s19+$0xFFFFFFC0];
	_ =	sdelay $0x3  }
0x18d: {  	v60 =	vshll.u32 v4, $0x3;
	v4 =	vand.u32 $0x7F, v4  }
0x18e: {  	v8 =	vshll.u32 v5, $0xB;
	v11 =	vand.u32 $0x7F, v7;
	v7 =	vshll.u32 v7, $0x3  }
0x18f: {  	v12 =	vand.u32 $0xFFFFFC00, v60;
	v8 =	vand.u32 $0xFFFFC000, v8;
	v7 =	vand.u32 $0xFFFFFC00, v7  }
0x190: {  	v9 =	vadd.s32 v9, v12;
	v5 =	vshll.u32 v5, $0x7;
	v7 =	vadd.s32 v8, v7  }
0x191: {  	v4 =	vor.u32 v4, v9;
	v5 =	vand.u32 $0x380, v5;
	v7 =	vor.u32 v11, v7  }
0x192: {  	v1 =	vor.u32 v1, v4;
	v7 =	vor.u32 v5, v7;
	_ =	sdelay $0x3  }
0x193: {  	v4 =	vld [tilespmem:s13+$0xFFFFFFC0]  }
0x194: {  	v7 =	vld.idx.msk [tilespmem:v7+s29+$0x0], $0xffff;
	[tilespmem:v1+s29+$0x0] =	vst.idx.msk $0xffff, v3  }
0x195: {  	v1 =	vld [tilespmem:s15+$0xFFFFFFD0]  }
0x196: {  	v3 =	vld [tilespmem:s19+$0xFFFFFFD0];
	_ =	sdelay $0x4  }
0x197: {  	v61 =	vshll.u32 v6, $0x3;
	v9 =	vshll.u32 v1, $0xB;
	v11 =	vand.u32 $0x7F, v3  }
0x198: {  	v3 =	vshll.u32 v3, $0x3;
	v1 =	vshll.u32 v1, $0x7;
	v9 =	vand.u32 $0xFFFFC000, v9  }
0x199: {  	v3 =	vand.u32 $0xFFFFFC00, v3;
	v13 =	vand.u32 $0x380, v1;
	v1 =	vand.u32 $0xFFFFFC00, v61  }
0x19a: {  	v6 =	vand.u32 $0x7F, v6;
	v3 =	vadd.s32 v9, v3;
	v1 =	vadd.s32 v10, v1  }
0x19b: {  	v3 =	vor.u32 v11, v3;
	v1 =	vor.u32 v6, v1  }
0x19c: {  	v3 =	vor.u32 v13, v3;
	v0 =	vor.u32 v0, v1;
	_ =	sdelay $0x3  }
0x19d: {  	v10 =	vld [tilespmem:s13+$0xFFFFFFD0]  }
0x19e: {  	v11 =	vld.idx.msk [tilespmem:v3+s29+$0x0], $0xffff;
	[tilespmem:v0+s29+$0x0] =	vst.idx.msk $0xffff, v2  }
0x19f: {  	v0 =	vld [tilespmem:s15+$0xFFFFFFE0]  }
0x1a0: {  	v1 =	vld [tilespmem:s19+$0xFFFFFFE0];
	_ =	sdelay $0x3  }
0x1a1: {  	v6 =	vshll.u32 v4, $0x3  }
0x1a2: {  	v2 =	vshll.u32 v0, $0xB;
	v3 =	vand.u32 $0x7F, v1;
	v1 =	vshll.u32 v1, $0x3  }
0x1a3: {  	v0 =	vshll.u32 v0, $0x7;
	v2 =	vand.u32 $0xFFFFC000, v2;
	v1 =	vand.u32 $0xFFFFFC00, v1  }
0x1a4: {  	v62 =	vand.u32 $0x380, v0;
	v0 =	vand.u32 $0xFFFFFC00, v6;
	v1 =	vadd.s32 v2, v1  }
0x1a5: {  	v0 =	vadd.s32 v8, v0;
	v1 =	vor.u32 v3, v1;
	v3 =	vand.u32 $0x7F, v4  }
0x1a6: {  	v0 =	vor.u32 v3, v0  }
0x1a7: {  	v1 =	vor.u32 v62, v1;
	v0 =	vor.u32 v5, v0;
	_ =	sdelay $0x3  }
0x1a8: {  	v4 =	vld [tilespmem:s13+$0xFFFFFFE0]  }
0x1a9: {  	v14 =	vld.idx.msk [tilespmem:v1+s29+$0x0], $0xffff;
	[tilespmem:v0+s29+$0x0] =	vst.idx.msk $0xffff, v7  }
0x1aa: {  	v1 =	vld [tilespmem:s15+$0xFFFFFFF0]  }
0x1ab: {  	v0 =	vld [tilespmem:s19+$0xFFFFFFF0];
	_ =	sdelay $0x3  }
0x1ac: {  	v8 =	vshll.u32 v10, $0x3  }
0x1ad: {  	v3 =	vshll.u32 v1, $0xB;
	v5 =	vand.u32 $0x7F, v0;
	v0 =	vshll.u32 v0, $0x3  }
0x1ae: {  	v6 =	vand.u32 $0xFFFFC000, v3;
	v0 =	vand.u32 $0xFFFFFC00, v0;
	v3 =	vshll.u32 v1, $0x7  }
0x1af: {  	v0 =	vadd.s32 v6, v0;
	v7 =	vand.u32 $0x380, v3;
	v3 =	vand.u32 $0xFFFFFC00, v8  }
0x1b0: {  	v0 =	vor.u32 v5, v0;
	v5 =	vand.u32 $0x7F, v10;
	v3 =	vadd.s32 v9, v3  }
0x1b1: {  	v3 =	vor.u32 v5, v3  }
0x1b2: {  	v0 =	vor.u32 v7, v0;
	v8 =	vor.u32 v13, v3;
	_ =	sdelay $0x3  }
0x1b3: {  	v5 =	vld [tilespmem:s13+$0xFFFFFFF0]  }
0x1b4: {  	v3 =	vld.idx.msk [tilespmem:v0+s29+$0x0], $0xffff;
	[tilespmem:v8+s29+$0x0] =	vst.idx.msk $0xffff, v11  }
0x1b5: {  	v0 =	vld [tilespmem:s15+$0x0]  }
0x1b6: {  	v9 =	vld [tilespmem:s19+$0x0];
	_ =	sdelay $0x3  }
0x1b7: {  	v63 =	vshll.u32 v4, $0x3  }
0x1b8: {  	v8 =	vshll.u32 v0, $0xB;
	v10 =	vand.u32 $0x7F, v9;
	v9 =	vshll.u32 v9, $0x3  }
0x1b9: {  	v11 =	vshll.u32 v0, $0x7;
	v8 =	vand.u32 $0xFFFFC000, v8;
	v9 =	vand.u32 $0xFFFFFC00, v9  }
0x1ba: {  	v15 =	vadd.s32 v8, v9;
	v9 =	vand.u32 $0x380, v11;
	v11 =	vand.u32 $0xFFFFFC00, v63  }
0x1bb: {  	v4 =	vand.u32 $0x7F, v4;
	v2 =	vadd.s32 v2, v11  }
0x1bc: {  	s12 =	sadd.s32 $0x8, s12;
	v10 =	vor.u32 v10, v15;
	v2 =	vor.u32 v4, v2  }
0x1bd: {  	p0 =	slt.u32 s12, $0x7A;
	v10 =	vor.u32 v9, v10;
	v11 =	vor.u32 v62, v2  }
.Ltmp2:
0x1be: {  	_ = 	snop;
	(pc) =	sbr.rel @p0 .LBB2_7-.Ltmp2, $3  }
0x1bf: {  	_ =	sdelay $0x1  }
0x1c0: {  	v4 =	vld [tilespmem:s13+$0x0]  }
0x1c1: {  	s15 =	sadd.s32 $0x80, s15;
	s19 =	sadd.s32 $0x80, s19;
	s13 =	sadd.s32 $0x80, s13;
	v2 =	vld.idx.msk [tilespmem:v10+s29+$0x0], $0xffff;
	[tilespmem:v11+s29+$0x0] =	vst.idx.msk $0xffff, v14  }
0x1c2: {  	_ =	sdelay $0x1  }
0x1c3: {  	v0 =	vshll.u32 v5, $0x3  }
0x1c4: {  	v0 =	vand.u32 $0xFFFFFC00, v0;
	v1 =	vshll.u32 v4, $0x3  }
0x1c5: {  	v5 =	vand.u32 $0x7F, v5;
	v0 =	vadd.s32 v6, v0;
	v1 =	vand.u32 $0xFFFFFC00, v1  }
0x1c6: {  	v0 =	vor.u32 v5, v0;
	v4 =	vand.u32 $0x7F, v4;
	v1 =	vadd.s32 v8, v1  }
0x1c7: {  	v0 =	vor.u32 v7, v0;
	v1 =	vor.u32 v4, v1  }
0x1c8: {  	v1 =	vor.u32 v9, v1;
	_ =	sdelay $0x2  }
0x1c9: {  	s12 =	sadd.s32 s16, s9  }
0x1ca: {  	s9 =	sadd.s32 $0x1, s9;
	s19 =	sshll.u32 s12, $0xD;
	[tilespmem:v0+s29+$0x0] =	vst.idx.msk $0xffff, v3  }
0x1cb: {  	s25 =	sadd.s32 s16, s9;
	s12 =	sadd.s32 s19, s17;
	[tilespmem:v1+s29+$0x0] =	vst.idx.msk $0xffff, v2  }
0x1cc: {  	[hbm4b:s12+s4] =	stream.linear.scatter [tilespmem:s29], [sflag:$0x7], $0x4000, $0x38;
	[tilespmem:$0x16000] =	vst v63  }
0x1cd: {  	s15 =	sshll.u32 s25, $0xD;
	_ =	swait.ge [sflag:s28], $0x4000  }
0x1ce: {  	s12 =	sor.u32 $0x800, s15;
	[sflag:s28] =	ssyncset.done $0x0  }
0x1cf: {  	s13 =	sadd.s32 s1, s12;
	[sflag:s28] =	ssyncadd.s32 $0xFFFFC000  }
0x1d0: {  	[tilespmem:s24], [sflag:$0x2] =	stream.linear.gather [hbm4b:s13+s4], $0x4000, $0x38;
	[tilespmem:$0x16000] =	vst v63  }
0x1d1: {  	_ =	swait.ge [sflag:s5], $0x4000  }
0x1d2: {  	[sflag:s5] =	ssyncset.done $0x0  }
0x1d3: {  	[sflag:s5] =	ssyncadd.s32 $0xFFFFC000  }
0x1d4: {  	v3 =	vld [tilespmem:$0x17D0]  }
0x1d5: {  	v0 =	vld [tilespmem:$0x37D0];
	_ =	sdelay $0x1  }
0x1d6: {  	v1 =	vld [tilespmem:$0x17E0]  }
0x1d7: {  	v2 =	vld [tilespmem:$0x37E0];
	_ =	sdelay $0x1  }
0x1d8: {  	v4 =	vshll.u32 v3, $0xB;
	v5 =	vshll.u32 v0, $0x3  }
0x1d9: {  	v6 =	vshll.u32 v3, $0x7;
	v4 =	vand.u32 $0xFFFFC000, v4;
	v5 =	vand.u32 $0xFFFFFC00, v5  }
0x1da: {  	v0 =	vand.u32 $0x7F, v0;
	v4 =	vadd.s32 v4, v5;
	v5 =	vand.u32 $0x380, v6  }
0x1db: {  	v6 =	vshll.u32 v2, $0x3;
	v4 =	vor.u32 v5, v4;
	v5 =	vshll.u32 v1, $0xB  }
0x1dc: {  	v7 =	vshll.u32 v1, $0x7;
	v6 =	vand.u32 $0xFFFFFC00, v6;
	v5 =	vand.u32 $0xFFFFC000, v5  }
0x1dd: {  	v0 =	vor.u32 v0, v4;
	v4 =	vadd.s32 v5, v6;
	v5 =	vand.u32 $0x380, v7  }
0x1de: {  	v2 =	vand.u32 $0x7F, v2;
	v4 =	vor.u32 v5, v4  }
0x1df: {  	v6 =	vor.u32 v2, v4;
	_ =	sdelay $0x1  }
0x1e0: {  	v5 =	vld [tilespmem:$0x57D0]  }
0x1e1: {  	v2 =	vld [tilespmem:$0x57E0]  }
0x1e2: {  	s20 =	simm.s32 $0xFFFFFFFA;
	v4 =	vld.idx.msk [tilespmem:v0+s31+$0x0], $0xffff  }
0x1e3: {  	s21 =	simm.s32 $0x1860;
	s25 =	simm.s32 $0x5860;
	s13 =	simm.s32 $0x3860;
	v0 =	vld.idx.msk [tilespmem:v6+s31+$0x0], $0xffff  }
.LBB2_9:
0x1e4: {  	v6 =	vld [tilespmem:s21+$0xFFFFFF90]  }
0x1e5: {  	v7 =	vld [tilespmem:s13+$0xFFFFFF90];
	_ =	sdelay $0x3  }
0x1e6: {  	v10 =	vshll.u32 v3, $0xB;
	v11 =	vshll.u32 v5, $0x3;
	v3 =	vshll.u32 v3, $0x7  }
0x1e7: {  	v10 =	vand.u32 $0xFFFFC000, v10;
	v8 =	vshll.u32 v6, $0xB;
	v9 =	vshll.u32 v7, $0x3  }
0x1e8: {  	v11 =	vand.u32 $0xFFFFFC00, v11;
	v8 =	vand.u32 $0xFFFFC000, v8;
	v9 =	vand.u32 $0xFFFFFC00, v9  }
0x1e9: {  	v3 =	vand.u32 $0x380, v3;
	v7 =	vand.u32 $0x7F, v7;
	v9 =	vadd.s32 v8, v9  }
0x1ea: {  	v6 =	vshll.u32 v6, $0x7;
	v7 =	vor.u32 v7, v9;
	v9 =	vadd.s32 v10, v11  }
0x1eb: {  	v5 =	vand.u32 $0x7F, v5;
	v6 =	vand.u32 $0x380, v6;
	v3 =	vor.u32 v3, v9  }
0x1ec: {  	v7 =	vor.u32 v6, v7;
	v3 =	vor.u32 v5, v3;
	_ =	sdelay $0x3  }
0x1ed: {  	v5 =	vld [tilespmem:s25+$0xFFFFFF90]  }
0x1ee: {  	v7 =	vld.idx.msk [tilespmem:v7+s31+$0x0], $0xffff;
	[tilespmem:v3+s31+$0x0] =	vst.idx.msk $0xffff, v4  }
0x1ef: {  	v3 =	vld [tilespmem:s21+$0xFFFFFFA0]  }
0x1f0: {  	v4 =	vld [tilespmem:s13+$0xFFFFFFA0];
	_ =	sdelay $0x2  }
0x1f1: {  	v12 =	vshll.u32 v2, $0x3  }
0x1f2: {  	v12 =	vand.u32 $0xFFFFFC00, v12;
	v11 =	vshll.u32 v1, $0xB  }
0x1f3: {  	v1 =	vshll.u32 v1, $0x7;
	v9 =	vshll.u32 v3, $0xB;
	v10 =	vshll.u32 v4, $0x3  }
0x1f4: {  	v11 =	vand.u32 $0xFFFFC000, v11;
	v9 =	vand.u32 $0xFFFFC000, v9;
	v10 =	vand.u32 $0xFFFFFC00, v10  }
0x1f5: {  	v1 =	vand.u32 $0x380, v1;
	v4 =	vand.u32 $0x7F, v4;
	v10 =	vadd.s32 v9, v10  }
0x1f6: {  	v3 =	vshll.u32 v3, $0x7;
	v4 =	vor.u32 v4, v10;
	v10 =	vadd.s32 v11, v12  }
0x1f7: {  	v2 =	vand.u32 $0x7F, v2;
	v3 =	vand.u32 $0x380, v3;
	v1 =	vor.u32 v1, v10  }
0x1f8: {  	v4 =	vor.u32 v3, v4;
	v1 =	vor.u32 v2, v1;
	_ =	sdelay $0x3  }
0x1f9: {  	v2 =	vld [tilespmem:s25+$0xFFFFFFA0]  }
0x1fa: {  	v4 =	vld.idx.msk [tilespmem:v4+s31+$0x0], $0xffff;
	[tilespmem:v1+s31+$0x0] =	vst.idx.msk $0xffff, v0  }
0x1fb: {  	v0 =	vld [tilespmem:s21+$0xFFFFFFB0]  }
0x1fc: {  	v1 =	vld [tilespmem:s13+$0xFFFFFFB0];
	_ =	sdelay $0x3  }
0x1fd: {  	v59 =	vshll.u32 v5, $0x3;
	v5 =	vand.u32 $0x7F, v5  }
0x1fe: {  	v10 =	vshll.u32 v0, $0xB;
	v11 =	vand.u32 $0x7F, v1;
	v1 =	vshll.u32 v1, $0x3  }
0x1ff: {  	v12 =	vand.u32 $0xFFFFFC00, v59;
	v10 =	vand.u32 $0xFFFFC000, v10;
	v1 =	vand.u32 $0xFFFFFC00, v1  }
0x200: {  	v8 =	vadd.s32 v8, v12;
	v0 =	vshll.u32 v0, $0x7;
	v1 =	vadd.s32 v10, v1  }
0x201: {  	v5 =	vor.u32 v5, v8;
	v0 =	vand.u32 $0x380, v0;
	v1 =	vor.u32 v11, v1  }
0x202: {  	v5 =	vor.u32 v6, v5;
	v1 =	vor.u32 v0, v1;
	_ =	sdelay $0x3  }
0x203: {  	v6 =	vld [tilespmem:s25+$0xFFFFFFB0]  }
0x204: {  	v1 =	vld.idx.msk [tilespmem:v1+s31+$0x0], $0xffff;
	[tilespmem:v5+s31+$0x0] =	vst.idx.msk $0xffff, v7  }
0x205: {  	v5 =	vld [tilespmem:s21+$0xFFFFFFC0]  }
0x206: {  	v7 =	vld [tilespmem:s13+$0xFFFFFFC0];
	_ =	sdelay $0x3  }
0x207: {  	v60 =	vshll.u32 v2, $0x3;
	v2 =	vand.u32 $0x7F, v2  }
0x208: {  	v8 =	vshll.u32 v5, $0xB;
	v11 =	vand.u32 $0x7F, v7;
	v7 =	vshll.u32 v7, $0x3  }
0x209: {  	v12 =	vand.u32 $0xFFFFFC00, v60;
	v8 =	vand.u32 $0xFFFFC000, v8;
	v7 =	vand.u32 $0xFFFFFC00, v7  }
0x20a: {  	v9 =	vadd.s32 v9, v12;
	v5 =	vshll.u32 v5, $0x7;
	v7 =	vadd.s32 v8, v7  }
0x20b: {  	v2 =	vor.u32 v2, v9;
	v5 =	vand.u32 $0x380, v5;
	v7 =	vor.u32 v11, v7  }
0x20c: {  	v2 =	vor.u32 v3, v2;
	v7 =	vor.u32 v5, v7;
	_ =	sdelay $0x3  }
0x20d: {  	v3 =	vld [tilespmem:s25+$0xFFFFFFC0]  }
0x20e: {  	v7 =	vld.idx.msk [tilespmem:v7+s31+$0x0], $0xffff;
	[tilespmem:v2+s31+$0x0] =	vst.idx.msk $0xffff, v4  }
0x20f: {  	v2 =	vld [tilespmem:s21+$0xFFFFFFD0]  }
0x210: {  	v4 =	vld [tilespmem:s13+$0xFFFFFFD0];
	_ =	sdelay $0x3  }
0x211: {  	v61 =	vshll.u32 v6, $0x3;
	v6 =	vand.u32 $0x7F, v6  }
0x212: {  	v9 =	vshll.u32 v2, $0xB;
	v11 =	vand.u32 $0x7F, v4;
	v4 =	vshll.u32 v4, $0x3  }
0x213: {  	v12 =	vand.u32 $0xFFFFFC00, v61;
	v9 =	vand.u32 $0xFFFFC000, v9;
	v4 =	vand.u32 $0xFFFFFC00, v4  }
0x214: {  	v10 =	vadd.s32 v10, v12;
	v2 =	vshll.u32 v2, $0x7;
	v4 =	vadd.s32 v9, v4  }
0x215: {  	v6 =	vor.u32 v6, v10;
	v2 =	vand.u32 $0x380, v2;
	v4 =	vor.u32 v11, v4  }
0x216: {  	v0 =	vor.u32 v0, v6;
	v4 =	vor.u32 v2, v4;
	_ =	sdelay $0x3  }
0x217: {  	v10 =	vld [tilespmem:s25+$0xFFFFFFD0]  }
0x218: {  	v11 =	vld.idx.msk [tilespmem:v4+s31+$0x0], $0xffff;
	[tilespmem:v0+s31+$0x0] =	vst.idx.msk $0xffff, v1  }
0x219: {  	v0 =	vld [tilespmem:s21+$0xFFFFFFE0]  }
0x21a: {  	v1 =	vld [tilespmem:s13+$0xFFFFFFE0];
	_ =	sdelay $0x4  }
0x21b: {  	v4 =	vshll.u32 v0, $0xB;
	v6 =	vand.u32 $0x7F, v1  }
0x21c: {  	v1 =	vshll.u32 v1, $0x3;
	v62 =	vand.u32 $0xFFFFC000, v4;
	v4 =	vshll.u32 v3, $0x3  }
0x21d: {  	v0 =	vshll.u32 v0, $0x7;
	v1 =	vand.u32 $0xFFFFFC00, v1;
	v4 =	vand.u32 $0xFFFFFC00, v4  }
0x21e: {  	v3 =	vand.u32 $0x7F, v3;
	v1 =	vadd.s32 v62, v1;
	v4 =	vadd.s32 v8, v4  }
0x21f: {  	v0 =	vand.u32 $0x380, v0;
	v1 =	vor.u32 v6, v1;
	v3 =	vor.u32 v3, v4  }
0x220: {  	v1 =	vor.u32 v0, v1;
	v3 =	vor.u32 v5, v3;
	_ =	sdelay $0x3  }
0x221: {  	v13 =	vld [tilespmem:s25+$0xFFFFFFE0]  }
0x222: {  	v14 =	vld.idx.msk [tilespmem:v1+s31+$0x0], $0xffff;
	[tilespmem:v3+s31+$0x0] =	vst.idx.msk $0xffff, v7  }
0x223: {  	v3 =	vld [tilespmem:s21+$0xFFFFFFF0]  }
0x224: {  	v1 =	vld [tilespmem:s13+$0xFFFFFFF0];
	_ =	sdelay $0x3  }
0x225: {  	v7 =	vshll.u32 v10, $0x3  }
0x226: {  	v4 =	vshll.u32 v3, $0xB;
	v5 =	vand.u32 $0x7F, v1;
	v1 =	vshll.u32 v1, $0x3  }
0x227: {  	v6 =	vand.u32 $0xFFFFC000, v4;
	v1 =	vand.u32 $0xFFFFFC00, v1;
	v4 =	vshll.u32 v3, $0x7  }
0x228: {  	v1 =	vadd.s32 v6, v1;
	v8 =	vand.u32 $0x380, v4;
	v4 =	vand.u32 $0xFFFFFC00, v7  }
0x229: {  	v1 =	vor.u32 v5, v1;
	v5 =	vand.u32 $0x7F, v10;
	v4 =	vadd.s32 v9, v4  }
0x22a: {  	v4 =	vor.u32 v5, v4  }
0x22b: {  	v1 =	vor.u32 v8, v1;
	v2 =	vor.u32 v2, v4;
	_ =	sdelay $0x3  }
0x22c: {  	v5 =	vld [tilespmem:s25+$0xFFFFFFF0]  }
0x22d: {  	v4 =	vld.idx.msk [tilespmem:v1+s31+$0x0], $0xffff;
	[tilespmem:v2+s31+$0x0] =	vst.idx.msk $0xffff, v11  }
0x22e: {  	v1 =	vld [tilespmem:s21+$0x0]  }
0x22f: {  	v2 =	vld [tilespmem:s13+$0x0];
	_ =	sdelay $0x3  }
0x230: {  	v11 =	vshll.u32 v13, $0x3  }
0x231: {  	v7 =	vshll.u32 v1, $0xB;
	v10 =	vand.u32 $0x7F, v2;
	v2 =	vshll.u32 v2, $0x3  }
0x232: {  	v11 =	vand.u32 $0xFFFFFC00, v11;
	v7 =	vand.u32 $0xFFFFC000, v7;
	v2 =	vand.u32 $0xFFFFFC00, v2  }
0x233: {  	v11 =	vadd.s32 v62, v11;
	v9 =	vshll.u32 v1, $0x7;
	v2 =	vadd.s32 v7, v2  }
0x234: {  	v9 =	vand.u32 $0x380, v9;
	v2 =	vor.u32 v10, v2;
	v10 =	vand.u32 $0x7F, v13  }
0x235: {  	s20 =	sadd.s32 $0x8, s20;
	v63 =	vor.u32 v9, v2;
	v2 =	vor.u32 v10, v11  }
0x236: {  	p0 =	slt.u32 s20, $0x72;
	v10 =	vor.u32 v0, v2  }
.Ltmp3:
0x237: {  	_ = 	snop;
	(pc) =	sbr.rel @p0 .LBB2_9-.Ltmp3, $3  }
0x238: {  	_ =	sdelay $0x1  }
0x239: {  	v2 =	vld [tilespmem:s25+$0x0]  }
0x23a: {  	s21 =	sadd.s32 $0x80, s21;
	s13 =	sadd.s32 $0x80, s13;
	s25 =	sadd.s32 $0x80, s25;
	v0 =	vld.idx.msk [tilespmem:v63+s31+$0x0], $0xffff;
	[tilespmem:v10+s31+$0x0] =	vst.idx.msk $0xffff, v14  }
0x23b: {  	v1 =	vld [tilespmem:$0x1F70]  }
0x23c: {  	v3 =	vld [tilespmem:$0x3F70];
	_ =	sdelay $0x3  }
0x23d: {  	v12 =	vshll.u32 v5, $0x3;
	v5 =	vand.u32 $0x7F, v5  }
0x23e: {  	v10 =	vshll.u32 v1, $0xB;
	v11 =	vand.u32 $0x7F, v3;
	v3 =	vshll.u32 v3, $0x3  }
0x23f: {  	v12 =	vand.u32 $0xFFFFFC00, v12;
	v10 =	vand.u32 $0xFFFFC000, v10;
	v3 =	vand.u32 $0xFFFFFC00, v3  }
0x240: {  	v6 =	vadd.s32 v6, v12;
	v1 =	vshll.u32 v1, $0x7;
	v3 =	vadd.s32 v10, v3  }
0x241: {  	v5 =	vor.u32 v5, v6;
	v1 =	vand.u32 $0x380, v1;
	v3 =	vor.u32 v11, v3  }
0x242: {  	v5 =	vor.u32 v8, v5;
	v3 =	vor.u32 v1, v3;
	_ =	sdelay $0x3  }
0x243: {  	v6 =	vld [tilespmem:$0x5F70]  }
0x244: {  	v3 =	vld.idx.msk [tilespmem:v3+s31+$0x0], $0xffff;
	[tilespmem:v5+s31+$0x0] =	vst.idx.msk $0xffff, v4  }
0x245: {  	v4 =	vld [tilespmem:$0x1F80]  }
0x246: {  	v5 =	vld [tilespmem:$0x3F80];
	_ =	sdelay $0x3  }
0x247: {  	v47 =	vshll.u32 v2, $0x3;
	v2 =	vand.u32 $0x7F, v2  }
0x248: {  	v45 =	vshll.u32 v4, $0xB;
	v46 =	vand.u32 $0x7F, v5;
	v5 =	vshll.u32 v5, $0x3  }
0x249: {  	v12 =	vand.u32 $0xFFFFFC00, v47;
	v8 =	vand.u32 $0xFFFFC000, v45;
	v5 =	vand.u32 $0xFFFFFC00, v5  }
0x24a: {  	v7 =	vadd.s32 v7, v12;
	v4 =	vshll.u32 v4, $0x7;
	v5 =	vadd.s32 v8, v5  }
0x24b: {  	v2 =	vor.u32 v2, v7;
	v4 =	vand.u32 $0x380, v4;
	v5 =	vor.u32 v46, v5  }
0x24c: {  	v2 =	vor.u32 v9, v2;
	v5 =	vor.u32 v4, v5;
	_ =	sdelay $0x3  }
0x24d: {  	v7 =	vld [tilespmem:$0x5F80]  }
0x24e: {  	v5 =	vld.idx.msk [tilespmem:v5+s31+$0x0], $0xffff;
	[tilespmem:v2+s31+$0x0] =	vst.idx.msk $0xffff, v0  }
0x24f: {  	v0 =	vld [tilespmem:$0x1F90]  }
0x250: {  	v2 =	vld [tilespmem:$0x3F90];
	_ =	sdelay $0x3  }
0x251: {  	v50 =	vshll.u32 v6, $0x3;
	v6 =	vand.u32 $0x7F, v6  }
0x252: {  	v48 =	vshll.u32 v0, $0xB;
	v49 =	vand.u32 $0x7F, v2;
	v2 =	vshll.u32 v2, $0x3  }
0x253: {  	v12 =	vand.u32 $0xFFFFFC00, v50;
	v9 =	vand.u32 $0xFFFFC000, v48;
	v2 =	vand.u32 $0xFFFFFC00, v2  }
0x254: {  	v10 =	vadd.s32 v10, v12;
	v0 =	vshll.u32 v0, $0x7;
	v2 =	vadd.s32 v9, v2  }
0x255: {  	v6 =	vor.u32 v6, v10;
	v0 =	vand.u32 $0x380, v0;
	v2 =	vor.u32 v49, v2  }
0x256: {  	v1 =	vor.u32 v1, v6;
	v2 =	vor.u32 v0, v2;
	_ =	sdelay $0x3  }
0x257: {  	v6 =	vld [tilespmem:$0x5F90]  }
0x258: {  	v2 =	vld.idx.msk [tilespmem:v2+s31+$0x0], $0xffff;
	[tilespmem:v1+s31+$0x0] =	vst.idx.msk $0xffff, v3  }
0x259: {  	v1 =	vld [tilespmem:$0x1FA0]  }
0x25a: {  	v3 =	vld [tilespmem:$0x3FA0];
	_ =	sdelay $0x3  }
0x25b: {  	v53 =	vshll.u32 v7, $0x3;
	v7 =	vand.u32 $0x7F, v7  }
0x25c: {  	v51 =	vshll.u32 v1, $0xB;
	v52 =	vand.u32 $0x7F, v3;
	v3 =	vshll.u32 v3, $0x3  }
0x25d: {  	v12 =	vand.u32 $0xFFFFFC00, v53;
	v10 =	vand.u32 $0xFFFFC000, v51;
	v3 =	vand.u32 $0xFFFFFC00, v3  }
0x25e: {  	v8 =	vadd.s32 v8, v12;
	v1 =	vshll.u32 v1, $0x7;
	v3 =	vadd.s32 v10, v3  }
0x25f: {  	v7 =	vor.u32 v7, v8;
	v1 =	vand.u32 $0x380, v1;
	v3 =	vor.u32 v52, v3  }
0x260: {  	v4 =	vor.u32 v4, v7;
	v3 =	vor.u32 v1, v3;
	_ =	sdelay $0x3  }
0x261: {  	v7 =	vld [tilespmem:$0x5FA0]  }
0x262: {  	v3 =	vld.idx.msk [tilespmem:v3+s31+$0x0], $0xffff;
	[tilespmem:v4+s31+$0x0] =	vst.idx.msk $0xffff, v5  }
0x263: {  	v4 =	vld [tilespmem:$0x1FB0]  }
0x264: {  	v5 =	vld [tilespmem:$0x3FB0];
	_ =	sdelay $0x3  }
0x265: {  	v56 =	vshll.u32 v6, $0x3;
	v6 =	vand.u32 $0x7F, v6  }
0x266: {  	v54 =	vshll.u32 v4, $0xB;
	v55 =	vand.u32 $0x7F, v5;
	v5 =	vshll.u32 v5, $0x3  }
0x267: {  	v12 =	vand.u32 $0xFFFFFC00, v56;
	v8 =	vand.u32 $0xFFFFC000, v54;
	v5 =	vand.u32 $0xFFFFFC00, v5  }
0x268: {  	v9 =	vadd.s32 v9, v12;
	v4 =	vshll.u32 v4, $0x7;
	v5 =	vadd.s32 v8, v5  }
0x269: {  	v6 =	vor.u32 v6, v9;
	v4 =	vand.u32 $0x380, v4;
	v5 =	vor.u32 v55, v5  }
0x26a: {  	v0 =	vor.u32 v0, v6;
	v5 =	vor.u32 v4, v5;
	_ =	sdelay $0x3  }
0x26b: {  	v6 =	vld [tilespmem:$0x5FB0]  }
0x26c: {  	v5 =	vld.idx.msk [tilespmem:v5+s31+$0x0], $0xffff;
	[tilespmem:v0+s31+$0x0] =	vst.idx.msk $0xffff, v2  }
0x26d: {  	v0 =	vld [tilespmem:$0x1FC0]  }
0x26e: {  	v2 =	vld [tilespmem:$0x3FC0];
	_ =	sdelay $0x3  }
0x26f: {  	v13 =	vshll.u32 v7, $0x3  }
0x270: {  	v7 =	vand.u32 $0x7F, v7;
	v59 =	vld [tilespmem:$0x5FC0];
	v57 =	vshll.u32 v0, $0xB;
	v58 =	vshll.u32 v2, $0x3  }
0x271: {  	v60 =	vand.u32 $0xFFFFFC00, v13;
	v9 =	vand.u32 $0xFFFFC000, v57;
	v11 =	vand.u32 $0xFFFFFC00, v58  }
0x272: {  	v2 =	vand.u32 $0x7F, v2;
	v0 =	vshll.u32 v0, $0x7;
	v11 =	vadd.s32 v9, v11  }
0x273: {  	v10 =	vadd.s32 v10, v60;
	v0 =	vand.u32 $0x380, v0;
	v2 =	vor.u32 v2, v11  }
0x274: {  	v7 =	vor.u32 v7, v10;
	v61 =	vshll.u32 v6, $0x3;
	v2 =	vor.u32 v0, v2  }
0x275: {  	v1 =	vor.u32 v1, v7;
	v7 =	vand.u32 $0xFFFFFC00, v61;
	v62 =	vshll.u32 v59, $0x3  }
0x276: {  	v6 =	vand.u32 $0x7F, v6;
	v7 =	vadd.s32 v8, v7;
	v63 =	vand.u32 $0xFFFFFC00, v62  }
0x277: {  	v6 =	vor.u32 v6, v7;
	v7 =	vand.u32 $0x7F, v59;
	v8 =	vadd.s32 v9, v63  }
0x278: {  	v4 =	vor.u32 v4, v6;
	v6 =	vor.u32 v7, v8  }
0x279: {  	v0 =	vor.u32 v0, v6;
	v2 =	vld.idx.msk [tilespmem:v2+s31+$0x0], $0xffff;
	_ =	sdelay $0x2  }
0x27a: {  	[tilespmem:v1+s31+$0x0] =	vst.idx.msk $0xffff, v3  }
0x27b: {  	[tilespmem:v4+s31+$0x0] =	vst.idx.msk $0xffff, v5  }
0x27c: {  	s13 =	sadd.s32 s19, s18;
	[tilespmem:v0+s31+$0x0] =	vst.idx.msk $0xffff, v2  }
0x27d: {  	[hbm4b:s13+s4] =	stream.linear.scatter [tilespmem:s31], [sflag:$0x8], $0x4000, $0x38;
	[tilespmem:$0x16000] =	vst v63  }
0x27e: {  	_ =	swait.ge [sflag:s6], $0x4000  }
0x27f: {  	[sflag:s6] =	ssyncset.done $0x0  }
0x280: {  	s25 =	sadd.s32 s15, s10;
	[sflag:s6] =	ssyncadd.s32 $0xFFFFC000  }
0x281: {  	[tilespmem:s29], [sflag:$0x3] =	stream.linear.gather [hbm4b:s25+s4], $0x4000, $0x38;
	[tilespmem:$0x16000] =	vst v63  }
0x282: {  	_ =	swait.ge [sflag:s30], $0x4000  }
0x283: {  	[sflag:s30] =	ssyncset.done $0x0  }
0x284: {  	[sflag:s30] =	ssyncadd.s32 $0xFFFFC000  }
0x285: {  	v3 =	vld [tilespmem:$0x0]  }
0x286: {  	v0 =	vld [tilespmem:$0x2000];
	_ =	sdelay $0x1  }
0x287: {  	v1 =	vld [tilespmem:$0x10]  }
0x288: {  	v2 =	vld [tilespmem:$0x2010];
	_ =	sdelay $0x1  }
0x289: {  	v4 =	vshll.u32 v3, $0xB;
	v5 =	vshll.u32 v0, $0x3  }
0x28a: {  	v6 =	vshll.u32 v3, $0x7;
	v4 =	vand.u32 $0xFFFFC000, v4;
	v5 =	vand.u32 $0xFFFFFC00, v5  }
0x28b: {  	v0 =	vand.u32 $0x7F, v0;
	v4 =	vadd.s32 v4, v5;
	v5 =	vand.u32 $0x380, v6  }
0x28c: {  	v6 =	vshll.u32 v2, $0x3;
	v4 =	vor.u32 v5, v4;
	v5 =	vshll.u32 v1, $0xB  }
0x28d: {  	v7 =	vshll.u32 v1, $0x7;
	v6 =	vand.u32 $0xFFFFFC00, v6;
	v5 =	vand.u32 $0xFFFFC000, v5  }
0x28e: {  	v0 =	vor.u32 v0, v4;
	v4 =	vadd.s32 v5, v6;
	v5 =	vand.u32 $0x380, v7  }
0x28f: {  	v2 =	vand.u32 $0x7F, v2;
	v4 =	vor.u32 v5, v4  }
0x290: {  	v6 =	vor.u32 v2, v4;
	_ =	sdelay $0x1  }
0x291: {  	v5 =	vld [tilespmem:$0x4000]  }
0x292: {  	v2 =	vld [tilespmem:$0x4010]  }
0x293: {  	s19 =	simm.s32 $0xFFFFFFFA;
	v4 =	vld.idx.msk [tilespmem:v0+s23+$0x0], $0xffff  }
0x294: {  	s20 =	simm.s32 $0x50;
	s21 =	simm.s32 $0x4050;
	s13 =	simm.s32 $0x2050;
	v0 =	vld.idx.msk [tilespmem:v6+s23+$0x0], $0xffff  }
.LBB2_11:
0x295: {  	v6 =	vld [tilespmem:s20+$0xFFFFFFD0]  }
0x296: {  	v7 =	vld [tilespmem:s13+$0xFFFFFFD0];
	_ =	sdelay $0x3  }
0x297: {  	v10 =	vshll.u32 v3, $0xB;
	v11 =	vshll.u32 v5, $0x3;
	v3 =	vshll.u32 v3, $0x7  }
0x298: {  	v10 =	vand.u32 $0xFFFFC000, v10;
	v8 =	vshll.u32 v6, $0xB;
	v9 =	vshll.u32 v7, $0x3  }
0x299: {  	v11 =	vand.u32 $0xFFFFFC00, v11;
	v8 =	vand.u32 $0xFFFFC000, v8;
	v9 =	vand.u32 $0xFFFFFC00, v9  }
0x29a: {  	v3 =	vand.u32 $0x380, v3;
	v7 =	vand.u32 $0x7F, v7;
	v9 =	vadd.s32 v8, v9  }
0x29b: {  	v6 =	vshll.u32 v6, $0x7;
	v7 =	vor.u32 v7, v9;
	v9 =	vadd.s32 v10, v11  }
0x29c: {  	v5 =	vand.u32 $0x7F, v5;
	v6 =	vand.u32 $0x380, v6;
	v3 =	vor.u32 v3, v9  }
0x29d: {  	v7 =	vor.u32 v6, v7;
	v3 =	vor.u32 v5, v3;
	_ =	sdelay $0x3  }
0x29e: {  	v5 =	vld [tilespmem:s21+$0xFFFFFFD0]  }
0x29f: {  	v7 =	vld.idx.msk [tilespmem:v7+s23+$0x0], $0xffff;
	[tilespmem:v3+s23+$0x0] =	vst.idx.msk $0xffff, v4  }
0x2a0: {  	v3 =	vld [tilespmem:s20+$0xFFFFFFE0]  }
0x2a1: {  	v4 =	vld [tilespmem:s13+$0xFFFFFFE0];
	_ =	sdelay $0x2  }
0x2a2: {  	v12 =	vshll.u32 v2, $0x3  }
0x2a3: {  	v12 =	vand.u32 $0xFFFFFC00, v12;
	v11 =	vshll.u32 v1, $0xB  }
0x2a4: {  	v1 =	vshll.u32 v1, $0x7;
	v9 =	vshll.u32 v3, $0xB;
	v10 =	vshll.u32 v4, $0x3  }
0x2a5: {  	v11 =	vand.u32 $0xFFFFC000, v11;
	v9 =	vand.u32 $0xFFFFC000, v9;
	v10 =	vand.u32 $0xFFFFFC00, v10  }
0x2a6: {  	v1 =	vand.u32 $0x380, v1;
	v4 =	vand.u32 $0x7F, v4;
	v10 =	vadd.s32 v9, v10  }
0x2a7: {  	v3 =	vshll.u32 v3, $0x7;
	v4 =	vor.u32 v4, v10;
	v10 =	vadd.s32 v11, v12  }
0x2a8: {  	v2 =	vand.u32 $0x7F, v2;
	v3 =	vand.u32 $0x380, v3;
	v1 =	vor.u32 v1, v10  }
0x2a9: {  	v4 =	vor.u32 v3, v4;
	v1 =	vor.u32 v2, v1;
	_ =	sdelay $0x3  }
0x2aa: {  	v2 =	vld [tilespmem:s21+$0xFFFFFFE0]  }
0x2ab: {  	v4 =	vld.idx.msk [tilespmem:v4+s23+$0x0], $0xffff;
	[tilespmem:v1+s23+$0x0] =	vst.idx.msk $0xffff, v0  }
0x2ac: {  	v0 =	vld [tilespmem:s20+$0xFFFFFFF0]  }
0x2ad: {  	v1 =	vld [tilespmem:s13+$0xFFFFFFF0];
	_ =	sdelay $0x3  }
0x2ae: {  	v59 =	vshll.u32 v5, $0x3;
	v5 =	vand.u32 $0x7F, v5  }
0x2af: {  	v10 =	vshll.u32 v0, $0xB;
	v11 =	vand.u32 $0x7F, v1;
	v1 =	vshll.u32 v1, $0x3  }
0x2b0: {  	v12 =	vand.u32 $0xFFFFFC00, v59;
	v10 =	vand.u32 $0xFFFFC000, v10;
	v1 =	vand.u32 $0xFFFFFC00, v1  }
0x2b1: {  	v8 =	vadd.s32 v8, v12;
	v0 =	vshll.u32 v0, $0x7;
	v1 =	vadd.s32 v10, v1  }
0x2b2: {  	v5 =	vor.u32 v5, v8;
	v0 =	vand.u32 $0x380, v0;
	v1 =	vor.u32 v11, v1  }
0x2b3: {  	v5 =	vor.u32 v6, v5;
	v1 =	vor.u32 v0, v1;
	_ =	sdelay $0x3  }
0x2b4: {  	v6 =	vld [tilespmem:s21+$0xFFFFFFF0]  }
0x2b5: {  	v1 =	vld.idx.msk [tilespmem:v1+s23+$0x0], $0xffff;
	[tilespmem:v5+s23+$0x0] =	vst.idx.msk $0xffff, v7  }
0x2b6: {  	v5 =	vld [tilespmem:s20+$0x0]  }
0x2b7: {  	v7 =	vld [tilespmem:s13+$0x0];
	_ =	sdelay $0x3  }
0x2b8: {  	v60 =	vshll.u32 v2, $0x3;
	v2 =	vand.u32 $0x7F, v2  }
0x2b9: {  	v8 =	vshll.u32 v5, $0xB;
	v11 =	vand.u32 $0x7F, v7;
	v7 =	vshll.u32 v7, $0x3  }
0x2ba: {  	v12 =	vand.u32 $0xFFFFFC00, v60;
	v8 =	vand.u32 $0xFFFFC000, v8;
	v7 =	vand.u32 $0xFFFFFC00, v7  }
0x2bb: {  	v9 =	vadd.s32 v9, v12;
	v5 =	vshll.u32 v5, $0x7;
	v7 =	vadd.s32 v8, v7  }
0x2bc: {  	v2 =	vor.u32 v2, v9;
	v5 =	vand.u32 $0x380, v5;
	v7 =	vor.u32 v11, v7  }
0x2bd: {  	v2 =	vor.u32 v3, v2;
	v7 =	vor.u32 v5, v7;
	_ =	sdelay $0x3  }
0x2be: {  	v3 =	vld [tilespmem:s21+$0x0]  }
0x2bf: {  	v7 =	vld.idx.msk [tilespmem:v7+s23+$0x0], $0xffff;
	[tilespmem:v2+s23+$0x0] =	vst.idx.msk $0xffff, v4  }
0x2c0: {  	v2 =	vld [tilespmem:s20+$0x10]  }
0x2c1: {  	v4 =	vld [tilespmem:s13+$0x10];
	_ =	sdelay $0x4  }
0x2c2: {  	v9 =	vshll.u32 v2, $0xB;
	v11 =	vand.u32 $0x7F, v4  }
0x2c3: {  	v4 =	vshll.u32 v4, $0x3;
	v61 =	vand.u32 $0xFFFFC000, v9;
	v9 =	vshll.u32 v6, $0x3  }
0x2c4: {  	v2 =	vshll.u32 v2, $0x7;
	v4 =	vand.u32 $0xFFFFFC00, v4;
	v9 =	vand.u32 $0xFFFFFC00, v9  }
0x2c5: {  	v6 =	vand.u32 $0x7F, v6;
	v4 =	vadd.s32 v61, v4;
	v9 =	vadd.s32 v10, v9  }
0x2c6: {  	v2 =	vand.u32 $0x380, v2;
	v4 =	vor.u32 v11, v4;
	v6 =	vor.u32 v6, v9  }
0x2c7: {  	v4 =	vor.u32 v2, v4;
	v0 =	vor.u32 v0, v6;
	_ =	sdelay $0x3  }
0x2c8: {  	v6 =	vld [tilespmem:s21+$0x10]  }
0x2c9: {  	v10 =	vld.idx.msk [tilespmem:v4+s23+$0x0], $0xffff;
	[tilespmem:v0+s23+$0x0] =	vst.idx.msk $0xffff, v1  }
0x2ca: {  	v0 =	vld [tilespmem:s20+$0x20]  }
0x2cb: {  	v1 =	vld [tilespmem:s13+$0x20];
	_ =	sdelay $0x4  }
0x2cc: {  	v4 =	vshll.u32 v0, $0xB;
	v9 =	vand.u32 $0x7F, v1  }
0x2cd: {  	v1 =	vshll.u32 v1, $0x3;
	v11 =	vand.u32 $0xFFFFC000, v4;
	v4 =	vshll.u32 v3, $0x3  }
0x2ce: {  	v0 =	vshll.u32 v0, $0x7;
	v1 =	vand.u32 $0xFFFFFC00, v1;
	v4 =	vand.u32 $0xFFFFFC00, v4  }
0x2cf: {  	v3 =	vand.u32 $0x7F, v3;
	v1 =	vadd.s32 v11, v1;
	v4 =	vadd.s32 v8, v4  }
0x2d0: {  	v0 =	vand.u32 $0x380, v0;
	v1 =	vor.u32 v9, v1;
	v3 =	vor.u32 v3, v4  }
0x2d1: {  	v1 =	vor.u32 v0, v1;
	v3 =	vor.u32 v5, v3;
	_ =	sdelay $0x3  }
0x2d2: {  	v13 =	vld [tilespmem:s21+$0x20]  }
0x2d3: {  	v14 =	vld.idx.msk [tilespmem:v1+s23+$0x0], $0xffff;
	[tilespmem:v3+s23+$0x0] =	vst.idx.msk $0xffff, v7  }
0x2d4: {  	v3 =	vld [tilespmem:s20+$0x30]  }
0x2d5: {  	v1 =	vld [tilespmem:s13+$0x30];
	_ =	sdelay $0x3  }
0x2d6: {  	v8 =	vshll.u32 v6, $0x3  }
0x2d7: {  	v4 =	vshll.u32 v3, $0xB;
	v5 =	vand.u32 $0x7F, v1;
	v1 =	vshll.u32 v1, $0x3  }
0x2d8: {  	v7 =	vand.u32 $0xFFFFC000, v4;
	v1 =	vand.u32 $0xFFFFFC00, v1;
	v4 =	vshll.u32 v3, $0x7  }
0x2d9: {  	v1 =	vadd.s32 v7, v1;
	v9 =	vand.u32 $0x380, v4;
	v4 =	vand.u32 $0xFFFFFC00, v8  }
0x2da: {  	v1 =	vor.u32 v5, v1;
	v5 =	vand.u32 $0x7F, v6;
	v4 =	vadd.s32 v61, v4  }
0x2db: {  	v4 =	vor.u32 v5, v4  }
0x2dc: {  	v1 =	vor.u32 v9, v1;
	v2 =	vor.u32 v2, v4;
	_ =	sdelay $0x3  }
0x2dd: {  	v5 =	vld [tilespmem:s21+$0x30]  }
0x2de: {  	v4 =	vld.idx.msk [tilespmem:v1+s23+$0x0], $0xffff;
	[tilespmem:v2+s23+$0x0] =	vst.idx.msk $0xffff, v10  }
0x2df: {  	v1 =	vld [tilespmem:s20+$0x40]  }
0x2e0: {  	v2 =	vld [tilespmem:s13+$0x40];
	_ =	sdelay $0x3  }
0x2e1: {  	v62 =	vshll.u32 v13, $0x3  }
0x2e2: {  	v6 =	vshll.u32 v1, $0xB;
	v10 =	vand.u32 $0x7F, v2;
	v2 =	vshll.u32 v2, $0x3  }
0x2e3: {  	v12 =	vand.u32 $0xFFFFFC00, v62;
	v6 =	vand.u32 $0xFFFFC000, v6;
	v2 =	vand.u32 $0xFFFFFC00, v2  }
0x2e4: {  	v11 =	vadd.s32 v11, v12;
	v8 =	vshll.u32 v1, $0x7;
	v2 =	vadd.s32 v6, v2  }
0x2e5: {  	v8 =	vand.u32 $0x380, v8;
	v2 =	vor.u32 v10, v2;
	v10 =	vand.u32 $0x7F, v13  }
0x2e6: {  	s19 =	sadd.s32 $0x8, s19;
	v63 =	vor.u32 v8, v2;
	v2 =	vor.u32 v10, v11  }
0x2e7: {  	p0 =	slt.u32 s19, $0x72;
	v10 =	vor.u32 v0, v2  }
.Ltmp4:
0x2e8: {  	_ = 	snop;
	(pc) =	sbr.rel @p0 .LBB2_11-.Ltmp4, $3  }
0x2e9: {  	_ =	sdelay $0x1  }
0x2ea: {  	v2 =	vld [tilespmem:s21+$0x40]  }
0x2eb: {  	s20 =	sadd.s32 $0x80, s20;
	s13 =	sadd.s32 $0x80, s13;
	s21 =	sadd.s32 $0x80, s21;
	v0 =	vld.idx.msk [tilespmem:v63+s23+$0x0], $0xffff;
	[tilespmem:v10+s23+$0x0] =	vst.idx.msk $0xffff, v14  }
0x2ec: {  	v1 =	vld [tilespmem:$0x7A0]  }
0x2ed: {  	v3 =	vld [tilespmem:$0x27A0];
	_ =	sdelay $0x3  }
0x2ee: {  	v12 =	vshll.u32 v5, $0x3;
	v5 =	vand.u32 $0x7F, v5  }
0x2ef: {  	v10 =	vshll.u32 v1, $0xB;
	v11 =	vand.u32 $0x7F, v3;
	v3 =	vshll.u32 v3, $0x3  }
0x2f0: {  	v12 =	vand.u32 $0xFFFFFC00, v12;
	v10 =	vand.u32 $0xFFFFC000, v10;
	v3 =	vand.u32 $0xFFFFFC00, v3  }
0x2f1: {  	v7 =	vadd.s32 v7, v12;
	v1 =	vshll.u32 v1, $0x7;
	v3 =	vadd.s32 v10, v3  }
0x2f2: {  	v5 =	vor.u32 v5, v7;
	v1 =	vand.u32 $0x380, v1;
	v3 =	vor.u32 v11, v3  }
0x2f3: {  	v5 =	vor.u32 v9, v5;
	v3 =	vor.u32 v1, v3;
	_ =	sdelay $0x3  }
0x2f4: {  	v7 =	vld [tilespmem:$0x47A0]  }
0x2f5: {  	v3 =	vld.idx.msk [tilespmem:v3+s23+$0x0], $0xffff;
	[tilespmem:v5+s23+$0x0] =	vst.idx.msk $0xffff, v4  }
0x2f6: {  	v4 =	vld [tilespmem:$0x7B0]  }
0x2f7: {  	v5 =	vld [tilespmem:$0x27B0];
	_ =	sdelay $0x3  }
0x2f8: {  	v13 =	vshll.u32 v2, $0x3  }
0x2f9: {  	v2 =	vand.u32 $0x7F, v2;
	v61 =	vld [tilespmem:$0x47B0];
	v59 =	vshll.u32 v4, $0xB;
	v60 =	vshll.u32 v5, $0x3  }
0x2fa: {  	v62 =	vand.u32 $0xFFFFFC00, v13;
	v9 =	vand.u32 $0xFFFFC000, v59;
	v11 =	vand.u32 $0xFFFFFC00, v60  }
0x2fb: {  	v5 =	vand.u32 $0x7F, v5;
	v4 =	vshll.u32 v4, $0x7;
	v11 =	vadd.s32 v9, v11  }
0x2fc: {  	v6 =	vadd.s32 v6, v62;
	v4 =	vand.u32 $0x380, v4;
	v5 =	vor.u32 v5, v11  }
0x2fd: {  	v2 =	vor.u32 v2, v6;
	v6 =	vshll.u32 v7, $0x3;
	v5 =	vor.u32 v4, v5  }
0x2fe: {  	v2 =	vor.u32 v8, v2;
	v6 =	vand.u32 $0xFFFFFC00, v6;
	v63 =	vshll.u32 v61, $0x3  }
0x2ff: {  	v7 =	vand.u32 $0x7F, v7;
	v6 =	vadd.s32 v10, v6;
	v8 =	vand.u32 $0xFFFFFC00, v63  }
0x300: {  	v6 =	vor.u32 v7, v6;
	v7 =	vand.u32 $0x7F, v61;
	v8 =	vadd.s32 v9, v8  }
0x301: {  	v1 =	vor.u32 v1, v6;
	v6 =	vor.u32 v7, v8  }
0x302: {  	v4 =	vor.u32 v4, v6;
	v5 =	vld.idx.msk [tilespmem:v5+s23+$0x0], $0xffff;
	_ =	sdelay $0x2  }
0x303: {  	[tilespmem:v2+s23+$0x0] =	vst.idx.msk $0xffff, v0  }
0x304: {  	[tilespmem:v1+s23+$0x0] =	vst.idx.msk $0xffff, v3  }
0x305: {  	s13 =	sadd.s32 s2, s14;
	[tilespmem:v4+s23+$0x0] =	vst.idx.msk $0xffff, v5  }
0x306: {  	[hbm4b:s13+s4] =	stream.linear.scatter [tilespmem:s23], [sflag:$0x5], $0x4000, $0x38;
	[tilespmem:$0x16000] =	vst v63  }
0x307: {  	_ =	swait.ge [sflag:s7], $0x4000  }
0x308: {  	[sflag:s7] =	ssyncset.done $0x0  }
0x309: {  	s25 =	sadd.s32 s15, s11;
	[sflag:s7] =	ssyncadd.s32 $0xFFFFC000  }
0x30a: {  	[tilespmem:s31], [sflag:$0x4] =	stream.linear.gather [hbm4b:s25+s4], $0x4000, $0x38;
	[tilespmem:$0x16000] =	vst v63  }
0x30b: {  	_ =	swait.ge [sflag:s0], $0x4000  }
0x30c: {  	[sflag:s0] =	ssyncset.done $0x0  }
0x30d: {  	[sflag:s0] =	ssyncadd.s32 $0xFFFFC000  }
0x30e: {  	v3 =	vld [tilespmem:$0x7C0]  }
0x30f: {  	v0 =	vld [tilespmem:$0x27C0];
	_ =	sdelay $0x1  }
0x310: {  	v1 =	vld [tilespmem:$0x7D0]  }
0x311: {  	v2 =	vld [tilespmem:$0x27D0];
	_ =	sdelay $0x1  }
0x312: {  	v4 =	vshll.u32 v3, $0xB;
	v5 =	vshll.u32 v0, $0x3  }
0x313: {  	v6 =	vshll.u32 v3, $0x7;
	v4 =	vand.u32 $0xFFFFC000, v4;
	v5 =	vand.u32 $0xFFFFFC00, v5  }
0x314: {  	v0 =	vand.u32 $0x7F, v0;
	v4 =	vadd.s32 v4, v5;
	v5 =	vand.u32 $0x380, v6  }
0x315: {  	v6 =	vshll.u32 v2, $0x3;
	v4 =	vor.u32 v5, v4;
	v5 =	vshll.u32 v1, $0xB  }
0x316: {  	v7 =	vshll.u32 v1, $0x7;
	v6 =	vand.u32 $0xFFFFFC00, v6;
	v5 =	vand.u32 $0xFFFFC000, v5  }
0x317: {  	v0 =	vor.u32 v0, v4;
	v4 =	vadd.s32 v5, v6;
	v5 =	vand.u32 $0x380, v7  }
0x318: {  	v2 =	vand.u32 $0x7F, v2;
	v4 =	vor.u32 v5, v4  }
0x319: {  	v6 =	vor.u32 v2, v4;
	_ =	sdelay $0x1  }
0x31a: {  	v5 =	vld [tilespmem:$0x47C0]  }
0x31b: {  	v2 =	vld [tilespmem:$0x47D0]  }
0x31c: {  	s14 =	simm.s32 $0xFFFFFFFA;
	v4 =	vld.idx.msk [tilespmem:v0+s24+$0x0], $0xffff  }
0x31d: {  	s15 =	simm.s32 $0x850;
	s19 =	simm.s32 $0x4850;
	s13 =	simm.s32 $0x2850;
	v0 =	vld.idx.msk [tilespmem:v6+s24+$0x0], $0xffff  }
.LBB2_13:
0x31e: {  	v6 =	vld [tilespmem:s15+$0xFFFFFF90]  }
0x31f: {  	v7 =	vld [tilespmem:s13+$0xFFFFFF90];
	_ =	sdelay $0x3  }
0x320: {  	v10 =	vshll.u32 v3, $0xB;
	v11 =	vshll.u32 v5, $0x3;
	v3 =	vshll.u32 v3, $0x7  }
0x321: {  	v10 =	vand.u32 $0xFFFFC000, v10;
	v8 =	vshll.u32 v6, $0xB;
	v9 =	vshll.u32 v7, $0x3  }
0x322: {  	v11 =	vand.u32 $0xFFFFFC00, v11;
	v8 =	vand.u32 $0xFFFFC000, v8;
	v9 =	vand.u32 $0xFFFFFC00, v9  }
0x323: {  	v3 =	vand.u32 $0x380, v3;
	v7 =	vand.u32 $0x7F, v7;
	v9 =	vadd.s32 v8, v9  }
0x324: {  	v6 =	vshll.u32 v6, $0x7;
	v7 =	vor.u32 v7, v9;
	v9 =	vadd.s32 v10, v11  }
0x325: {  	v5 =	vand.u32 $0x7F, v5;
	v6 =	vand.u32 $0x380, v6;
	v3 =	vor.u32 v3, v9  }
0x326: {  	v7 =	vor.u32 v6, v7;
	v3 =	vor.u32 v5, v3;
	_ =	sdelay $0x3  }
0x327: {  	v5 =	vld [tilespmem:s19+$0xFFFFFF90]  }
0x328: {  	v7 =	vld.idx.msk [tilespmem:v7+s24+$0x0], $0xffff;
	[tilespmem:v3+s24+$0x0] =	vst.idx.msk $0xffff, v4  }
0x329: {  	v3 =	vld [tilespmem:s15+$0xFFFFFFA0]  }
0x32a: {  	v4 =	vld [tilespmem:s13+$0xFFFFFFA0];
	_ =	sdelay $0x2  }
0x32b: {  	v12 =	vshll.u32 v2, $0x3  }
0x32c: {  	v12 =	vand.u32 $0xFFFFFC00, v12;
	v11 =	vshll.u32 v1, $0xB  }
0x32d: {  	v1 =	vshll.u32 v1, $0x7;
	v9 =	vshll.u32 v3, $0xB;
	v10 =	vshll.u32 v4, $0x3  }
0x32e: {  	v11 =	vand.u32 $0xFFFFC000, v11;
	v9 =	vand.u32 $0xFFFFC000, v9;
	v10 =	vand.u32 $0xFFFFFC00, v10  }
0x32f: {  	v1 =	vand.u32 $0x380, v1;
	v4 =	vand.u32 $0x7F, v4;
	v10 =	vadd.s32 v9, v10  }
0x330: {  	v3 =	vshll.u32 v3, $0x7;
	v4 =	vor.u32 v4, v10;
	v10 =	vadd.s32 v11, v12  }
0x331: {  	v2 =	vand.u32 $0x7F, v2;
	v3 =	vand.u32 $0x380, v3;
	v1 =	vor.u32 v1, v10  }
0x332: {  	v4 =	vor.u32 v3, v4;
	v1 =	vor.u32 v2, v1;
	_ =	sdelay $0x3  }
0x333: {  	v2 =	vld [tilespmem:s19+$0xFFFFFFA0]  }
0x334: {  	v4 =	vld.idx.msk [tilespmem:v4+s24+$0x0], $0xffff;
	[tilespmem:v1+s24+$0x0] =	vst.idx.msk $0xffff, v0  }
0x335: {  	v0 =	vld [tilespmem:s15+$0xFFFFFFB0]  }
0x336: {  	v1 =	vld [tilespmem:s13+$0xFFFFFFB0];
	_ =	sdelay $0x3  }
0x337: {  	v59 =	vshll.u32 v5, $0x3;
	v5 =	vand.u32 $0x7F, v5  }
0x338: {  	v10 =	vshll.u32 v0, $0xB;
	v11 =	vand.u32 $0x7F, v1;
	v1 =	vshll.u32 v1, $0x3  }
0x339: {  	v12 =	vand.u32 $0xFFFFFC00, v59;
	v10 =	vand.u32 $0xFFFFC000, v10;
	v1 =	vand.u32 $0xFFFFFC00, v1  }
0x33a: {  	v8 =	vadd.s32 v8, v12;
	v0 =	vshll.u32 v0, $0x7;
	v1 =	vadd.s32 v10, v1  }
0x33b: {  	v5 =	vor.u32 v5, v8;
	v0 =	vand.u32 $0x380, v0;
	v1 =	vor.u32 v11, v1  }
0x33c: {  	v5 =	vor.u32 v6, v5;
	v1 =	vor.u32 v0, v1;
	_ =	sdelay $0x3  }
0x33d: {  	v6 =	vld [tilespmem:s19+$0xFFFFFFB0]  }
0x33e: {  	v1 =	vld.idx.msk [tilespmem:v1+s24+$0x0], $0xffff;
	[tilespmem:v5+s24+$0x0] =	vst.idx.msk $0xffff, v7  }
0x33f: {  	v5 =	vld [tilespmem:s15+$0xFFFFFFC0]  }
0x340: {  	v7 =	vld [tilespmem:s13+$0xFFFFFFC0];
	_ =	sdelay $0x3  }
0x341: {  	v60 =	vshll.u32 v2, $0x3;
	v2 =	vand.u32 $0x7F, v2  }
0x342: {  	v8 =	vshll.u32 v5, $0xB;
	v11 =	vand.u32 $0x7F, v7;
	v7 =	vshll.u32 v7, $0x3  }
0x343: {  	v12 =	vand.u32 $0xFFFFFC00, v60;
	v8 =	vand.u32 $0xFFFFC000, v8;
	v7 =	vand.u32 $0xFFFFFC00, v7  }
0x344: {  	v9 =	vadd.s32 v9, v12;
	v5 =	vshll.u32 v5, $0x7;
	v7 =	vadd.s32 v8, v7  }
0x345: {  	v2 =	vor.u32 v2, v9;
	v5 =	vand.u32 $0x380, v5;
	v7 =	vor.u32 v11, v7  }
0x346: {  	v2 =	vor.u32 v3, v2;
	v7 =	vor.u32 v5, v7;
	_ =	sdelay $0x3  }
0x347: {  	v3 =	vld [tilespmem:s19+$0xFFFFFFC0]  }
0x348: {  	v7 =	vld.idx.msk [tilespmem:v7+s24+$0x0], $0xffff;
	[tilespmem:v2+s24+$0x0] =	vst.idx.msk $0xffff, v4  }
0x349: {  	v2 =	vld [tilespmem:s15+$0xFFFFFFD0]  }
0x34a: {  	v4 =	vld [tilespmem:s13+$0xFFFFFFD0];
	_ =	sdelay $0x3  }
0x34b: {  	v61 =	vshll.u32 v6, $0x3;
	v6 =	vand.u32 $0x7F, v6  }
0x34c: {  	v9 =	vshll.u32 v2, $0xB;
	v11 =	vand.u32 $0x7F, v4;
	v4 =	vshll.u32 v4, $0x3  }
0x34d: {  	v12 =	vand.u32 $0xFFFFFC00, v61;
	v9 =	vand.u32 $0xFFFFC000, v9;
	v4 =	vand.u32 $0xFFFFFC00, v4  }
0x34e: {  	v10 =	vadd.s32 v10, v12;
	v2 =	vshll.u32 v2, $0x7;
	v4 =	vadd.s32 v9, v4  }
0x34f: {  	v6 =	vor.u32 v6, v10;
	v2 =	vand.u32 $0x380, v2;
	v4 =	vor.u32 v11, v4  }
0x350: {  	v0 =	vor.u32 v0, v6;
	v4 =	vor.u32 v2, v4;
	_ =	sdelay $0x3  }
0x351: {  	v10 =	vld [tilespmem:s19+$0xFFFFFFD0]  }
0x352: {  	v11 =	vld.idx.msk [tilespmem:v4+s24+$0x0], $0xffff;
	[tilespmem:v0+s24+$0x0] =	vst.idx.msk $0xffff, v1  }
0x353: {  	v0 =	vld [tilespmem:s15+$0xFFFFFFE0]  }
0x354: {  	v1 =	vld [tilespmem:s13+$0xFFFFFFE0];
	_ =	sdelay $0x4  }
0x355: {  	v4 =	vshll.u32 v0, $0xB;
	v6 =	vand.u32 $0x7F, v1  }
0x356: {  	v1 =	vshll.u32 v1, $0x3;
	v62 =	vand.u32 $0xFFFFC000, v4;
	v4 =	vshll.u32 v3, $0x3  }
0x357: {  	v0 =	vshll.u32 v0, $0x7;
	v1 =	vand.u32 $0xFFFFFC00, v1;
	v4 =	vand.u32 $0xFFFFFC00, v4  }
0x358: {  	v3 =	vand.u32 $0x7F, v3;
	v1 =	vadd.s32 v62, v1;
	v4 =	vadd.s32 v8, v4  }
0x359: {  	v0 =	vand.u32 $0x380, v0;
	v1 =	vor.u32 v6, v1;
	v3 =	vor.u32 v3, v4  }
0x35a: {  	v1 =	vor.u32 v0, v1;
	v3 =	vor.u32 v5, v3;
	_ =	sdelay $0x3  }
0x35b: {  	v13 =	vld [tilespmem:s19+$0xFFFFFFE0]  }
0x35c: {  	v14 =	vld.idx.msk [tilespmem:v1+s24+$0x0], $0xffff;
	[tilespmem:v3+s24+$0x0] =	vst.idx.msk $0xffff, v7  }
0x35d: {  	v3 =	vld [tilespmem:s15+$0xFFFFFFF0]  }
0x35e: {  	v1 =	vld [tilespmem:s13+$0xFFFFFFF0];
	_ =	sdelay $0x3  }
0x35f: {  	v7 =	vshll.u32 v10, $0x3  }
0x360: {  	v4 =	vshll.u32 v3, $0xB;
	v5 =	vand.u32 $0x7F, v1;
	v1 =	vshll.u32 v1, $0x3  }
0x361: {  	v6 =	vand.u32 $0xFFFFC000, v4;
	v1 =	vand.u32 $0xFFFFFC00, v1;
	v4 =	vshll.u32 v3, $0x7  }
0x362: {  	v1 =	vadd.s32 v6, v1;
	v8 =	vand.u32 $0x380, v4;
	v4 =	vand.u32 $0xFFFFFC00, v7  }
0x363: {  	v1 =	vor.u32 v5, v1;
	v5 =	vand.u32 $0x7F, v10;
	v4 =	vadd.s32 v9, v4  }
0x364: {  	v4 =	vor.u32 v5, v4  }
0x365: {  	v1 =	vor.u32 v8, v1;
	v2 =	vor.u32 v2, v4;
	_ =	sdelay $0x3  }
0x366: {  	v5 =	vld [tilespmem:s19+$0xFFFFFFF0]  }
0x367: {  	v4 =	vld.idx.msk [tilespmem:v1+s24+$0x0], $0xffff;
	[tilespmem:v2+s24+$0x0] =	vst.idx.msk $0xffff, v11  }
0x368: {  	v1 =	vld [tilespmem:s15+$0x0]  }
0x369: {  	v2 =	vld [tilespmem:s13+$0x0];
	_ =	sdelay $0x3  }
0x36a: {  	v11 =	vshll.u32 v13, $0x3  }
0x36b: {  	v7 =	vshll.u32 v1, $0xB;
	v10 =	vand.u32 $0x7F, v2;
	v2 =	vshll.u32 v2, $0x3  }
0x36c: {  	v11 =	vand.u32 $0xFFFFFC00, v11;
	v7 =	vand.u32 $0xFFFFC000, v7;
	v2 =	vand.u32 $0xFFFFFC00, v2  }
0x36d: {  	v11 =	vadd.s32 v62, v11;
	v9 =	vshll.u32 v1, $0x7;
	v2 =	vadd.s32 v7, v2  }
0x36e: {  	v9 =	vand.u32 $0x380, v9;
	v2 =	vor.u32 v10, v2;
	v10 =	vand.u32 $0x7F, v13  }
0x36f: {  	s14 =	sadd.s32 $0x8, s14;
	v63 =	vor.u32 v9, v2;
	v2 =	vor.u32 v10, v11  }
0x370: {  	p0 =	slt.u32 s14, $0x72;
	v10 =	vor.u32 v0, v2  }
.Ltmp5:
0x371: {  	_ = 	snop;
	(pc) =	sbr.rel @p0 .LBB2_13-.Ltmp5, $3  }
0x372: {  	_ =	sdelay $0x1  }
0x373: {  	v2 =	vld [tilespmem:s19+$0x0]  }
0x374: {  	s15 =	sadd.s32 $0x80, s15;
	s13 =	sadd.s32 $0x80, s13;
	s19 =	sadd.s32 $0x80, s19;
	v0 =	vld.idx.msk [tilespmem:v63+s24+$0x0], $0xffff;
	[tilespmem:v10+s24+$0x0] =	vst.idx.msk $0xffff, v14  }
0x375: {  	v1 =	vld [tilespmem:$0xF60]  }
0x376: {  	v3 =	vld [tilespmem:$0x2F60];
	_ =	sdelay $0x3  }
0x377: {  	v12 =	vshll.u32 v5, $0x3;
	v40 =	vand.u32 $0x7F, v5  }
0x378: {  	v10 =	vshll.u32 v1, $0xB;
	v11 =	vand.u32 $0x7F, v3;
	v3 =	vshll.u32 v3, $0x3  }
0x379: {  	v12 =	vand.u32 $0xFFFFFC00, v12;
	v10 =	vand.u32 $0xFFFFC000, v10;
	v3 =	vand.u32 $0xFFFFFC00, v3  }
0x37a: {  	v6 =	vadd.s32 v6, v12;
	v1 =	vshll.u32 v1, $0x7;
	v3 =	vadd.s32 v10, v3  }
0x37b: {  	v5 =	vor.u32 v40, v6;
	v1 =	vand.u32 $0x380, v1;
	v3 =	vor.u32 v11, v3  }
0x37c: {  	v5 =	vor.u32 v8, v5;
	v3 =	vor.u32 v1, v3;
	_ =	sdelay $0x3  }
0x37d: {  	v41 =	vld [tilespmem:$0x4F60]  }
0x37e: {  	v3 =	vld.idx.msk [tilespmem:v3+s24+$0x0], $0xffff;
	[tilespmem:v5+s24+$0x0] =	vst.idx.msk $0xffff, v4  }
0x37f: {  	v4 =	vld [tilespmem:$0xF70]  }
0x380: {  	v5 =	vld [tilespmem:$0x2F70];
	_ =	sdelay $0x3  }
0x381: {  	v44 =	vshll.u32 v2, $0x3;
	v45 =	vand.u32 $0x7F, v2  }
0x382: {  	v42 =	vshll.u32 v4, $0xB;
	v43 =	vand.u32 $0x7F, v5;
	v5 =	vshll.u32 v5, $0x3  }
0x383: {  	v12 =	vand.u32 $0xFFFFFC00, v44;
	v8 =	vand.u32 $0xFFFFC000, v42;
	v5 =	vand.u32 $0xFFFFFC00, v5  }
0x384: {  	v7 =	vadd.s32 v7, v12;
	v4 =	vshll.u32 v4, $0x7;
	v5 =	vadd.s32 v8, v5  }
0x385: {  	v2 =	vor.u32 v45, v7;
	v4 =	vand.u32 $0x380, v4;
	v5 =	vor.u32 v43, v5  }
0x386: {  	v2 =	vor.u32 v9, v2;
	v5 =	vor.u32 v4, v5;
	_ =	sdelay $0x3  }
0x387: {  	v46 =	vld [tilespmem:$0x4F70]  }
0x388: {  	v5 =	vld.idx.msk [tilespmem:v5+s24+$0x0], $0xffff;
	[tilespmem:v2+s24+$0x0] =	vst.idx.msk $0xffff, v0  }
0x389: {  	v0 =	vld [tilespmem:$0xF80]  }
0x38a: {  	v2 =	vld [tilespmem:$0x2F80];
	_ =	sdelay $0x3  }
0x38b: {  	v49 =	vshll.u32 v41, $0x3;
	v6 =	vand.u32 $0x7F, v41  }
0x38c: {  	v47 =	vshll.u32 v0, $0xB;
	v48 =	vand.u32 $0x7F, v2;
	v2 =	vshll.u32 v2, $0x3  }
0x38d: {  	v12 =	vand.u32 $0xFFFFFC00, v49;
	v9 =	vand.u32 $0xFFFFC000, v47;
	v2 =	vand.u32 $0xFFFFFC00, v2  }
0x38e: {  	v10 =	vadd.s32 v10, v12;
	v0 =	vshll.u32 v0, $0x7;
	v2 =	vadd.s32 v9, v2  }
0x38f: {  	v6 =	vor.u32 v6, v10;
	v0 =	vand.u32 $0x380, v0;
	v2 =	vor.u32 v48, v2  }
0x390: {  	v1 =	vor.u32 v1, v6;
	v2 =	vor.u32 v0, v2;
	_ =	sdelay $0x3  }
0x391: {  	v50 =	vld [tilespmem:$0x4F80]  }
0x392: {  	v2 =	vld.idx.msk [tilespmem:v2+s24+$0x0], $0xffff;
	[tilespmem:v1+s24+$0x0] =	vst.idx.msk $0xffff, v3  }
0x393: {  	v1 =	vld [tilespmem:$0xF90]  }
0x394: {  	v3 =	vld [tilespmem:$0x2F90];
	_ =	sdelay $0x3  }
0x395: {  	v53 =	vshll.u32 v46, $0x3;
	v7 =	vand.u32 $0x7F, v46  }
0x396: {  	v51 =	vshll.u32 v1, $0xB;
	v52 =	vand.u32 $0x7F, v3;
	v3 =	vshll.u32 v3, $0x3  }
0x397: {  	v12 =	vand.u32 $0xFFFFFC00, v53;
	v10 =	vand.u32 $0xFFFFC000, v51;
	v3 =	vand.u32 $0xFFFFFC00, v3  }
0x398: {  	v8 =	vadd.s32 v8, v12;
	v1 =	vshll.u32 v1, $0x7;
	v3 =	vadd.s32 v10, v3  }
0x399: {  	v7 =	vor.u32 v7, v8;
	v1 =	vand.u32 $0x380, v1;
	v3 =	vor.u32 v52, v3  }
0x39a: {  	v4 =	vor.u32 v4, v7;
	v3 =	vor.u32 v1, v3;
	_ =	sdelay $0x3  }
0x39b: {  	v54 =	vld [tilespmem:$0x4F90]  }
0x39c: {  	v3 =	vld.idx.msk [tilespmem:v3+s24+$0x0], $0xffff;
	[tilespmem:v4+s24+$0x0] =	vst.idx.msk $0xffff, v5  }
0x39d: {  	v4 =	vld [tilespmem:$0xFA0]  }
0x39e: {  	v5 =	vld [tilespmem:$0x2FA0];
	_ =	sdelay $0x3  }
0x39f: {  	v13 =	vshll.u32 v50, $0x3  }
0x3a0: {  	v6 =	vand.u32 $0x7F, v50;
	v57 =	vld [tilespmem:$0x4FA0];
	v55 =	vshll.u32 v4, $0xB;
	v56 =	vshll.u32 v5, $0x3  }
0x3a1: {  	v58 =	vand.u32 $0xFFFFFC00, v13;
	v8 =	vand.u32 $0xFFFFC000, v55;
	v11 =	vand.u32 $0xFFFFFC00, v56  }
0x3a2: {  	v5 =	vand.u32 $0x7F, v5;
	v4 =	vshll.u32 v4, $0x7;
	v11 =	vadd.s32 v8, v11  }
0x3a3: {  	v9 =	vadd.s32 v9, v58;
	v4 =	vand.u32 $0x380, v4;
	v5 =	vor.u32 v5, v11  }
0x3a4: {  	v6 =	vor.u32 v6, v9;
	v59 =	vshll.u32 v54, $0x3;
	v5 =	vor.u32 v4, v5  }
0x3a5: {  	v0 =	vor.u32 v0, v6;
	v60 =	vand.u32 $0xFFFFFC00, v59;
	v61 =	vshll.u32 v57, $0x3  }
0x3a6: {  	v7 =	vand.u32 $0x7F, v54;
	v6 =	vadd.s32 v10, v60;
	v9 =	vand.u32 $0xFFFFFC00, v61  }
0x3a7: {  	v6 =	vor.u32 v7, v6;
	v62 =	vand.u32 $0x7F, v57;
	v8 =	vadd.s32 v8, v9  }
0x3a8: {  	v1 =	vor.u32 v1, v6;
	v63 =	vor.u32 v62, v8  }
0x3a9: {  	v4 =	vor.u32 v4, v63;
	v5 =	vld.idx.msk [tilespmem:v5+s24+$0x0], $0xffff  }
0x3aa: {  	p0 =	sne.s32 s9, $0xF  }
.Ltmp6:
0x3ab: {  	_ = 	snop;
	(pc) =	sbr.rel @p0 .LBB2_6-.Ltmp6, $4  }
0x3ac: {  	[tilespmem:v0+s24+$0x0] =	vst.idx.msk $0xffff, v2  }
0x3ad: {  	[tilespmem:v1+s24+$0x0] =	vst.idx.msk $0xffff, v3  }
0x3ae: {  	s12 =	sadd.s32 s2, s12;
	[tilespmem:v4+s24+$0x0] =	vst.idx.msk $0xffff, v5  }
0x3af: {  	[hbm4b:s12+s4] =	stream.linear.scatter [tilespmem:s24], [sflag:$0x6], $0x4000, $0x38;
	[tilespmem:$0x16000] =	vst v63  }
0x3b0: {  	_ =	swait.ge [sflag:s26], $0x4000  }
0x3b1: {  	[sflag:s26] =	ssyncset.done $0x0  }
0x3b2: {  	[sflag:s26] =	ssyncadd.s32 $0xFFFFC000  }
0x3b3: {  	v1 =	vld [tilespmem:$0xFB0]  }
0x3b4: {  	v2 =	vld [tilespmem:$0x2FB0];
	_ =	sdelay $0x1  }
0x3b5: {  	v0 =	vld [tilespmem:$0xFC0]  }
0x3b6: {  	v3 =	vld [tilespmem:$0x2FC0];
	_ =	sdelay $0x1  }
0x3b7: {  	v4 =	vshll.u32 v1, $0xB;
	v5 =	vshll.u32 v2, $0x3  }
0x3b8: {  	v6 =	vshll.u32 v1, $0x7;
	v4 =	vand.u32 $0xFFFFC000, v4;
	v5 =	vand.u32 $0xFFFFFC00, v5  }
0x3b9: {  	v2 =	vand.u32 $0x7F, v2;
	v4 =	vadd.s32 v4, v5;
	v5 =	vand.u32 $0x380, v6  }
0x3ba: {  	v6 =	vshll.u32 v3, $0x3;
	v4 =	vor.u32 v5, v4;
	v5 =	vshll.u32 v0, $0xB  }
0x3bb: {  	v7 =	vshll.u32 v0, $0x7;
	v6 =	vand.u32 $0xFFFFFC00, v6;
	v5 =	vand.u32 $0xFFFFC000, v5  }
0x3bc: {  	v2 =	vor.u32 v2, v4;
	v4 =	vadd.s32 v5, v6;
	v5 =	vand.u32 $0x380, v7  }
0x3bd: {  	v3 =	vand.u32 $0x7F, v3;
	v4 =	vor.u32 v5, v4  }
0x3be: {  	v6 =	vor.u32 v3, v4;
	_ =	sdelay $0x1  }
0x3bf: {  	v5 =	vld [tilespmem:$0x4FB0]  }
0x3c0: {  	v4 =	vld [tilespmem:$0x4FC0]  }
0x3c1: {  	s9 =	simm.s32 $0xFFFFFFFA;
	v3 =	vld.idx.msk [tilespmem:v2+s29+$0x0], $0xffff  }
0x3c2: {  	s12 =	simm.s32 $0x1040;
	s13 =	simm.s32 $0x3040;
	s14 =	simm.s32 $0x5040;
	v2 =	vld.idx.msk [tilespmem:v6+s29+$0x0], $0xffff  }
.LBB2_16:
0x3c3: {  	v6 =	vld [tilespmem:s12+$0xFFFFFF90]  }
0x3c4: {  	v7 =	vld [tilespmem:s13+$0xFFFFFF90];
	_ =	sdelay $0x3  }
0x3c5: {  	v10 =	vshll.u32 v1, $0xB;
	v11 =	vshll.u32 v5, $0x3;
	v1 =	vshll.u32 v1, $0x7  }
0x3c6: {  	v10 =	vand.u32 $0xFFFFC000, v10;
	v8 =	vshll.u32 v6, $0xB;
	v9 =	vshll.u32 v7, $0x3  }
0x3c7: {  	v11 =	vand.u32 $0xFFFFFC00, v11;
	v8 =	vand.u32 $0xFFFFC000, v8;
	v9 =	vand.u32 $0xFFFFFC00, v9  }
0x3c8: {  	v1 =	vand.u32 $0x380, v1;
	v7 =	vand.u32 $0x7F, v7;
	v9 =	vadd.s32 v8, v9  }
0x3c9: {  	v6 =	vshll.u32 v6, $0x7;
	v7 =	vor.u32 v7, v9;
	v9 =	vadd.s32 v10, v11  }
0x3ca: {  	v5 =	vand.u32 $0x7F, v5;
	v6 =	vand.u32 $0x380, v6;
	v1 =	vor.u32 v1, v9  }
0x3cb: {  	v7 =	vor.u32 v6, v7;
	v1 =	vor.u32 v5, v1;
	_ =	sdelay $0x3  }
0x3cc: {  	v5 =	vld [tilespmem:s14+$0xFFFFFF90]  }
0x3cd: {  	v7 =	vld.idx.msk [tilespmem:v7+s29+$0x0], $0xffff;
	[tilespmem:v1+s29+$0x0] =	vst.idx.msk $0xffff, v3  }
0x3ce: {  	v1 =	vld [tilespmem:s12+$0xFFFFFFA0]  }
0x3cf: {  	v3 =	vld [tilespmem:s13+$0xFFFFFFA0];
	_ =	sdelay $0x2  }
0x3d0: {  	v12 =	vshll.u32 v4, $0x3  }
0x3d1: {  	v12 =	vand.u32 $0xFFFFFC00, v12;
	v11 =	vshll.u32 v0, $0xB  }
0x3d2: {  	v0 =	vshll.u32 v0, $0x7;
	v9 =	vshll.u32 v1, $0xB;
	v10 =	vshll.u32 v3, $0x3  }
0x3d3: {  	v11 =	vand.u32 $0xFFFFC000, v11;
	v9 =	vand.u32 $0xFFFFC000, v9;
	v10 =	vand.u32 $0xFFFFFC00, v10  }
0x3d4: {  	v0 =	vand.u32 $0x380, v0;
	v3 =	vand.u32 $0x7F, v3;
	v10 =	vadd.s32 v9, v10  }
0x3d5: {  	v1 =	vshll.u32 v1, $0x7;
	v3 =	vor.u32 v3, v10;
	v10 =	vadd.s32 v11, v12  }
0x3d6: {  	v4 =	vand.u32 $0x7F, v4;
	v1 =	vand.u32 $0x380, v1;
	v0 =	vor.u32 v0, v10  }
0x3d7: {  	v3 =	vor.u32 v1, v3;
	v0 =	vor.u32 v4, v0;
	_ =	sdelay $0x3  }
0x3d8: {  	v4 =	vld [tilespmem:s14+$0xFFFFFFA0]  }
0x3d9: {  	v3 =	vld.idx.msk [tilespmem:v3+s29+$0x0], $0xffff;
	[tilespmem:v0+s29+$0x0] =	vst.idx.msk $0xffff, v2  }
0x3da: {  	v0 =	vld [tilespmem:s12+$0xFFFFFFB0]  }
0x3db: {  	v2 =	vld [tilespmem:s13+$0xFFFFFFB0];
	_ =	sdelay $0x3  }
0x3dc: {  	v59 =	vshll.u32 v5, $0x3;
	v5 =	vand.u32 $0x7F, v5  }
0x3dd: {  	v10 =	vshll.u32 v0, $0xB;
	v11 =	vand.u32 $0x7F, v2;
	v2 =	vshll.u32 v2, $0x3  }
0x3de: {  	v12 =	vand.u32 $0xFFFFFC00, v59;
	v10 =	vand.u32 $0xFFFFC000, v10;
	v2 =	vand.u32 $0xFFFFFC00, v2  }
0x3df: {  	v8 =	vadd.s32 v8, v12;
	v0 =	vshll.u32 v0, $0x7;
	v2 =	vadd.s32 v10, v2  }
0x3e0: {  	v5 =	vor.u32 v5, v8;
	v0 =	vand.u32 $0x380, v0;
	v2 =	vor.u32 v11, v2  }
0x3e1: {  	v5 =	vor.u32 v6, v5;
	v2 =	vor.u32 v0, v2;
	_ =	sdelay $0x3  }
0x3e2: {  	v6 =	vld [tilespmem:s14+$0xFFFFFFB0]  }
0x3e3: {  	v2 =	vld.idx.msk [tilespmem:v2+s29+$0x0], $0xffff;
	[tilespmem:v5+s29+$0x0] =	vst.idx.msk $0xffff, v7  }
0x3e4: {  	v5 =	vld [tilespmem:s12+$0xFFFFFFC0]  }
0x3e5: {  	v7 =	vld [tilespmem:s13+$0xFFFFFFC0];
	_ =	sdelay $0x3  }
0x3e6: {  	v60 =	vshll.u32 v4, $0x3;
	v4 =	vand.u32 $0x7F, v4  }
0x3e7: {  	v8 =	vshll.u32 v5, $0xB;
	v11 =	vand.u32 $0x7F, v7;
	v7 =	vshll.u32 v7, $0x3  }
0x3e8: {  	v12 =	vand.u32 $0xFFFFFC00, v60;
	v8 =	vand.u32 $0xFFFFC000, v8;
	v7 =	vand.u32 $0xFFFFFC00, v7  }
0x3e9: {  	v9 =	vadd.s32 v9, v12;
	v5 =	vshll.u32 v5, $0x7;
	v7 =	vadd.s32 v8, v7  }
0x3ea: {  	v4 =	vor.u32 v4, v9;
	v5 =	vand.u32 $0x380, v5;
	v7 =	vor.u32 v11, v7  }
0x3eb: {  	v1 =	vor.u32 v1, v4;
	v7 =	vor.u32 v5, v7;
	_ =	sdelay $0x3  }
0x3ec: {  	v4 =	vld [tilespmem:s14+$0xFFFFFFC0]  }
0x3ed: {  	v7 =	vld.idx.msk [tilespmem:v7+s29+$0x0], $0xffff;
	[tilespmem:v1+s29+$0x0] =	vst.idx.msk $0xffff, v3  }
0x3ee: {  	v1 =	vld [tilespmem:s12+$0xFFFFFFD0]  }
0x3ef: {  	v3 =	vld [tilespmem:s13+$0xFFFFFFD0];
	_ =	sdelay $0x4  }
0x3f0: {  	v61 =	vshll.u32 v6, $0x3;
	v9 =	vshll.u32 v1, $0xB;
	v11 =	vand.u32 $0x7F, v3  }
0x3f1: {  	v3 =	vshll.u32 v3, $0x3;
	v1 =	vshll.u32 v1, $0x7;
	v9 =	vand.u32 $0xFFFFC000, v9  }
0x3f2: {  	v3 =	vand.u32 $0xFFFFFC00, v3;
	v13 =	vand.u32 $0x380, v1;
	v1 =	vand.u32 $0xFFFFFC00, v61  }
0x3f3: {  	v6 =	vand.u32 $0x7F, v6;
	v3 =	vadd.s32 v9, v3;
	v1 =	vadd.s32 v10, v1  }
0x3f4: {  	v3 =	vor.u32 v11, v3;
	v1 =	vor.u32 v6, v1  }
0x3f5: {  	v3 =	vor.u32 v13, v3;
	v0 =	vor.u32 v0, v1;
	_ =	sdelay $0x3  }
0x3f6: {  	v10 =	vld [tilespmem:s14+$0xFFFFFFD0]  }
0x3f7: {  	v11 =	vld.idx.msk [tilespmem:v3+s29+$0x0], $0xffff;
	[tilespmem:v0+s29+$0x0] =	vst.idx.msk $0xffff, v2  }
0x3f8: {  	v0 =	vld [tilespmem:s12+$0xFFFFFFE0]  }
0x3f9: {  	v1 =	vld [tilespmem:s13+$0xFFFFFFE0];
	_ =	sdelay $0x3  }
0x3fa: {  	v6 =	vshll.u32 v4, $0x3  }
0x3fb: {  	v2 =	vshll.u32 v0, $0xB;
	v3 =	vand.u32 $0x7F, v1;
	v1 =	vshll.u32 v1, $0x3  }
0x3fc: {  	v0 =	vshll.u32 v0, $0x7;
	v2 =	vand.u32 $0xFFFFC000, v2;
	v1 =	vand.u32 $0xFFFFFC00, v1  }
0x3fd: {  	v62 =	vand.u32 $0x380, v0;
	v0 =	vand.u32 $0xFFFFFC00, v6;
	v1 =	vadd.s32 v2, v1  }
0x3fe: {  	v0 =	vadd.s32 v8, v0;
	v1 =	vor.u32 v3, v1;
	v3 =	vand.u32 $0x7F, v4  }
0x3ff: {  	v0 =	vor.u32 v3, v0  }
0x400: {  	v1 =	vor.u32 v62, v1;
	v0 =	vor.u32 v5, v0;
	_ =	sdelay $0x3  }
0x401: {  	v4 =	vld [tilespmem:s14+$0xFFFFFFE0]  }
0x402: {  	v14 =	vld.idx.msk [tilespmem:v1+s29+$0x0], $0xffff;
	[tilespmem:v0+s29+$0x0] =	vst.idx.msk $0xffff, v7  }
0x403: {  	v1 =	vld [tilespmem:s12+$0xFFFFFFF0]  }
0x404: {  	v0 =	vld [tilespmem:s13+$0xFFFFFFF0];
	_ =	sdelay $0x3  }
0x405: {  	v8 =	vshll.u32 v10, $0x3  }
0x406: {  	v3 =	vshll.u32 v1, $0xB;
	v5 =	vand.u32 $0x7F, v0;
	v0 =	vshll.u32 v0, $0x3  }
0x407: {  	v6 =	vand.u32 $0xFFFFC000, v3;
	v0 =	vand.u32 $0xFFFFFC00, v0;
	v3 =	vshll.u32 v1, $0x7  }
0x408: {  	v0 =	vadd.s32 v6, v0;
	v7 =	vand.u32 $0x380, v3;
	v3 =	vand.u32 $0xFFFFFC00, v8  }
0x409: {  	v0 =	vor.u32 v5, v0;
	v5 =	vand.u32 $0x7F, v10;
	v3 =	vadd.s32 v9, v3  }
0x40a: {  	v3 =	vor.u32 v5, v3  }
0x40b: {  	v0 =	vor.u32 v7, v0;
	v8 =	vor.u32 v13, v3;
	_ =	sdelay $0x3  }
0x40c: {  	v5 =	vld [tilespmem:s14+$0xFFFFFFF0]  }
0x40d: {  	v3 =	vld.idx.msk [tilespmem:v0+s29+$0x0], $0xffff;
	[tilespmem:v8+s29+$0x0] =	vst.idx.msk $0xffff, v11  }
0x40e: {  	v0 =	vld [tilespmem:s12+$0x0]  }
0x40f: {  	v9 =	vld [tilespmem:s13+$0x0];
	_ =	sdelay $0x3  }
0x410: {  	v63 =	vshll.u32 v4, $0x3  }
0x411: {  	v8 =	vshll.u32 v0, $0xB;
	v10 =	vand.u32 $0x7F, v9;
	v9 =	vshll.u32 v9, $0x3  }
0x412: {  	v11 =	vshll.u32 v0, $0x7;
	v8 =	vand.u32 $0xFFFFC000, v8;
	v9 =	vand.u32 $0xFFFFFC00, v9  }
0x413: {  	v15 =	vadd.s32 v8, v9;
	v9 =	vand.u32 $0x380, v11;
	v11 =	vand.u32 $0xFFFFFC00, v63  }
0x414: {  	v4 =	vand.u32 $0x7F, v4;
	v2 =	vadd.s32 v2, v11  }
0x415: {  	s9 =	sadd.s32 $0x8, s9;
	v10 =	vor.u32 v10, v15;
	v2 =	vor.u32 v4, v2  }
0x416: {  	p0 =	slt.u32 s9, $0x7A;
	v10 =	vor.u32 v9, v10;
	v11 =	vor.u32 v62, v2  }
.Ltmp7:
0x417: {  	_ = 	snop;
	(pc) =	sbr.rel @p0 .LBB2_16-.Ltmp7, $3  }
0x418: {  	_ =	sdelay $0x1  }
0x419: {  	v4 =	vld [tilespmem:s14+$0x0]  }
0x41a: {  	s12 =	sadd.s32 $0x80, s12;
	s13 =	sadd.s32 $0x80, s13;
	s14 =	sadd.s32 $0x80, s14;
	v2 =	vld.idx.msk [tilespmem:v10+s29+$0x0], $0xffff;
	[tilespmem:v11+s29+$0x0] =	vst.idx.msk $0xffff, v14  }
0x41b: {  	_ =	sdelay $0x1  }
0x41c: {  	v0 =	vshll.u32 v5, $0x3  }
0x41d: {  	v0 =	vand.u32 $0xFFFFFC00, v0;
	v1 =	vshll.u32 v4, $0x3  }
0x41e: {  	v5 =	vand.u32 $0x7F, v5;
	v0 =	vadd.s32 v6, v0;
	v1 =	vand.u32 $0xFFFFFC00, v1  }
0x41f: {  	v0 =	vor.u32 v5, v0;
	v4 =	vand.u32 $0x7F, v4;
	v1 =	vadd.s32 v8, v1  }
0x420: {  	v0 =	vor.u32 v7, v0;
	v1 =	vor.u32 v4, v1  }
0x421: {  	v1 =	vor.u32 v9, v1;
	_ =	sdelay $0x3  }
0x422: {  	[tilespmem:v0+s29+$0x0] =	vst.idx.msk $0xffff, v3  }
0x423: {  	s9 =	rddreg [dreg:$0xd];
	[tilespmem:v1+s29+$0x0] =	vst.idx.msk $0xffff, v2  }
0x424: {  	[hbm4b:s9+s4] =	stream.linear.scatter [tilespmem:s29], [sflag:$0x7], $0x4000, $0x38;
	[tilespmem:$0x16000] =	vst v63  }
0x425: {  	_ =	swait.ge [sflag:s5], $0x4000  }
0x426: {  	[sflag:s5] =	ssyncset.done $0x0  }
0x427: {  	[sflag:s5] =	ssyncadd.s32 $0xFFFFC000  }
0x428: {  	v3 =	vld [tilespmem:$0x17D0]  }
0x429: {  	v0 =	vld [tilespmem:$0x37D0];
	_ =	sdelay $0x1  }
0x42a: {  	v1 =	vld [tilespmem:$0x17E0]  }
0x42b: {  	v2 =	vld [tilespmem:$0x37E0];
	_ =	sdelay $0x1  }
0x42c: {  	v4 =	vshll.u32 v3, $0xB;
	v5 =	vshll.u32 v0, $0x3  }
0x42d: {  	v6 =	vshll.u32 v3, $0x7;
	v4 =	vand.u32 $0xFFFFC000, v4;
	v5 =	vand.u32 $0xFFFFFC00, v5  }
0x42e: {  	v0 =	vand.u32 $0x7F, v0;
	v4 =	vadd.s32 v4, v5;
	v5 =	vand.u32 $0x380, v6  }
0x42f: {  	v6 =	vshll.u32 v2, $0x3;
	v4 =	vor.u32 v5, v4;
	v5 =	vshll.u32 v1, $0xB  }
0x430: {  	v7 =	vshll.u32 v1, $0x7;
	v6 =	vand.u32 $0xFFFFFC00, v6;
	v5 =	vand.u32 $0xFFFFC000, v5  }
0x431: {  	v0 =	vor.u32 v0, v4;
	v4 =	vadd.s32 v5, v6;
	v5 =	vand.u32 $0x380, v7  }
0x432: {  	v2 =	vand.u32 $0x7F, v2;
	v4 =	vor.u32 v5, v4  }
0x433: {  	v6 =	vor.u32 v2, v4;
	_ =	sdelay $0x1  }
0x434: {  	v5 =	vld [tilespmem:$0x57D0]  }
0x435: {  	v2 =	vld [tilespmem:$0x57E0]  }
0x436: {  	s12 =	simm.s32 $0x1860;
	v4 =	vld.idx.msk [tilespmem:v0+s31+$0x0], $0xffff  }
0x437: {  	s13 =	simm.s32 $0x3860;
	s14 =	simm.s32 $0x5860;
	s9 =	simm.s32 $0xFFFFFFFA;
	v0 =	vld.idx.msk [tilespmem:v6+s31+$0x0], $0xffff  }
.LBB2_18:
0x438: {  	v6 =	vld [tilespmem:s12+$0xFFFFFF90]  }
0x439: {  	v7 =	vld [tilespmem:s13+$0xFFFFFF90];
	_ =	sdelay $0x3  }
0x43a: {  	v10 =	vshll.u32 v3, $0xB;
	v11 =	vshll.u32 v5, $0x3;
	v3 =	vshll.u32 v3, $0x7  }
0x43b: {  	v10 =	vand.u32 $0xFFFFC000, v10;
	v8 =	vshll.u32 v6, $0xB;
	v9 =	vshll.u32 v7, $0x3  }
0x43c: {  	v11 =	vand.u32 $0xFFFFFC00, v11;
	v8 =	vand.u32 $0xFFFFC000, v8;
	v9 =	vand.u32 $0xFFFFFC00, v9  }
0x43d: {  	v3 =	vand.u32 $0x380, v3;
	v7 =	vand.u32 $0x7F, v7;
	v9 =	vadd.s32 v8, v9  }
0x43e: {  	v6 =	vshll.u32 v6, $0x7;
	v7 =	vor.u32 v7, v9;
	v9 =	vadd.s32 v10, v11  }
0x43f: {  	v5 =	vand.u32 $0x7F, v5;
	v6 =	vand.u32 $0x380, v6;
	v3 =	vor.u32 v3, v9  }
0x440: {  	v7 =	vor.u32 v6, v7;
	v3 =	vor.u32 v5, v3;
	_ =	sdelay $0x3  }
0x441: {  	v5 =	vld [tilespmem:s14+$0xFFFFFF90]  }
0x442: {  	v7 =	vld.idx.msk [tilespmem:v7+s31+$0x0], $0xffff;
	[tilespmem:v3+s31+$0x0] =	vst.idx.msk $0xffff, v4  }
0x443: {  	v3 =	vld [tilespmem:s12+$0xFFFFFFA0]  }
0x444: {  	v4 =	vld [tilespmem:s13+$0xFFFFFFA0];
	_ =	sdelay $0x2  }
0x445: {  	v12 =	vshll.u32 v2, $0x3  }
0x446: {  	v12 =	vand.u32 $0xFFFFFC00, v12;
	v11 =	vshll.u32 v1, $0xB  }
0x447: {  	v1 =	vshll.u32 v1, $0x7;
	v9 =	vshll.u32 v3, $0xB;
	v10 =	vshll.u32 v4, $0x3  }
0x448: {  	v11 =	vand.u32 $0xFFFFC000, v11;
	v9 =	vand.u32 $0xFFFFC000, v9;
	v10 =	vand.u32 $0xFFFFFC00, v10  }
0x449: {  	v1 =	vand.u32 $0x380, v1;
	v4 =	vand.u32 $0x7F, v4;
	v10 =	vadd.s32 v9, v10  }
0x44a: {  	v3 =	vshll.u32 v3, $0x7;
	v4 =	vor.u32 v4, v10;
	v10 =	vadd.s32 v11, v12  }
0x44b: {  	v2 =	vand.u32 $0x7F, v2;
	v3 =	vand.u32 $0x380, v3;
	v1 =	vor.u32 v1, v10  }
0x44c: {  	v4 =	vor.u32 v3, v4;
	v1 =	vor.u32 v2, v1;
	_ =	sdelay $0x3  }
0x44d: {  	v2 =	vld [tilespmem:s14+$0xFFFFFFA0]  }
0x44e: {  	v4 =	vld.idx.msk [tilespmem:v4+s31+$0x0], $0xffff;
	[tilespmem:v1+s31+$0x0] =	vst.idx.msk $0xffff, v0  }
0x44f: {  	v0 =	vld [tilespmem:s12+$0xFFFFFFB0]  }
0x450: {  	v1 =	vld [tilespmem:s13+$0xFFFFFFB0];
	_ =	sdelay $0x3  }
0x451: {  	v59 =	vshll.u32 v5, $0x3;
	v5 =	vand.u32 $0x7F, v5  }
0x452: {  	v10 =	vshll.u32 v0, $0xB;
	v11 =	vand.u32 $0x7F, v1;
	v1 =	vshll.u32 v1, $0x3  }
0x453: {  	v12 =	vand.u32 $0xFFFFFC00, v59;
	v10 =	vand.u32 $0xFFFFC000, v10;
	v1 =	vand.u32 $0xFFFFFC00, v1  }
0x454: {  	v8 =	vadd.s32 v8, v12;
	v0 =	vshll.u32 v0, $0x7;
	v1 =	vadd.s32 v10, v1  }
0x455: {  	v5 =	vor.u32 v5, v8;
	v0 =	vand.u32 $0x380, v0;
	v1 =	vor.u32 v11, v1  }
0x456: {  	v5 =	vor.u32 v6, v5;
	v1 =	vor.u32 v0, v1;
	_ =	sdelay $0x3  }
0x457: {  	v6 =	vld [tilespmem:s14+$0xFFFFFFB0]  }
0x458: {  	v1 =	vld.idx.msk [tilespmem:v1+s31+$0x0], $0xffff;
	[tilespmem:v5+s31+$0x0] =	vst.idx.msk $0xffff, v7  }
0x459: {  	v5 =	vld [tilespmem:s12+$0xFFFFFFC0]  }
0x45a: {  	v7 =	vld [tilespmem:s13+$0xFFFFFFC0];
	_ =	sdelay $0x3  }
0x45b: {  	v60 =	vshll.u32 v2, $0x3;
	v2 =	vand.u32 $0x7F, v2  }
0x45c: {  	v8 =	vshll.u32 v5, $0xB;
	v11 =	vand.u32 $0x7F, v7;
	v7 =	vshll.u32 v7, $0x3  }
0x45d: {  	v12 =	vand.u32 $0xFFFFFC00, v60;
	v8 =	vand.u32 $0xFFFFC000, v8;
	v7 =	vand.u32 $0xFFFFFC00, v7  }
0x45e: {  	v9 =	vadd.s32 v9, v12;
	v5 =	vshll.u32 v5, $0x7;
	v7 =	vadd.s32 v8, v7  }
0x45f: {  	v2 =	vor.u32 v2, v9;
	v5 =	vand.u32 $0x380, v5;
	v7 =	vor.u32 v11, v7  }
0x460: {  	v2 =	vor.u32 v3, v2;
	v7 =	vor.u32 v5, v7;
	_ =	sdelay $0x3  }
0x461: {  	v3 =	vld [tilespmem:s14+$0xFFFFFFC0]  }
0x462: {  	v7 =	vld.idx.msk [tilespmem:v7+s31+$0x0], $0xffff;
	[tilespmem:v2+s31+$0x0] =	vst.idx.msk $0xffff, v4  }
0x463: {  	v2 =	vld [tilespmem:s12+$0xFFFFFFD0]  }
0x464: {  	v4 =	vld [tilespmem:s13+$0xFFFFFFD0];
	_ =	sdelay $0x3  }
0x465: {  	v61 =	vshll.u32 v6, $0x3;
	v6 =	vand.u32 $0x7F, v6  }
0x466: {  	v9 =	vshll.u32 v2, $0xB;
	v11 =	vand.u32 $0x7F, v4;
	v4 =	vshll.u32 v4, $0x3  }
0x467: {  	v12 =	vand.u32 $0xFFFFFC00, v61;
	v9 =	vand.u32 $0xFFFFC000, v9;
	v4 =	vand.u32 $0xFFFFFC00, v4  }
0x468: {  	v10 =	vadd.s32 v10, v12;
	v2 =	vshll.u32 v2, $0x7;
	v4 =	vadd.s32 v9, v4  }
0x469: {  	v6 =	vor.u32 v6, v10;
	v2 =	vand.u32 $0x380, v2;
	v4 =	vor.u32 v11, v4  }
0x46a: {  	v0 =	vor.u32 v0, v6;
	v4 =	vor.u32 v2, v4;
	_ =	sdelay $0x3  }
0x46b: {  	v10 =	vld [tilespmem:s14+$0xFFFFFFD0]  }
0x46c: {  	v11 =	vld.idx.msk [tilespmem:v4+s31+$0x0], $0xffff;
	[tilespmem:v0+s31+$0x0] =	vst.idx.msk $0xffff, v1  }
0x46d: {  	v0 =	vld [tilespmem:s12+$0xFFFFFFE0]  }
0x46e: {  	v1 =	vld [tilespmem:s13+$0xFFFFFFE0];
	_ =	sdelay $0x4  }
0x46f: {  	v4 =	vshll.u32 v0, $0xB;
	v6 =	vand.u32 $0x7F, v1  }
0x470: {  	v1 =	vshll.u32 v1, $0x3;
	v62 =	vand.u32 $0xFFFFC000, v4;
	v4 =	vshll.u32 v3, $0x3  }
0x471: {  	v0 =	vshll.u32 v0, $0x7;
	v1 =	vand.u32 $0xFFFFFC00, v1;
	v4 =	vand.u32 $0xFFFFFC00, v4  }
0x472: {  	v3 =	vand.u32 $0x7F, v3;
	v1 =	vadd.s32 v62, v1;
	v4 =	vadd.s32 v8, v4  }
0x473: {  	v0 =	vand.u32 $0x380, v0;
	v1 =	vor.u32 v6, v1;
	v3 =	vor.u32 v3, v4  }
0x474: {  	v1 =	vor.u32 v0, v1;
	v3 =	vor.u32 v5, v3;
	_ =	sdelay $0x3  }
0x475: {  	v13 =	vld [tilespmem:s14+$0xFFFFFFE0]  }
0x476: {  	v14 =	vld.idx.msk [tilespmem:v1+s31+$0x0], $0xffff;
	[tilespmem:v3+s31+$0x0] =	vst.idx.msk $0xffff, v7  }
0x477: {  	v3 =	vld [tilespmem:s12+$0xFFFFFFF0]  }
0x478: {  	v1 =	vld [tilespmem:s13+$0xFFFFFFF0];
	_ =	sdelay $0x3  }
0x479: {  	v7 =	vshll.u32 v10, $0x3  }
0x47a: {  	v4 =	vshll.u32 v3, $0xB;
	v5 =	vand.u32 $0x7F, v1;
	v1 =	vshll.u32 v1, $0x3  }
0x47b: {  	v6 =	vand.u32 $0xFFFFC000, v4;
	v1 =	vand.u32 $0xFFFFFC00, v1;
	v4 =	vshll.u32 v3, $0x7  }
0x47c: {  	v1 =	vadd.s32 v6, v1;
	v8 =	vand.u32 $0x380, v4;
	v4 =	vand.u32 $0xFFFFFC00, v7  }
0x47d: {  	v1 =	vor.u32 v5, v1;
	v5 =	vand.u32 $0x7F, v10;
	v4 =	vadd.s32 v9, v4  }
0x47e: {  	v4 =	vor.u32 v5, v4  }
0x47f: {  	v1 =	vor.u32 v8, v1;
	v2 =	vor.u32 v2, v4;
	_ =	sdelay $0x3  }
0x480: {  	v5 =	vld [tilespmem:s14+$0xFFFFFFF0]  }
0x481: {  	v4 =	vld.idx.msk [tilespmem:v1+s31+$0x0], $0xffff;
	[tilespmem:v2+s31+$0x0] =	vst.idx.msk $0xffff, v11  }
0x482: {  	v1 =	vld [tilespmem:s12+$0x0]  }
0x483: {  	v2 =	vld [tilespmem:s13+$0x0];
	_ =	sdelay $0x3  }
0x484: {  	v11 =	vshll.u32 v13, $0x3  }
0x485: {  	v7 =	vshll.u32 v1, $0xB;
	v10 =	vand.u32 $0x7F, v2;
	v2 =	vshll.u32 v2, $0x3  }
0x486: {  	v11 =	vand.u32 $0xFFFFFC00, v11;
	v7 =	vand.u32 $0xFFFFC000, v7;
	v2 =	vand.u32 $0xFFFFFC00, v2  }
0x487: {  	v11 =	vadd.s32 v62, v11;
	v9 =	vshll.u32 v1, $0x7;
	v2 =	vadd.s32 v7, v2  }
0x488: {  	v9 =	vand.u32 $0x380, v9;
	v2 =	vor.u32 v10, v2;
	v10 =	vand.u32 $0x7F, v13  }
0x489: {  	s9 =	sadd.s32 $0x8, s9;
	v63 =	vor.u32 v9, v2;
	v2 =	vor.u32 v10, v11  }
0x48a: {  	p0 =	slt.u32 s9, $0x72;
	v10 =	vor.u32 v0, v2  }
.Ltmp8:
0x48b: {  	_ = 	snop;
	(pc) =	sbr.rel @p0 .LBB2_18-.Ltmp8, $3  }
0x48c: {  	_ =	sdelay $0x1  }
0x48d: {  	v2 =	vld [tilespmem:s14+$0x0]  }
0x48e: {  	s12 =	sadd.s32 $0x80, s12;
	s13 =	sadd.s32 $0x80, s13;
	s14 =	sadd.s32 $0x80, s14;
	v0 =	vld.idx.msk [tilespmem:v63+s31+$0x0], $0xffff;
	[tilespmem:v10+s31+$0x0] =	vst.idx.msk $0xffff, v14  }
0x48f: {  	v1 =	vld [tilespmem:$0x1F70]  }
0x490: {  	v3 =	vld [tilespmem:$0x3F70];
	_ =	sdelay $0x3  }
0x491: {  	v12 =	vshll.u32 v5, $0x3;
	v35 =	vand.u32 $0x7F, v5  }
0x492: {  	v10 =	vshll.u32 v1, $0xB;
	v11 =	vand.u32 $0x7F, v3;
	v3 =	vshll.u32 v3, $0x3  }
0x493: {  	v12 =	vand.u32 $0xFFFFFC00, v12;
	v10 =	vand.u32 $0xFFFFC000, v10;
	v3 =	vand.u32 $0xFFFFFC00, v3  }
0x494: {  	v6 =	vadd.s32 v6, v12;
	v1 =	vshll.u32 v1, $0x7;
	v3 =	vadd.s32 v10, v3  }
0x495: {  	v5 =	vor.u32 v35, v6;
	v1 =	vand.u32 $0x380, v1;
	v3 =	vor.u32 v11, v3  }
0x496: {  	v5 =	vor.u32 v8, v5;
	v3 =	vor.u32 v1, v3;
	_ =	sdelay $0x3  }
0x497: {  	v36 =	vld [tilespmem:$0x5F70]  }
0x498: {  	v3 =	vld.idx.msk [tilespmem:v3+s31+$0x0], $0xffff;
	[tilespmem:v5+s31+$0x0] =	vst.idx.msk $0xffff, v4  }
0x499: {  	v4 =	vld [tilespmem:$0x1F80]  }
0x49a: {  	v5 =	vld [tilespmem:$0x3F80];
	_ =	sdelay $0x3  }
0x49b: {  	v39 =	vshll.u32 v2, $0x3;
	v40 =	vand.u32 $0x7F, v2  }
0x49c: {  	v37 =	vshll.u32 v4, $0xB;
	v38 =	vand.u32 $0x7F, v5;
	v5 =	vshll.u32 v5, $0x3  }
0x49d: {  	v12 =	vand.u32 $0xFFFFFC00, v39;
	v8 =	vand.u32 $0xFFFFC000, v37;
	v5 =	vand.u32 $0xFFFFFC00, v5  }
0x49e: {  	v7 =	vadd.s32 v7, v12;
	v4 =	vshll.u32 v4, $0x7;
	v5 =	vadd.s32 v8, v5  }
0x49f: {  	v2 =	vor.u32 v40, v7;
	v4 =	vand.u32 $0x380, v4;
	v5 =	vor.u32 v38, v5  }
0x4a0: {  	v2 =	vor.u32 v9, v2;
	v5 =	vor.u32 v4, v5;
	_ =	sdelay $0x3  }
0x4a1: {  	v41 =	vld [tilespmem:$0x5F80]  }
0x4a2: {  	v5 =	vld.idx.msk [tilespmem:v5+s31+$0x0], $0xffff;
	[tilespmem:v2+s31+$0x0] =	vst.idx.msk $0xffff, v0  }
0x4a3: {  	v0 =	vld [tilespmem:$0x1F90]  }
0x4a4: {  	v2 =	vld [tilespmem:$0x3F90];
	_ =	sdelay $0x3  }
0x4a5: {  	v44 =	vshll.u32 v36, $0x3;
	v6 =	vand.u32 $0x7F, v36  }
0x4a6: {  	v42 =	vshll.u32 v0, $0xB;
	v43 =	vand.u32 $0x7F, v2;
	v2 =	vshll.u32 v2, $0x3  }
0x4a7: {  	v12 =	vand.u32 $0xFFFFFC00, v44;
	v9 =	vand.u32 $0xFFFFC000, v42;
	v2 =	vand.u32 $0xFFFFFC00, v2  }
0x4a8: {  	v10 =	vadd.s32 v10, v12;
	v0 =	vshll.u32 v0, $0x7;
	v2 =	vadd.s32 v9, v2  }
0x4a9: {  	v6 =	vor.u32 v6, v10;
	v0 =	vand.u32 $0x380, v0;
	v2 =	vor.u32 v43, v2  }
0x4aa: {  	v1 =	vor.u32 v1, v6;
	v2 =	vor.u32 v0, v2;
	_ =	sdelay $0x3  }
0x4ab: {  	v45 =	vld [tilespmem:$0x5F90]  }
0x4ac: {  	v2 =	vld.idx.msk [tilespmem:v2+s31+$0x0], $0xffff;
	[tilespmem:v1+s31+$0x0] =	vst.idx.msk $0xffff, v3  }
0x4ad: {  	v1 =	vld [tilespmem:$0x1FA0]  }
0x4ae: {  	v3 =	vld [tilespmem:$0x3FA0];
	_ =	sdelay $0x3  }
0x4af: {  	v48 =	vshll.u32 v41, $0x3;
	v7 =	vand.u32 $0x7F, v41  }
0x4b0: {  	v46 =	vshll.u32 v1, $0xB;
	v47 =	vand.u32 $0x7F, v3;
	v3 =	vshll.u32 v3, $0x3  }
0x4b1: {  	v12 =	vand.u32 $0xFFFFFC00, v48;
	v10 =	vand.u32 $0xFFFFC000, v46;
	v3 =	vand.u32 $0xFFFFFC00, v3  }
0x4b2: {  	v8 =	vadd.s32 v8, v12;
	v1 =	vshll.u32 v1, $0x7;
	v3 =	vadd.s32 v10, v3  }
0x4b3: {  	v7 =	vor.u32 v7, v8;
	v1 =	vand.u32 $0x380, v1;
	v3 =	vor.u32 v47, v3  }
0x4b4: {  	v4 =	vor.u32 v4, v7;
	v3 =	vor.u32 v1, v3;
	_ =	sdelay $0x3  }
0x4b5: {  	v49 =	vld [tilespmem:$0x5FA0]  }
0x4b6: {  	v3 =	vld.idx.msk [tilespmem:v3+s31+$0x0], $0xffff;
	[tilespmem:v4+s31+$0x0] =	vst.idx.msk $0xffff, v5  }
0x4b7: {  	v4 =	vld [tilespmem:$0x1FB0]  }
0x4b8: {  	v5 =	vld [tilespmem:$0x3FB0];
	_ =	sdelay $0x3  }
0x4b9: {  	v52 =	vshll.u32 v45, $0x3;
	v6 =	vand.u32 $0x7F, v45  }
0x4ba: {  	v50 =	vshll.u32 v4, $0xB;
	v51 =	vand.u32 $0x7F, v5;
	v5 =	vshll.u32 v5, $0x3  }
0x4bb: {  	v12 =	vand.u32 $0xFFFFFC00, v52;
	v8 =	vand.u32 $0xFFFFC000, v50;
	v5 =	vand.u32 $0xFFFFFC00, v5  }
0x4bc: {  	v9 =	vadd.s32 v9, v12;
	v4 =	vshll.u32 v4, $0x7;
	v5 =	vadd.s32 v8, v5  }
0x4bd: {  	v6 =	vor.u32 v6, v9;
	v4 =	vand.u32 $0x380, v4;
	v5 =	vor.u32 v51, v5  }
0x4be: {  	v0 =	vor.u32 v0, v6;
	v5 =	vor.u32 v4, v5;
	_ =	sdelay $0x3  }
0x4bf: {  	v53 =	vld [tilespmem:$0x5FB0]  }
0x4c0: {  	v5 =	vld.idx.msk [tilespmem:v5+s31+$0x0], $0xffff;
	[tilespmem:v0+s31+$0x0] =	vst.idx.msk $0xffff, v2  }
0x4c1: {  	v0 =	vld [tilespmem:$0x1FC0]  }
0x4c2: {  	v2 =	vld [tilespmem:$0x3FC0];
	_ =	sdelay $0x3  }
0x4c3: {  	v13 =	vshll.u32 v49, $0x3  }
0x4c4: {  	v7 =	vand.u32 $0x7F, v49;
	v56 =	vld [tilespmem:$0x5FC0];
	v54 =	vshll.u32 v0, $0xB;
	v55 =	vshll.u32 v2, $0x3  }
0x4c5: {  	v57 =	vand.u32 $0xFFFFFC00, v13;
	v9 =	vand.u32 $0xFFFFC000, v54;
	v11 =	vand.u32 $0xFFFFFC00, v55  }
0x4c6: {  	v2 =	vand.u32 $0x7F, v2;
	v0 =	vshll.u32 v0, $0x7;
	v11 =	vadd.s32 v9, v11  }
0x4c7: {  	v10 =	vadd.s32 v10, v57;
	v0 =	vand.u32 $0x380, v0;
	v2 =	vor.u32 v2, v11  }
0x4c8: {  	v7 =	vor.u32 v7, v10;
	v58 =	vshll.u32 v53, $0x3;
	v2 =	vor.u32 v0, v2  }
0x4c9: {  	v1 =	vor.u32 v1, v7;
	v59 =	vand.u32 $0xFFFFFC00, v58;
	v60 =	vshll.u32 v56, $0x3  }
0x4ca: {  	v6 =	vand.u32 $0x7F, v53;
	v7 =	vadd.s32 v8, v59;
	v61 =	vand.u32 $0xFFFFFC00, v60  }
0x4cb: {  	v6 =	vor.u32 v6, v7;
	v62 =	vand.u32 $0x7F, v56;
	v8 =	vadd.s32 v9, v61  }
0x4cc: {  	v4 =	vor.u32 v4, v6;
	v63 =	vor.u32 v62, v8  }
0x4cd: {  	v0 =	vor.u32 v0, v63;
	v2 =	vld.idx.msk [tilespmem:v2+s31+$0x0], $0xffff;
	_ =	sdelay $0x2  }
0x4ce: {  	[tilespmem:v1+s31+$0x0] =	vst.idx.msk $0xffff, v3  }
0x4cf: {  	[tilespmem:v4+s31+$0x0] =	vst.idx.msk $0xffff, v5  }
0x4d0: {  	s9 =	rddreg [dreg:$0xe];
	[tilespmem:v0+s31+$0x0] =	vst.idx.msk $0xffff, v2  }
0x4d1: {  	[hbm4b:s9+s4] =	stream.linear.scatter [tilespmem:s31], [sflag:$0x8], $0x4000, $0x38;
	[tilespmem:$0x16000] =	vst v63  }
0x4d2: {  	_ =	swait.ge [sflag:s3], $0x4000  }
0x4d3: {  	[sflag:s3] =	ssyncset.done $0x0  }
0x4d4: {  	[sflag:s3] =	ssyncadd.s32 $0xFFFFC000  }
0x4d5: {  	_ =	swait.ge [sflag:s28], $0x4000  }
0x4d6: {  	[sflag:s28] =	ssyncset.done $0x0  }
0x4d7: {  	[sflag:s28] =	ssyncadd.s32 $0xFFFFC000  }
0x4d8: {  	_ =	swait.ge [sflag:s6], $0x4000  }
0x4d9: {  	[sflag:s6] =	ssyncset.done $0x0  }
0x4da: {  	[sflag:s6] =	ssyncadd.s32 $0xFFFFC000  }
0x4db: {  	_ =	swait.ge [sflag:s7], $0x4000  }
0x4dc: {  	s8 =	sadd.s32 $0x1, s8;
	s25 =	rddreg [dreg:$0xf]  }
0x4dd: {  	p0 =	sne.s32 s8, s25  }
.Ltmp9:
0x4de: {  	_ = 	snop;
	(pc) =	sbr.rel @p0 .LBB2_1-.Ltmp9, $3  }
0x4df: {  	_ =	sdelay $0x1  }
0x4e0: {  	[sflag:s7] =	ssyncset.done $0x0  }
0x4e1: {  	[sflag:s7] =	ssyncadd.s32 $0xFFFFC000  }
0x4e2: {  	_ =	sfence.sel $0x180000  }
0x4e3: {  	[bflag:$0x0] =	sbarrier.arrive $0xFFFF  }
0x4e4: {  	_ =	strace $0x90000047  }
0x4e5: {  	s0 =	stileid.u32;
	[bflag:$0x2] =	sbarrier.arrive $0xFFFF  }
0x4e6: {  	p0 =	sne.s32 s0, $0x0;
	s0 =	rddreg [dreg:$0x3]  }
0x4e7: {  	s0 =	sadd.s32 @!p0 $0x100000, s0  }
0x4e8: {  	[sflag:s0] =	ssyncadd.tile.s32 @!p0 $0x1;
	_ =	shalt  }
.Lfunc_end2:
_tile_overlayer_lowered:
.L_overlay_start_2:
0x4e9: {  	(tag) =	ssettag $0x2  }
0x4ea: {  	s0 =	rddreg [dreg:$0x0];
	s2 =	stileid.u32  }
0x4eb: {  	s1 =	rddreg [dreg:$0x1];
	p0 =	sne.s32 s2, $0x0  }
0x4ec: {  	s3 =	rddreg [dreg:$0x2];
	[bflag:$0x3] =	sbarrier.arrive $0xFFFF;
	s2 =	simm.s32 @!p0 $0x1C09  }
0x4ed: {  	[timem:s3], [sflag:s2] =	dma.local @!p0 [hbm:s0], s1  }
0x4ee: {  	s0 =	simm.s32 @!p0 $0x9  }
0x4ef: {  	_ =	swait.ge @!p0 [sflag:s0], s1  }
0x4f0: {  	s1 =	ssub.s32 @!p0 $0x0, s1;
	[sflag:s0] =	ssyncset.done @!p0 $0x0  }
0x4f1: {  	[sflag:s0] =	ssyncadd.s32 @!p0 s1  }
0x4f2: {  	[bflag:$0x3] =	sbarrier.arrive $0xFFFF  }
0x4f3: {  	_ =	shalt  }

</sc_bundles>
